<compile_context>
chip_gen: v7x
topology: tpu7x:2x2x1
jax: 0.10.2.dev20260603
libtpu: 0.0.44.dev20260713+nightly
codegen_flags: <defaults>
</compile_context>

<pallas_src>
import functools

import jax
import jax.numpy as jnp
import numpy as np
from jax import lax
from jax.experimental import pallas as pl
from jax.experimental.pallas import tpu as pltpu
from jax.experimental.pallas import tpu_sc as plsc

B, L, D = 256, 50, 64
S = 12
NUM_NODE = 50000
BL = B * L
LS = L * S
ALPHA = 0.2


def _sc_gather(inp_flat, item_flat, pos_flat, adj_flat, num_flat, embedding):
    info = plsc.get_sparse_core_info()
    nc, ns = info.num_cores, info.num_subcores
    nw = nc * ns
    bln = inp_flat.shape[0]
    per_w = bln // nw
    n_chunks = 5
    ch = per_w // n_chunks
    mesh = plsc.VectorSubcoreMesh(core_axis_name="c", subcore_axis_name="s")

    @functools.partial(
        pl.kernel,
        out_type=(
            jax.ShapeDtypeStruct((bln, D), jnp.float32),
            jax.ShapeDtypeStruct((bln * S,), jnp.float32),
            jax.ShapeDtypeStruct((bln, D), jnp.float32),
            jax.ShapeDtypeStruct((bln * S, D), jnp.float32),
        ),
        mesh=mesh,
        compiler_params=pltpu.CompilerParams(use_tc_tiling_on_sc=False),
        scratch_types=[
            pltpu.VMEM((ch,), jnp.int32),
            pltpu.VMEM((ch, D), jnp.float32),
            pltpu.VMEM((ch * S,), jnp.int32),
            pltpu.VMEM((ch * S,), jnp.float32),
            pltpu.VMEM((ch * S,), jnp.int32),
            pltpu.VMEM((ch * S, D), jnp.float32),
            pltpu.VMEM((ch,), jnp.int32),
            pltpu.VMEM((ch, D), jnp.float32),
            pltpu.SemaphoreType.DMA,
            pltpu.SemaphoreType.DMA,
            pltpu.SemaphoreType.DMA,
            pltpu.SemaphoreType.DMA,
        ],
    )
    def gather_kernel(inp_hbm, item_hbm, pos_hbm, adjflat_hbm, numflat_hbm,
                      emb_hbm,
                      ent0_hbm, nw_hbm, item_emb_hbm, ent1_hbm,
                      idx_v, rows_v, pos_v, nw_v, nidx_v, nrows_v,
                      iidx_v, irows_v, sem0, sem1, sem2, sem3):
        wid = lax.axis_index("s") * nc + lax.axis_index("c")
        base = wid * per_w
        for c in range(n_chunks):
            off = base + c * ch
            pltpu.sync_copy(inp_hbm.at[pl.ds(off, ch)], idx_v)
            pltpu.sync_copy(item_hbm.at[pl.ds(off, ch)], iidx_v)
            pltpu.sync_copy(pos_hbm.at[pl.ds(off * S, ch * S)], pos_v)
            cp_nid = pltpu.async_copy(adjflat_hbm.at[pos_v], nidx_v, sem1)
            cp_e0 = pltpu.async_copy(emb_hbm.at[idx_v], rows_v, sem0)
            cp_nw = pltpu.async_copy(numflat_hbm.at[pos_v], nw_v, sem2)
            cp_it = pltpu.async_copy(emb_hbm.at[iidx_v], irows_v, sem3)
            cp_nid.wait()
            cp_e1 = pltpu.async_copy(emb_hbm.at[nidx_v], nrows_v, sem1)
            cp_e0.wait()
            pltpu.sync_copy(rows_v, ent0_hbm.at[pl.ds(off, ch)])
            cp_nw.wait()
            pltpu.sync_copy(nw_v, nw_hbm.at[pl.ds(off * S, ch * S)])
            cp_it.wait()
            pltpu.sync_copy(irows_v, item_emb_hbm.at[pl.ds(off, ch)])
            cp_e1.wait()
            pltpu.sync_copy(nrows_v, ent1_hbm.at[pl.ds(off * S, ch * S)])

    return gather_kernel(inp_flat, item_flat, pos_flat, adj_flat, num_flat,
                         embedding)


def _dot(x, y):
    return lax.dot_general(x, y, (((1,), (0,)), ((), ())),
                           preferred_element_type=jnp.float32)


def _dot_nt(x, y):
    return lax.dot_general(x, y, (((1,), (1,)), ((), ())),
                           preferred_element_type=jnp.float32)


def _leaky(x, slope):
    return jnp.where(x >= 0, x, slope * x)


def _tc_body(e0_ref, e1_ref, nw_ref, it_ref, adj_ref,
             a4_ref, w1big_ref, w2up_ref, sumg_ref, w3a_ref, w3b_ref,
             bias_ref, out_ref, *, bb):
    bl = bb * L
    a4 = a4_ref[...]
    w1big = w1big_ref[...]
    w2up = w2up_ref[...]
    sumg = sumg_ref[...]
    w3a = w3a_ref[...]
    w3b = w3b_ref[...]
    bias = bias_ref[...]
    e0 = e0_ref[...].reshape(bl, D)
    n2 = jnp.sum(e0 * e0, axis=1, keepdims=True)
    h = e0 / jnp.maximum(jnp.sqrt(n2), 1e-12)
    eks = [_leaky(_dot_nt(h * a4[k:k + 1, :], h), ALPHA) for k in range(4)]
    rows = []
    for i in range(bb):
        adji = adj_ref[i]
        li = jnp.full((L, L), -9e15, dtype=jnp.float32)
        for k in range(4):
            sub = eks[k][i * L:(i + 1) * L, i * L:(i + 1) * L]
            li = jnp.where(adji == k + 1, sub, li)
        pieces = []
        if i:
            pieces.append(jnp.full((L, i * L), -1.8e16, dtype=jnp.float32))
        pieces.append(li)
        if i < bb - 1:
            pieces.append(jnp.full((L, (bb - 1 - i) * L), -1.8e16,
                                   dtype=jnp.float32))
        rows.append(jnp.concatenate(pieces, axis=1) if len(pieces) > 1
                    else pieces[0])
    logits = jnp.concatenate(rows, axis=0) if bb > 1 else rows[0]
    m = jnp.max(logits, axis=1, keepdims=True)
    p = jnp.exp(logits - m)
    aw = p / jnp.sum(p, axis=1, keepdims=True)
    h_local = _dot(aw, h)
    sess = jnp.sum(it_ref[...], axis=1)
    sess_bl = jnp.broadcast_to(sess[:, None, :], (bb, L, D)).reshape(bl, D)
    e1w = e1_ref[...].reshape(bl, S * D)
    sessw = jnp.concatenate([sess_bl] * S, axis=1)
    nw12 = nw_ref[...].reshape(bl, S)
    zin = jnp.concatenate([e1w * sessw, nw12], axis=1)
    zl = _leaky(_dot(zin, w1big), 0.2)
    exu = jnp.exp(_dot(zl, w2up))
    accu = _dot(e1w * exu, sumg)
    denu = _dot(exu, sumg)
    neigh = accu / denu
    hg = jnp.maximum(_dot(e0, w3a) + _dot(neigh, w3b) + bias, 0.0)
    out_ref[...] = (h_local + hg).reshape(bb, L, D)


def _tc_compute(ent0, ent1, nw, item_rows, adj,
                a4, w1big, w2up, sumg, w3a, w3b, bias, bb=4):
    nb = adj.shape[0]
    grid = (nb // bb,)
    bspec = lambda shape: pl.BlockSpec((bb,) + shape, lambda g: (g,) + (0,) * len(shape))
    wspec = lambda shape: pl.BlockSpec(shape, lambda g: (0,) * len(shape))
    return pl.pallas_call(
        functools.partial(_tc_body, bb=bb),
        grid=grid,
        in_specs=[
            bspec((L, D)),
            pl.BlockSpec((bb * L * S * D // 128, 128),
                         lambda g: (g, 0)),
            bspec((L, S)),
            bspec((L, D)),
            bspec((L, L)),
            wspec((4, D)),
            wspec((S * D + S, S * D)),
            wspec((S * D, S * D)),
            wspec((S * D, D)),
            wspec((D, D)),
            wspec((D, D)),
            wspec((1, D)),
        ],
        out_specs=bspec((L, D)),
        out_shape=jax.ShapeDtypeStruct((nb, L, D), jnp.float32),
    )(ent0, ent1, nw, item_rows, adj,
      a4, w1big, w2up, sumg, w3a, w3b, bias)


def kernel(inputs, adj, mask_item, item, adj_all, num, embedding,
           a0, a1, a2, a3, g_w1, g_w2, g_w3, g_bias):
    inp_flat = inputs.reshape(-1).astype(jnp.int32)
    item_flat = item.reshape(-1).astype(jnp.int32)
    pos_flat = (inp_flat[:, None]
                + jnp.arange(S, dtype=jnp.int32)[None, :] * NUM_NODE
                ).reshape(-1)
    adj_t = adj_all.astype(jnp.int32).T.reshape(-1)
    num_t = num.T.reshape(-1)
    maskf = mask_item.astype(jnp.float32)
    scale = (maskf / jnp.sum(maskf, axis=1, keepdims=True)).reshape(BL, 1)
    a4 = jnp.concatenate([a0, a1, a2, a3], axis=1).T
    w1a = g_w1[:D]
    w1b = g_w1[D:]
    eye_s = jnp.eye(S, dtype=jnp.float32)
    w1top = (eye_s[:, None, :, None] * w1a[None, :, None, :]
             ).reshape(S * D, S * D)
    w1bot = (eye_s[:, :, None] * w1b[0][None, None, :]).reshape(S, S * D)
    w1big = jnp.concatenate([w1top, w1bot], axis=0)
    w2up = jnp.broadcast_to(
        eye_s[:, None, :, None] * g_w2[:, 0][None, :, None, None],
        (S, D, S, D)).reshape(S * D, S * D)
    sumg = jnp.tile(jnp.eye(D, dtype=jnp.float32), (S, 1))
    w3a = g_w3[:D]
    w3b = g_w3[D:]
    bias = g_bias.reshape(1, D)
    npiece = 2
    hb = B // npiece
    outs = []
    for p in range(npiece):
        sl = slice(p * hb * L, (p + 1) * hb * L)
        sl12 = slice(p * hb * LS, (p + 1) * hb * LS)
        e0h, nwh, ith, e1h = _sc_gather(
            inp_flat[sl], item_flat[sl], pos_flat[sl12], adj_t, num_t,
            embedding)
        e0h = e0h.reshape(hb, L, D)
        e1h = e1h.reshape(hb * L * S * D // 128, 128)
        nwh = nwh.reshape(hb, L, S)
        ith = (ith * scale[sl]).reshape(hb, L, D)
        outs.append(_tc_compute(e0h, e1h, nwh, ith, adj[p * hb:(p + 1) * hb],
                                a4, w1big, w2up, sumg, w3a, w3b, bias))
    return jnp.concatenate(outs, axis=0)

# --- scband reference (transcript-rebuilt; emitter-appended) ---
"""Pipeline reference for scband-dmignn-33148557591125 (READ-ONLY COPY).

The authoritative reference and input builder live on the scoring server;
editing this copy changes nothing except your own understanding.
"""

import jax, jax.numpy as jnp
import numpy as np

B, L, D = 256, 50, 64
NUM_NODE = 50000
N_SAMPLE = 12
ALPHA = 0.2


def _unif(k, shape, stdv):
    return jax.random.uniform(k, shape, minval=-stdv, maxval=stdv, dtype=jnp.float32)


def setup_inputs(seed: int = 0):
    key = jax.random.key(seed)
    ks = jax.random.split(key, 16)
    stdv = 1.0 / np.sqrt(D)
    inputs = jax.random.randint(ks[0], (B, L), 0, NUM_NODE)
    adj = jax.random.randint(ks[1], (B, L, L), 0, 5)
    mask_item = jax.random.randint(ks[2], (B, L), 0, 2)
    item = jax.random.randint(ks[3], (B, L), 0, NUM_NODE)
    adj_all = jax.random.randint(ks[4], (NUM_NODE, N_SAMPLE), 0, NUM_NODE)
    num = jax.random.uniform(ks[5], (NUM_NODE, N_SAMPLE), dtype=jnp.float32)
    embedding = _unif(ks[6], (NUM_NODE, D), stdv)
    a0 = _unif(ks[7], (D, 1), stdv)
    a1 = _unif(ks[8], (D, 1), stdv)
    a2 = _unif(ks[9], (D, 1), stdv)
    a3 = _unif(ks[10], (D, 1), stdv)
    g_w1 = _unif(ks[11], (D + 1, D), stdv)
    g_w2 = _unif(ks[12], (D, 1), stdv)
    g_w3 = _unif(ks[13], (2 * D, D), stdv)
    g_bias = _unif(ks[14], (D,), stdv)
    return dict(inputs=inputs, adj=adj, mask_item=mask_item, item=item,
                adj_all=adj_all, num=num, embedding=embedding,
                a0=a0, a1=a1, a2=a2, a3=a3,
                g_w1=g_w1, g_w2=g_w2, g_w3=g_w3, g_bias=g_bias)


def _l2norm(x, axis=-1, eps=1e-12):
    n = jnp.sqrt(jnp.sum(x * x, axis=axis, keepdims=True))
    return x / jnp.maximum(n, eps)


def _leaky(x, slope):
    return jnp.where(x >= 0, x, slope * x)


def _local_agg(h, adj, a0, a1, a2, a3):
    # a_input[b, i, j] = h[b, i] * h[b, j]  (GAT-style pairwise interaction)
    a_input = h[:, :, None, :] * h[:, None, :, :]  # [B, L, L, D]
    e0 = _leaky(jnp.matmul(a_input, a0), ALPHA)[..., 0]
    e1 = _leaky(jnp.matmul(a_input, a1), ALPHA)[..., 0]
    e2 = _leaky(jnp.matmul(a_input, a2), ALPHA)[..., 0]
    e3 = _leaky(jnp.matmul(a_input, a3), ALPHA)[..., 0]
    neg = jnp.full_like(e0, -9e15)
    alpha = jnp.where(adj == 1, e0, neg)
    alpha = jnp.where(adj == 2, e1, alpha)
    alpha = jnp.where(adj == 3, e2, alpha)
    alpha = jnp.where(adj == 4, e3, alpha)
    alpha = jax.nn.softmax(alpha, axis=-1)
    return jnp.matmul(alpha, h)


def _global_agg(self_vectors, neighbor_vector, neighbor_weight, extra_vector,
                w1, w2, w3, bias):
    # self_vectors: [B, M, D]; neighbor_vector: [B, M, S, D];
    # neighbor_weight: [B, M, S]; extra_vector (session info): [B, M, D]
    ev = jnp.broadcast_to(extra_vector[:, :, None, :], neighbor_vector.shape)
    feat = jnp.concatenate([ev * neighbor_vector, neighbor_weight[..., None]], axis=-1)
    alpha = jnp.matmul(feat, w1)              # [B, M, S, D]
    alpha = _leaky(alpha, 0.2)
    alpha = jnp.matmul(alpha, w2)[..., 0]     # [B, M, S]
    alpha = jax.nn.softmax(alpha, axis=-1)[..., None]
    neigh = jnp.sum(alpha * neighbor_vector, axis=-2)  # [B, M, D]
    out = jnp.concatenate([self_vectors, neigh], axis=-1)
    out = jnp.matmul(out, w3) + bias
    return jnp.maximum(out, 0.0)  # opt.activate == 'relu'


def _forward(embedding, num, a0, a1, a2, a3, g_w1, g_w2, g_w3, g_bias,
             inputs, adj, mask_item, item, adj_all):
    b, l = inputs.shape
    h = jnp.take(embedding, inputs, axis=0)
    h = _l2norm(h, axis=-1)
    h_local = _local_agg(h, adj, a0, a1, a2, a3)
    # hop-1 neighbor sampling via precomputed global adjacency (memory-bound gathers)
    flat = inputs.reshape(-1)
    neigh_items = jnp.take(adj_all, flat, axis=0).reshape(b, l * N_SAMPLE)
    neigh_weight = jnp.take(num, flat, axis=0).reshape(b, l * N_SAMPLE)
    entity0 = jnp.take(embedding, inputs, axis=0)            # [B, L, D]
    entity1 = jnp.take(embedding, neigh_items, axis=0)       # [B, L*S, D]
    maskf = mask_item.astype(jnp.float32)
    item_emb = jnp.take(embedding, item, axis=0) * maskf[..., None]
    sum_item_emb = jnp.sum(item_emb, axis=1) / jnp.sum(maskf, axis=-1)[..., None]
    session = jnp.broadcast_to(sum_item_emb[:, None, :], (b, l, D))
    h_global = _global_agg(entity0,
                           entity1.reshape(b, l, N_SAMPLE, D),
                           neigh_weight.reshape(b, l, N_SAMPLE),
                           session, g_w1, g_w2, g_w3, g_bias)
    # dropout_local / dropout_global are no-ops in eval mode (p=0.0)
    return h_local + h_global


def reference(inputs, adj, mask_item, item, adj_all, num, embedding,
              a0, a1, a2, a3, g_w1, g_w2, g_w3, g_bias):
    return _forward(embedding, num, a0, a1, a2, a3, g_w1, g_w2, g_w3, g_bias,
                    inputs, adj, mask_item, item, adj_all)

if __name__ == "__main__":
    import jax
    _d = setup_inputs()
    print(jax.jit(kernel)(*tuple(_d.values())))

</pallas_src>

<mosaic_0001>
#map = affine_map<(d0, d1) -> (0)>
#map1 = affine_map<(d0, d1) -> (0, 0)>
module attributes {stable_mosaic.version = 14 : i64} {
  func.func @gather_kernel(%arg0: i32, %arg1: i32, %arg2: memref<6400xi32, #tpu.memory_space<hbm>>, %arg3: memref<6400xi32, #tpu.memory_space<hbm>>, %arg4: memref<76800xi32, #tpu.memory_space<hbm>>, %arg5: memref<600000xi32, #tpu.memory_space<hbm>>, %arg6: memref<600000xf32, #tpu.memory_space<hbm>>, %arg7: memref<50000x64xf32, #tpu.memory_space<hbm>>, %arg8: memref<6400x64xf32, #tpu.memory_space<hbm>>, %arg9: memref<76800xf32, #tpu.memory_space<hbm>>, %arg10: memref<6400x64xf32, #tpu.memory_space<hbm>>, %arg11: memref<76800x64xf32, #tpu.memory_space<hbm>>, %arg12: memref<40xi32, #tpu.memory_space<vmem>>, %arg13: memref<40x64xf32, #tpu.memory_space<vmem>>, %arg14: memref<480xi32, #tpu.memory_space<vmem>>, %arg15: memref<480xf32, #tpu.memory_space<vmem>>, %arg16: memref<480xi32, #tpu.memory_space<vmem>>, %arg17: memref<480x64xf32, #tpu.memory_space<vmem>>, %arg18: memref<40xi32, #tpu.memory_space<vmem>>, %arg19: memref<40x64xf32, #tpu.memory_space<vmem>>, %arg20: memref<!tpu.dma_semaphore, #tpu.memory_space<semaphore_mem>>, %arg21: memref<!tpu.dma_semaphore, #tpu.memory_space<semaphore_mem>>, %arg22: memref<!tpu.dma_semaphore, #tpu.memory_space<semaphore_mem>>, %arg23: memref<!tpu.dma_semaphore, #tpu.memory_space<semaphore_mem>>) attributes {dimension_semantics = [#tpu.dimension_semantics<core_parallel>, #tpu.dimension_semantics<subcore_parallel>], iteration_bounds = array<i64: 2, 16>, scalar_prefetch = 0 : i64, scratch_operands = 12 : i64, tpu.core_type = #tpu.core_type<sc_vector_subcore>, window_params = [{transform_indices = #map}, {transform_indices = #map}, {transform_indices = #map}, {transform_indices = #map}, {transform_indices = #map}, {transform_indices = #map1}, {transform_indices = #map1}, {transform_indices = #map}, {transform_indices = #map1}, {transform_indices = #map1}]} {
    %mul3A = arith.constant 2 : i32
    %mul3A_0 = arith.muli %arg1, %mul3A : i32
    %add3A = arith.addi %mul3A_0, %arg0 : i32
    %mul3A_1 = arith.constant 200 : i32
    %mul3A_2 = arith.muli %add3A, %mul3A_1 : i32
    %add3A_3 = arith.constant 0 : i32
    %add3A_4 = arith.addi %mul3A_2, %add3A_3 : i32
    "tpu.region"() ({
      %run_scoped3A = tpu.sem_alloc : memref<!tpu.dma_semaphore, #tpu.memory_space<semaphore_mem>>
      %dma_start3A_171 = tpu.memref_slice %arg2[%add3A_4] : memref<6400xi32, #tpu.memory_space<hbm>> -> memref<40xi32, #tpu.memory_space<hbm>>
      %dma_start3A_172 = tpu.memref_slice %arg2[%add3A_4] : memref<6400xi32, #tpu.memory_space<hbm>> -> memref<40xi32, #tpu.memory_space<hbm>>
      tpu.enqueue_dma source(%dma_start3A_172 : memref<40xi32, #tpu.memory_space<hbm>>) target(%arg12 : memref<40xi32, #tpu.memory_space<vmem>>) target_semaphore(%run_scoped3A : memref<!tpu.dma_semaphore, #tpu.memory_space<semaphore_mem>>)
      %dma_wait3A_173 = tpu.memref_slice %arg2[%add3A_4] : memref<6400xi32, #tpu.memory_space<hbm>> -> memref<40xi32, #tpu.memory_space<hbm>>
      %dma_wait3A_174 = tpu.memref_slice %arg2[%add3A_4] : memref<6400xi32, #tpu.memory_space<hbm>> -> memref<40xi32, #tpu.memory_space<hbm>>
      tpu.wait_dma2 semaphore(%run_scoped3A : memref<!tpu.dma_semaphore, #tpu.memory_space<semaphore_mem>>) src(%dma_wait3A_174 : memref<40xi32, #tpu.memory_space<hbm>>) dst(%arg12 : memref<40xi32, #tpu.memory_space<vmem>>)
      tpu.yield
    }) : () -> ()
    "tpu.region"() ({
      %run_scoped3A = tpu.sem_alloc : memref<!tpu.dma_semaphore, #tpu.memory_space<semaphore_mem>>
      %dma_start3A_171 = tpu.memref_slice %arg3[%add3A_4] : memref<6400xi32, #tpu.memory_space<hbm>> -> memref<40xi32, #tpu.memory_space<hbm>>
      %dma_start3A_172 = tpu.memref_slice %arg3[%add3A_4] : memref<6400xi32, #tpu.memory_space<hbm>> -> memref<40xi32, #tpu.memory_space<hbm>>
      tpu.enqueue_dma source(%dma_start3A_172 : memref<40xi32, #tpu.memory_space<hbm>>) target(%arg18 : memref<40xi32, #tpu.memory_space<vmem>>) target_semaphore(%run_scoped3A : memref<!tpu.dma_semaphore, #tpu.memory_space<semaphore_mem>>)
      %dma_wait3A_173 = tpu.memref_slice %arg3[%add3A_4] : memref<6400xi32, #tpu.memory_space<hbm>> -> memref<40xi32, #tpu.memory_space<hbm>>
      %dma_wait3A_174 = tpu.memref_slice %arg3[%add3A_4] : memref<6400xi32, #tpu.memory_space<hbm>> -> memref<40xi32, #tpu.memory_space<hbm>>
      tpu.wait_dma2 semaphore(%run_scoped3A : memref<!tpu.dma_semaphore, #tpu.memory_space<semaphore_mem>>) src(%dma_wait3A_174 : memref<40xi32, #tpu.memory_space<hbm>>) dst(%arg18 : memref<40xi32, #tpu.memory_space<vmem>>)
      tpu.yield
    }) : () -> ()
    %mul3A_5 = arith.constant 12 : i32
    %mul3A_6 = arith.muli %add3A_4, %mul3A_5 : i32
    "tpu.region"() ({
      %run_scoped3A = tpu.sem_alloc : memref<!tpu.dma_semaphore, #tpu.memory_space<semaphore_mem>>
      %dma_start3A_171 = tpu.memref_slice %arg4[%mul3A_6] : memref<76800xi32, #tpu.memory_space<hbm>> -> memref<480xi32, #tpu.memory_space<hbm>>
      %dma_start3A_172 = tpu.memref_slice %arg4[%mul3A_6] : memref<76800xi32, #tpu.memory_space<hbm>> -> memref<480xi32, #tpu.memory_space<hbm>>
      tpu.enqueue_dma source(%dma_start3A_172 : memref<480xi32, #tpu.memory_space<hbm>>) target(%arg14 : memref<480xi32, #tpu.memory_space<vmem>>) target_semaphore(%run_scoped3A : memref<!tpu.dma_semaphore, #tpu.memory_space<semaphore_mem>>)
      %dma_wait3A_173 = tpu.memref_slice %arg4[%mul3A_6] : memref<76800xi32, #tpu.memory_space<hbm>> -> memref<480xi32, #tpu.memory_space<hbm>>
      %dma_wait3A_174 = tpu.memref_slice %arg4[%mul3A_6] : memref<76800xi32, #tpu.memory_space<hbm>> -> memref<480xi32, #tpu.memory_space<hbm>>
      tpu.wait_dma2 semaphore(%run_scoped3A : memref<!tpu.dma_semaphore, #tpu.memory_space<semaphore_mem>>) src(%dma_wait3A_174 : memref<480xi32, #tpu.memory_space<hbm>>) dst(%arg14 : memref<480xi32, #tpu.memory_space<vmem>>)
      tpu.yield
    }) : () -> ()
    %dma_start3A = arith.constant 0 : i32
    %dma_start3A_7 = tpu.memref_slice %arg5[%dma_start3A] : memref<600000xi32, #tpu.memory_space<hbm>> -> memref<600000xi32, #tpu.memory_space<hbm>>
    tpu.enqueue_indirect_dma source(%dma_start3A_7 : memref<600000xi32, #tpu.memory_space<hbm>>) target(%arg16 : memref<480xi32, #tpu.memory_space<vmem>>) offsets(%arg14 : memref<480xi32, #tpu.memory_space<vmem>>) semaphore(%arg21 : memref<!tpu.dma_semaphore, #tpu.memory_space<semaphore_mem>>)
    %dma_start3A_8 = arith.constant 0 : i32
    %dma_start3A_9 = arith.constant 0 : i32
    %dma_start3A_10 = tpu.memref_slice %arg7[%dma_start3A_8, %dma_start3A_9] : memref<50000x64xf32, #tpu.memory_space<hbm>> -> memref<50000x64xf32, #tpu.memory_space<hbm>>
    tpu.enqueue_indirect_dma source(%dma_start3A_10 : memref<50000x64xf32, #tpu.memory_space<hbm>>) target(%arg13 : memref<40x64xf32, #tpu.memory_space<vmem>>) offsets(%arg12 : memref<40xi32, #tpu.memory_space<vmem>>) semaphore(%arg20 : memref<!tpu.dma_semaphore, #tpu.memory_space<semaphore_mem>>)
    %dma_start3A_11 = arith.constant 0 : i32
    %dma_start3A_12 = tpu.memref_slice %arg6[%dma_start3A_11] : memref<600000xf32, #tpu.memory_space<hbm>> -> memref<600000xf32, #tpu.memory_space<hbm>>
    tpu.enqueue_indirect_dma source(%dma_start3A_12 : memref<600000xf32, #tpu.memory_space<hbm>>) target(%arg15 : memref<480xf32, #tpu.memory_space<vmem>>) offsets(%arg14 : memref<480xi32, #tpu.memory_space<vmem>>) semaphore(%arg22 : memref<!tpu.dma_semaphore, #tpu.memory_space<semaphore_mem>>)
    %dma_start3A_13 = arith.constant 0 : i32
    %dma_start3A_14 = arith.constant 0 : i32
    %dma_start3A_15 = tpu.memref_slice %arg7[%dma_start3A_13, %dma_start3A_14] : memref<50000x64xf32, #tpu.memory_space<hbm>> -> memref<50000x64xf32, #tpu.memory_space<hbm>>
    tpu.enqueue_indirect_dma source(%dma_start3A_15 : memref<50000x64xf32, #tpu.memory_space<hbm>>) target(%arg19 : memref<40x64xf32, #tpu.memory_space<vmem>>) offsets(%arg18 : memref<40xi32, #tpu.memory_space<vmem>>) semaphore(%arg23 : memref<!tpu.dma_semaphore, #tpu.memory_space<semaphore_mem>>)
    %dma_wait3A = arith.constant 0 : i32
    %dma_wait3A_16 = tpu.memref_slice %arg5[%dma_wait3A] : memref<600000xi32, #tpu.memory_space<hbm>> -> memref<600000xi32, #tpu.memory_space<hbm>>
    tpu.wait_indirect_dma semaphore(%arg21 : memref<!tpu.dma_semaphore, #tpu.memory_space<semaphore_mem>>) src(%dma_wait3A_16 : memref<600000xi32, #tpu.memory_space<hbm>>) dst(%arg16 : memref<480xi32, #tpu.memory_space<vmem>>)
    %dma_start3A_17 = arith.constant 0 : i32
    %dma_start3A_18 = arith.constant 0 : i32
    %dma_start3A_19 = tpu.memref_slice %arg7[%dma_start3A_17, %dma_start3A_18] : memref<50000x64xf32, #tpu.memory_space<hbm>> -> memref<50000x64xf32, #tpu.memory_space<hbm>>
    tpu.enqueue_indirect_dma source(%dma_start3A_19 : memref<50000x64xf32, #tpu.memory_space<hbm>>) target(%arg17 : memref<480x64xf32, #tpu.memory_space<vmem>>) offsets(%arg16 : memref<480xi32, #tpu.memory_space<vmem>>) semaphore(%arg21 : memref<!tpu.dma_semaphore, #tpu.memory_space<semaphore_mem>>)
    %dma_wait3A_20 = arith.constant 0 : i32
    %dma_wait3A_21 = arith.constant 0 : i32
    %dma_wait3A_22 = tpu.memref_slice %arg7[%dma_wait3A_20, %dma_wait3A_21] : memref<50000x64xf32, #tpu.memory_space<hbm>> -> memref<50000x64xf32, #tpu.memory_space<hbm>>
    tpu.wait_indirect_dma semaphore(%arg20 : memref<!tpu.dma_semaphore, #tpu.memory_space<semaphore_mem>>) src(%dma_wait3A_22 : memref<50000x64xf32, #tpu.memory_space<hbm>>) dst(%arg13 : memref<40x64xf32, #tpu.memory_space<vmem>>)
    "tpu.region"() ({
      %run_scoped3A = tpu.sem_alloc : memref<!tpu.dma_semaphore, #tpu.memory_space<semaphore_mem>>
      %dma_start3A_171 = arith.constant 0 : i32
      %dma_start3A_172 = tpu.memref_slice %arg8[%add3A_4, %dma_start3A_171] : memref<6400x64xf32, #tpu.memory_space<hbm>> -> memref<40x64xf32, #tpu.memory_space<hbm>>
      %dma_start3A_173 = arith.constant 0 : i32
      %dma_start3A_174 = tpu.memref_slice %arg8[%add3A_4, %dma_start3A_173] : memref<6400x64xf32, #tpu.memory_space<hbm>> -> memref<40x64xf32, #tpu.memory_space<hbm>>
      tpu.enqueue_dma source(%arg13 : memref<40x64xf32, #tpu.memory_space<vmem>>) target(%dma_start3A_174 : memref<40x64xf32, #tpu.memory_space<hbm>>) target_semaphore(%run_scoped3A : memref<!tpu.dma_semaphore, #tpu.memory_space<semaphore_mem>>)
      %dma_wait3A_175 = arith.constant 0 : i32
      %dma_wait3A_176 = tpu.memref_slice %arg8[%add3A_4, %dma_wait3A_175] : memref<6400x64xf32, #tpu.memory_space<hbm>> -> memref<40x64xf32, #tpu.memory_space<hbm>>
      %dma_wait3A_177 = arith.constant 0 : i32
      %dma_wait3A_178 = tpu.memref_slice %arg8[%add3A_4, %dma_wait3A_177] : memref<6400x64xf32, #tpu.memory_space<hbm>> -> memref<40x64xf32, #tpu.memory_space<hbm>>
      tpu.wait_dma2 semaphore(%run_scoped3A : memref<!tpu.dma_semaphore, #tpu.memory_space<semaphore_mem>>) src(%arg13 : memref<40x64xf32, #tpu.memory_space<vmem>>) dst(%dma_wait3A_178 : memref<40x64xf32, #tpu.memory_space<hbm>>)
      tpu.yield
    }) : () -> ()
    %dma_wait3A_23 = arith.constant 0 : i32
    %dma_wait3A_24 = tpu.memref_slice %arg6[%dma_wait3A_23] : memref<600000xf32, #tpu.memory_space<hbm>> -> memref<600000xf32, #tpu.memory_space<hbm>>
    tpu.wait_indirect_dma semaphore(%arg22 : memref<!tpu.dma_semaphore, #tpu.memory_space<semaphore_mem>>) src(%dma_wait3A_24 : memref<600000xf32, #tpu.memory_space<hbm>>) dst(%arg15 : memref<480xf32, #tpu.memory_space<vmem>>)
    %mul3A_25 = arith.constant 12 : i32
    %mul3A_26 = arith.muli %add3A_4, %mul3A_25 : i32
    "tpu.region"() ({
      %run_scoped3A = tpu.sem_alloc : memref<!tpu.dma_semaphore, #tpu.memory_space<semaphore_mem>>
      %dma_start3A_171 = tpu.memref_slice %arg9[%mul3A_26] : memref<76800xf32, #tpu.memory_space<hbm>> -> memref<480xf32, #tpu.memory_space<hbm>>
      %dma_start3A_172 = tpu.memref_slice %arg9[%mul3A_26] : memref<76800xf32, #tpu.memory_space<hbm>> -> memref<480xf32, #tpu.memory_space<hbm>>
      tpu.enqueue_dma source(%arg15 : memref<480xf32, #tpu.memory_space<vmem>>) target(%dma_start3A_172 : memref<480xf32, #tpu.memory_space<hbm>>) target_semaphore(%run_scoped3A : memref<!tpu.dma_semaphore, #tpu.memory_space<semaphore_mem>>)
      %dma_wait3A_173 = tpu.memref_slice %arg9[%mul3A_26] : memref<76800xf32, #tpu.memory_space<hbm>> -> memref<480xf32, #tpu.memory_space<hbm>>
      %dma_wait3A_174 = tpu.memref_slice %arg9[%mul3A_26] : memref<76800xf32, #tpu.memory_space<hbm>> -> memref<480xf32, #tpu.memory_space<hbm>>
      tpu.wait_dma2 semaphore(%run_scoped3A : memref<!tpu.dma_semaphore, #tpu.memory_space<semaphore_mem>>) src(%arg15 : memref<480xf32, #tpu.memory_space<vmem>>) dst(%dma_wait3A_174 : memref<480xf32, #tpu.memory_space<hbm>>)
      tpu.yield
    }) : () -> ()
    %dma_wait3A_27 = arith.constant 0 : i32
    %dma_wait3A_28 = arith.constant 0 : i32
    %dma_wait3A_29 = tpu.memref_slice %arg7[%dma_wait3A_27, %dma_wait3A_28] : memref<50000x64xf32, #tpu.memory_space<hbm>> -> memref<50000x64xf32, #tpu.memory_space<hbm>>
    tpu.wait_indirect_dma semaphore(%arg23 : memref<!tpu.dma_semaphore, #tpu.memory_space<semaphore_mem>>) src(%dma_wait3A_29 : memref<50000x64xf32, #tpu.memory_space<hbm>>) dst(%arg19 : memref<40x64xf32, #tpu.memory_space<vmem>>)
    "tpu.region"() ({
      %run_scoped3A = tpu.sem_alloc : memref<!tpu.dma_semaphore, #tpu.memory_space<semaphore_mem>>
      %dma_start3A_171 = arith.constant 0 : i32
      %dma_start3A_172 = tpu.memref_slice %arg10[%add3A_4, %dma_start3A_171] : memref<6400x64xf32, #tpu.memory_space<hbm>> -> memref<40x64xf32, #tpu.memory_space<hbm>>
      %dma_start3A_173 = arith.constant 0 : i32
      %dma_start3A_174 = tpu.memref_slice %arg10[%add3A_4, %dma_start3A_173] : memref<6400x64xf32, #tpu.memory_space<hbm>> -> memref<40x64xf32, #tpu.memory_space<hbm>>
      tpu.enqueue_dma source(%arg19 : memref<40x64xf32, #tpu.memory_space<vmem>>) target(%dma_start3A_174 : memref<40x64xf32, #tpu.memory_space<hbm>>) target_semaphore(%run_scoped3A : memref<!tpu.dma_semaphore, #tpu.memory_space<semaphore_mem>>)
      %dma_wait3A_175 = arith.constant 0 : i32
      %dma_wait3A_176 = tpu.memref_slice %arg10[%add3A_4, %dma_wait3A_175] : memref<6400x64xf32, #tpu.memory_space<hbm>> -> memref<40x64xf32, #tpu.memory_space<hbm>>
      %dma_wait3A_177 = arith.constant 0 : i32
      %dma_wait3A_178 = tpu.memref_slice %arg10[%add3A_4, %dma_wait3A_177] : memref<6400x64xf32, #tpu.memory_space<hbm>> -> memref<40x64xf32, #tpu.memory_space<hbm>>
      tpu.wait_dma2 semaphore(%run_scoped3A : memref<!tpu.dma_semaphore, #tpu.memory_space<semaphore_mem>>) src(%arg19 : memref<40x64xf32, #tpu.memory_space<vmem>>) dst(%dma_wait3A_178 : memref<40x64xf32, #tpu.memory_space<hbm>>)
      tpu.yield
    }) : () -> ()
    %dma_wait3A_30 = arith.constant 0 : i32
    %dma_wait3A_31 = arith.constant 0 : i32
    %dma_wait3A_32 = tpu.memref_slice %arg7[%dma_wait3A_30, %dma_wait3A_31] : memref<50000x64xf32, #tpu.memory_space<hbm>> -> memref<50000x64xf32, #tpu.memory_space<hbm>>
    tpu.wait_indirect_dma semaphore(%arg21 : memref<!tpu.dma_semaphore, #tpu.memory_space<semaphore_mem>>) src(%dma_wait3A_32 : memref<50000x64xf32, #tpu.memory_space<hbm>>) dst(%arg17 : memref<480x64xf32, #tpu.memory_space<vmem>>)
    %mul3A_33 = arith.constant 12 : i32
    %mul3A_34 = arith.muli %add3A_4, %mul3A_33 : i32
    "tpu.region"() ({
      %run_scoped3A = tpu.sem_alloc : memref<!tpu.dma_semaphore, #tpu.memory_space<semaphore_mem>>
      %dma_start3A_171 = arith.constant 0 : i32
      %dma_start3A_172 = tpu.memref_slice %arg11[%mul3A_34, %dma_start3A_171] : memref<76800x64xf32, #tpu.memory_space<hbm>> -> memref<480x64xf32, #tpu.memory_space<hbm>>
      %dma_start3A_173 = arith.constant 0 : i32
      %dma_start3A_174 = tpu.memref_slice %arg11[%mul3A_34, %dma_start3A_173] : memref<76800x64xf32, #tpu.memory_space<hbm>> -> memref<480x64xf32, #tpu.memory_space<hbm>>
      tpu.enqueue_dma source(%arg17 : memref<480x64xf32, #tpu.memory_space<vmem>>) target(%dma_start3A_174 : memref<480x64xf32, #tpu.memory_space<hbm>>) target_semaphore(%run_scoped3A : memref<!tpu.dma_semaphore, #tpu.memory_space<semaphore_mem>>)
      %dma_wait3A_175 = arith.constant 0 : i32
      %dma_wait3A_176 = tpu.memref_slice %arg11[%mul3A_34, %dma_wait3A_175] : memref<76800x64xf32, #tpu.memory_space<hbm>> -> memref<480x64xf32, #tpu.memory_space<hbm>>
      %dma_wait3A_177 = arith.constant 0 : i32
      %dma_wait3A_178 = tpu.memref_slice %arg11[%mul3A_34, %dma_wait3A_177] : memref<76800x64xf32, #tpu.memory_space<hbm>> -> memref<480x64xf32, #tpu.memory_space<hbm>>
      tpu.wait_dma2 semaphore(%run_scoped3A : memref<!tpu.dma_semaphore, #tpu.memory_space<semaphore_mem>>) src(%arg17 : memref<480x64xf32, #tpu.memory_space<vmem>>) dst(%dma_wait3A_178 : memref<480x64xf32, #tpu.memory_space<hbm>>)
      tpu.yield
    }) : () -> ()
    %add3A_35 = arith.constant 40 : i32
    %add3A_36 = arith.addi %mul3A_2, %add3A_35 : i32
    "tpu.region"() ({
      %run_scoped3A = tpu.sem_alloc : memref<!tpu.dma_semaphore, #tpu.memory_space<semaphore_mem>>
      %dma_start3A_171 = tpu.memref_slice %arg2[%add3A_36] : memref<6400xi32, #tpu.memory_space<hbm>> -> memref<40xi32, #tpu.memory_space<hbm>>
      %dma_start3A_172 = tpu.memref_slice %arg2[%add3A_36] : memref<6400xi32, #tpu.memory_space<hbm>> -> memref<40xi32, #tpu.memory_space<hbm>>
      tpu.enqueue_dma source(%dma_start3A_172 : memref<40xi32, #tpu.memory_space<hbm>>) target(%arg12 : memref<40xi32, #tpu.memory_space<vmem>>) target_semaphore(%run_scoped3A : memref<!tpu.dma_semaphore, #tpu.memory_space<semaphore_mem>>)
      %dma_wait3A_173 = tpu.memref_slice %arg2[%add3A_36] : memref<6400xi32, #tpu.memory_space<hbm>> -> memref<40xi32, #tpu.memory_space<hbm>>
      %dma_wait3A_174 = tpu.memref_slice %arg2[%add3A_36] : memref<6400xi32, #tpu.memory_space<hbm>> -> memref<40xi32, #tpu.memory_space<hbm>>
      tpu.wait_dma2 semaphore(%run_scoped3A : memref<!tpu.dma_semaphore, #tpu.memory_space<semaphore_mem>>) src(%dma_wait3A_174 : memref<40xi32, #tpu.memory_space<hbm>>) dst(%arg12 : memref<40xi32, #tpu.memory_space<vmem>>)
      tpu.yield
    }) : () -> ()
    "tpu.region"() ({
      %run_scoped3A = tpu.sem_alloc : memref<!tpu.dma_semaphore, #tpu.memory_space<semaphore_mem>>
      %dma_start3A_171 = tpu.memref_slice %arg3[%add3A_36] : memref<6400xi32, #tpu.memory_space<hbm>> -> memref<40xi32, #tpu.memory_space<hbm>>
      %dma_start3A_172 = tpu.memref_slice %arg3[%add3A_36] : memref<6400xi32, #tpu.memory_space<hbm>> -> memref<40xi32, #tpu.memory_space<hbm>>
      tpu.enqueue_dma source(%dma_start3A_172 : memref<40xi32, #tpu.memory_space<hbm>>) target(%arg18 : memref<40xi32, #tpu.memory_space<vmem>>) target_semaphore(%run_scoped3A : memref<!tpu.dma_semaphore, #tpu.memory_space<semaphore_mem>>)
      %dma_wait3A_173 = tpu.memref_slice %arg3[%add3A_36] : memref<6400xi32, #tpu.memory_space<hbm>> -> memref<40xi32, #tpu.memory_space<hbm>>
      %dma_wait3A_174 = tpu.memref_slice %arg3[%add3A_36] : memref<6400xi32, #tpu.memory_space<hbm>> -> memref<40xi32, #tpu.memory_space<hbm>>
      tpu.wait_dma2 semaphore(%run_scoped3A : memref<!tpu.dma_semaphore, #tpu.memory_space<semaphore_mem>>) src(%dma_wait3A_174 : memref<40xi32, #tpu.memory_space<hbm>>) dst(%arg18 : memref<40xi32, #tpu.memory_space<vmem>>)
      tpu.yield
    }) : () -> ()
    %mul3A_37 = arith.constant 12 : i32
    %mul3A_38 = arith.muli %add3A_36, %mul3A_37 : i32
    "tpu.region"() ({
      %run_scoped3A = tpu.sem_alloc : memref<!tpu.dma_semaphore, #tpu.memory_space<semaphore_mem>>
      %dma_start3A_171 = tpu.memref_slice %arg4[%mul3A_38] : memref<76800xi32, #tpu.memory_space<hbm>> -> memref<480xi32, #tpu.memory_space<hbm>>
      %dma_start3A_172 = tpu.memref_slice %arg4[%mul3A_38] : memref<76800xi32, #tpu.memory_space<hbm>> -> memref<480xi32, #tpu.memory_space<hbm>>
      tpu.enqueue_dma source(%dma_start3A_172 : memref<480xi32, #tpu.memory_space<hbm>>) target(%arg14 : memref<480xi32, #tpu.memory_space<vmem>>) target_semaphore(%run_scoped3A : memref<!tpu.dma_semaphore, #tpu.memory_space<semaphore_mem>>)
      %dma_wait3A_173 = tpu.memref_slice %arg4[%mul3A_38] : memref<76800xi32, #tpu.memory_space<hbm>> -> memref<480xi32, #tpu.memory_space<hbm>>
      %dma_wait3A_174 = tpu.memref_slice %arg4[%mul3A_38] : memref<76800xi32, #tpu.memory_space<hbm>> -> memref<480xi32, #tpu.memory_space<hbm>>
      tpu.wait_dma2 semaphore(%run_scoped3A : memref<!tpu.dma_semaphore, #tpu.memory_space<semaphore_mem>>) src(%dma_wait3A_174 : memref<480xi32, #tpu.memory_space<hbm>>) dst(%arg14 : memref<480xi32, #tpu.memory_space<vmem>>)
      tpu.yield
    }) : () -> ()
    %dma_start3A_39 = arith.constant 0 : i32
    %dma_start3A_40 = tpu.memref_slice %arg5[%dma_start3A_39] : memref<600000xi32, #tpu.memory_space<hbm>> -> memref<600000xi32, #tpu.memory_space<hbm>>
    tpu.enqueue_indirect_dma source(%dma_start3A_40 : memref<600000xi32, #tpu.memory_space<hbm>>) target(%arg16 : memref<480xi32, #tpu.memory_space<vmem>>) offsets(%arg14 : memref<480xi32, #tpu.memory_space<vmem>>) semaphore(%arg21 : memref<!tpu.dma_semaphore, #tpu.memory_space<semaphore_mem>>)
    %dma_start3A_41 = arith.constant 0 : i32
    %dma_start3A_42 = arith.constant 0 : i32
    %dma_start3A_43 = tpu.memref_slice %arg7[%dma_start3A_41, %dma_start3A_42] : memref<50000x64xf32, #tpu.memory_space<hbm>> -> memref<50000x64xf32, #tpu.memory_space<hbm>>
    tpu.enqueue_indirect_dma source(%dma_start3A_43 : memref<50000x64xf32, #tpu.memory_space<hbm>>) target(%arg13 : memref<40x64xf32, #tpu.memory_space<vmem>>) offsets(%arg12 : memref<40xi32, #tpu.memory_space<vmem>>) semaphore(%arg20 : memref<!tpu.dma_semaphore, #tpu.memory_space<semaphore_mem>>)
    %dma_start3A_44 = arith.constant 0 : i32
    %dma_start3A_45 = tpu.memref_slice %arg6[%dma_start3A_44] : memref<600000xf32, #tpu.memory_space<hbm>> -> memref<600000xf32, #tpu.memory_space<hbm>>
    tpu.enqueue_indirect_dma source(%dma_start3A_45 : memref<600000xf32, #tpu.memory_space<hbm>>) target(%arg15 : memref<480xf32, #tpu.memory_space<vmem>>) offsets(%arg14 : memref<480xi32, #tpu.memory_space<vmem>>) semaphore(%arg22 : memref<!tpu.dma_semaphore, #tpu.memory_space<semaphore_mem>>)
    %dma_start3A_46 = arith.constant 0 : i32
    %dma_start3A_47 = arith.constant 0 : i32
    %dma_start3A_48 = tpu.memref_slice %arg7[%dma_start3A_46, %dma_start3A_47] : memref<50000x64xf32, #tpu.memory_space<hbm>> -> memref<50000x64xf32, #tpu.memory_space<hbm>>
    tpu.enqueue_indirect_dma source(%dma_start3A_48 : memref<50000x64xf32, #tpu.memory_space<hbm>>) target(%arg19 : memref<40x64xf32, #tpu.memory_space<vmem>>) offsets(%arg18 : memref<40xi32, #tpu.memory_space<vmem>>) semaphore(%arg23 : memref<!tpu.dma_semaphore, #tpu.memory_space<semaphore_mem>>)
    %dma_wait3A_49 = arith.constant 0 : i32
    %dma_wait3A_50 = tpu.memref_slice %arg5[%dma_wait3A_49] : memref<600000xi32, #tpu.memory_space<hbm>> -> memref<600000xi32, #tpu.memory_space<hbm>>
    tpu.wait_indirect_dma semaphore(%arg21 : memref<!tpu.dma_semaphore, #tpu.memory_space<semaphore_mem>>) src(%dma_wait3A_50 : memref<600000xi32, #tpu.memory_space<hbm>>) dst(%arg16 : memref<480xi32, #tpu.memory_space<vmem>>)
    %dma_start3A_51 = arith.constant 0 : i32
    %dma_start3A_52 = arith.constant 0 : i32
    %dma_start3A_53 = tpu.memref_slice %arg7[%dma_start3A_51, %dma_start3A_52] : memref<50000x64xf32, #tpu.memory_space<hbm>> -> memref<50000x64xf32, #tpu.memory_space<hbm>>
    tpu.enqueue_indirect_dma source(%dma_start3A_53 : memref<50000x64xf32, #tpu.memory_space<hbm>>) target(%arg17 : memref<480x64xf32, #tpu.memory_space<vmem>>) offsets(%arg16 : memref<480xi32, #tpu.memory_space<vmem>>) semaphore(%arg21 : memref<!tpu.dma_semaphore, #tpu.memory_space<semaphore_mem>>)
    %dma_wait3A_54 = arith.constant 0 : i32
    %dma_wait3A_55 = arith.constant 0 : i32
    %dma_wait3A_56 = tpu.memref_slice %arg7[%dma_wait3A_54, %dma_wait3A_55] : memref<50000x64xf32, #tpu.memory_space<hbm>> -> memref<50000x64xf32, #tpu.memory_space<hbm>>
    tpu.wait_indirect_dma semaphore(%arg20 : memref<!tpu.dma_semaphore, #tpu.memory_space<semaphore_mem>>) src(%dma_wait3A_56 : memref<50000x64xf32, #tpu.memory_space<hbm>>) dst(%arg13 : memref<40x64xf32, #tpu.memory_space<vmem>>)
    "tpu.region"() ({
      %run_scoped3A = tpu.sem_alloc : memref<!tpu.dma_semaphore, #tpu.memory_space<semaphore_mem>>
      %dma_start3A_171 = arith.constant 0 : i32
      %dma_start3A_172 = tpu.memref_slice %arg8[%add3A_36, %dma_start3A_171] : memref<6400x64xf32, #tpu.memory_space<hbm>> -> memref<40x64xf32, #tpu.memory_space<hbm>>
      %dma_start3A_173 = arith.constant 0 : i32
      %dma_start3A_174 = tpu.memref_slice %arg8[%add3A_36, %dma_start3A_173] : memref<6400x64xf32, #tpu.memory_space<hbm>> -> memref<40x64xf32, #tpu.memory_space<hbm>>
      tpu.enqueue_dma source(%arg13 : memref<40x64xf32, #tpu.memory_space<vmem>>) target(%dma_start3A_174 : memref<40x64xf32, #tpu.memory_space<hbm>>) target_semaphore(%run_scoped3A : memref<!tpu.dma_semaphore, #tpu.memory_space<semaphore_mem>>)
      %dma_wait3A_175 = arith.constant 0 : i32
      %dma_wait3A_176 = tpu.memref_slice %arg8[%add3A_36, %dma_wait3A_175] : memref<6400x64xf32, #tpu.memory_space<hbm>> -> memref<40x64xf32, #tpu.memory_space<hbm>>
      %dma_wait3A_177 = arith.constant 0 : i32
      %dma_wait3A_178 = tpu.memref_slice %arg8[%add3A_36, %dma_wait3A_177] : memref<6400x64xf32, #tpu.memory_space<hbm>> -> memref<40x64xf32, #tpu.memory_space<hbm>>
      tpu.wait_dma2 semaphore(%run_scoped3A : memref<!tpu.dma_semaphore, #tpu.memory_space<semaphore_mem>>) src(%arg13 : memref<40x64xf32, #tpu.memory_space<vmem>>) dst(%dma_wait3A_178 : memref<40x64xf32, #tpu.memory_space<hbm>>)
      tpu.yield
    }) : () -> ()
    %dma_wait3A_57 = arith.constant 0 : i32
    %dma_wait3A_58 = tpu.memref_slice %arg6[%dma_wait3A_57] : memref<600000xf32, #tpu.memory_space<hbm>> -> memref<600000xf32, #tpu.memory_space<hbm>>
    tpu.wait_indirect_dma semaphore(%arg22 : memref<!tpu.dma_semaphore, #tpu.memory_space<semaphore_mem>>) src(%dma_wait3A_58 : memref<600000xf32, #tpu.memory_space<hbm>>) dst(%arg15 : memref<480xf32, #tpu.memory_space<vmem>>)
    %mul3A_59 = arith.constant 12 : i32
    %mul3A_60 = arith.muli %add3A_36, %mul3A_59 : i32
    "tpu.region"() ({
      %run_scoped3A = tpu.sem_alloc : memref<!tpu.dma_semaphore, #tpu.memory_space<semaphore_mem>>
      %dma_start3A_171 = tpu.memref_slice %arg9[%mul3A_60] : memref<76800xf32, #tpu.memory_space<hbm>> -> memref<480xf32, #tpu.memory_space<hbm>>
      %dma_start3A_172 = tpu.memref_slice %arg9[%mul3A_60] : memref<76800xf32, #tpu.memory_space<hbm>> -> memref<480xf32, #tpu.memory_space<hbm>>
      tpu.enqueue_dma source(%arg15 : memref<480xf32, #tpu.memory_space<vmem>>) target(%dma_start3A_172 : memref<480xf32, #tpu.memory_space<hbm>>) target_semaphore(%run_scoped3A : memref<!tpu.dma_semaphore, #tpu.memory_space<semaphore_mem>>)
      %dma_wait3A_173 = tpu.memref_slice %arg9[%mul3A_60] : memref<76800xf32, #tpu.memory_space<hbm>> -> memref<480xf32, #tpu.memory_space<hbm>>
      %dma_wait3A_174 = tpu.memref_slice %arg9[%mul3A_60] : memref<76800xf32, #tpu.memory_space<hbm>> -> memref<480xf32, #tpu.memory_space<hbm>>
      tpu.wait_dma2 semaphore(%run_scoped3A : memref<!tpu.dma_semaphore, #tpu.memory_space<semaphore_mem>>) src(%arg15 : memref<480xf32, #tpu.memory_space<vmem>>) dst(%dma_wait3A_174 : memref<480xf32, #tpu.memory_space<hbm>>)
      tpu.yield
    }) : () -> ()
    %dma_wait3A_61 = arith.constant 0 : i32
    %dma_wait3A_62 = arith.constant 0 : i32
    %dma_wait3A_63 = tpu.memref_slice %arg7[%dma_wait3A_61, %dma_wait3A_62] : memref<50000x64xf32, #tpu.memory_space<hbm>> -> memref<50000x64xf32, #tpu.memory_space<hbm>>
    tpu.wait_indirect_dma semaphore(%arg23 : memref<!tpu.dma_semaphore, #tpu.memory_space<semaphore_mem>>) src(%dma_wait3A_63 : memref<50000x64xf32, #tpu.memory_space<hbm>>) dst(%arg19 : memref<40x64xf32, #tpu.memory_space<vmem>>)
    "tpu.region"() ({
      %run_scoped3A = tpu.sem_alloc : memref<!tpu.dma_semaphore, #tpu.memory_space<semaphore_mem>>
      %dma_start3A_171 = arith.constant 0 : i32
      %dma_start3A_172 = tpu.memref_slice %arg10[%add3A_36, %dma_start3A_171] : memref<6400x64xf32, #tpu.memory_space<hbm>> -> memref<40x64xf32, #tpu.memory_space<hbm>>
      %dma_start3A_173 = arith.constant 0 : i32
      %dma_start3A_174 = tpu.memref_slice %arg10[%add3A_36, %dma_start3A_173] : memref<6400x64xf32, #tpu.memory_space<hbm>> -> memref<40x64xf32, #tpu.memory_space<hbm>>
      tpu.enqueue_dma source(%arg19 : memref<40x64xf32, #tpu.memory_space<vmem>>) target(%dma_start3A_174 : memref<40x64xf32, #tpu.memory_space<hbm>>) target_semaphore(%run_scoped3A : memref<!tpu.dma_semaphore, #tpu.memory_space<semaphore_mem>>)
      %dma_wait3A_175 = arith.constant 0 : i32
      %dma_wait3A_176 = tpu.memref_slice %arg10[%add3A_36, %dma_wait3A_175] : memref<6400x64xf32, #tpu.memory_space<hbm>> -> memref<40x64xf32, #tpu.memory_space<hbm>>
      %dma_wait3A_177 = arith.constant 0 : i32
      %dma_wait3A_178 = tpu.memref_slice %arg10[%add3A_36, %dma_wait3A_177] : memref<6400x64xf32, #tpu.memory_space<hbm>> -> memref<40x64xf32, #tpu.memory_space<hbm>>
      tpu.wait_dma2 semaphore(%run_scoped3A : memref<!tpu.dma_semaphore, #tpu.memory_space<semaphore_mem>>) src(%arg19 : memref<40x64xf32, #tpu.memory_space<vmem>>) dst(%dma_wait3A_178 : memref<40x64xf32, #tpu.memory_space<hbm>>)
      tpu.yield
    }) : () -> ()
    %dma_wait3A_64 = arith.constant 0 : i32
    %dma_wait3A_65 = arith.constant 0 : i32
    %dma_wait3A_66 = tpu.memref_slice %arg7[%dma_wait3A_64, %dma_wait3A_65] : memref<50000x64xf32, #tpu.memory_space<hbm>> -> memref<50000x64xf32, #tpu.memory_space<hbm>>
    tpu.wait_indirect_dma semaphore(%arg21 : memref<!tpu.dma_semaphore, #tpu.memory_space<semaphore_mem>>) src(%dma_wait3A_66 : memref<50000x64xf32, #tpu.memory_space<hbm>>) dst(%arg17 : memref<480x64xf32, #tpu.memory_space<vmem>>)
    %mul3A_67 = arith.constant 12 : i32
    %mul3A_68 = arith.muli %add3A_36, %mul3A_67 : i32
    "tpu.region"() ({
      %run_scoped3A = tpu.sem_alloc : memref<!tpu.dma_semaphore, #tpu.memory_space<semaphore_mem>>
      %dma_start3A_171 = arith.constant 0 : i32
      %dma_start3A_172 = tpu.memref_slice %arg11[%mul3A_68, %dma_start3A_171] : memref<76800x64xf32, #tpu.memory_space<hbm>> -> memref<480x64xf32, #tpu.memory_space<hbm>>
      %dma_start3A_173 = arith.constant 0 : i32
      %dma_start3A_174 = tpu.memref_slice %arg11[%mul3A_68, %dma_start3A_173] : memref<76800x64xf32, #tpu.memory_space<hbm>> -> memref<480x64xf32, #tpu.memory_space<hbm>>
      tpu.enqueue_dma source(%arg17 : memref<480x64xf32, #tpu.memory_space<vmem>>) target(%dma_start3A_174 : memref<480x64xf32, #tpu.memory_space<hbm>>) target_semaphore(%run_scoped3A : memref<!tpu.dma_semaphore, #tpu.memory_space<semaphore_mem>>)
      %dma_wait3A_175 = arith.constant 0 : i32
      %dma_wait3A_176 = tpu.memref_slice %arg11[%mul3A_68, %dma_wait3A_175] : memref<76800x64xf32, #tpu.memory_space<hbm>> -> memref<480x64xf32, #tpu.memory_space<hbm>>
      %dma_wait3A_177 = arith.constant 0 : i32
      %dma_wait3A_178 = tpu.memref_slice %arg11[%mul3A_68, %dma_wait3A_177] : memref<76800x64xf32, #tpu.memory_space<hbm>> -> memref<480x64xf32, #tpu.memory_space<hbm>>
      tpu.wait_dma2 semaphore(%run_scoped3A : memref<!tpu.dma_semaphore, #tpu.memory_space<semaphore_mem>>) src(%arg17 : memref<480x64xf32, #tpu.memory_space<vmem>>) dst(%dma_wait3A_178 : memref<480x64xf32, #tpu.memory_space<hbm>>)
      tpu.yield
    }) : () -> ()
    %add3A_69 = arith.constant 80 : i32
    %add3A_70 = arith.addi %mul3A_2, %add3A_69 : i32
    "tpu.region"() ({
      %run_scoped3A = tpu.sem_alloc : memref<!tpu.dma_semaphore, #tpu.memory_space<semaphore_mem>>
      %dma_start3A_171 = tpu.memref_slice %arg2[%add3A_70] : memref<6400xi32, #tpu.memory_space<hbm>> -> memref<40xi32, #tpu.memory_space<hbm>>
      %dma_start3A_172 = tpu.memref_slice %arg2[%add3A_70] : memref<6400xi32, #tpu.memory_space<hbm>> -> memref<40xi32, #tpu.memory_space<hbm>>
      tpu.enqueue_dma source(%dma_start3A_172 : memref<40xi32, #tpu.memory_space<hbm>>) target(%arg12 : memref<40xi32, #tpu.memory_space<vmem>>) target_semaphore(%run_scoped3A : memref<!tpu.dma_semaphore, #tpu.memory_space<semaphore_mem>>)
      %dma_wait3A_173 = tpu.memref_slice %arg2[%add3A_70] : memref<6400xi32, #tpu.memory_space<hbm>> -> memref<40xi32, #tpu.memory_space<hbm>>
      %dma_wait3A_174 = tpu.memref_slice %arg2[%add3A_70] : memref<6400xi32, #tpu.memory_space<hbm>> -> memref<40xi32, #tpu.memory_space<hbm>>
      tpu.wait_dma2 semaphore(%run_scoped3A : memref<!tpu.dma_semaphore, #tpu.memory_space<semaphore_mem>>) src(%dma_wait3A_174 : memref<40xi32, #tpu.memory_space<hbm>>) dst(%arg12 : memref<40xi32, #tpu.memory_space<vmem>>)
      tpu.yield
    }) : () -> ()
    "tpu.region"() ({
      %run_scoped3A = tpu.sem_alloc : memref<!tpu.dma_semaphore, #tpu.memory_space<semaphore_mem>>
      %dma_start3A_171 = tpu.memref_slice %arg3[%add3A_70] : memref<6400xi32, #tpu.memory_space<hbm>> -> memref<40xi32, #tpu.memory_space<hbm>>
      %dma_start3A_172 = tpu.memref_slice %arg3[%add3A_70] : memref<6400xi32, #tpu.memory_space<hbm>> -> memref<40xi32, #tpu.memory_space<hbm>>
      tpu.enqueue_dma source(%dma_start3A_172 : memref<40xi32, #tpu.memory_space<hbm>>) target(%arg18 : memref<40xi32, #tpu.memory_space<vmem>>) target_semaphore(%run_scoped3A : memref<!tpu.dma_semaphore, #tpu.memory_space<semaphore_mem>>)
      %dma_wait3A_173 = tpu.memref_slice %arg3[%add3A_70] : memref<6400xi32, #tpu.memory_space<hbm>> -> memref<40xi32, #tpu.memory_space<hbm>>
      %dma_wait3A_174 = tpu.memref_slice %arg3[%add3A_70] : memref<6400xi32, #tpu.memory_space<hbm>> -> memref<40xi32, #tpu.memory_space<hbm>>
      tpu.wait_dma2 semaphore(%run_scoped3A : memref<!tpu.dma_semaphore, #tpu.memory_space<semaphore_mem>>) src(%dma_wait3A_174 : memref<40xi32, #tpu.memory_space<hbm>>) dst(%arg18 : memref<40xi32, #tpu.memory_space<vmem>>)
      tpu.yield
    }) : () -> ()
    %mul3A_71 = arith.constant 12 : i32
    %mul3A_72 = arith.muli %add3A_70, %mul3A_71 : i32
    "tpu.region"() ({
      %run_scoped3A = tpu.sem_alloc : memref<!tpu.dma_semaphore, #tpu.memory_space<semaphore_mem>>
      %dma_start3A_171 = tpu.memref_slice %arg4[%mul3A_72] : memref<76800xi32, #tpu.memory_space<hbm>> -> memref<480xi32, #tpu.memory_space<hbm>>
      %dma_start3A_172 = tpu.memref_slice %arg4[%mul3A_72] : memref<76800xi32, #tpu.memory_space<hbm>> -> memref<480xi32, #tpu.memory_space<hbm>>
      tpu.enqueue_dma source(%dma_start3A_172 : memref<480xi32, #tpu.memory_space<hbm>>) target(%arg14 : memref<480xi32, #tpu.memory_space<vmem>>) target_semaphore(%run_scoped3A : memref<!tpu.dma_semaphore, #tpu.memory_space<semaphore_mem>>)
      %dma_wait3A_173 = tpu.memref_slice %arg4[%mul3A_72] : memref<76800xi32, #tpu.memory_space<hbm>> -> memref<480xi32, #tpu.memory_space<hbm>>
      %dma_wait3A_174 = tpu.memref_slice %arg4[%mul3A_72] : memref<76800xi32, #tpu.memory_space<hbm>> -> memref<480xi32, #tpu.memory_space<hbm>>
      tpu.wait_dma2 semaphore(%run_scoped3A : memref<!tpu.dma_semaphore, #tpu.memory_space<semaphore_mem>>) src(%dma_wait3A_174 : memref<480xi32, #tpu.memory_space<hbm>>) dst(%arg14 : memref<480xi32, #tpu.memory_space<vmem>>)
      tpu.yield
    }) : () -> ()
    %dma_start3A_73 = arith.constant 0 : i32
    %dma_start3A_74 = tpu.memref_slice %arg5[%dma_start3A_73] : memref<600000xi32, #tpu.memory_space<hbm>> -> memref<600000xi32, #tpu.memory_space<hbm>>
    tpu.enqueue_indirect_dma source(%dma_start3A_74 : memref<600000xi32, #tpu.memory_space<hbm>>) target(%arg16 : memref<480xi32, #tpu.memory_space<vmem>>) offsets(%arg14 : memref<480xi32, #tpu.memory_space<vmem>>) semaphore(%arg21 : memref<!tpu.dma_semaphore, #tpu.memory_space<semaphore_mem>>)
    %dma_start3A_75 = arith.constant 0 : i32
    %dma_start3A_76 = arith.constant 0 : i32
    %dma_start3A_77 = tpu.memref_slice %arg7[%dma_start3A_75, %dma_start3A_76] : memref<50000x64xf32, #tpu.memory_space<hbm>> -> memref<50000x64xf32, #tpu.memory_space<hbm>>
    tpu.enqueue_indirect_dma source(%dma_start3A_77 : memref<50000x64xf32, #tpu.memory_space<hbm>>) target(%arg13 : memref<40x64xf32, #tpu.memory_space<vmem>>) offsets(%arg12 : memref<40xi32, #tpu.memory_space<vmem>>) semaphore(%arg20 : memref<!tpu.dma_semaphore, #tpu.memory_space<semaphore_mem>>)
    %dma_start3A_78 = arith.constant 0 : i32
    %dma_start3A_79 = tpu.memref_slice %arg6[%dma_start3A_78] : memref<600000xf32, #tpu.memory_space<hbm>> -> memref<600000xf32, #tpu.memory_space<hbm>>
    tpu.enqueue_indirect_dma source(%dma_start3A_79 : memref<600000xf32, #tpu.memory_space<hbm>>) target(%arg15 : memref<480xf32, #tpu.memory_space<vmem>>) offsets(%arg14 : memref<480xi32, #tpu.memory_space<vmem>>) semaphore(%arg22 : memref<!tpu.dma_semaphore, #tpu.memory_space<semaphore_mem>>)
    %dma_start3A_80 = arith.constant 0 : i32
    %dma_start3A_81 = arith.constant 0 : i32
    %dma_start3A_82 = tpu.memref_slice %arg7[%dma_start3A_80, %dma_start3A_81] : memref<50000x64xf32, #tpu.memory_space<hbm>> -> memref<50000x64xf32, #tpu.memory_space<hbm>>
    tpu.enqueue_indirect_dma source(%dma_start3A_82 : memref<50000x64xf32, #tpu.memory_space<hbm>>) target(%arg19 : memref<40x64xf32, #tpu.memory_space<vmem>>) offsets(%arg18 : memref<40xi32, #tpu.memory_space<vmem>>) semaphore(%arg23 : memref<!tpu.dma_semaphore, #tpu.memory_space<semaphore_mem>>)
    %dma_wait3A_83 = arith.constant 0 : i32
    %dma_wait3A_84 = tpu.memref_slice %arg5[%dma_wait3A_83] : memref<600000xi32, #tpu.memory_space<hbm>> -> memref<600000xi32, #tpu.memory_space<hbm>>
    tpu.wait_indirect_dma semaphore(%arg21 : memref<!tpu.dma_semaphore, #tpu.memory_space<semaphore_mem>>) src(%dma_wait3A_84 : memref<600000xi32, #tpu.memory_space<hbm>>) dst(%arg16 : memref<480xi32, #tpu.memory_space<vmem>>)
    %dma_start3A_85 = arith.constant 0 : i32
    %dma_start3A_86 = arith.constant 0 : i32
    %dma_start3A_87 = tpu.memref_slice %arg7[%dma_start3A_85, %dma_start3A_86] : memref<50000x64xf32, #tpu.memory_space<hbm>> -> memref<50000x64xf32, #tpu.memory_space<hbm>>
    tpu.enqueue_indirect_dma source(%dma_start3A_87 : memref<50000x64xf32, #tpu.memory_space<hbm>>) target(%arg17 : memref<480x64xf32, #tpu.memory_space<vmem>>) offsets(%arg16 : memref<480xi32, #tpu.memory_space<vmem>>) semaphore(%arg21 : memref<!tpu.dma_semaphore, #tpu.memory_space<semaphore_mem>>)
    %dma_wait3A_88 = arith.constant 0 : i32
    %dma_wait3A_89 = arith.constant 0 : i32
    %dma_wait3A_90 = tpu.memref_slice %arg7[%dma_wait3A_88, %dma_wait3A_89] : memref<50000x64xf32, #tpu.memory_space<hbm>> -> memref<50000x64xf32, #tpu.memory_space<hbm>>
    tpu.wait_indirect_dma semaphore(%arg20 : memref<!tpu.dma_semaphore, #tpu.memory_space<semaphore_mem>>) src(%dma_wait3A_90 : memref<50000x64xf32, #tpu.memory_space<hbm>>) dst(%arg13 : memref<40x64xf32, #tpu.memory_space<vmem>>)
    "tpu.region"() ({
      %run_scoped3A = tpu.sem_alloc : memref<!tpu.dma_semaphore, #tpu.memory_space<semaphore_mem>>
      %dma_start3A_171 = arith.constant 0 : i32
      %dma_start3A_172 = tpu.memref_slice %arg8[%add3A_70, %dma_start3A_171] : memref<6400x64xf32, #tpu.memory_space<hbm>> -> memref<40x64xf32, #tpu.memory_space<hbm>>
      %dma_start3A_173 = arith.constant 0 : i32
      %dma_start3A_174 = tpu.memref_slice %arg8[%add3A_70, %dma_start3A_173] : memref<6400x64xf32, #tpu.memory_space<hbm>> -> memref<40x64xf32, #tpu.memory_space<hbm>>
      tpu.enqueue_dma source(%arg13 : memref<40x64xf32, #tpu.memory_space<vmem>>) target(%dma_start3A_174 : memref<40x64xf32, #tpu.memory_space<hbm>>) target_semaphore(%run_scoped3A : memref<!tpu.dma_semaphore, #tpu.memory_space<semaphore_mem>>)
      %dma_wait3A_175 = arith.constant 0 : i32
      %dma_wait3A_176 = tpu.memref_slice %arg8[%add3A_70, %dma_wait3A_175] : memref<6400x64xf32, #tpu.memory_space<hbm>> -> memref<40x64xf32, #tpu.memory_space<hbm>>
      %dma_wait3A_177 = arith.constant 0 : i32
      %dma_wait3A_178 = tpu.memref_slice %arg8[%add3A_70, %dma_wait3A_177] : memref<6400x64xf32, #tpu.memory_space<hbm>> -> memref<40x64xf32, #tpu.memory_space<hbm>>
      tpu.wait_dma2 semaphore(%run_scoped3A : memref<!tpu.dma_semaphore, #tpu.memory_space<semaphore_mem>>) src(%arg13 : memref<40x64xf32, #tpu.memory_space<vmem>>) dst(%dma_wait3A_178 : memref<40x64xf32, #tpu.memory_space<hbm>>)
      tpu.yield
    }) : () -> ()
    %dma_wait3A_91 = arith.constant 0 : i32
    %dma_wait3A_92 = tpu.memref_slice %arg6[%dma_wait3A_91] : memref<600000xf32, #tpu.memory_space<hbm>> -> memref<600000xf32, #tpu.memory_space<hbm>>
    tpu.wait_indirect_dma semaphore(%arg22 : memref<!tpu.dma_semaphore, #tpu.memory_space<semaphore_mem>>) src(%dma_wait3A_92 : memref<600000xf32, #tpu.memory_space<hbm>>) dst(%arg15 : memref<480xf32, #tpu.memory_space<vmem>>)
    %mul3A_93 = arith.constant 12 : i32
    %mul3A_94 = arith.muli %add3A_70, %mul3A_93 : i32
    "tpu.region"() ({
      %run_scoped3A = tpu.sem_alloc : memref<!tpu.dma_semaphore, #tpu.memory_space<semaphore_mem>>
      %dma_start3A_171 = tpu.memref_slice %arg9[%mul3A_94] : memref<76800xf32, #tpu.memory_space<hbm>> -> memref<480xf32, #tpu.memory_space<hbm>>
      %dma_start3A_172 = tpu.memref_slice %arg9[%mul3A_94] : memref<76800xf32, #tpu.memory_space<hbm>> -> memref<480xf32, #tpu.memory_space<hbm>>
      tpu.enqueue_dma source(%arg15 : memref<480xf32, #tpu.memory_space<vmem>>) target(%dma_start3A_172 : memref<480xf32, #tpu.memory_space<hbm>>) target_semaphore(%run_scoped3A : memref<!tpu.dma_semaphore, #tpu.memory_space<semaphore_mem>>)
      %dma_wait3A_173 = tpu.memref_slice %arg9[%mul3A_94] : memref<76800xf32, #tpu.memory_space<hbm>> -> memref<480xf32, #tpu.memory_space<hbm>>
      %dma_wait3A_174 = tpu.memref_slice %arg9[%mul3A_94] : memref<76800xf32, #tpu.memory_space<hbm>> -> memref<480xf32, #tpu.memory_space<hbm>>
      tpu.wait_dma2 semaphore(%run_scoped3A : memref<!tpu.dma_semaphore, #tpu.memory_space<semaphore_mem>>) src(%arg15 : memref<480xf32, #tpu.memory_space<vmem>>) dst(%dma_wait3A_174 : memref<480xf32, #tpu.memory_space<hbm>>)
      tpu.yield
    }) : () -> ()
    %dma_wait3A_95 = arith.constant 0 : i32
    %dma_wait3A_96 = arith.constant 0 : i32
    %dma_wait3A_97 = tpu.memref_slice %arg7[%dma_wait3A_95, %dma_wait3A_96] : memref<50000x64xf32, #tpu.memory_space<hbm>> -> memref<50000x64xf32, #tpu.memory_space<hbm>>
    tpu.wait_indirect_dma semaphore(%arg23 : memref<!tpu.dma_semaphore, #tpu.memory_space<semaphore_mem>>) src(%dma_wait3A_97 : memref<50000x64xf32, #tpu.memory_space<hbm>>) dst(%arg19 : memref<40x64xf32, #tpu.memory_space<vmem>>)
    "tpu.region"() ({
      %run_scoped3A = tpu.sem_alloc : memref<!tpu.dma_semaphore, #tpu.memory_space<semaphore_mem>>
      %dma_start3A_171 = arith.constant 0 : i32
      %dma_start3A_172 = tpu.memref_slice %arg10[%add3A_70, %dma_start3A_171] : memref<6400x64xf32, #tpu.memory_space<hbm>> -> memref<40x64xf32, #tpu.memory_space<hbm>>
      %dma_start3A_173 = arith.constant 0 : i32
      %dma_start3A_174 = tpu.memref_slice %arg10[%add3A_70, %dma_start3A_173] : memref<6400x64xf32, #tpu.memory_space<hbm>> -> memref<40x64xf32, #tpu.memory_space<hbm>>
      tpu.enqueue_dma source(%arg19 : memref<40x64xf32, #tpu.memory_space<vmem>>) target(%dma_start3A_174 : memref<40x64xf32, #tpu.memory_space<hbm>>) target_semaphore(%run_scoped3A : memref<!tpu.dma_semaphore, #tpu.memory_space<semaphore_mem>>)
      %dma_wait3A_175 = arith.constant 0 : i32
      %dma_wait3A_176 = tpu.memref_slice %arg10[%add3A_70, %dma_wait3A_175] : memref<6400x64xf32, #tpu.memory_space<hbm>> -> memref<40x64xf32, #tpu.memory_space<hbm>>
      %dma_wait3A_177 = arith.constant 0 : i32
      %dma_wait3A_178 = tpu.memref_slice %arg10[%add3A_70, %dma_wait3A_177] : memref<6400x64xf32, #tpu.memory_space<hbm>> -> memref<40x64xf32, #tpu.memory_space<hbm>>
      tpu.wait_dma2 semaphore(%run_scoped3A : memref<!tpu.dma_semaphore, #tpu.memory_space<semaphore_mem>>) src(%arg19 : memref<40x64xf32, #tpu.memory_space<vmem>>) dst(%dma_wait3A_178 : memref<40x64xf32, #tpu.memory_space<hbm>>)
      tpu.yield
    }) : () -> ()
    %dma_wait3A_98 = arith.constant 0 : i32
    %dma_wait3A_99 = arith.constant 0 : i32
    %dma_wait3A_100 = tpu.memref_slice %arg7[%dma_wait3A_98, %dma_wait3A_99] : memref<50000x64xf32, #tpu.memory_space<hbm>> -> memref<50000x64xf32, #tpu.memory_space<hbm>>
    tpu.wait_indirect_dma semaphore(%arg21 : memref<!tpu.dma_semaphore, #tpu.memory_space<semaphore_mem>>) src(%dma_wait3A_100 : memref<50000x64xf32, #tpu.memory_space<hbm>>) dst(%arg17 : memref<480x64xf32, #tpu.memory_space<vmem>>)
    %mul3A_101 = arith.constant 12 : i32
    %mul3A_102 = arith.muli %add3A_70, %mul3A_101 : i32
    "tpu.region"() ({
      %run_scoped3A = tpu.sem_alloc : memref<!tpu.dma_semaphore, #tpu.memory_space<semaphore_mem>>
      %dma_start3A_171 = arith.constant 0 : i32
      %dma_start3A_172 = tpu.memref_slice %arg11[%mul3A_102, %dma_start3A_171] : memref<76800x64xf32, #tpu.memory_space<hbm>> -> memref<480x64xf32, #tpu.memory_space<hbm>>
      %dma_start3A_173 = arith.constant 0 : i32
      %dma_start3A_174 = tpu.memref_slice %arg11[%mul3A_102, %dma_start3A_173] : memref<76800x64xf32, #tpu.memory_space<hbm>> -> memref<480x64xf32, #tpu.memory_space<hbm>>
      tpu.enqueue_dma source(%arg17 : memref<480x64xf32, #tpu.memory_space<vmem>>) target(%dma_start3A_174 : memref<480x64xf32, #tpu.memory_space<hbm>>) target_semaphore(%run_scoped3A : memref<!tpu.dma_semaphore, #tpu.memory_space<semaphore_mem>>)
      %dma_wait3A_175 = arith.constant 0 : i32
      %dma_wait3A_176 = tpu.memref_slice %arg11[%mul3A_102, %dma_wait3A_175] : memref<76800x64xf32, #tpu.memory_space<hbm>> -> memref<480x64xf32, #tpu.memory_space<hbm>>
      %dma_wait3A_177 = arith.constant 0 : i32
      %dma_wait3A_178 = tpu.memref_slice %arg11[%mul3A_102, %dma_wait3A_177] : memref<76800x64xf32, #tpu.memory_space<hbm>> -> memref<480x64xf32, #tpu.memory_space<hbm>>
      tpu.wait_dma2 semaphore(%run_scoped3A : memref<!tpu.dma_semaphore, #tpu.memory_space<semaphore_mem>>) src(%arg17 : memref<480x64xf32, #tpu.memory_space<vmem>>) dst(%dma_wait3A_178 : memref<480x64xf32, #tpu.memory_space<hbm>>)
      tpu.yield
    }) : () -> ()
    %add3A_103 = arith.constant 120 : i32
    %add3A_104 = arith.addi %mul3A_2, %add3A_103 : i32
    "tpu.region"() ({
      %run_scoped3A = tpu.sem_alloc : memref<!tpu.dma_semaphore, #tpu.memory_space<semaphore_mem>>
      %dma_start3A_171 = tpu.memref_slice %arg2[%add3A_104] : memref<6400xi32, #tpu.memory_space<hbm>> -> memref<40xi32, #tpu.memory_space<hbm>>
      %dma_start3A_172 = tpu.memref_slice %arg2[%add3A_104] : memref<6400xi32, #tpu.memory_space<hbm>> -> memref<40xi32, #tpu.memory_space<hbm>>
      tpu.enqueue_dma source(%dma_start3A_172 : memref<40xi32, #tpu.memory_space<hbm>>) target(%arg12 : memref<40xi32, #tpu.memory_space<vmem>>) target_semaphore(%run_scoped3A : memref<!tpu.dma_semaphore, #tpu.memory_space<semaphore_mem>>)
      %dma_wait3A_173 = tpu.memref_slice %arg2[%add3A_104] : memref<6400xi32, #tpu.memory_space<hbm>> -> memref<40xi32, #tpu.memory_space<hbm>>
      %dma_wait3A_174 = tpu.memref_slice %arg2[%add3A_104] : memref<6400xi32, #tpu.memory_space<hbm>> -> memref<40xi32, #tpu.memory_space<hbm>>
      tpu.wait_dma2 semaphore(%run_scoped3A : memref<!tpu.dma_semaphore, #tpu.memory_space<semaphore_mem>>) src(%dma_wait3A_174 : memref<40xi32, #tpu.memory_space<hbm>>) dst(%arg12 : memref<40xi32, #tpu.memory_space<vmem>>)
      tpu.yield
    }) : () -> ()
    "tpu.region"() ({
      %run_scoped3A = tpu.sem_alloc : memref<!tpu.dma_semaphore, #tpu.memory_space<semaphore_mem>>
      %dma_start3A_171 = tpu.memref_slice %arg3[%add3A_104] : memref<6400xi32, #tpu.memory_space<hbm>> -> memref<40xi32, #tpu.memory_space<hbm>>
      %dma_start3A_172 = tpu.memref_slice %arg3[%add3A_104] : memref<6400xi32, #tpu.memory_space<hbm>> -> memref<40xi32, #tpu.memory_space<hbm>>
      tpu.enqueue_dma source(%dma_start3A_172 : memref<40xi32, #tpu.memory_space<hbm>>) target(%arg18 : memref<40xi32, #tpu.memory_space<vmem>>) target_semaphore(%run_scoped3A : memref<!tpu.dma_semaphore, #tpu.memory_space<semaphore_mem>>)
      %dma_wait3A_173 = tpu.memref_slice %arg3[%add3A_104] : memref<6400xi32, #tpu.memory_space<hbm>> -> memref<40xi32, #tpu.memory_space<hbm>>
      %dma_wait3A_174 = tpu.memref_slice %arg3[%add3A_104] : memref<6400xi32, #tpu.memory_space<hbm>> -> memref<40xi32, #tpu.memory_space<hbm>>
      tpu.wait_dma2 semaphore(%run_scoped3A : memref<!tpu.dma_semaphore, #tpu.memory_space<semaphore_mem>>) src(%dma_wait3A_174 : memref<40xi32, #tpu.memory_space<hbm>>) dst(%arg18 : memref<40xi32, #tpu.memory_space<vmem>>)
      tpu.yield
    }) : () -> ()
    %mul3A_105 = arith.constant 12 : i32
    %mul3A_106 = arith.muli %add3A_104, %mul3A_105 : i32
    "tpu.region"() ({
      %run_scoped3A = tpu.sem_alloc : memref<!tpu.dma_semaphore, #tpu.memory_space<semaphore_mem>>
      %dma_start3A_171 = tpu.memref_slice %arg4[%mul3A_106] : memref<76800xi32, #tpu.memory_space<hbm>> -> memref<480xi32, #tpu.memory_space<hbm>>
      %dma_start3A_172 = tpu.memref_slice %arg4[%mul3A_106] : memref<76800xi32, #tpu.memory_space<hbm>> -> memref<480xi32, #tpu.memory_space<hbm>>
      tpu.enqueue_dma source(%dma_start3A_172 : memref<480xi32, #tpu.memory_space<hbm>>) target(%arg14 : memref<480xi32, #tpu.memory_space<vmem>>) target_semaphore(%run_scoped3A : memref<!tpu.dma_semaphore, #tpu.memory_space<semaphore_mem>>)
      %dma_wait3A_173 = tpu.memref_slice %arg4[%mul3A_106] : memref<76800xi32, #tpu.memory_space<hbm>> -> memref<480xi32, #tpu.memory_space<hbm>>
      %dma_wait3A_174 = tpu.memref_slice %arg4[%mul3A_106] : memref<76800xi32, #tpu.memory_space<hbm>> -> memref<480xi32, #tpu.memory_space<hbm>>
      tpu.wait_dma2 semaphore(%run_scoped3A : memref<!tpu.dma_semaphore, #tpu.memory_space<semaphore_mem>>) src(%dma_wait3A_174 : memref<480xi32, #tpu.memory_space<hbm>>) dst(%arg14 : memref<480xi32, #tpu.memory_space<vmem>>)
      tpu.yield
    }) : () -> ()
    %dma_start3A_107 = arith.constant 0 : i32
    %dma_start3A_108 = tpu.memref_slice %arg5[%dma_start3A_107] : memref<600000xi32, #tpu.memory_space<hbm>> -> memref<600000xi32, #tpu.memory_space<hbm>>
    tpu.enqueue_indirect_dma source(%dma_start3A_108 : memref<600000xi32, #tpu.memory_space<hbm>>) target(%arg16 : memref<480xi32, #tpu.memory_space<vmem>>) offsets(%arg14 : memref<480xi32, #tpu.memory_space<vmem>>) semaphore(%arg21 : memref<!tpu.dma_semaphore, #tpu.memory_space<semaphore_mem>>)
    %dma_start3A_109 = arith.constant 0 : i32
    %dma_start3A_110 = arith.constant 0 : i32
    %dma_start3A_111 = tpu.memref_slice %arg7[%dma_start3A_109, %dma_start3A_110] : memref<50000x64xf32, #tpu.memory_space<hbm>> -> memref<50000x64xf32, #tpu.memory_space<hbm>>
    tpu.enqueue_indirect_dma source(%dma_start3A_111 : memref<50000x64xf32, #tpu.memory_space<hbm>>) target(%arg13 : memref<40x64xf32, #tpu.memory_space<vmem>>) offsets(%arg12 : memref<40xi32, #tpu.memory_space<vmem>>) semaphore(%arg20 : memref<!tpu.dma_semaphore, #tpu.memory_space<semaphore_mem>>)
    %dma_start3A_112 = arith.constant 0 : i32
    %dma_start3A_113 = tpu.memref_slice %arg6[%dma_start3A_112] : memref<600000xf32, #tpu.memory_space<hbm>> -> memref<600000xf32, #tpu.memory_space<hbm>>
    tpu.enqueue_indirect_dma source(%dma_start3A_113 : memref<600000xf32, #tpu.memory_space<hbm>>) target(%arg15 : memref<480xf32, #tpu.memory_space<vmem>>) offsets(%arg14 : memref<480xi32, #tpu.memory_space<vmem>>) semaphore(%arg22 : memref<!tpu.dma_semaphore, #tpu.memory_space<semaphore_mem>>)
    %dma_start3A_114 = arith.constant 0 : i32
    %dma_start3A_115 = arith.constant 0 : i32
    %dma_start3A_116 = tpu.memref_slice %arg7[%dma_start3A_114, %dma_start3A_115] : memref<50000x64xf32, #tpu.memory_space<hbm>> -> memref<50000x64xf32, #tpu.memory_space<hbm>>
    tpu.enqueue_indirect_dma source(%dma_start3A_116 : memref<50000x64xf32, #tpu.memory_space<hbm>>) target(%arg19 : memref<40x64xf32, #tpu.memory_space<vmem>>) offsets(%arg18 : memref<40xi32, #tpu.memory_space<vmem>>) semaphore(%arg23 : memref<!tpu.dma_semaphore, #tpu.memory_space<semaphore_mem>>)
    %dma_wait3A_117 = arith.constant 0 : i32
    %dma_wait3A_118 = tpu.memref_slice %arg5[%dma_wait3A_117] : memref<600000xi32, #tpu.memory_space<hbm>> -> memref<600000xi32, #tpu.memory_space<hbm>>
    tpu.wait_indirect_dma semaphore(%arg21 : memref<!tpu.dma_semaphore, #tpu.memory_space<semaphore_mem>>) src(%dma_wait3A_118 : memref<600000xi32, #tpu.memory_space<hbm>>) dst(%arg16 : memref<480xi32, #tpu.memory_space<vmem>>)
    %dma_start3A_119 = arith.constant 0 : i32
    %dma_start3A_120 = arith.constant 0 : i32
    %dma_start3A_121 = tpu.memref_slice %arg7[%dma_start3A_119, %dma_start3A_120] : memref<50000x64xf32, #tpu.memory_space<hbm>> -> memref<50000x64xf32, #tpu.memory_space<hbm>>
    tpu.enqueue_indirect_dma source(%dma_start3A_121 : memref<50000x64xf32, #tpu.memory_space<hbm>>) target(%arg17 : memref<480x64xf32, #tpu.memory_space<vmem>>) offsets(%arg16 : memref<480xi32, #tpu.memory_space<vmem>>) semaphore(%arg21 : memref<!tpu.dma_semaphore, #tpu.memory_space<semaphore_mem>>)
    %dma_wait3A_122 = arith.constant 0 : i32
    %dma_wait3A_123 = arith.constant 0 : i32
    %dma_wait3A_124 = tpu.memref_slice %arg7[%dma_wait3A_122, %dma_wait3A_123] : memref<50000x64xf32, #tpu.memory_space<hbm>> -> memref<50000x64xf32, #tpu.memory_space<hbm>>
    tpu.wait_indirect_dma semaphore(%arg20 : memref<!tpu.dma_semaphore, #tpu.memory_space<semaphore_mem>>) src(%dma_wait3A_124 : memref<50000x64xf32, #tpu.memory_space<hbm>>) dst(%arg13 : memref<40x64xf32, #tpu.memory_space<vmem>>)
    "tpu.region"() ({
      %run_scoped3A = tpu.sem_alloc : memref<!tpu.dma_semaphore, #tpu.memory_space<semaphore_mem>>
      %dma_start3A_171 = arith.constant 0 : i32
      %dma_start3A_172 = tpu.memref_slice %arg8[%add3A_104, %dma_start3A_171] : memref<6400x64xf32, #tpu.memory_space<hbm>> -> memref<40x64xf32, #tpu.memory_space<hbm>>
      %dma_start3A_173 = arith.constant 0 : i32
      %dma_start3A_174 = tpu.memref_slice %arg8[%add3A_104, %dma_start3A_173] : memref<6400x64xf32, #tpu.memory_space<hbm>> -> memref<40x64xf32, #tpu.memory_space<hbm>>
      tpu.enqueue_dma source(%arg13 : memref<40x64xf32, #tpu.memory_space<vmem>>) target(%dma_start3A_174 : memref<40x64xf32, #tpu.memory_space<hbm>>) target_semaphore(%run_scoped3A : memref<!tpu.dma_semaphore, #tpu.memory_space<semaphore_mem>>)
      %dma_wait3A_175 = arith.constant 0 : i32
      %dma_wait3A_176 = tpu.memref_slice %arg8[%add3A_104, %dma_wait3A_175] : memref<6400x64xf32, #tpu.memory_space<hbm>> -> memref<40x64xf32, #tpu.memory_space<hbm>>
      %dma_wait3A_177 = arith.constant 0 : i32
      %dma_wait3A_178 = tpu.memref_slice %arg8[%add3A_104, %dma_wait3A_177] : memref<6400x64xf32, #tpu.memory_space<hbm>> -> memref<40x64xf32, #tpu.memory_space<hbm>>
      tpu.wait_dma2 semaphore(%run_scoped3A : memref<!tpu.dma_semaphore, #tpu.memory_space<semaphore_mem>>) src(%arg13 : memref<40x64xf32, #tpu.memory_space<vmem>>) dst(%dma_wait3A_178 : memref<40x64xf32, #tpu.memory_space<hbm>>)
      tpu.yield
    }) : () -> ()
    %dma_wait3A_125 = arith.constant 0 : i32
    %dma_wait3A_126 = tpu.memref_slice %arg6[%dma_wait3A_125] : memref<600000xf32, #tpu.memory_space<hbm>> -> memref<600000xf32, #tpu.memory_space<hbm>>
    tpu.wait_indirect_dma semaphore(%arg22 : memref<!tpu.dma_semaphore, #tpu.memory_space<semaphore_mem>>) src(%dma_wait3A_126 : memref<600000xf32, #tpu.memory_space<hbm>>) dst(%arg15 : memref<480xf32, #tpu.memory_space<vmem>>)
    %mul3A_127 = arith.constant 12 : i32
    %mul3A_128 = arith.muli %add3A_104, %mul3A_127 : i32
    "tpu.region"() ({
      %run_scoped3A = tpu.sem_alloc : memref<!tpu.dma_semaphore, #tpu.memory_space<semaphore_mem>>
      %dma_start3A_171 = tpu.memref_slice %arg9[%mul3A_128] : memref<76800xf32, #tpu.memory_space<hbm>> -> memref<480xf32, #tpu.memory_space<hbm>>
      %dma_start3A_172 = tpu.memref_slice %arg9[%mul3A_128] : memref<76800xf32, #tpu.memory_space<hbm>> -> memref<480xf32, #tpu.memory_space<hbm>>
      tpu.enqueue_dma source(%arg15 : memref<480xf32, #tpu.memory_space<vmem>>) target(%dma_start3A_172 : memref<480xf32, #tpu.memory_space<hbm>>) target_semaphore(%run_scoped3A : memref<!tpu.dma_semaphore, #tpu.memory_space<semaphore_mem>>)
      %dma_wait3A_173 = tpu.memref_slice %arg9[%mul3A_128] : memref<76800xf32, #tpu.memory_space<hbm>> -> memref<480xf32, #tpu.memory_space<hbm>>
      %dma_wait3A_174 = tpu.memref_slice %arg9[%mul3A_128] : memref<76800xf32, #tpu.memory_space<hbm>> -> memref<480xf32, #tpu.memory_space<hbm>>
      tpu.wait_dma2 semaphore(%run_scoped3A : memref<!tpu.dma_semaphore, #tpu.memory_space<semaphore_mem>>) src(%arg15 : memref<480xf32, #tpu.memory_space<vmem>>) dst(%dma_wait3A_174 : memref<480xf32, #tpu.memory_space<hbm>>)
      tpu.yield
    }) : () -> ()
    %dma_wait3A_129 = arith.constant 0 : i32
    %dma_wait3A_130 = arith.constant 0 : i32
    %dma_wait3A_131 = tpu.memref_slice %arg7[%dma_wait3A_129, %dma_wait3A_130] : memref<50000x64xf32, #tpu.memory_space<hbm>> -> memref<50000x64xf32, #tpu.memory_space<hbm>>
    tpu.wait_indirect_dma semaphore(%arg23 : memref<!tpu.dma_semaphore, #tpu.memory_space<semaphore_mem>>) src(%dma_wait3A_131 : memref<50000x64xf32, #tpu.memory_space<hbm>>) dst(%arg19 : memref<40x64xf32, #tpu.memory_space<vmem>>)
    "tpu.region"() ({
      %run_scoped3A = tpu.sem_alloc : memref<!tpu.dma_semaphore, #tpu.memory_space<semaphore_mem>>
      %dma_start3A_171 = arith.constant 0 : i32
      %dma_start3A_172 = tpu.memref_slice %arg10[%add3A_104, %dma_start3A_171] : memref<6400x64xf32, #tpu.memory_space<hbm>> -> memref<40x64xf32, #tpu.memory_space<hbm>>
      %dma_start3A_173 = arith.constant 0 : i32
      %dma_start3A_174 = tpu.memref_slice %arg10[%add3A_104, %dma_start3A_173] : memref<6400x64xf32, #tpu.memory_space<hbm>> -> memref<40x64xf32, #tpu.memory_space<hbm>>
      tpu.enqueue_dma source(%arg19 : memref<40x64xf32, #tpu.memory_space<vmem>>) target(%dma_start3A_174 : memref<40x64xf32, #tpu.memory_space<hbm>>) target_semaphore(%run_scoped3A : memref<!tpu.dma_semaphore, #tpu.memory_space<semaphore_mem>>)
      %dma_wait3A_175 = arith.constant 0 : i32
      %dma_wait3A_176 = tpu.memref_slice %arg10[%add3A_104, %dma_wait3A_175] : memref<6400x64xf32, #tpu.memory_space<hbm>> -> memref<40x64xf32, #tpu.memory_space<hbm>>
      %dma_wait3A_177 = arith.constant 0 : i32
      %dma_wait3A_178 = tpu.memref_slice %arg10[%add3A_104, %dma_wait3A_177] : memref<6400x64xf32, #tpu.memory_space<hbm>> -> memref<40x64xf32, #tpu.memory_space<hbm>>
      tpu.wait_dma2 semaphore(%run_scoped3A : memref<!tpu.dma_semaphore, #tpu.memory_space<semaphore_mem>>) src(%arg19 : memref<40x64xf32, #tpu.memory_space<vmem>>) dst(%dma_wait3A_178 : memref<40x64xf32, #tpu.memory_space<hbm>>)
      tpu.yield
    }) : () -> ()
    %dma_wait3A_132 = arith.constant 0 : i32
    %dma_wait3A_133 = arith.constant 0 : i32
    %dma_wait3A_134 = tpu.memref_slice %arg7[%dma_wait3A_132, %dma_wait3A_133] : memref<50000x64xf32, #tpu.memory_space<hbm>> -> memref<50000x64xf32, #tpu.memory_space<hbm>>
    tpu.wait_indirect_dma semaphore(%arg21 : memref<!tpu.dma_semaphore, #tpu.memory_space<semaphore_mem>>) src(%dma_wait3A_134 : memref<50000x64xf32, #tpu.memory_space<hbm>>) dst(%arg17 : memref<480x64xf32, #tpu.memory_space<vmem>>)
    %mul3A_135 = arith.constant 12 : i32
    %mul3A_136 = arith.muli %add3A_104, %mul3A_135 : i32
    "tpu.region"() ({
      %run_scoped3A = tpu.sem_alloc : memref<!tpu.dma_semaphore, #tpu.memory_space<semaphore_mem>>
      %dma_start3A_171 = arith.constant 0 : i32
      %dma_start3A_172 = tpu.memref_slice %arg11[%mul3A_136, %dma_start3A_171] : memref<76800x64xf32, #tpu.memory_space<hbm>> -> memref<480x64xf32, #tpu.memory_space<hbm>>
      %dma_start3A_173 = arith.constant 0 : i32
      %dma_start3A_174 = tpu.memref_slice %arg11[%mul3A_136, %dma_start3A_173] : memref<76800x64xf32, #tpu.memory_space<hbm>> -> memref<480x64xf32, #tpu.memory_space<hbm>>
      tpu.enqueue_dma source(%arg17 : memref<480x64xf32, #tpu.memory_space<vmem>>) target(%dma_start3A_174 : memref<480x64xf32, #tpu.memory_space<hbm>>) target_semaphore(%run_scoped3A : memref<!tpu.dma_semaphore, #tpu.memory_space<semaphore_mem>>)
      %dma_wait3A_175 = arith.constant 0 : i32
      %dma_wait3A_176 = tpu.memref_slice %arg11[%mul3A_136, %dma_wait3A_175] : memref<76800x64xf32, #tpu.memory_space<hbm>> -> memref<480x64xf32, #tpu.memory_space<hbm>>
      %dma_wait3A_177 = arith.constant 0 : i32
      %dma_wait3A_178 = tpu.memref_slice %arg11[%mul3A_136, %dma_wait3A_177] : memref<76800x64xf32, #tpu.memory_space<hbm>> -> memref<480x64xf32, #tpu.memory_space<hbm>>
      tpu.wait_dma2 semaphore(%run_scoped3A : memref<!tpu.dma_semaphore, #tpu.memory_space<semaphore_mem>>) src(%arg17 : memref<480x64xf32, #tpu.memory_space<vmem>>) dst(%dma_wait3A_178 : memref<480x64xf32, #tpu.memory_space<hbm>>)
      tpu.yield
    }) : () -> ()
    %add3A_137 = arith.constant 160 : i32
    %add3A_138 = arith.addi %mul3A_2, %add3A_137 : i32
    "tpu.region"() ({
      %run_scoped3A = tpu.sem_alloc : memref<!tpu.dma_semaphore, #tpu.memory_space<semaphore_mem>>
      %dma_start3A_171 = tpu.memref_slice %arg2[%add3A_138] : memref<6400xi32, #tpu.memory_space<hbm>> -> memref<40xi32, #tpu.memory_space<hbm>>
      %dma_start3A_172 = tpu.memref_slice %arg2[%add3A_138] : memref<6400xi32, #tpu.memory_space<hbm>> -> memref<40xi32, #tpu.memory_space<hbm>>
      tpu.enqueue_dma source(%dma_start3A_172 : memref<40xi32, #tpu.memory_space<hbm>>) target(%arg12 : memref<40xi32, #tpu.memory_space<vmem>>) target_semaphore(%run_scoped3A : memref<!tpu.dma_semaphore, #tpu.memory_space<semaphore_mem>>)
      %dma_wait3A_173 = tpu.memref_slice %arg2[%add3A_138] : memref<6400xi32, #tpu.memory_space<hbm>> -> memref<40xi32, #tpu.memory_space<hbm>>
      %dma_wait3A_174 = tpu.memref_slice %arg2[%add3A_138] : memref<6400xi32, #tpu.memory_space<hbm>> -> memref<40xi32, #tpu.memory_space<hbm>>
      tpu.wait_dma2 semaphore(%run_scoped3A : memref<!tpu.dma_semaphore, #tpu.memory_space<semaphore_mem>>) src(%dma_wait3A_174 : memref<40xi32, #tpu.memory_space<hbm>>) dst(%arg12 : memref<40xi32, #tpu.memory_space<vmem>>)
      tpu.yield
    }) : () -> ()
    "tpu.region"() ({
      %run_scoped3A = tpu.sem_alloc : memref<!tpu.dma_semaphore, #tpu.memory_space<semaphore_mem>>
      %dma_start3A_171 = tpu.memref_slice %arg3[%add3A_138] : memref<6400xi32, #tpu.memory_space<hbm>> -> memref<40xi32, #tpu.memory_space<hbm>>
      %dma_start3A_172 = tpu.memref_slice %arg3[%add3A_138] : memref<6400xi32, #tpu.memory_space<hbm>> -> memref<40xi32, #tpu.memory_space<hbm>>
      tpu.enqueue_dma source(%dma_start3A_172 : memref<40xi32, #tpu.memory_space<hbm>>) target(%arg18 : memref<40xi32, #tpu.memory_space<vmem>>) target_semaphore(%run_scoped3A : memref<!tpu.dma_semaphore, #tpu.memory_space<semaphore_mem>>)
      %dma_wait3A_173 = tpu.memref_slice %arg3[%add3A_138] : memref<6400xi32, #tpu.memory_space<hbm>> -> memref<40xi32, #tpu.memory_space<hbm>>
      %dma_wait3A_174 = tpu.memref_slice %arg3[%add3A_138] : memref<6400xi32, #tpu.memory_space<hbm>> -> memref<40xi32, #tpu.memory_space<hbm>>
      tpu.wait_dma2 semaphore(%run_scoped3A : memref<!tpu.dma_semaphore, #tpu.memory_space<semaphore_mem>>) src(%dma_wait3A_174 : memref<40xi32, #tpu.memory_space<hbm>>) dst(%arg18 : memref<40xi32, #tpu.memory_space<vmem>>)
      tpu.yield
    }) : () -> ()
    %mul3A_139 = arith.constant 12 : i32
    %mul3A_140 = arith.muli %add3A_138, %mul3A_139 : i32
    "tpu.region"() ({
      %run_scoped3A = tpu.sem_alloc : memref<!tpu.dma_semaphore, #tpu.memory_space<semaphore_mem>>
      %dma_start3A_171 = tpu.memref_slice %arg4[%mul3A_140] : memref<76800xi32, #tpu.memory_space<hbm>> -> memref<480xi32, #tpu.memory_space<hbm>>
      %dma_start3A_172 = tpu.memref_slice %arg4[%mul3A_140] : memref<76800xi32, #tpu.memory_space<hbm>> -> memref<480xi32, #tpu.memory_space<hbm>>
      tpu.enqueue_dma source(%dma_start3A_172 : memref<480xi32, #tpu.memory_space<hbm>>) target(%arg14 : memref<480xi32, #tpu.memory_space<vmem>>) target_semaphore(%run_scoped3A : memref<!tpu.dma_semaphore, #tpu.memory_space<semaphore_mem>>)
      %dma_wait3A_173 = tpu.memref_slice %arg4[%mul3A_140] : memref<76800xi32, #tpu.memory_space<hbm>> -> memref<480xi32, #tpu.memory_space<hbm>>
      %dma_wait3A_174 = tpu.memref_slice %arg4[%mul3A_140] : memref<76800xi32, #tpu.memory_space<hbm>> -> memref<480xi32, #tpu.memory_space<hbm>>
      tpu.wait_dma2 semaphore(%run_scoped3A : memref<!tpu.dma_semaphore, #tpu.memory_space<semaphore_mem>>) src(%dma_wait3A_174 : memref<480xi32, #tpu.memory_space<hbm>>) dst(%arg14 : memref<480xi32, #tpu.memory_space<vmem>>)
      tpu.yield
    }) : () -> ()
    %dma_start3A_141 = arith.constant 0 : i32
    %dma_start3A_142 = tpu.memref_slice %arg5[%dma_start3A_141] : memref<600000xi32, #tpu.memory_space<hbm>> -> memref<600000xi32, #tpu.memory_space<hbm>>
    tpu.enqueue_indirect_dma source(%dma_start3A_142 : memref<600000xi32, #tpu.memory_space<hbm>>) target(%arg16 : memref<480xi32, #tpu.memory_space<vmem>>) offsets(%arg14 : memref<480xi32, #tpu.memory_space<vmem>>) semaphore(%arg21 : memref<!tpu.dma_semaphore, #tpu.memory_space<semaphore_mem>>)
    %dma_start3A_143 = arith.constant 0 : i32
    %dma_start3A_144 = arith.constant 0 : i32
    %dma_start3A_145 = tpu.memref_slice %arg7[%dma_start3A_143, %dma_start3A_144] : memref<50000x64xf32, #tpu.memory_space<hbm>> -> memref<50000x64xf32, #tpu.memory_space<hbm>>
    tpu.enqueue_indirect_dma source(%dma_start3A_145 : memref<50000x64xf32, #tpu.memory_space<hbm>>) target(%arg13 : memref<40x64xf32, #tpu.memory_space<vmem>>) offsets(%arg12 : memref<40xi32, #tpu.memory_space<vmem>>) semaphore(%arg20 : memref<!tpu.dma_semaphore, #tpu.memory_space<semaphore_mem>>)
    %dma_start3A_146 = arith.constant 0 : i32
    %dma_start3A_147 = tpu.memref_slice %arg6[%dma_start3A_146] : memref<600000xf32, #tpu.memory_space<hbm>> -> memref<600000xf32, #tpu.memory_space<hbm>>
    tpu.enqueue_indirect_dma source(%dma_start3A_147 : memref<600000xf32, #tpu.memory_space<hbm>>) target(%arg15 : memref<480xf32, #tpu.memory_space<vmem>>) offsets(%arg14 : memref<480xi32, #tpu.memory_space<vmem>>) semaphore(%arg22 : memref<!tpu.dma_semaphore, #tpu.memory_space<semaphore_mem>>)
    %dma_start3A_148 = arith.constant 0 : i32
    %dma_start3A_149 = arith.constant 0 : i32
    %dma_start3A_150 = tpu.memref_slice %arg7[%dma_start3A_148, %dma_start3A_149] : memref<50000x64xf32, #tpu.memory_space<hbm>> -> memref<50000x64xf32, #tpu.memory_space<hbm>>
    tpu.enqueue_indirect_dma source(%dma_start3A_150 : memref<50000x64xf32, #tpu.memory_space<hbm>>) target(%arg19 : memref<40x64xf32, #tpu.memory_space<vmem>>) offsets(%arg18 : memref<40xi32, #tpu.memory_space<vmem>>) semaphore(%arg23 : memref<!tpu.dma_semaphore, #tpu.memory_space<semaphore_mem>>)
    %dma_wait3A_151 = arith.constant 0 : i32
    %dma_wait3A_152 = tpu.memref_slice %arg5[%dma_wait3A_151] : memref<600000xi32, #tpu.memory_space<hbm>> -> memref<600000xi32, #tpu.memory_space<hbm>>
    tpu.wait_indirect_dma semaphore(%arg21 : memref<!tpu.dma_semaphore, #tpu.memory_space<semaphore_mem>>) src(%dma_wait3A_152 : memref<600000xi32, #tpu.memory_space<hbm>>) dst(%arg16 : memref<480xi32, #tpu.memory_space<vmem>>)
    %dma_start3A_153 = arith.constant 0 : i32
    %dma_start3A_154 = arith.constant 0 : i32
    %dma_start3A_155 = tpu.memref_slice %arg7[%dma_start3A_153, %dma_start3A_154] : memref<50000x64xf32, #tpu.memory_space<hbm>> -> memref<50000x64xf32, #tpu.memory_space<hbm>>
    tpu.enqueue_indirect_dma source(%dma_start3A_155 : memref<50000x64xf32, #tpu.memory_space<hbm>>) target(%arg17 : memref<480x64xf32, #tpu.memory_space<vmem>>) offsets(%arg16 : memref<480xi32, #tpu.memory_space<vmem>>) semaphore(%arg21 : memref<!tpu.dma_semaphore, #tpu.memory_space<semaphore_mem>>)
    %dma_wait3A_156 = arith.constant 0 : i32
    %dma_wait3A_157 = arith.constant 0 : i32
    %dma_wait3A_158 = tpu.memref_slice %arg7[%dma_wait3A_156, %dma_wait3A_157] : memref<50000x64xf32, #tpu.memory_space<hbm>> -> memref<50000x64xf32, #tpu.memory_space<hbm>>
    tpu.wait_indirect_dma semaphore(%arg20 : memref<!tpu.dma_semaphore, #tpu.memory_space<semaphore_mem>>) src(%dma_wait3A_158 : memref<50000x64xf32, #tpu.memory_space<hbm>>) dst(%arg13 : memref<40x64xf32, #tpu.memory_space<vmem>>)
    "tpu.region"() ({
      %run_scoped3A = tpu.sem_alloc : memref<!tpu.dma_semaphore, #tpu.memory_space<semaphore_mem>>
      %dma_start3A_171 = arith.constant 0 : i32
      %dma_start3A_172 = tpu.memref_slice %arg8[%add3A_138, %dma_start3A_171] : memref<6400x64xf32, #tpu.memory_space<hbm>> -> memref<40x64xf32, #tpu.memory_space<hbm>>
      %dma_start3A_173 = arith.constant 0 : i32
      %dma_start3A_174 = tpu.memref_slice %arg8[%add3A_138, %dma_start3A_173] : memref<6400x64xf32, #tpu.memory_space<hbm>> -> memref<40x64xf32, #tpu.memory_space<hbm>>
      tpu.enqueue_dma source(%arg13 : memref<40x64xf32, #tpu.memory_space<vmem>>) target(%dma_start3A_174 : memref<40x64xf32, #tpu.memory_space<hbm>>) target_semaphore(%run_scoped3A : memref<!tpu.dma_semaphore, #tpu.memory_space<semaphore_mem>>)
      %dma_wait3A_175 = arith.constant 0 : i32
      %dma_wait3A_176 = tpu.memref_slice %arg8[%add3A_138, %dma_wait3A_175] : memref<6400x64xf32, #tpu.memory_space<hbm>> -> memref<40x64xf32, #tpu.memory_space<hbm>>
      %dma_wait3A_177 = arith.constant 0 : i32
      %dma_wait3A_178 = tpu.memref_slice %arg8[%add3A_138, %dma_wait3A_177] : memref<6400x64xf32, #tpu.memory_space<hbm>> -> memref<40x64xf32, #tpu.memory_space<hbm>>
      tpu.wait_dma2 semaphore(%run_scoped3A : memref<!tpu.dma_semaphore, #tpu.memory_space<semaphore_mem>>) src(%arg13 : memref<40x64xf32, #tpu.memory_space<vmem>>) dst(%dma_wait3A_178 : memref<40x64xf32, #tpu.memory_space<hbm>>)
      tpu.yield
    }) : () -> ()
    %dma_wait3A_159 = arith.constant 0 : i32
    %dma_wait3A_160 = tpu.memref_slice %arg6[%dma_wait3A_159] : memref<600000xf32, #tpu.memory_space<hbm>> -> memref<600000xf32, #tpu.memory_space<hbm>>
    tpu.wait_indirect_dma semaphore(%arg22 : memref<!tpu.dma_semaphore, #tpu.memory_space<semaphore_mem>>) src(%dma_wait3A_160 : memref<600000xf32, #tpu.memory_space<hbm>>) dst(%arg15 : memref<480xf32, #tpu.memory_space<vmem>>)
    %mul3A_161 = arith.constant 12 : i32
    %mul3A_162 = arith.muli %add3A_138, %mul3A_161 : i32
    "tpu.region"() ({
      %run_scoped3A = tpu.sem_alloc : memref<!tpu.dma_semaphore, #tpu.memory_space<semaphore_mem>>
      %dma_start3A_171 = tpu.memref_slice %arg9[%mul3A_162] : memref<76800xf32, #tpu.memory_space<hbm>> -> memref<480xf32, #tpu.memory_space<hbm>>
      %dma_start3A_172 = tpu.memref_slice %arg9[%mul3A_162] : memref<76800xf32, #tpu.memory_space<hbm>> -> memref<480xf32, #tpu.memory_space<hbm>>
      tpu.enqueue_dma source(%arg15 : memref<480xf32, #tpu.memory_space<vmem>>) target(%dma_start3A_172 : memref<480xf32, #tpu.memory_space<hbm>>) target_semaphore(%run_scoped3A : memref<!tpu.dma_semaphore, #tpu.memory_space<semaphore_mem>>)
      %dma_wait3A_173 = tpu.memref_slice %arg9[%mul3A_162] : memref<76800xf32, #tpu.memory_space<hbm>> -> memref<480xf32, #tpu.memory_space<hbm>>
      %dma_wait3A_174 = tpu.memref_slice %arg9[%mul3A_162] : memref<76800xf32, #tpu.memory_space<hbm>> -> memref<480xf32, #tpu.memory_space<hbm>>
      tpu.wait_dma2 semaphore(%run_scoped3A : memref<!tpu.dma_semaphore, #tpu.memory_space<semaphore_mem>>) src(%arg15 : memref<480xf32, #tpu.memory_space<vmem>>) dst(%dma_wait3A_174 : memref<480xf32, #tpu.memory_space<hbm>>)
      tpu.yield
    }) : () -> ()
    %dma_wait3A_163 = arith.constant 0 : i32
    %dma_wait3A_164 = arith.constant 0 : i32
    %dma_wait3A_165 = tpu.memref_slice %arg7[%dma_wait3A_163, %dma_wait3A_164] : memref<50000x64xf32, #tpu.memory_space<hbm>> -> memref<50000x64xf32, #tpu.memory_space<hbm>>
    tpu.wait_indirect_dma semaphore(%arg23 : memref<!tpu.dma_semaphore, #tpu.memory_space<semaphore_mem>>) src(%dma_wait3A_165 : memref<50000x64xf32, #tpu.memory_space<hbm>>) dst(%arg19 : memref<40x64xf32, #tpu.memory_space<vmem>>)
    "tpu.region"() ({
      %run_scoped3A = tpu.sem_alloc : memref<!tpu.dma_semaphore, #tpu.memory_space<semaphore_mem>>
      %dma_start3A_171 = arith.constant 0 : i32
      %dma_start3A_172 = tpu.memref_slice %arg10[%add3A_138, %dma_start3A_171] : memref<6400x64xf32, #tpu.memory_space<hbm>> -> memref<40x64xf32, #tpu.memory_space<hbm>>
      %dma_start3A_173 = arith.constant 0 : i32
      %dma_start3A_174 = tpu.memref_slice %arg10[%add3A_138, %dma_start3A_173] : memref<6400x64xf32, #tpu.memory_space<hbm>> -> memref<40x64xf32, #tpu.memory_space<hbm>>
      tpu.enqueue_dma source(%arg19 : memref<40x64xf32, #tpu.memory_space<vmem>>) target(%dma_start3A_174 : memref<40x64xf32, #tpu.memory_space<hbm>>) target_semaphore(%run_scoped3A : memref<!tpu.dma_semaphore, #tpu.memory_space<semaphore_mem>>)
      %dma_wait3A_175 = arith.constant 0 : i32
      %dma_wait3A_176 = tpu.memref_slice %arg10[%add3A_138, %dma_wait3A_175] : memref<6400x64xf32, #tpu.memory_space<hbm>> -> memref<40x64xf32, #tpu.memory_space<hbm>>
      %dma_wait3A_177 = arith.constant 0 : i32
      %dma_wait3A_178 = tpu.memref_slice %arg10[%add3A_138, %dma_wait3A_177] : memref<6400x64xf32, #tpu.memory_space<hbm>> -> memref<40x64xf32, #tpu.memory_space<hbm>>
      tpu.wait_dma2 semaphore(%run_scoped3A : memref<!tpu.dma_semaphore, #tpu.memory_space<semaphore_mem>>) src(%arg19 : memref<40x64xf32, #tpu.memory_space<vmem>>) dst(%dma_wait3A_178 : memref<40x64xf32, #tpu.memory_space<hbm>>)
      tpu.yield
    }) : () -> ()
    %dma_wait3A_166 = arith.constant 0 : i32
    %dma_wait3A_167 = arith.constant 0 : i32
    %dma_wait3A_168 = tpu.memref_slice %arg7[%dma_wait3A_166, %dma_wait3A_167] : memref<50000x64xf32, #tpu.memory_space<hbm>> -> memref<50000x64xf32, #tpu.memory_space<hbm>>
    tpu.wait_indirect_dma semaphore(%arg21 : memref<!tpu.dma_semaphore, #tpu.memory_space<semaphore_mem>>) src(%dma_wait3A_168 : memref<50000x64xf32, #tpu.memory_space<hbm>>) dst(%arg17 : memref<480x64xf32, #tpu.memory_space<vmem>>)
    %mul3A_169 = arith.constant 12 : i32
    %mul3A_170 = arith.muli %add3A_138, %mul3A_169 : i32
    "tpu.region"() ({
      %run_scoped3A = tpu.sem_alloc : memref<!tpu.dma_semaphore, #tpu.memory_space<semaphore_mem>>
      %dma_start3A_171 = arith.constant 0 : i32
      %dma_start3A_172 = tpu.memref_slice %arg11[%mul3A_170, %dma_start3A_171] : memref<76800x64xf32, #tpu.memory_space<hbm>> -> memref<480x64xf32, #tpu.memory_space<hbm>>
      %dma_start3A_173 = arith.constant 0 : i32
      %dma_start3A_174 = tpu.memref_slice %arg11[%mul3A_170, %dma_start3A_173] : memref<76800x64xf32, #tpu.memory_space<hbm>> -> memref<480x64xf32, #tpu.memory_space<hbm>>
      tpu.enqueue_dma source(%arg17 : memref<480x64xf32, #tpu.memory_space<vmem>>) target(%dma_start3A_174 : memref<480x64xf32, #tpu.memory_space<hbm>>) target_semaphore(%run_scoped3A : memref<!tpu.dma_semaphore, #tpu.memory_space<semaphore_mem>>)
      %dma_wait3A_175 = arith.constant 0 : i32
      %dma_wait3A_176 = tpu.memref_slice %arg11[%mul3A_170, %dma_wait3A_175] : memref<76800x64xf32, #tpu.memory_space<hbm>> -> memref<480x64xf32, #tpu.memory_space<hbm>>
      %dma_wait3A_177 = arith.constant 0 : i32
      %dma_wait3A_178 = tpu.memref_slice %arg11[%mul3A_170, %dma_wait3A_177] : memref<76800x64xf32, #tpu.memory_space<hbm>> -> memref<480x64xf32, #tpu.memory_space<hbm>>
      tpu.wait_dma2 semaphore(%run_scoped3A : memref<!tpu.dma_semaphore, #tpu.memory_space<semaphore_mem>>) src(%arg17 : memref<480x64xf32, #tpu.memory_space<vmem>>) dst(%dma_wait3A_178 : memref<480x64xf32, #tpu.memory_space<hbm>>)
      tpu.yield
    }) : () -> ()
    return
  }
}

#map = affine_map<(d0, d1) -> (0)>
#map1 = affine_map<(d0, d1) -> (0, 0)>
module attributes {stable_mosaic.version = 14 : i64} {
  func.func @gather_kernel(%arg0: i32, %arg1: i32, %arg2: memref<6400xi32, #tpu.memory_space<hbm>>, %arg3: memref<6400xi32, #tpu.memory_space<hbm>>, %arg4: memref<76800xi32, #tpu.memory_space<hbm>>, %arg5: memref<600000xi32, #tpu.memory_space<hbm>>, %arg6: memref<600000xf32, #tpu.memory_space<hbm>>, %arg7: memref<50000x64xf32, #tpu.memory_space<hbm>>, %arg8: memref<6400x64xf32, #tpu.memory_space<hbm>>, %arg9: memref<76800xf32, #tpu.memory_space<hbm>>, %arg10: memref<6400x64xf32, #tpu.memory_space<hbm>>, %arg11: memref<76800x64xf32, #tpu.memory_space<hbm>>, %arg12: memref<40xi32, #tpu.memory_space<vmem>>, %arg13: memref<40x64xf32, #tpu.memory_space<vmem>>, %arg14: memref<480xi32, #tpu.memory_space<vmem>>, %arg15: memref<480xf32, #tpu.memory_space<vmem>>, %arg16: memref<480xi32, #tpu.memory_space<vmem>>, %arg17: memref<480x64xf32, #tpu.memory_space<vmem>>, %arg18: memref<40xi32, #tpu.memory_space<vmem>>, %arg19: memref<40x64xf32, #tpu.memory_space<vmem>>, %arg20: memref<!tpu.dma_semaphore, #tpu.memory_space<semaphore_mem>>, %arg21: memref<!tpu.dma_semaphore, #tpu.memory_space<semaphore_mem>>, %arg22: memref<!tpu.dma_semaphore, #tpu.memory_space<semaphore_mem>>, %arg23: memref<!tpu.dma_semaphore, #tpu.memory_space<semaphore_mem>>) attributes {dimension_semantics = [#tpu.dimension_semantics<core_parallel>, #tpu.dimension_semantics<subcore_parallel>], iteration_bounds = array<i64: 2, 16>, scalar_prefetch = 0 : i64, scratch_operands = 12 : i64, tpu.core_type = #tpu.core_type<sc_vector_subcore>, window_params = [{transform_indices = #map}, {transform_indices = #map}, {transform_indices = #map}, {transform_indices = #map}, {transform_indices = #map}, {transform_indices = #map1}, {transform_indices = #map1}, {transform_indices = #map}, {transform_indices = #map1}, {transform_indices = #map1}]} {
    %mul3A = arith.constant 2 : i32
    %mul3A_0 = arith.muli %arg1, %mul3A : i32
    %add3A = arith.addi %mul3A_0, %arg0 : i32
    %mul3A_1 = arith.constant 200 : i32
    %mul3A_2 = arith.muli %add3A, %mul3A_1 : i32
    %add3A_3 = arith.constant 0 : i32
    %add3A_4 = arith.addi %mul3A_2, %add3A_3 : i32
    "tpu.region"() ({
      %run_scoped3A = tpu.sem_alloc : memref<!tpu.dma_semaphore, #tpu.memory_space<semaphore_mem>>
      %dma_start3A_171 = tpu.memref_slice %arg2[%add3A_4] : memref<6400xi32, #tpu.memory_space<hbm>> -> memref<40xi32, #tpu.memory_space<hbm>>
      %dma_start3A_172 = tpu.memref_slice %arg2[%add3A_4] : memref<6400xi32, #tpu.memory_space<hbm>> -> memref<40xi32, #tpu.memory_space<hbm>>
      tpu.enqueue_dma source(%dma_start3A_172 : memref<40xi32, #tpu.memory_space<hbm>>) target(%arg12 : memref<40xi32, #tpu.memory_space<vmem>>) target_semaphore(%run_scoped3A : memref<!tpu.dma_semaphore, #tpu.memory_space<semaphore_mem>>)
      %dma_wait3A_173 = tpu.memref_slice %arg2[%add3A_4] : memref<6400xi32, #tpu.memory_space<hbm>> -> memref<40xi32, #tpu.memory_space<hbm>>
      %dma_wait3A_174 = tpu.memref_slice %arg2[%add3A_4] : memref<6400xi32, #tpu.memory_space<hbm>> -> memref<40xi32, #tpu.memory_space<hbm>>
      tpu.wait_dma2 semaphore(%run_scoped3A : memref<!tpu.dma_semaphore, #tpu.memory_space<semaphore_mem>>) src(%dma_wait3A_174 : memref<40xi32, #tpu.memory_space<hbm>>) dst(%arg12 : memref<40xi32, #tpu.memory_space<vmem>>)
      tpu.yield
    }) : () -> ()
    "tpu.region"() ({
      %run_scoped3A = tpu.sem_alloc : memref<!tpu.dma_semaphore, #tpu.memory_space<semaphore_mem>>
      %dma_start3A_171 = tpu.memref_slice %arg3[%add3A_4] : memref<6400xi32, #tpu.memory_space<hbm>> -> memref<40xi32, #tpu.memory_space<hbm>>
      %dma_start3A_172 = tpu.memref_slice %arg3[%add3A_4] : memref<6400xi32, #tpu.memory_space<hbm>> -> memref<40xi32, #tpu.memory_space<hbm>>
      tpu.enqueue_dma source(%dma_start3A_172 : memref<40xi32, #tpu.memory_space<hbm>>) target(%arg18 : memref<40xi32, #tpu.memory_space<vmem>>) target_semaphore(%run_scoped3A : memref<!tpu.dma_semaphore, #tpu.memory_space<semaphore_mem>>)
      %dma_wait3A_173 = tpu.memref_slice %arg3[%add3A_4] : memref<6400xi32, #tpu.memory_space<hbm>> -> memref<40xi32, #tpu.memory_space<hbm>>
      %dma_wait3A_174 = tpu.memref_slice %arg3[%add3A_4] : memref<6400xi32, #tpu.memory_space<hbm>> -> memref<40xi32, #tpu.memory_space<hbm>>
      tpu.wait_dma2 semaphore(%run_scoped3A : memref<!tpu.dma_semaphore, #tpu.memory_space<semaphore_mem>>) src(%dma_wait3A_174 : memref<40xi32, #tpu.memory_space<hbm>>) dst(%arg18 : memref<40xi32, #tpu.memory_space<vmem>>)
      tpu.yield
    }) : () -> ()
    %mul3A_5 = arith.constant 12 : i32
    %mul3A_6 = arith.muli %add3A_4, %mul3A_5 : i32
    "tpu.region"() ({
      %run_scoped3A = tpu.sem_alloc : memref<!tpu.dma_semaphore, #tpu.memory_space<semaphore_mem>>
      %dma_start3A_171 = tpu.memref_slice %arg4[%mul3A_6] : memref<76800xi32, #tpu.memory_space<hbm>> -> memref<480xi32, #tpu.memory_space<hbm>>
      %dma_start3A_172 = tpu.memref_slice %arg4[%mul3A_6] : memref<76800xi32, #tpu.memory_space<hbm>> -> memref<480xi32, #tpu.memory_space<hbm>>
      tpu.enqueue_dma source(%dma_start3A_172 : memref<480xi32, #tpu.memory_space<hbm>>) target(%arg14 : memref<480xi32, #tpu.memory_space<vmem>>) target_semaphore(%run_scoped3A : memref<!tpu.dma_semaphore, #tpu.memory_space<semaphore_mem>>)
      %dma_wait3A_173 = tpu.memref_slice %arg4[%mul3A_6] : memref<76800xi32, #tpu.memory_space<hbm>> -> memref<480xi32, #tpu.memory_space<hbm>>
      %dma_wait3A_174 = tpu.memref_slice %arg4[%mul3A_6] : memref<76800xi32, #tpu.memory_space<hbm>> -> memref<480xi32, #tpu.memory_space<hbm>>
      tpu.wait_dma2 semaphore(%run_scoped3A : memref<!tpu.dma_semaphore, #tpu.memory_space<semaphore_mem>>) src(%dma_wait3A_174 : memref<480xi32, #tpu.memory_space<hbm>>) dst(%arg14 : memref<480xi32, #tpu.memory_space<vmem>>)
      tpu.yield
    }) : () -> ()
    %dma_start3A = arith.constant 0 : i32
    %dma_start3A_7 = tpu.memref_slice %arg5[%dma_start3A] : memref<600000xi32, #tpu.memory_space<hbm>> -> memref<600000xi32, #tpu.memory_space<hbm>>
    tpu.enqueue_indirect_dma source(%dma_start3A_7 : memref<600000xi32, #tpu.memory_space<hbm>>) target(%arg16 : memref<480xi32, #tpu.memory_space<vmem>>) offsets(%arg14 : memref<480xi32, #tpu.memory_space<vmem>>) semaphore(%arg21 : memref<!tpu.dma_semaphore, #tpu.memory_space<semaphore_mem>>)
    %dma_start3A_8 = arith.constant 0 : i32
    %dma_start3A_9 = arith.constant 0 : i32
    %dma_start3A_10 = tpu.memref_slice %arg7[%dma_start3A_8, %dma_start3A_9] : memref<50000x64xf32, #tpu.memory_space<hbm>> -> memref<50000x64xf32, #tpu.memory_space<hbm>>
    tpu.enqueue_indirect_dma source(%dma_start3A_10 : memref<50000x64xf32, #tpu.memory_space<hbm>>) target(%arg13 : memref<40x64xf32, #tpu.memory_space<vmem>>) offsets(%arg12 : memref<40xi32, #tpu.memory_space<vmem>>) semaphore(%arg20 : memref<!tpu.dma_semaphore, #tpu.memory_space<semaphore_mem>>)
    %dma_start3A_11 = arith.constant 0 : i32
    %dma_start3A_12 = tpu.memref_slice %arg6[%dma_start3A_11] : memref<600000xf32, #tpu.memory_space<hbm>> -> memref<600000xf32, #tpu.memory_space<hbm>>
    tpu.enqueue_indirect_dma source(%dma_start3A_12 : memref<600000xf32, #tpu.memory_space<hbm>>) target(%arg15 : memref<480xf32, #tpu.memory_space<vmem>>) offsets(%arg14 : memref<480xi32, #tpu.memory_space<vmem>>) semaphore(%arg22 : memref<!tpu.dma_semaphore, #tpu.memory_space<semaphore_mem>>)
    %dma_start3A_13 = arith.constant 0 : i32
    %dma_start3A_14 = arith.constant 0 : i32
    %dma_start3A_15 = tpu.memref_slice %arg7[%dma_start3A_13, %dma_start3A_14] : memref<50000x64xf32, #tpu.memory_space<hbm>> -> memref<50000x64xf32, #tpu.memory_space<hbm>>
    tpu.enqueue_indirect_dma source(%dma_start3A_15 : memref<50000x64xf32, #tpu.memory_space<hbm>>) target(%arg19 : memref<40x64xf32, #tpu.memory_space<vmem>>) offsets(%arg18 : memref<40xi32, #tpu.memory_space<vmem>>) semaphore(%arg23 : memref<!tpu.dma_semaphore, #tpu.memory_space<semaphore_mem>>)
    %dma_wait3A = arith.constant 0 : i32
    %dma_wait3A_16 = tpu.memref_slice %arg5[%dma_wait3A] : memref<600000xi32, #tpu.memory_space<hbm>> -> memref<600000xi32, #tpu.memory_space<hbm>>
    tpu.wait_indirect_dma semaphore(%arg21 : memref<!tpu.dma_semaphore, #tpu.memory_space<semaphore_mem>>) src(%dma_wait3A_16 : memref<600000xi32, #tpu.memory_space<hbm>>) dst(%arg16 : memref<480xi32, #tpu.memory_space<vmem>>)
    %dma_start3A_17 = arith.constant 0 : i32
    %dma_start3A_18 = arith.constant 0 : i32
    %dma_start3A_19 = tpu.memref_slice %arg7[%dma_start3A_17, %dma_start3A_18] : memref<50000x64xf32, #tpu.memory_space<hbm>> -> memref<50000x64xf32, #tpu.memory_space<hbm>>
    tpu.enqueue_indirect_dma source(%dma_start3A_19 : memref<50000x64xf32, #tpu.memory_space<hbm>>) target(%arg17 : memref<480x64xf32, #tpu.memory_space<vmem>>) offsets(%arg16 : memref<480xi32, #tpu.memory_space<vmem>>) semaphore(%arg21 : memref<!tpu.dma_semaphore, #tpu.memory_space<semaphore_mem>>)
    %dma_wait3A_20 = arith.constant 0 : i32
    %dma_wait3A_21 = arith.constant 0 : i32
    %dma_wait3A_22 = tpu.memref_slice %arg7[%dma_wait3A_20, %dma_wait3A_21] : memref<50000x64xf32, #tpu.memory_space<hbm>> -> memref<50000x64xf32, #tpu.memory_space<hbm>>
    tpu.wait_indirect_dma semaphore(%arg20 : memref<!tpu.dma_semaphore, #tpu.memory_space<semaphore_mem>>) src(%dma_wait3A_22 : memref<50000x64xf32, #tpu.memory_space<hbm>>) dst(%arg13 : memref<40x64xf32, #tpu.memory_space<vmem>>)
    "tpu.region"() ({
      %run_scoped3A = tpu.sem_alloc : memref<!tpu.dma_semaphore, #tpu.memory_space<semaphore_mem>>
      %dma_start3A_171 = arith.constant 0 : i32
      %dma_start3A_172 = tpu.memref_slice %arg8[%add3A_4, %dma_start3A_171] : memref<6400x64xf32, #tpu.memory_space<hbm>> -> memref<40x64xf32, #tpu.memory_space<hbm>>
      %dma_start3A_173 = arith.constant 0 : i32
      %dma_start3A_174 = tpu.memref_slice %arg8[%add3A_4, %dma_start3A_173] : memref<6400x64xf32, #tpu.memory_space<hbm>> -> memref<40x64xf32, #tpu.memory_space<hbm>>
      tpu.enqueue_dma source(%arg13 : memref<40x64xf32, #tpu.memory_space<vmem>>) target(%dma_start3A_174 : memref<40x64xf32, #tpu.memory_space<hbm>>) target_semaphore(%run_scoped3A : memref<!tpu.dma_semaphore, #tpu.memory_space<semaphore_mem>>)
      %dma_wait3A_175 = arith.constant 0 : i32
      %dma_wait3A_176 = tpu.memref_slice %arg8[%add3A_4, %dma_wait3A_175] : memref<6400x64xf32, #tpu.memory_space<hbm>> -> memref<40x64xf32, #tpu.memory_space<hbm>>
      %dma_wait3A_177 = arith.constant 0 : i32
      %dma_wait3A_178 = tpu.memref_slice %arg8[%add3A_4, %dma_wait3A_177] : memref<6400x64xf32, #tpu.memory_space<hbm>> -> memref<40x64xf32, #tpu.memory_space<hbm>>
      tpu.wait_dma2 semaphore(%run_scoped3A : memref<!tpu.dma_semaphore, #tpu.memory_space<semaphore_mem>>) src(%arg13 : memref<40x64xf32, #tpu.memory_space<vmem>>) dst(%dma_wait3A_178 : memref<40x64xf32, #tpu.memory_space<hbm>>)
      tpu.yield
    }) : () -> ()
    %dma_wait3A_23 = arith.constant 0 : i32
    %dma_wait3A_24 = tpu.memref_slice %arg6[%dma_wait3A_23] : memref<600000xf32, #tpu.memory_space<hbm>> -> memref<600000xf32, #tpu.memory_space<hbm>>
    tpu.wait_indirect_dma semaphore(%arg22 : memref<!tpu.dma_semaphore, #tpu.memory_space<semaphore_mem>>) src(%dma_wait3A_24 : memref<600000xf32, #tpu.memory_space<hbm>>) dst(%arg15 : memref<480xf32, #tpu.memory_space<vmem>>)
    %mul3A_25 = arith.constant 12 : i32
    %mul3A_26 = arith.muli %add3A_4, %mul3A_25 : i32
    "tpu.region"() ({
      %run_scoped3A = tpu.sem_alloc : memref<!tpu.dma_semaphore, #tpu.memory_space<semaphore_mem>>
      %dma_start3A_171 = tpu.memref_slice %arg9[%mul3A_26] : memref<76800xf32, #tpu.memory_space<hbm>> -> memref<480xf32, #tpu.memory_space<hbm>>
      %dma_start3A_172 = tpu.memref_slice %arg9[%mul3A_26] : memref<76800xf32, #tpu.memory_space<hbm>> -> memref<480xf32, #tpu.memory_space<hbm>>
      tpu.enqueue_dma source(%arg15 : memref<480xf32, #tpu.memory_space<vmem>>) target(%dma_start3A_172 : memref<480xf32, #tpu.memory_space<hbm>>) target_semaphore(%run_scoped3A : memref<!tpu.dma_semaphore, #tpu.memory_space<semaphore_mem>>)
      %dma_wait3A_173 = tpu.memref_slice %arg9[%mul3A_26] : memref<76800xf32, #tpu.memory_space<hbm>> -> memref<480xf32, #tpu.memory_space<hbm>>
      %dma_wait3A_174 = tpu.memref_slice %arg9[%mul3A_26] : memref<76800xf32, #tpu.memory_space<hbm>> -> memref<480xf32, #tpu.memory_space<hbm>>
      tpu.wait_dma2 semaphore(%run_scoped3A : memref<!tpu.dma_semaphore, #tpu.memory_space<semaphore_mem>>) src(%arg15 : memref<480xf32, #tpu.memory_space<vmem>>) dst(%dma_wait3A_174 : memref<480xf32, #tpu.memory_space<hbm>>)
      tpu.yield
    }) : () -> ()
    %dma_wait3A_27 = arith.constant 0 : i32
    %dma_wait3A_28 = arith.constant 0 : i32
    %dma_wait3A_29 = tpu.memref_slice %arg7[%dma_wait3A_27, %dma_wait3A_28] : memref<50000x64xf32, #tpu.memory_space<hbm>> -> memref<50000x64xf32, #tpu.memory_space<hbm>>
    tpu.wait_indirect_dma semaphore(%arg23 : memref<!tpu.dma_semaphore, #tpu.memory_space<semaphore_mem>>) src(%dma_wait3A_29 : memref<50000x64xf32, #tpu.memory_space<hbm>>) dst(%arg19 : memref<40x64xf32, #tpu.memory_space<vmem>>)
    "tpu.region"() ({
      %run_scoped3A = tpu.sem_alloc : memref<!tpu.dma_semaphore, #tpu.memory_space<semaphore_mem>>
      %dma_start3A_171 = arith.constant 0 : i32
      %dma_start3A_172 = tpu.memref_slice %arg10[%add3A_4, %dma_start3A_171] : memref<6400x64xf32, #tpu.memory_space<hbm>> -> memref<40x64xf32, #tpu.memory_space<hbm>>
      %dma_start3A_173 = arith.constant 0 : i32
      %dma_start3A_174 = tpu.memref_slice %arg10[%add3A_4, %dma_start3A_173] : memref<6400x64xf32, #tpu.memory_space<hbm>> -> memref<40x64xf32, #tpu.memory_space<hbm>>
      tpu.enqueue_dma source(%arg19 : memref<40x64xf32, #tpu.memory_space<vmem>>) target(%dma_start3A_174 : memref<40x64xf32, #tpu.memory_space<hbm>>) target_semaphore(%run_scoped3A : memref<!tpu.dma_semaphore, #tpu.memory_space<semaphore_mem>>)
      %dma_wait3A_175 = arith.constant 0 : i32
      %dma_wait3A_176 = tpu.memref_slice %arg10[%add3A_4, %dma_wait3A_175] : memref<6400x64xf32, #tpu.memory_space<hbm>> -> memref<40x64xf32, #tpu.memory_space<hbm>>
      %dma_wait3A_177 = arith.constant 0 : i32
      %dma_wait3A_178 = tpu.memref_slice %arg10[%add3A_4, %dma_wait3A_177] : memref<6400x64xf32, #tpu.memory_space<hbm>> -> memref<40x64xf32, #tpu.memory_space<hbm>>
      tpu.wait_dma2 semaphore(%run_scoped3A : memref<!tpu.dma_semaphore, #tpu.memory_space<semaphore_mem>>) src(%arg19 : memref<40x64xf32, #tpu.memory_space<vmem>>) dst(%dma_wait3A_178 : memref<40x64xf32, #tpu.memory_space<hbm>>)
      tpu.yield
    }) : () -> ()
    %dma_wait3A_30 = arith.constant 0 : i32
    %dma_wait3A_31 = arith.constant 0 : i32
    %dma_wait3A_32 = tpu.memref_slice %arg7[%dma_wait3A_30, %dma_wait3A_31] : memref<50000x64xf32, #tpu.memory_space<hbm>> -> memref<50000x64xf32, #tpu.memory_space<hbm>>
    tpu.wait_indirect_dma semaphore(%arg21 : memref<!tpu.dma_semaphore, #tpu.memory_space<semaphore_mem>>) src(%dma_wait3A_32 : memref<50000x64xf32, #tpu.memory_space<hbm>>) dst(%arg17 : memref<480x64xf32, #tpu.memory_space<vmem>>)
    %mul3A_33 = arith.constant 12 : i32
    %mul3A_34 = arith.muli %add3A_4, %mul3A_33 : i32
    "tpu.region"() ({
      %run_scoped3A = tpu.sem_alloc : memref<!tpu.dma_semaphore, #tpu.memory_space<semaphore_mem>>
      %dma_start3A_171 = arith.constant 0 : i32
      %dma_start3A_172 = tpu.memref_slice %arg11[%mul3A_34, %dma_start3A_171] : memref<76800x64xf32, #tpu.memory_space<hbm>> -> memref<480x64xf32, #tpu.memory_space<hbm>>
      %dma_start3A_173 = arith.constant 0 : i32
      %dma_start3A_174 = tpu.memref_slice %arg11[%mul3A_34, %dma_start3A_173] : memref<76800x64xf32, #tpu.memory_space<hbm>> -> memref<480x64xf32, #tpu.memory_space<hbm>>
      tpu.enqueue_dma source(%arg17 : memref<480x64xf32, #tpu.memory_space<vmem>>) target(%dma_start3A_174 : memref<480x64xf32, #tpu.memory_space<hbm>>) target_semaphore(%run_scoped3A : memref<!tpu.dma_semaphore, #tpu.memory_space<semaphore_mem>>)
      %dma_wait3A_175 = arith.constant 0 : i32
      %dma_wait3A_176 = tpu.memref_slice %arg11[%mul3A_34, %dma_wait3A_175] : memref<76800x64xf32, #tpu.memory_space<hbm>> -> memref<480x64xf32, #tpu.memory_space<hbm>>
      %dma_wait3A_177 = arith.constant 0 : i32
      %dma_wait3A_178 = tpu.memref_slice %arg11[%mul3A_34, %dma_wait3A_177] : memref<76800x64xf32, #tpu.memory_space<hbm>> -> memref<480x64xf32, #tpu.memory_space<hbm>>
      tpu.wait_dma2 semaphore(%run_scoped3A : memref<!tpu.dma_semaphore, #tpu.memory_space<semaphore_mem>>) src(%arg17 : memref<480x64xf32, #tpu.memory_space<vmem>>) dst(%dma_wait3A_178 : memref<480x64xf32, #tpu.memory_space<hbm>>)
      tpu.yield
    }) : () -> ()
    %add3A_35 = arith.constant 40 : i32
    %add3A_36 = arith.addi %mul3A_2, %add3A_35 : i32
    "tpu.region"() ({
      %run_scoped3A = tpu.sem_alloc : memref<!tpu.dma_semaphore, #tpu.memory_space<semaphore_mem>>
      %dma_start3A_171 = tpu.memref_slice %arg2[%add3A_36] : memref<6400xi32, #tpu.memory_space<hbm>> -> memref<40xi32, #tpu.memory_space<hbm>>
      %dma_start3A_172 = tpu.memref_slice %arg2[%add3A_36] : memref<6400xi32, #tpu.memory_space<hbm>> -> memref<40xi32, #tpu.memory_space<hbm>>
      tpu.enqueue_dma source(%dma_start3A_172 : memref<40xi32, #tpu.memory_space<hbm>>) target(%arg12 : memref<40xi32, #tpu.memory_space<vmem>>) target_semaphore(%run_scoped3A : memref<!tpu.dma_semaphore, #tpu.memory_space<semaphore_mem>>)
      %dma_wait3A_173 = tpu.memref_slice %arg2[%add3A_36] : memref<6400xi32, #tpu.memory_space<hbm>> -> memref<40xi32, #tpu.memory_space<hbm>>
      %dma_wait3A_174 = tpu.memref_slice %arg2[%add3A_36] : memref<6400xi32, #tpu.memory_space<hbm>> -> memref<40xi32, #tpu.memory_space<hbm>>
      tpu.wait_dma2 semaphore(%run_scoped3A : memref<!tpu.dma_semaphore, #tpu.memory_space<semaphore_mem>>) src(%dma_wait3A_174 : memref<40xi32, #tpu.memory_space<hbm>>) dst(%arg12 : memref<40xi32, #tpu.memory_space<vmem>>)
      tpu.yield
    }) : () -> ()
    "tpu.region"() ({
      %run_scoped3A = tpu.sem_alloc : memref<!tpu.dma_semaphore, #tpu.memory_space<semaphore_mem>>
      %dma_start3A_171 = tpu.memref_slice %arg3[%add3A_36] : memref<6400xi32, #tpu.memory_space<hbm>> -> memref<40xi32, #tpu.memory_space<hbm>>
      %dma_start3A_172 = tpu.memref_slice %arg3[%add3A_36] : memref<6400xi32, #tpu.memory_space<hbm>> -> memref<40xi32, #tpu.memory_space<hbm>>
      tpu.enqueue_dma source(%dma_start3A_172 : memref<40xi32, #tpu.memory_space<hbm>>) target(%arg18 : memref<40xi32, #tpu.memory_space<vmem>>) target_semaphore(%run_scoped3A : memref<!tpu.dma_semaphore, #tpu.memory_space<semaphore_mem>>)
      %dma_wait3A_173 = tpu.memref_slice %arg3[%add3A_36] : memref<6400xi32, #tpu.memory_space<hbm>> -> memref<40xi32, #tpu.memory_space<hbm>>
      %dma_wait3A_174 = tpu.memref_slice %arg3[%add3A_36] : memref<6400xi32, #tpu.memory_space<hbm>> -> memref<40xi32, #tpu.memory_space<hbm>>
      tpu.wait_dma2 semaphore(%run_scoped3A : memref<!tpu.dma_semaphore, #tpu.memory_space<semaphore_mem>>) src(%dma_wait3A_174 : memref<40xi32, #tpu.memory_space<hbm>>) dst(%arg18 : memref<40xi32, #tpu.memory_space<vmem>>)
      tpu.yield
    }) : () -> ()
    %mul3A_37 = arith.constant 12 : i32
    %mul3A_38 = arith.muli %add3A_36, %mul3A_37 : i32
    "tpu.region"() ({
      %run_scoped3A = tpu.sem_alloc : memref<!tpu.dma_semaphore, #tpu.memory_space<semaphore_mem>>
      %dma_start3A_171 = tpu.memref_slice %arg4[%mul3A_38] : memref<76800xi32, #tpu.memory_space<hbm>> -> memref<480xi32, #tpu.memory_space<hbm>>
      %dma_start3A_172 = tpu.memref_slice %arg4[%mul3A_38] : memref<76800xi32, #tpu.memory_space<hbm>> -> memref<480xi32, #tpu.memory_space<hbm>>
      tpu.enqueue_dma source(%dma_start3A_172 : memref<480xi32, #tpu.memory_space<hbm>>) target(%arg14 : memref<480xi32, #tpu.memory_space<vmem>>) target_semaphore(%run_scoped3A : memref<!tpu.dma_semaphore, #tpu.memory_space<semaphore_mem>>)
      %dma_wait3A_173 = tpu.memref_slice %arg4[%mul3A_38] : memref<76800xi32, #tpu.memory_space<hbm>> -> memref<480xi32, #tpu.memory_space<hbm>>
      %dma_wait3A_174 = tpu.memref_slice %arg4[%mul3A_38] : memref<76800xi32, #tpu.memory_space<hbm>> -> memref<480xi32, #tpu.memory_space<hbm>>
      tpu.wait_dma2 semaphore(%run_scoped3A : memref<!tpu.dma_semaphore, #tpu.memory_space<semaphore_mem>>) src(%dma_wait3A_174 : memref<480xi32, #tpu.memory_space<hbm>>) dst(%arg14 : memref<480xi32, #tpu.memory_space<vmem>>)
      tpu.yield
    }) : () -> ()
    %dma_start3A_39 = arith.constant 0 : i32
    %dma_start3A_40 = tpu.memref_slice %arg5[%dma_start3A_39] : memref<600000xi32, #tpu.memory_space<hbm>> -> memref<600000xi32, #tpu.memory_space<hbm>>
    tpu.enqueue_indirect_dma source(%dma_start3A_40 : memref<600000xi32, #tpu.memory_space<hbm>>) target(%arg16 : memref<480xi32, #tpu.memory_space<vmem>>) offsets(%arg14 : memref<480xi32, #tpu.memory_space<vmem>>) semaphore(%arg21 : memref<!tpu.dma_semaphore, #tpu.memory_space<semaphore_mem>>)
    %dma_start3A_41 = arith.constant 0 : i32
    %dma_start3A_42 = arith.constant 0 : i32
    %dma_start3A_43 = tpu.memref_slice %arg7[%dma_start3A_41, %dma_start3A_42] : memref<50000x64xf32, #tpu.memory_space<hbm>> -> memref<50000x64xf32, #tpu.memory_space<hbm>>
    tpu.enqueue_indirect_dma source(%dma_start3A_43 : memref<50000x64xf32, #tpu.memory_space<hbm>>) target(%arg13 : memref<40x64xf32, #tpu.memory_space<vmem>>) offsets(%arg12 : memref<40xi32, #tpu.memory_space<vmem>>) semaphore(%arg20 : memref<!tpu.dma_semaphore, #tpu.memory_space<semaphore_mem>>)
    %dma_start3A_44 = arith.constant 0 : i32
    %dma_start3A_45 = tpu.memref_slice %arg6[%dma_start3A_44] : memref<600000xf32, #tpu.memory_space<hbm>> -> memref<600000xf32, #tpu.memory_space<hbm>>
    tpu.enqueue_indirect_dma source(%dma_start3A_45 : memref<600000xf32, #tpu.memory_space<hbm>>) target(%arg15 : memref<480xf32, #tpu.memory_space<vmem>>) offsets(%arg14 : memref<480xi32, #tpu.memory_space<vmem>>) semaphore(%arg22 : memref<!tpu.dma_semaphore, #tpu.memory_space<semaphore_mem>>)
    %dma_start3A_46 = arith.constant 0 : i32
    %dma_start3A_47 = arith.constant 0 : i32
    %dma_start3A_48 = tpu.memref_slice %arg7[%dma_start3A_46, %dma_start3A_47] : memref<50000x64xf32, #tpu.memory_space<hbm>> -> memref<50000x64xf32, #tpu.memory_space<hbm>>
    tpu.enqueue_indirect_dma source(%dma_start3A_48 : memref<50000x64xf32, #tpu.memory_space<hbm>>) target(%arg19 : memref<40x64xf32, #tpu.memory_space<vmem>>) offsets(%arg18 : memref<40xi32, #tpu.memory_space<vmem>>) semaphore(%arg23 : memref<!tpu.dma_semaphore, #tpu.memory_space<semaphore_mem>>)
    %dma_wait3A_49 = arith.constant 0 : i32
    %dma_wait3A_50 = tpu.memref_slice %arg5[%dma_wait3A_49] : memref<600000xi32, #tpu.memory_space<hbm>> -> memref<600000xi32, #tpu.memory_space<hbm>>
    tpu.wait_indirect_dma semaphore(%arg21 : memref<!tpu.dma_semaphore, #tpu.memory_space<semaphore_mem>>) src(%dma_wait3A_50 : memref<600000xi32, #tpu.memory_space<hbm>>) dst(%arg16 : memref<480xi32, #tpu.memory_space<vmem>>)
    %dma_start3A_51 = arith.constant 0 : i32
    %dma_start3A_52 = arith.constant 0 : i32
    %dma_start3A_53 = tpu.memref_slice %arg7[%dma_start3A_51, %dma_start3A_52] : memref<50000x64xf32, #tpu.memory_space<hbm>> -> memref<50000x64xf32, #tpu.memory_space<hbm>>
    tpu.enqueue_indirect_dma source(%dma_start3A_53 : memref<50000x64xf32, #tpu.memory_space<hbm>>) target(%arg17 : memref<480x64xf32, #tpu.memory_space<vmem>>) offsets(%arg16 : memref<480xi32, #tpu.memory_space<vmem>>) semaphore(%arg21 : memref<!tpu.dma_semaphore, #tpu.memory_space<semaphore_mem>>)
    %dma_wait3A_54 = arith.constant 0 : i32
    %dma_wait3A_55 = arith.constant 0 : i32
    %dma_wait3A_56 = tpu.memref_slice %arg7[%dma_wait3A_54, %dma_wait3A_55] : memref<50000x64xf32, #tpu.memory_space<hbm>> -> memref<50000x64xf32, #tpu.memory_space<hbm>>
    tpu.wait_indirect_dma semaphore(%arg20 : memref<!tpu.dma_semaphore, #tpu.memory_space<semaphore_mem>>) src(%dma_wait3A_56 : memref<50000x64xf32, #tpu.memory_space<hbm>>) dst(%arg13 : memref<40x64xf32, #tpu.memory_space<vmem>>)
    "tpu.region"() ({
      %run_scoped3A = tpu.sem_alloc : memref<!tpu.dma_semaphore, #tpu.memory_space<semaphore_mem>>
      %dma_start3A_171 = arith.constant 0 : i32
      %dma_start3A_172 = tpu.memref_slice %arg8[%add3A_36, %dma_start3A_171] : memref<6400x64xf32, #tpu.memory_space<hbm>> -> memref<40x64xf32, #tpu.memory_space<hbm>>
      %dma_start3A_173 = arith.constant 0 : i32
      %dma_start3A_174 = tpu.memref_slice %arg8[%add3A_36, %dma_start3A_173] : memref<6400x64xf32, #tpu.memory_space<hbm>> -> memref<40x64xf32, #tpu.memory_space<hbm>>
      tpu.enqueue_dma source(%arg13 : memref<40x64xf32, #tpu.memory_space<vmem>>) target(%dma_start3A_174 : memref<40x64xf32, #tpu.memory_space<hbm>>) target_semaphore(%run_scoped3A : memref<!tpu.dma_semaphore, #tpu.memory_space<semaphore_mem>>)
      %dma_wait3A_175 = arith.constant 0 : i32
      %dma_wait3A_176 = tpu.memref_slice %arg8[%add3A_36, %dma_wait3A_175] : memref<6400x64xf32, #tpu.memory_space<hbm>> -> memref<40x64xf32, #tpu.memory_space<hbm>>
      %dma_wait3A_177 = arith.constant 0 : i32
      %dma_wait3A_178 = tpu.memref_slice %arg8[%add3A_36, %dma_wait3A_177] : memref<6400x64xf32, #tpu.memory_space<hbm>> -> memref<40x64xf32, #tpu.memory_space<hbm>>
      tpu.wait_dma2 semaphore(%run_scoped3A : memref<!tpu.dma_semaphore, #tpu.memory_space<semaphore_mem>>) src(%arg13 : memref<40x64xf32, #tpu.memory_space<vmem>>) dst(%dma_wait3A_178 : memref<40x64xf32, #tpu.memory_space<hbm>>)
      tpu.yield
    }) : () -> ()
    %dma_wait3A_57 = arith.constant 0 : i32
    %dma_wait3A_58 = tpu.memref_slice %arg6[%dma_wait3A_57] : memref<600000xf32, #tpu.memory_space<hbm>> -> memref<600000xf32, #tpu.memory_space<hbm>>
    tpu.wait_indirect_dma semaphore(%arg22 : memref<!tpu.dma_semaphore, #tpu.memory_space<semaphore_mem>>) src(%dma_wait3A_58 : memref<600000xf32, #tpu.memory_space<hbm>>) dst(%arg15 : memref<480xf32, #tpu.memory_space<vmem>>)
    %mul3A_59 = arith.constant 12 : i32
    %mul3A_60 = arith.muli %add3A_36, %mul3A_59 : i32
    "tpu.region"() ({
      %run_scoped3A = tpu.sem_alloc : memref<!tpu.dma_semaphore, #tpu.memory_space<semaphore_mem>>
      %dma_start3A_171 = tpu.memref_slice %arg9[%mul3A_60] : memref<76800xf32, #tpu.memory_space<hbm>> -> memref<480xf32, #tpu.memory_space<hbm>>
      %dma_start3A_172 = tpu.memref_slice %arg9[%mul3A_60] : memref<76800xf32, #tpu.memory_space<hbm>> -> memref<480xf32, #tpu.memory_space<hbm>>
      tpu.enqueue_dma source(%arg15 : memref<480xf32, #tpu.memory_space<vmem>>) target(%dma_start3A_172 : memref<480xf32, #tpu.memory_space<hbm>>) target_semaphore(%run_scoped3A : memref<!tpu.dma_semaphore, #tpu.memory_space<semaphore_mem>>)
      %dma_wait3A_173 = tpu.memref_slice %arg9[%mul3A_60] : memref<76800xf32, #tpu.memory_space<hbm>> -> memref<480xf32, #tpu.memory_space<hbm>>
      %dma_wait3A_174 = tpu.memref_slice %arg9[%mul3A_60] : memref<76800xf32, #tpu.memory_space<hbm>> -> memref<480xf32, #tpu.memory_space<hbm>>
      tpu.wait_dma2 semaphore(%run_scoped3A : memref<!tpu.dma_semaphore, #tpu.memory_space<semaphore_mem>>) src(%arg15 : memref<480xf32, #tpu.memory_space<vmem>>) dst(%dma_wait3A_174 : memref<480xf32, #tpu.memory_space<hbm>>)
      tpu.yield
    }) : () -> ()
    %dma_wait3A_61 = arith.constant 0 : i32
    %dma_wait3A_62 = arith.constant 0 : i32
    %dma_wait3A_63 = tpu.memref_slice %arg7[%dma_wait3A_61, %dma_wait3A_62] : memref<50000x64xf32, #tpu.memory_space<hbm>> -> memref<50000x64xf32, #tpu.memory_space<hbm>>
    tpu.wait_indirect_dma semaphore(%arg23 : memref<!tpu.dma_semaphore, #tpu.memory_space<semaphore_mem>>) src(%dma_wait3A_63 : memref<50000x64xf32, #tpu.memory_space<hbm>>) dst(%arg19 : memref<40x64xf32, #tpu.memory_space<vmem>>)
    "tpu.region"() ({
      %run_scoped3A = tpu.sem_alloc : memref<!tpu.dma_semaphore, #tpu.memory_space<semaphore_mem>>
      %dma_start3A_171 = arith.constant 0 : i32
      %dma_start3A_172 = tpu.memref_slice %arg10[%add3A_36, %dma_start3A_171] : memref<6400x64xf32, #tpu.memory_space<hbm>> -> memref<40x64xf32, #tpu.memory_space<hbm>>
      %dma_start3A_173 = arith.constant 0 : i32
      %dma_start3A_174 = tpu.memref_slice %arg10[%add3A_36, %dma_start3A_173] : memref<6400x64xf32, #tpu.memory_space<hbm>> -> memref<40x64xf32, #tpu.memory_space<hbm>>
      tpu.enqueue_dma source(%arg19 : memref<40x64xf32, #tpu.memory_space<vmem>>) target(%dma_start3A_174 : memref<40x64xf32, #tpu.memory_space<hbm>>) target_semaphore(%run_scoped3A : memref<!tpu.dma_semaphore, #tpu.memory_space<semaphore_mem>>)
      %dma_wait3A_175 = arith.constant 0 : i32
      %dma_wait3A_176 = tpu.memref_slice %arg10[%add3A_36, %dma_wait3A_175] : memref<6400x64xf32, #tpu.memory_space<hbm>> -> memref<40x64xf32, #tpu.memory_space<hbm>>
      %dma_wait3A_177 = arith.constant 0 : i32
      %dma_wait3A_178 = tpu.memref_slice %arg10[%add3A_36, %dma_wait3A_177] : memref<6400x64xf32, #tpu.memory_space<hbm>> -> memref<40x64xf32, #tpu.memory_space<hbm>>
      tpu.wait_dma2 semaphore(%run_scoped3A : memref<!tpu.dma_semaphore, #tpu.memory_space<semaphore_mem>>) src(%arg19 : memref<40x64xf32, #tpu.memory_space<vmem>>) dst(%dma_wait3A_178 : memref<40x64xf32, #tpu.memory_space<hbm>>)
      tpu.yield
    }) : () -> ()
    %dma_wait3A_64 = arith.constant 0 : i32
    %dma_wait3A_65 = arith.constant 0 : i32
    %dma_wait3A_66 = tpu.memref_slice %arg7[%dma_wait3A_64, %dma_wait3A_65] : memref<50000x64xf32, #tpu.memory_space<hbm>> -> memref<50000x64xf32, #tpu.memory_space<hbm>>
    tpu.wait_indirect_dma semaphore(%arg21 : memref<!tpu.dma_semaphore, #tpu.memory_space<semaphore_mem>>) src(%dma_wait3A_66 : memref<50000x64xf32, #tpu.memory_space<hbm>>) dst(%arg17 : memref<480x64xf32, #tpu.memory_space<vmem>>)
    %mul3A_67 = arith.constant 12 : i32
    %mul3A_68 = arith.muli %add3A_36, %mul3A_67 : i32
    "tpu.region"() ({
      %run_scoped3A = tpu.sem_alloc : memref<!tpu.dma_semaphore, #tpu.memory_space<semaphore_mem>>
      %dma_start3A_171 = arith.constant 0 : i32
      %dma_start3A_172 = tpu.memref_slice %arg11[%mul3A_68, %dma_start3A_171] : memref<76800x64xf32, #tpu.memory_space<hbm>> -> memref<480x64xf32, #tpu.memory_space<hbm>>
      %dma_start3A_173 = arith.constant 0 : i32
      %dma_start3A_174 = tpu.memref_slice %arg11[%mul3A_68, %dma_start3A_173] : memref<76800x64xf32, #tpu.memory_space<hbm>> -> memref<480x64xf32, #tpu.memory_space<hbm>>
      tpu.enqueue_dma source(%arg17 : memref<480x64xf32, #tpu.memory_space<vmem>>) target(%dma_start3A_174 : memref<480x64xf32, #tpu.memory_space<hbm>>) target_semaphore(%run_scoped3A : memref<!tpu.dma_semaphore, #tpu.memory_space<semaphore_mem>>)
      %dma_wait3A_175 = arith.constant 0 : i32
      %dma_wait3A_176 = tpu.memref_slice %arg11[%mul3A_68, %dma_wait3A_175] : memref<76800x64xf32, #tpu.memory_space<hbm>> -> memref<480x64xf32, #tpu.memory_space<hbm>>
      %dma_wait3A_177 = arith.constant 0 : i32
      %dma_wait3A_178 = tpu.memref_slice %arg11[%mul3A_68, %dma_wait3A_177] : memref<76800x64xf32, #tpu.memory_space<hbm>> -> memref<480x64xf32, #tpu.memory_space<hbm>>
      tpu.wait_dma2 semaphore(%run_scoped3A : memref<!tpu.dma_semaphore, #tpu.memory_space<semaphore_mem>>) src(%arg17 : memref<480x64xf32, #tpu.memory_space<vmem>>) dst(%dma_wait3A_178 : memref<480x64xf32, #tpu.memory_space<hbm>>)
      tpu.yield
    }) : () -> ()
    %add3A_69 = arith.constant 80 : i32
    %add3A_70 = arith.addi %mul3A_2, %add3A_69 : i32
    "tpu.region"() ({
      %run_scoped3A = tpu.sem_alloc : memref<!tpu.dma_semaphore, #tpu.memory_space<semaphore_mem>>
      %dma_start3A_171 = tpu.memref_slice %arg2[%add3A_70] : memref<6400xi32, #tpu.memory_space<hbm>> -> memref<40xi32, #tpu.memory_space<hbm>>
      %dma_start3A_172 = tpu.memref_slice %arg2[%add3A_70] : memref<6400xi32, #tpu.memory_space<hbm>> -> memref<40xi32, #tpu.memory_space<hbm>>
      tpu.enqueue_dma source(%dma_start3A_172 : memref<40xi32, #tpu.memory_space<hbm>>) target(%arg12 : memref<40xi32, #tpu.memory_space<vmem>>) target_semaphore(%run_scoped3A : memref<!tpu.dma_semaphore, #tpu.memory_space<semaphore_mem>>)
      %dma_wait3A_173 = tpu.memref_slice %arg2[%add3A_70] : memref<6400xi32, #tpu.memory_space<hbm>> -> memref<40xi32, #tpu.memory_space<hbm>>
      %dma_wait3A_174 = tpu.memref_slice %arg2[%add3A_70] : memref<6400xi32, #tpu.memory_space<hbm>> -> memref<40xi32, #tpu.memory_space<hbm>>
      tpu.wait_dma2 semaphore(%run_scoped3A : memref<!tpu.dma_semaphore, #tpu.memory_space<semaphore_mem>>) src(%dma_wait3A_174 : memref<40xi32, #tpu.memory_space<hbm>>) dst(%arg12 : memref<40xi32, #tpu.memory_space<vmem>>)
      tpu.yield
    }) : () -> ()
    "tpu.region"() ({
      %run_scoped3A = tpu.sem_alloc : memref<!tpu.dma_semaphore, #tpu.memory_space<semaphore_mem>>
      %dma_start3A_171 = tpu.memref_slice %arg3[%add3A_70] : memref<6400xi32, #tpu.memory_space<hbm>> -> memref<40xi32, #tpu.memory_space<hbm>>
      %dma_start3A_172 = tpu.memref_slice %arg3[%add3A_70] : memref<6400xi32, #tpu.memory_space<hbm>> -> memref<40xi32, #tpu.memory_space<hbm>>
      tpu.enqueue_dma source(%dma_start3A_172 : memref<40xi32, #tpu.memory_space<hbm>>) target(%arg18 : memref<40xi32, #tpu.memory_space<vmem>>) target_semaphore(%run_scoped3A : memref<!tpu.dma_semaphore, #tpu.memory_space<semaphore_mem>>)
      %dma_wait3A_173 = tpu.memref_slice %arg3[%add3A_70] : memref<6400xi32, #tpu.memory_space<hbm>> -> memref<40xi32, #tpu.memory_space<hbm>>
      %dma_wait3A_174 = tpu.memref_slice %arg3[%add3A_70] : memref<6400xi32, #tpu.memory_space<hbm>> -> memref<40xi32, #tpu.memory_space<hbm>>
      tpu.wait_dma2 semaphore(%run_scoped3A : memref<!tpu.dma_semaphore, #tpu.memory_space<semaphore_mem>>) src(%dma_wait3A_174 : memref<40xi32, #tpu.memory_space<hbm>>) dst(%arg18 : memref<40xi32, #tpu.memory_space<vmem>>)
      tpu.yield
    }) : () -> ()
    %mul3A_71 = arith.constant 12 : i32
    %mul3A_72 = arith.muli %add3A_70, %mul3A_71 : i32
    "tpu.region"() ({
      %run_scoped3A = tpu.sem_alloc : memref<!tpu.dma_semaphore, #tpu.memory_space<semaphore_mem>>
      %dma_start3A_171 = tpu.memref_slice %arg4[%mul3A_72] : memref<76800xi32, #tpu.memory_space<hbm>> -> memref<480xi32, #tpu.memory_space<hbm>>
      %dma_start3A_172 = tpu.memref_slice %arg4[%mul3A_72] : memref<76800xi32, #tpu.memory_space<hbm>> -> memref<480xi32, #tpu.memory_space<hbm>>
      tpu.enqueue_dma source(%dma_start3A_172 : memref<480xi32, #tpu.memory_space<hbm>>) target(%arg14 : memref<480xi32, #tpu.memory_space<vmem>>) target_semaphore(%run_scoped3A : memref<!tpu.dma_semaphore, #tpu.memory_space<semaphore_mem>>)
      %dma_wait3A_173 = tpu.memref_slice %arg4[%mul3A_72] : memref<76800xi32, #tpu.memory_space<hbm>> -> memref<480xi32, #tpu.memory_space<hbm>>
      %dma_wait3A_174 = tpu.memref_slice %arg4[%mul3A_72] : memref<76800xi32, #tpu.memory_space<hbm>> -> memref<480xi32, #tpu.memory_space<hbm>>
      tpu.wait_dma2 semaphore(%run_scoped3A : memref<!tpu.dma_semaphore, #tpu.memory_space<semaphore_mem>>) src(%dma_wait3A_174 : memref<480xi32, #tpu.memory_space<hbm>>) dst(%arg14 : memref<480xi32, #tpu.memory_space<vmem>>)
      tpu.yield
    }) : () -> ()
    %dma_start3A_73 = arith.constant 0 : i32
    %dma_start3A_74 = tpu.memref_slice %arg5[%dma_start3A_73] : memref<600000xi32, #tpu.memory_space<hbm>> -> memref<600000xi32, #tpu.memory_space<hbm>>
    tpu.enqueue_indirect_dma source(%dma_start3A_74 : memref<600000xi32, #tpu.memory_space<hbm>>) target(%arg16 : memref<480xi32, #tpu.memory_space<vmem>>) offsets(%arg14 : memref<480xi32, #tpu.memory_space<vmem>>) semaphore(%arg21 : memref<!tpu.dma_semaphore, #tpu.memory_space<semaphore_mem>>)
    %dma_start3A_75 = arith.constant 0 : i32
    %dma_start3A_76 = arith.constant 0 : i32
    %dma_start3A_77 = tpu.memref_slice %arg7[%dma_start3A_75, %dma_start3A_76] : memref<50000x64xf32, #tpu.memory_space<hbm>> -> memref<50000x64xf32, #tpu.memory_space<hbm>>
    tpu.enqueue_indirect_dma source(%dma_start3A_77 : memref<50000x64xf32, #tpu.memory_space<hbm>>) target(%arg13 : memref<40x64xf32, #tpu.memory_space<vmem>>) offsets(%arg12 : memref<40xi32, #tpu.memory_space<vmem>>) semaphore(%arg20 : memref<!tpu.dma_semaphore, #tpu.memory_space<semaphore_mem>>)
    %dma_start3A_78 = arith.constant 0 : i32
    %dma_start3A_79 = tpu.memref_slice %arg6[%dma_start3A_78] : memref<600000xf32, #tpu.memory_space<hbm>> -> memref<600000xf32, #tpu.memory_space<hbm>>
    tpu.enqueue_indirect_dma source(%dma_start3A_79 : memref<600000xf32, #tpu.memory_space<hbm>>) target(%arg15 : memref<480xf32, #tpu.memory_space<vmem>>) offsets(%arg14 : memref<480xi32, #tpu.memory_space<vmem>>) semaphore(%arg22 : memref<!tpu.dma_semaphore, #tpu.memory_space<semaphore_mem>>)
    %dma_start3A_80 = arith.constant 0 : i32
    %dma_start3A_81 = arith.constant 0 : i32
    %dma_start3A_82 = tpu.memref_slice %arg7[%dma_start3A_80, %dma_start3A_81] : memref<50000x64xf32, #tpu.memory_space<hbm>> -> memref<50000x64xf32, #tpu.memory_space<hbm>>
    tpu.enqueue_indirect_dma source(%dma_start3A_82 : memref<50000x64xf32, #tpu.memory_space<hbm>>) target(%arg19 : memref<40x64xf32, #tpu.memory_space<vmem>>) offsets(%arg18 : memref<40xi32, #tpu.memory_space<vmem>>) semaphore(%arg23 : memref<!tpu.dma_semaphore, #tpu.memory_space<semaphore_mem>>)
    %dma_wait3A_83 = arith.constant 0 : i32
    %dma_wait3A_84 = tpu.memref_slice %arg5[%dma_wait3A_83] : memref<600000xi32, #tpu.memory_space<hbm>> -> memref<600000xi32, #tpu.memory_space<hbm>>
    tpu.wait_indirect_dma semaphore(%arg21 : memref<!tpu.dma_semaphore, #tpu.memory_space<semaphore_mem>>) src(%dma_wait3A_84 : memref<600000xi32, #tpu.memory_space<hbm>>) dst(%arg16 : memref<480xi32, #tpu.memory_space<vmem>>)
    %dma_start3A_85 = arith.constant 0 : i32
    %dma_start3A_86 = arith.constant 0 : i32
    %dma_start3A_87 = tpu.memref_slice %arg7[%dma_start3A_85, %dma_start3A_86] : memref<50000x64xf32, #tpu.memory_space<hbm>> -> memref<50000x64xf32, #tpu.memory_space<hbm>>
    tpu.enqueue_indirect_dma source(%dma_start3A_87 : memref<50000x64xf32, #tpu.memory_space<hbm>>) target(%arg17 : memref<480x64xf32, #tpu.memory_space<vmem>>) offsets(%arg16 : memref<480xi32, #tpu.memory_space<vmem>>) semaphore(%arg21 : memref<!tpu.dma_semaphore, #tpu.memory_space<semaphore_mem>>)
    %dma_wait3A_88 = arith.constant 0 : i32
    %dma_wait3A_89 = arith.constant 0 : i32
    %dma_wait3A_90 = tpu.memref_slice %arg7[%dma_wait3A_88, %dma_wait3A_89] : memref<50000x64xf32, #tpu.memory_space<hbm>> -> memref<50000x64xf32, #tpu.memory_space<hbm>>
    tpu.wait_indirect_dma semaphore(%arg20 : memref<!tpu.dma_semaphore, #tpu.memory_space<semaphore_mem>>) src(%dma_wait3A_90 : memref<50000x64xf32, #tpu.memory_space<hbm>>) dst(%arg13 : memref<40x64xf32, #tpu.memory_space<vmem>>)
    "tpu.region"() ({
      %run_scoped3A = tpu.sem_alloc : memref<!tpu.dma_semaphore, #tpu.memory_space<semaphore_mem>>
      %dma_start3A_171 = arith.constant 0 : i32
      %dma_start3A_172 = tpu.memref_slice %arg8[%add3A_70, %dma_start3A_171] : memref<6400x64xf32, #tpu.memory_space<hbm>> -> memref<40x64xf32, #tpu.memory_space<hbm>>
      %dma_start3A_173 = arith.constant 0 : i32
      %dma_start3A_174 = tpu.memref_slice %arg8[%add3A_70, %dma_start3A_173] : memref<6400x64xf32, #tpu.memory_space<hbm>> -> memref<40x64xf32, #tpu.memory_space<hbm>>
      tpu.enqueue_dma source(%arg13 : memref<40x64xf32, #tpu.memory_space<vmem>>) target(%dma_start3A_174 : memref<40x64xf32, #tpu.memory_space<hbm>>) target_semaphore(%run_scoped3A : memref<!tpu.dma_semaphore, #tpu.memory_space<semaphore_mem>>)
      %dma_wait3A_175 = arith.constant 0 : i32
      %dma_wait3A_176 = tpu.memref_slice %arg8[%add3A_70, %dma_wait3A_175] : memref<6400x64xf32, #tpu.memory_space<hbm>> -> memref<40x64xf32, #tpu.memory_space<hbm>>
      %dma_wait3A_177 = arith.constant 0 : i32
      %dma_wait3A_178 = tpu.memref_slice %arg8[%add3A_70, %dma_wait3A_177] : memref<6400x64xf32, #tpu.memory_space<hbm>> -> memref<40x64xf32, #tpu.memory_space<hbm>>
      tpu.wait_dma2 semaphore(%run_scoped3A : memref<!tpu.dma_semaphore, #tpu.memory_space<semaphore_mem>>) src(%arg13 : memref<40x64xf32, #tpu.memory_space<vmem>>) dst(%dma_wait3A_178 : memref<40x64xf32, #tpu.memory_space<hbm>>)
      tpu.yield
    }) : () -> ()
    %dma_wait3A_91 = arith.constant 0 : i32
    %dma_wait3A_92 = tpu.memref_slice %arg6[%dma_wait3A_91] : memref<600000xf32, #tpu.memory_space<hbm>> -> memref<600000xf32, #tpu.memory_space<hbm>>
    tpu.wait_indirect_dma semaphore(%arg22 : memref<!tpu.dma_semaphore, #tpu.memory_space<semaphore_mem>>) src(%dma_wait3A_92 : memref<600000xf32, #tpu.memory_space<hbm>>) dst(%arg15 : memref<480xf32, #tpu.memory_space<vmem>>)
    %mul3A_93 = arith.constant 12 : i32
    %mul3A_94 = arith.muli %add3A_70, %mul3A_93 : i32
    "tpu.region"() ({
      %run_scoped3A = tpu.sem_alloc : memref<!tpu.dma_semaphore, #tpu.memory_space<semaphore_mem>>
      %dma_start3A_171 = tpu.memref_slice %arg9[%mul3A_94] : memref<76800xf32, #tpu.memory_space<hbm>> -> memref<480xf32, #tpu.memory_space<hbm>>
      %dma_start3A_172 = tpu.memref_slice %arg9[%mul3A_94] : memref<76800xf32, #tpu.memory_space<hbm>> -> memref<480xf32, #tpu.memory_space<hbm>>
      tpu.enqueue_dma source(%arg15 : memref<480xf32, #tpu.memory_space<vmem>>) target(%dma_start3A_172 : memref<480xf32, #tpu.memory_space<hbm>>) target_semaphore(%run_scoped3A : memref<!tpu.dma_semaphore, #tpu.memory_space<semaphore_mem>>)
      %dma_wait3A_173 = tpu.memref_slice %arg9[%mul3A_94] : memref<76800xf32, #tpu.memory_space<hbm>> -> memref<480xf32, #tpu.memory_space<hbm>>
      %dma_wait3A_174 = tpu.memref_slice %arg9[%mul3A_94] : memref<76800xf32, #tpu.memory_space<hbm>> -> memref<480xf32, #tpu.memory_space<hbm>>
      tpu.wait_dma2 semaphore(%run_scoped3A : memref<!tpu.dma_semaphore, #tpu.memory_space<semaphore_mem>>) src(%arg15 : memref<480xf32, #tpu.memory_space<vmem>>) dst(%dma_wait3A_174 : memref<480xf32, #tpu.memory_space<hbm>>)
      tpu.yield
    }) : () -> ()
    %dma_wait3A_95 = arith.constant 0 : i32
    %dma_wait3A_96 = arith.constant 0 : i32
    %dma_wait3A_97 = tpu.memref_slice %arg7[%dma_wait3A_95, %dma_wait3A_96] : memref<50000x64xf32, #tpu.memory_space<hbm>> -> memref<50000x64xf32, #tpu.memory_space<hbm>>
    tpu.wait_indirect_dma semaphore(%arg23 : memref<!tpu.dma_semaphore, #tpu.memory_space<semaphore_mem>>) src(%dma_wait3A_97 : memref<50000x64xf32, #tpu.memory_space<hbm>>) dst(%arg19 : memref<40x64xf32, #tpu.memory_space<vmem>>)
    "tpu.region"() ({
      %run_scoped3A = tpu.sem_alloc : memref<!tpu.dma_semaphore, #tpu.memory_space<semaphore_mem>>
      %dma_start3A_171 = arith.constant 0 : i32
      %dma_start3A_172 = tpu.memref_slice %arg10[%add3A_70, %dma_start3A_171] : memref<6400x64xf32, #tpu.memory_space<hbm>> -> memref<40x64xf32, #tpu.memory_space<hbm>>
      %dma_start3A_173 = arith.constant 0 : i32
      %dma_start3A_174 = tpu.memref_slice %arg10[%add3A_70, %dma_start3A_173] : memref<6400x64xf32, #tpu.memory_space<hbm>> -> memref<40x64xf32, #tpu.memory_space<hbm>>
      tpu.enqueue_dma source(%arg19 : memref<40x64xf32, #tpu.memory_space<vmem>>) target(%dma_start3A_174 : memref<40x64xf32, #tpu.memory_space<hbm>>) target_semaphore(%run_scoped3A : memref<!tpu.dma_semaphore, #tpu.memory_space<semaphore_mem>>)
      %dma_wait3A_175 = arith.constant 0 : i32
      %dma_wait3A_176 = tpu.memref_slice %arg10[%add3A_70, %dma_wait3A_175] : memref<6400x64xf32, #tpu.memory_space<hbm>> -> memref<40x64xf32, #tpu.memory_space<hbm>>
      %dma_wait3A_177 = arith.constant 0 : i32
      %dma_wait3A_178 = tpu.memref_slice %arg10[%add3A_70, %dma_wait3A_177] : memref<6400x64xf32, #tpu.memory_space<hbm>> -> memref<40x64xf32, #tpu.memory_space<hbm>>
      tpu.wait_dma2 semaphore(%run_scoped3A : memref<!tpu.dma_semaphore, #tpu.memory_space<semaphore_mem>>) src(%arg19 : memref<40x64xf32, #tpu.memory_space<vmem>>) dst(%dma_wait3A_178 : memref<40x64xf32, #tpu.memory_space<hbm>>)
      tpu.yield
    }) : () -> ()
    %dma_wait3A_98 = arith.constant 0 : i32
    %dma_wait3A_99 = arith.constant 0 : i32
    %dma_wait3A_100 = tpu.memref_slice %arg7[%dma_wait3A_98, %dma_wait3A_99] : memref<50000x64xf32, #tpu.memory_space<hbm>> -> memref<50000x64xf32, #tpu.memory_space<hbm>>
    tpu.wait_indirect_dma semaphore(%arg21 : memref<!tpu.dma_semaphore, #tpu.memory_space<semaphore_mem>>) src(%dma_wait3A_100 : memref<50000x64xf32, #tpu.memory_space<hbm>>) dst(%arg17 : memref<480x64xf32, #tpu.memory_space<vmem>>)
    %mul3A_101 = arith.constant 12 : i32
    %mul3A_102 = arith.muli %add3A_70, %mul3A_101 : i32
    "tpu.region"() ({
      %run_scoped3A = tpu.sem_alloc : memref<!tpu.dma_semaphore, #tpu.memory_space<semaphore_mem>>
      %dma_start3A_171 = arith.constant 0 : i32
      %dma_start3A_172 = tpu.memref_slice %arg11[%mul3A_102, %dma_start3A_171] : memref<76800x64xf32, #tpu.memory_space<hbm>> -> memref<480x64xf32, #tpu.memory_space<hbm>>
      %dma_start3A_173 = arith.constant 0 : i32
      %dma_start3A_174 = tpu.memref_slice %arg11[%mul3A_102, %dma_start3A_173] : memref<76800x64xf32, #tpu.memory_space<hbm>> -> memref<480x64xf32, #tpu.memory_space<hbm>>
      tpu.enqueue_dma source(%arg17 : memref<480x64xf32, #tpu.memory_space<vmem>>) target(%dma_start3A_174 : memref<480x64xf32, #tpu.memory_space<hbm>>) target_semaphore(%run_scoped3A : memref<!tpu.dma_semaphore, #tpu.memory_space<semaphore_mem>>)
      %dma_wait3A_175 = arith.constant 0 : i32
      %dma_wait3A_176 = tpu.memref_slice %arg11[%mul3A_102, %dma_wait3A_175] : memref<76800x64xf32, #tpu.memory_space<hbm>> -> memref<480x64xf32, #tpu.memory_space<hbm>>
      %dma_wait3A_177 = arith.constant 0 : i32
      %dma_wait3A_178 = tpu.memref_slice %arg11[%mul3A_102, %dma_wait3A_177] : memref<76800x64xf32, #tpu.memory_space<hbm>> -> memref<480x64xf32, #tpu.memory_space<hbm>>
      tpu.wait_dma2 semaphore(%run_scoped3A : memref<!tpu.dma_semaphore, #tpu.memory_space<semaphore_mem>>) src(%arg17 : memref<480x64xf32, #tpu.memory_space<vmem>>) dst(%dma_wait3A_178 : memref<480x64xf32, #tpu.memory_space<hbm>>)
      tpu.yield
    }) : () -> ()
    %add3A_103 = arith.constant 120 : i32
    %add3A_104 = arith.addi %mul3A_2, %add3A_103 : i32
    "tpu.region"() ({
      %run_scoped3A = tpu.sem_alloc : memref<!tpu.dma_semaphore, #tpu.memory_space<semaphore_mem>>
      %dma_start3A_171 = tpu.memref_slice %arg2[%add3A_104] : memref<6400xi32, #tpu.memory_space<hbm>> -> memref<40xi32, #tpu.memory_space<hbm>>
      %dma_start3A_172 = tpu.memref_slice %arg2[%add3A_104] : memref<6400xi32, #tpu.memory_space<hbm>> -> memref<40xi32, #tpu.memory_space<hbm>>
      tpu.enqueue_dma source(%dma_start3A_172 : memref<40xi32, #tpu.memory_space<hbm>>) target(%arg12 : memref<40xi32, #tpu.memory_space<vmem>>) target_semaphore(%run_scoped3A : memref<!tpu.dma_semaphore, #tpu.memory_space<semaphore_mem>>)
      %dma_wait3A_173 = tpu.memref_slice %arg2[%add3A_104] : memref<6400xi32, #tpu.memory_space<hbm>> -> memref<40xi32, #tpu.memory_space<hbm>>
      %dma_wait3A_174 = tpu.memref_slice %arg2[%add3A_104] : memref<6400xi32, #tpu.memory_space<hbm>> -> memref<40xi32, #tpu.memory_space<hbm>>
      tpu.wait_dma2 semaphore(%run_scoped3A : memref<!tpu.dma_semaphore, #tpu.memory_space<semaphore_mem>>) src(%dma_wait3A_174 : memref<40xi32, #tpu.memory_space<hbm>>) dst(%arg12 : memref<40xi32, #tpu.memory_space<vmem>>)
      tpu.yield
    }) : () -> ()
    "tpu.region"() ({
      %run_scoped3A = tpu.sem_alloc : memref<!tpu.dma_semaphore, #tpu.memory_space<semaphore_mem>>
      %dma_start3A_171 = tpu.memref_slice %arg3[%add3A_104] : memref<6400xi32, #tpu.memory_space<hbm>> -> memref<40xi32, #tpu.memory_space<hbm>>
      %dma_start3A_172 = tpu.memref_slice %arg3[%add3A_104] : memref<6400xi32, #tpu.memory_space<hbm>> -> memref<40xi32, #tpu.memory_space<hbm>>
      tpu.enqueue_dma source(%dma_start3A_172 : memref<40xi32, #tpu.memory_space<hbm>>) target(%arg18 : memref<40xi32, #tpu.memory_space<vmem>>) target_semaphore(%run_scoped3A : memref<!tpu.dma_semaphore, #tpu.memory_space<semaphore_mem>>)
      %dma_wait3A_173 = tpu.memref_slice %arg3[%add3A_104] : memref<6400xi32, #tpu.memory_space<hbm>> -> memref<40xi32, #tpu.memory_space<hbm>>
      %dma_wait3A_174 = tpu.memref_slice %arg3[%add3A_104] : memref<6400xi32, #tpu.memory_space<hbm>> -> memref<40xi32, #tpu.memory_space<hbm>>
      tpu.wait_dma2 semaphore(%run_scoped3A : memref<!tpu.dma_semaphore, #tpu.memory_space<semaphore_mem>>) src(%dma_wait3A_174 : memref<40xi32, #tpu.memory_space<hbm>>) dst(%arg18 : memref<40xi32, #tpu.memory_space<vmem>>)
      tpu.yield
    }) : () -> ()
    %mul3A_105 = arith.constant 12 : i32
    %mul3A_106 = arith.muli %add3A_104, %mul3A_105 : i32
    "tpu.region"() ({
      %run_scoped3A = tpu.sem_alloc : memref<!tpu.dma_semaphore, #tpu.memory_space<semaphore_mem>>
      %dma_start3A_171 = tpu.memref_slice %arg4[%mul3A_106] : memref<76800xi32, #tpu.memory_space<hbm>> -> memref<480xi32, #tpu.memory_space<hbm>>
      %dma_start3A_172 = tpu.memref_slice %arg4[%mul3A_106] : memref<76800xi32, #tpu.memory_space<hbm>> -> memref<480xi32, #tpu.memory_space<hbm>>
      tpu.enqueue_dma source(%dma_start3A_172 : memref<480xi32, #tpu.memory_space<hbm>>) target(%arg14 : memref<480xi32, #tpu.memory_space<vmem>>) target_semaphore(%run_scoped3A : memref<!tpu.dma_semaphore, #tpu.memory_space<semaphore_mem>>)
      %dma_wait3A_173 = tpu.memref_slice %arg4[%mul3A_106] : memref<76800xi32, #tpu.memory_space<hbm>> -> memref<480xi32, #tpu.memory_space<hbm>>
      %dma_wait3A_174 = tpu.memref_slice %arg4[%mul3A_106] : memref<76800xi32, #tpu.memory_space<hbm>> -> memref<480xi32, #tpu.memory_space<hbm>>
      tpu.wait_dma2 semaphore(%run_scoped3A : memref<!tpu.dma_semaphore, #tpu.memory_space<semaphore_mem>>) src(%dma_wait3A_174 : memref<480xi32, #tpu.memory_space<hbm>>) dst(%arg14 : memref<480xi32, #tpu.memory_space<vmem>>)
      tpu.yield
    }) : () -> ()
    %dma_start3A_107 = arith.constant 0 : i32
    %dma_start3A_108 = tpu.memref_slice %arg5[%dma_start3A_107] : memref<600000xi32, #tpu.memory_space<hbm>> -> memref<600000xi32, #tpu.memory_space<hbm>>
    tpu.enqueue_indirect_dma source(%dma_start3A_108 : memref<600000xi32, #tpu.memory_space<hbm>>) target(%arg16 : memref<480xi32, #tpu.memory_space<vmem>>) offsets(%arg14 : memref<480xi32, #tpu.memory_space<vmem>>) semaphore(%arg21 : memref<!tpu.dma_semaphore, #tpu.memory_space<semaphore_mem>>)
    %dma_start3A_109 = arith.constant 0 : i32
    %dma_start3A_110 = arith.constant 0 : i32
    %dma_start3A_111 = tpu.memref_slice %arg7[%dma_start3A_109, %dma_start3A_110] : memref<50000x64xf32, #tpu.memory_space<hbm>> -> memref<50000x64xf32, #tpu.memory_space<hbm>>
    tpu.enqueue_indirect_dma source(%dma_start3A_111 : memref<50000x64xf32, #tpu.memory_space<hbm>>) target(%arg13 : memref<40x64xf32, #tpu.memory_space<vmem>>) offsets(%arg12 : memref<40xi32, #tpu.memory_space<vmem>>) semaphore(%arg20 : memref<!tpu.dma_semaphore, #tpu.memory_space<semaphore_mem>>)
    %dma_start3A_112 = arith.constant 0 : i32
    %dma_start3A_113 = tpu.memref_slice %arg6[%dma_start3A_112] : memref<600000xf32, #tpu.memory_space<hbm>> -> memref<600000xf32, #tpu.memory_space<hbm>>
    tpu.enqueue_indirect_dma source(%dma_start3A_113 : memref<600000xf32, #tpu.memory_space<hbm>>) target(%arg15 : memref<480xf32, #tpu.memory_space<vmem>>) offsets(%arg14 : memref<480xi32, #tpu.memory_space<vmem>>) semaphore(%arg22 : memref<!tpu.dma_semaphore, #tpu.memory_space<semaphore_mem>>)
    %dma_start3A_114 = arith.constant 0 : i32
    %dma_start3A_115 = arith.constant 0 : i32
    %dma_start3A_116 = tpu.memref_slice %arg7[%dma_start3A_114, %dma_start3A_115] : memref<50000x64xf32, #tpu.memory_space<hbm>> -> memref<50000x64xf32, #tpu.memory_space<hbm>>
    tpu.enqueue_indirect_dma source(%dma_start3A_116 : memref<50000x64xf32, #tpu.memory_space<hbm>>) target(%arg19 : memref<40x64xf32, #tpu.memory_space<vmem>>) offsets(%arg18 : memref<40xi32, #tpu.memory_space<vmem>>) semaphore(%arg23 : memref<!tpu.dma_semaphore, #tpu.memory_space<semaphore_mem>>)
    %dma_wait3A_117 = arith.constant 0 : i32
    %dma_wait3A_118 = tpu.memref_slice %arg5[%dma_wait3A_117] : memref<600000xi32, #tpu.memory_space<hbm>> -> memref<600000xi32, #tpu.memory_space<hbm>>
    tpu.wait_indirect_dma semaphore(%arg21 : memref<!tpu.dma_semaphore, #tpu.memory_space<semaphore_mem>>) src(%dma_wait3A_118 : memref<600000xi32, #tpu.memory_space<hbm>>) dst(%arg16 : memref<480xi32, #tpu.memory_space<vmem>>)
    %dma_start3A_119 = arith.constant 0 : i32
    %dma_start3A_120 = arith.constant 0 : i32
    %dma_start3A_121 = tpu.memref_slice %arg7[%dma_start3A_119, %dma_start3A_120] : memref<50000x64xf32, #tpu.memory_space<hbm>> -> memref<50000x64xf32, #tpu.memory_space<hbm>>
    tpu.enqueue_indirect_dma source(%dma_start3A_121 : memref<50000x64xf32, #tpu.memory_space<hbm>>) target(%arg17 : memref<480x64xf32, #tpu.memory_space<vmem>>) offsets(%arg16 : memref<480xi32, #tpu.memory_space<vmem>>) semaphore(%arg21 : memref<!tpu.dma_semaphore, #tpu.memory_space<semaphore_mem>>)
    %dma_wait3A_122 = arith.constant 0 : i32
    %dma_wait3A_123 = arith.constant 0 : i32
    %dma_wait3A_124 = tpu.memref_slice %arg7[%dma_wait3A_122, %dma_wait3A_123] : memref<50000x64xf32, #tpu.memory_space<hbm>> -> memref<50000x64xf32, #tpu.memory_space<hbm>>
    tpu.wait_indirect_dma semaphore(%arg20 : memref<!tpu.dma_semaphore, #tpu.memory_space<semaphore_mem>>) src(%dma_wait3A_124 : memref<50000x64xf32, #tpu.memory_space<hbm>>) dst(%arg13 : memref<40x64xf32, #tpu.memory_space<vmem>>)
    "tpu.region"() ({
      %run_scoped3A = tpu.sem_alloc : memref<!tpu.dma_semaphore, #tpu.memory_space<semaphore_mem>>
      %dma_start3A_171 = arith.constant 0 : i32
      %dma_start3A_172 = tpu.memref_slice %arg8[%add3A_104, %dma_start3A_171] : memref<6400x64xf32, #tpu.memory_space<hbm>> -> memref<40x64xf32, #tpu.memory_space<hbm>>
      %dma_start3A_173 = arith.constant 0 : i32
      %dma_start3A_174 = tpu.memref_slice %arg8[%add3A_104, %dma_start3A_173] : memref<6400x64xf32, #tpu.memory_space<hbm>> -> memref<40x64xf32, #tpu.memory_space<hbm>>
      tpu.enqueue_dma source(%arg13 : memref<40x64xf32, #tpu.memory_space<vmem>>) target(%dma_start3A_174 : memref<40x64xf32, #tpu.memory_space<hbm>>) target_semaphore(%run_scoped3A : memref<!tpu.dma_semaphore, #tpu.memory_space<semaphore_mem>>)
      %dma_wait3A_175 = arith.constant 0 : i32
      %dma_wait3A_176 = tpu.memref_slice %arg8[%add3A_104, %dma_wait3A_175] : memref<6400x64xf32, #tpu.memory_space<hbm>> -> memref<40x64xf32, #tpu.memory_space<hbm>>
      %dma_wait3A_177 = arith.constant 0 : i32
      %dma_wait3A_178 = tpu.memref_slice %arg8[%add3A_104, %dma_wait3A_177] : memref<6400x64xf32, #tpu.memory_space<hbm>> -> memref<40x64xf32, #tpu.memory_space<hbm>>
      tpu.wait_dma2 semaphore(%run_scoped3A : memref<!tpu.dma_semaphore, #tpu.memory_space<semaphore_mem>>) src(%arg13 : memref<40x64xf32, #tpu.memory_space<vmem>>) dst(%dma_wait3A_178 : memref<40x64xf32, #tpu.memory_space<hbm>>)
      tpu.yield
    }) : () -> ()
    %dma_wait3A_125 = arith.constant 0 : i32
    %dma_wait3A_126 = tpu.memref_slice %arg6[%dma_wait3A_125] : memref<600000xf32, #tpu.memory_space<hbm>> -> memref<600000xf32, #tpu.memory_space<hbm>>
    tpu.wait_indirect_dma semaphore(%arg22 : memref<!tpu.dma_semaphore, #tpu.memory_space<semaphore_mem>>) src(%dma_wait3A_126 : memref<600000xf32, #tpu.memory_space<hbm>>) dst(%arg15 : memref<480xf32, #tpu.memory_space<vmem>>)
    %mul3A_127 = arith.constant 12 : i32
    %mul3A_128 = arith.muli %add3A_104, %mul3A_127 : i32
    "tpu.region"() ({
      %run_scoped3A = tpu.sem_alloc : memref<!tpu.dma_semaphore, #tpu.memory_space<semaphore_mem>>
      %dma_start3A_171 = tpu.memref_slice %arg9[%mul3A_128] : memref<76800xf32, #tpu.memory_space<hbm>> -> memref<480xf32, #tpu.memory_space<hbm>>
      %dma_start3A_172 = tpu.memref_slice %arg9[%mul3A_128] : memref<76800xf32, #tpu.memory_space<hbm>> -> memref<480xf32, #tpu.memory_space<hbm>>
      tpu.enqueue_dma source(%arg15 : memref<480xf32, #tpu.memory_space<vmem>>) target(%dma_start3A_172 : memref<480xf32, #tpu.memory_space<hbm>>) target_semaphore(%run_scoped3A : memref<!tpu.dma_semaphore, #tpu.memory_space<semaphore_mem>>)
      %dma_wait3A_173 = tpu.memref_slice %arg9[%mul3A_128] : memref<76800xf32, #tpu.memory_space<hbm>> -> memref<480xf32, #tpu.memory_space<hbm>>
      %dma_wait3A_174 = tpu.memref_slice %arg9[%mul3A_128] : memref<76800xf32, #tpu.memory_space<hbm>> -> memref<480xf32, #tpu.memory_space<hbm>>
      tpu.wait_dma2 semaphore(%run_scoped3A : memref<!tpu.dma_semaphore, #tpu.memory_space<semaphore_mem>>) src(%arg15 : memref<480xf32, #tpu.memory_space<vmem>>) dst(%dma_wait3A_174 : memref<480xf32, #tpu.memory_space<hbm>>)
      tpu.yield
    }) : () -> ()
    %dma_wait3A_129 = arith.constant 0 : i32
    %dma_wait3A_130 = arith.constant 0 : i32
    %dma_wait3A_131 = tpu.memref_slice %arg7[%dma_wait3A_129, %dma_wait3A_130] : memref<50000x64xf32, #tpu.memory_space<hbm>> -> memref<50000x64xf32, #tpu.memory_space<hbm>>
    tpu.wait_indirect_dma semaphore(%arg23 : memref<!tpu.dma_semaphore, #tpu.memory_space<semaphore_mem>>) src(%dma_wait3A_131 : memref<50000x64xf32, #tpu.memory_space<hbm>>) dst(%arg19 : memref<40x64xf32, #tpu.memory_space<vmem>>)
    "tpu.region"() ({
      %run_scoped3A = tpu.sem_alloc : memref<!tpu.dma_semaphore, #tpu.memory_space<semaphore_mem>>
      %dma_start3A_171 = arith.constant 0 : i32
      %dma_start3A_172 = tpu.memref_slice %arg10[%add3A_104, %dma_start3A_171] : memref<6400x64xf32, #tpu.memory_space<hbm>> -> memref<40x64xf32, #tpu.memory_space<hbm>>
      %dma_start3A_173 = arith.constant 0 : i32
      %dma_start3A_174 = tpu.memref_slice %arg10[%add3A_104, %dma_start3A_173] : memref<6400x64xf32, #tpu.memory_space<hbm>> -> memref<40x64xf32, #tpu.memory_space<hbm>>
      tpu.enqueue_dma source(%arg19 : memref<40x64xf32, #tpu.memory_space<vmem>>) target(%dma_start3A_174 : memref<40x64xf32, #tpu.memory_space<hbm>>) target_semaphore(%run_scoped3A : memref<!tpu.dma_semaphore, #tpu.memory_space<semaphore_mem>>)
      %dma_wait3A_175 = arith.constant 0 : i32
      %dma_wait3A_176 = tpu.memref_slice %arg10[%add3A_104, %dma_wait3A_175] : memref<6400x64xf32, #tpu.memory_space<hbm>> -> memref<40x64xf32, #tpu.memory_space<hbm>>
      %dma_wait3A_177 = arith.constant 0 : i32
      %dma_wait3A_178 = tpu.memref_slice %arg10[%add3A_104, %dma_wait3A_177] : memref<6400x64xf32, #tpu.memory_space<hbm>> -> memref<40x64xf32, #tpu.memory_space<hbm>>
      tpu.wait_dma2 semaphore(%run_scoped3A : memref<!tpu.dma_semaphore, #tpu.memory_space<semaphore_mem>>) src(%arg19 : memref<40x64xf32, #tpu.memory_space<vmem>>) dst(%dma_wait3A_178 : memref<40x64xf32, #tpu.memory_space<hbm>>)
      tpu.yield
    }) : () -> ()
    %dma_wait3A_132 = arith.constant 0 : i32
    %dma_wait3A_133 = arith.constant 0 : i32
    %dma_wait3A_134 = tpu.memref_slice %arg7[%dma_wait3A_132, %dma_wait3A_133] : memref<50000x64xf32, #tpu.memory_space<hbm>> -> memref<50000x64xf32, #tpu.memory_space<hbm>>
    tpu.wait_indirect_dma semaphore(%arg21 : memref<!tpu.dma_semaphore, #tpu.memory_space<semaphore_mem>>) src(%dma_wait3A_134 : memref<50000x64xf32, #tpu.memory_space<hbm>>) dst(%arg17 : memref<480x64xf32, #tpu.memory_space<vmem>>)
    %mul3A_135 = arith.constant 12 : i32
    %mul3A_136 = arith.muli %add3A_104, %mul3A_135 : i32
    "tpu.region"() ({
      %run_scoped3A = tpu.sem_alloc : memref<!tpu.dma_semaphore, #tpu.memory_space<semaphore_mem>>
      %dma_start3A_171 = arith.constant 0 : i32
      %dma_start3A_172 = tpu.memref_slice %arg11[%mul3A_136, %dma_start3A_171] : memref<76800x64xf32, #tpu.memory_space<hbm>> -> memref<480x64xf32, #tpu.memory_space<hbm>>
      %dma_start3A_173 = arith.constant 0 : i32
      %dma_start3A_174 = tpu.memref_slice %arg11[%mul3A_136, %dma_start3A_173] : memref<76800x64xf32, #tpu.memory_space<hbm>> -> memref<480x64xf32, #tpu.memory_space<hbm>>
      tpu.enqueue_dma source(%arg17 : memref<480x64xf32, #tpu.memory_space<vmem>>) target(%dma_start3A_174 : memref<480x64xf32, #tpu.memory_space<hbm>>) target_semaphore(%run_scoped3A : memref<!tpu.dma_semaphore, #tpu.memory_space<semaphore_mem>>)
      %dma_wait3A_175 = arith.constant 0 : i32
      %dma_wait3A_176 = tpu.memref_slice %arg11[%mul3A_136, %dma_wait3A_175] : memref<76800x64xf32, #tpu.memory_space<hbm>> -> memref<480x64xf32, #tpu.memory_space<hbm>>
      %dma_wait3A_177 = arith.constant 0 : i32
      %dma_wait3A_178 = tpu.memref_slice %arg11[%mul3A_136, %dma_wait3A_177] : memref<76800x64xf32, #tpu.memory_space<hbm>> -> memref<480x64xf32, #tpu.memory_space<hbm>>
      tpu.wait_dma2 semaphore(%run_scoped3A : memref<!tpu.dma_semaphore, #tpu.memory_space<semaphore_mem>>) src(%arg17 : memref<480x64xf32, #tpu.memory_space<vmem>>) dst(%dma_wait3A_178 : memref<480x64xf32, #tpu.memory_space<hbm>>)
      tpu.yield
    }) : () -> ()
    %add3A_137 = arith.constant 160 : i32
    %add3A_138 = arith.addi %mul3A_2, %add3A_137 : i32
    "tpu.region"() ({
      %run_scoped3A = tpu.sem_alloc : memref<!tpu.dma_semaphore, #tpu.memory_space<semaphore_mem>>
      %dma_start3A_171 = tpu.memref_slice %arg2[%add3A_138] : memref<6400xi32, #tpu.memory_space<hbm>> -> memref<40xi32, #tpu.memory_space<hbm>>
      %dma_start3A_172 = tpu.memref_slice %arg2[%add3A_138] : memref<6400xi32, #tpu.memory_space<hbm>> -> memref<40xi32, #tpu.memory_space<hbm>>
      tpu.enqueue_dma source(%dma_start3A_172 : memref<40xi32, #tpu.memory_space<hbm>>) target(%arg12 : memref<40xi32, #tpu.memory_space<vmem>>) target_semaphore(%run_scoped3A : memref<!tpu.dma_semaphore, #tpu.memory_space<semaphore_mem>>)
      %dma_wait3A_173 = tpu.memref_slice %arg2[%add3A_138] : memref<6400xi32, #tpu.memory_space<hbm>> -> memref<40xi32, #tpu.memory_space<hbm>>
      %dma_wait3A_174 = tpu.memref_slice %arg2[%add3A_138] : memref<6400xi32, #tpu.memory_space<hbm>> -> memref<40xi32, #tpu.memory_space<hbm>>
      tpu.wait_dma2 semaphore(%run_scoped3A : memref<!tpu.dma_semaphore, #tpu.memory_space<semaphore_mem>>) src(%dma_wait3A_174 : memref<40xi32, #tpu.memory_space<hbm>>) dst(%arg12 : memref<40xi32, #tpu.memory_space<vmem>>)
      tpu.yield
    }) : () -> ()
    "tpu.region"() ({
      %run_scoped3A = tpu.sem_alloc : memref<!tpu.dma_semaphore, #tpu.memory_space<semaphore_mem>>
      %dma_start3A_171 = tpu.memref_slice %arg3[%add3A_138] : memref<6400xi32, #tpu.memory_space<hbm>> -> memref<40xi32, #tpu.memory_space<hbm>>
      %dma_start3A_172 = tpu.memref_slice %arg3[%add3A_138] : memref<6400xi32, #tpu.memory_space<hbm>> -> memref<40xi32, #tpu.memory_space<hbm>>
      tpu.enqueue_dma source(%dma_start3A_172 : memref<40xi32, #tpu.memory_space<hbm>>) target(%arg18 : memref<40xi32, #tpu.memory_space<vmem>>) target_semaphore(%run_scoped3A : memref<!tpu.dma_semaphore, #tpu.memory_space<semaphore_mem>>)
      %dma_wait3A_173 = tpu.memref_slice %arg3[%add3A_138] : memref<6400xi32, #tpu.memory_space<hbm>> -> memref<40xi32, #tpu.memory_space<hbm>>
      %dma_wait3A_174 = tpu.memref_slice %arg3[%add3A_138] : memref<6400xi32, #tpu.memory_space<hbm>> -> memref<40xi32, #tpu.memory_space<hbm>>
      tpu.wait_dma2 semaphore(%run_scoped3A : memref<!tpu.dma_semaphore, #tpu.memory_space<semaphore_mem>>) src(%dma_wait3A_174 : memref<40xi32, #tpu.memory_space<hbm>>) dst(%arg18 : memref<40xi32, #tpu.memory_space<vmem>>)
      tpu.yield
    }) : () -> ()
    %mul3A_139 = arith.constant 12 : i32
    %mul3A_140 = arith.muli %add3A_138, %mul3A_139 : i32
    "tpu.region"() ({
      %run_scoped3A = tpu.sem_alloc : memref<!tpu.dma_semaphore, #tpu.memory_space<semaphore_mem>>
      %dma_start3A_171 = tpu.memref_slice %arg4[%mul3A_140] : memref<76800xi32, #tpu.memory_space<hbm>> -> memref<480xi32, #tpu.memory_space<hbm>>
      %dma_start3A_172 = tpu.memref_slice %arg4[%mul3A_140] : memref<76800xi32, #tpu.memory_space<hbm>> -> memref<480xi32, #tpu.memory_space<hbm>>
      tpu.enqueue_dma source(%dma_start3A_172 : memref<480xi32, #tpu.memory_space<hbm>>) target(%arg14 : memref<480xi32, #tpu.memory_space<vmem>>) target_semaphore(%run_scoped3A : memref<!tpu.dma_semaphore, #tpu.memory_space<semaphore_mem>>)
      %dma_wait3A_173 = tpu.memref_slice %arg4[%mul3A_140] : memref<76800xi32, #tpu.memory_space<hbm>> -> memref<480xi32, #tpu.memory_space<hbm>>
      %dma_wait3A_174 = tpu.memref_slice %arg4[%mul3A_140] : memref<76800xi32, #tpu.memory_space<hbm>> -> memref<480xi32, #tpu.memory_space<hbm>>
      tpu.wait_dma2 semaphore(%run_scoped3A : memref<!tpu.dma_semaphore, #tpu.memory_space<semaphore_mem>>) src(%dma_wait3A_174 : memref<480xi32, #tpu.memory_space<hbm>>) dst(%arg14 : memref<480xi32, #tpu.memory_space<vmem>>)
      tpu.yield
    }) : () -> ()
    %dma_start3A_141 = arith.constant 0 : i32
    %dma_start3A_142 = tpu.memref_slice %arg5[%dma_start3A_141] : memref<600000xi32, #tpu.memory_space<hbm>> -> memref<600000xi32, #tpu.memory_space<hbm>>
    tpu.enqueue_indirect_dma source(%dma_start3A_142 : memref<600000xi32, #tpu.memory_space<hbm>>) target(%arg16 : memref<480xi32, #tpu.memory_space<vmem>>) offsets(%arg14 : memref<480xi32, #tpu.memory_space<vmem>>) semaphore(%arg21 : memref<!tpu.dma_semaphore, #tpu.memory_space<semaphore_mem>>)
    %dma_start3A_143 = arith.constant 0 : i32
    %dma_start3A_144 = arith.constant 0 : i32
    %dma_start3A_145 = tpu.memref_slice %arg7[%dma_start3A_143, %dma_start3A_144] : memref<50000x64xf32, #tpu.memory_space<hbm>> -> memref<50000x64xf32, #tpu.memory_space<hbm>>
    tpu.enqueue_indirect_dma source(%dma_start3A_145 : memref<50000x64xf32, #tpu.memory_space<hbm>>) target(%arg13 : memref<40x64xf32, #tpu.memory_space<vmem>>) offsets(%arg12 : memref<40xi32, #tpu.memory_space<vmem>>) semaphore(%arg20 : memref<!tpu.dma_semaphore, #tpu.memory_space<semaphore_mem>>)
    %dma_start3A_146 = arith.constant 0 : i32
    %dma_start3A_147 = tpu.memref_slice %arg6[%dma_start3A_146] : memref<600000xf32, #tpu.memory_space<hbm>> -> memref<600000xf32, #tpu.memory_space<hbm>>
    tpu.enqueue_indirect_dma source(%dma_start3A_147 : memref<600000xf32, #tpu.memory_space<hbm>>) target(%arg15 : memref<480xf32, #tpu.memory_space<vmem>>) offsets(%arg14 : memref<480xi32, #tpu.memory_space<vmem>>) semaphore(%arg22 : memref<!tpu.dma_semaphore, #tpu.memory_space<semaphore_mem>>)
    %dma_start3A_148 = arith.constant 0 : i32
    %dma_start3A_149 = arith.constant 0 : i32
    %dma_start3A_150 = tpu.memref_slice %arg7[%dma_start3A_148, %dma_start3A_149] : memref<50000x64xf32, #tpu.memory_space<hbm>> -> memref<50000x64xf32, #tpu.memory_space<hbm>>
    tpu.enqueue_indirect_dma source(%dma_start3A_150 : memref<50000x64xf32, #tpu.memory_space<hbm>>) target(%arg19 : memref<40x64xf32, #tpu.memory_space<vmem>>) offsets(%arg18 : memref<40xi32, #tpu.memory_space<vmem>>) semaphore(%arg23 : memref<!tpu.dma_semaphore, #tpu.memory_space<semaphore_mem>>)
    %dma_wait3A_151 = arith.constant 0 : i32
    %dma_wait3A_152 = tpu.memref_slice %arg5[%dma_wait3A_151] : memref<600000xi32, #tpu.memory_space<hbm>> -> memref<600000xi32, #tpu.memory_space<hbm>>
    tpu.wait_indirect_dma semaphore(%arg21 : memref<!tpu.dma_semaphore, #tpu.memory_space<semaphore_mem>>) src(%dma_wait3A_152 : memref<600000xi32, #tpu.memory_space<hbm>>) dst(%arg16 : memref<480xi32, #tpu.memory_space<vmem>>)
    %dma_start3A_153 = arith.constant 0 : i32
    %dma_start3A_154 = arith.constant 0 : i32
    %dma_start3A_155 = tpu.memref_slice %arg7[%dma_start3A_153, %dma_start3A_154] : memref<50000x64xf32, #tpu.memory_space<hbm>> -> memref<50000x64xf32, #tpu.memory_space<hbm>>
    tpu.enqueue_indirect_dma source(%dma_start3A_155 : memref<50000x64xf32, #tpu.memory_space<hbm>>) target(%arg17 : memref<480x64xf32, #tpu.memory_space<vmem>>) offsets(%arg16 : memref<480xi32, #tpu.memory_space<vmem>>) semaphore(%arg21 : memref<!tpu.dma_semaphore, #tpu.memory_space<semaphore_mem>>)
    %dma_wait3A_156 = arith.constant 0 : i32
    %dma_wait3A_157 = arith.constant 0 : i32
    %dma_wait3A_158 = tpu.memref_slice %arg7[%dma_wait3A_156, %dma_wait3A_157] : memref<50000x64xf32, #tpu.memory_space<hbm>> -> memref<50000x64xf32, #tpu.memory_space<hbm>>
    tpu.wait_indirect_dma semaphore(%arg20 : memref<!tpu.dma_semaphore, #tpu.memory_space<semaphore_mem>>) src(%dma_wait3A_158 : memref<50000x64xf32, #tpu.memory_space<hbm>>) dst(%arg13 : memref<40x64xf32, #tpu.memory_space<vmem>>)
    "tpu.region"() ({
      %run_scoped3A = tpu.sem_alloc : memref<!tpu.dma_semaphore, #tpu.memory_space<semaphore_mem>>
      %dma_start3A_171 = arith.constant 0 : i32
      %dma_start3A_172 = tpu.memref_slice %arg8[%add3A_138, %dma_start3A_171] : memref<6400x64xf32, #tpu.memory_space<hbm>> -> memref<40x64xf32, #tpu.memory_space<hbm>>
      %dma_start3A_173 = arith.constant 0 : i32
      %dma_start3A_174 = tpu.memref_slice %arg8[%add3A_138, %dma_start3A_173] : memref<6400x64xf32, #tpu.memory_space<hbm>> -> memref<40x64xf32, #tpu.memory_space<hbm>>
      tpu.enqueue_dma source(%arg13 : memref<40x64xf32, #tpu.memory_space<vmem>>) target(%dma_start3A_174 : memref<40x64xf32, #tpu.memory_space<hbm>>) target_semaphore(%run_scoped3A : memref<!tpu.dma_semaphore, #tpu.memory_space<semaphore_mem>>)
      %dma_wait3A_175 = arith.constant 0 : i32
      %dma_wait3A_176 = tpu.memref_slice %arg8[%add3A_138, %dma_wait3A_175] : memref<6400x64xf32, #tpu.memory_space<hbm>> -> memref<40x64xf32, #tpu.memory_space<hbm>>
      %dma_wait3A_177 = arith.constant 0 : i32
      %dma_wait3A_178 = tpu.memref_slice %arg8[%add3A_138, %dma_wait3A_177] : memref<6400x64xf32, #tpu.memory_space<hbm>> -> memref<40x64xf32, #tpu.memory_space<hbm>>
      tpu.wait_dma2 semaphore(%run_scoped3A : memref<!tpu.dma_semaphore, #tpu.memory_space<semaphore_mem>>) src(%arg13 : memref<40x64xf32, #tpu.memory_space<vmem>>) dst(%dma_wait3A_178 : memref<40x64xf32, #tpu.memory_space<hbm>>)
      tpu.yield
    }) : () -> ()
    %dma_wait3A_159 = arith.constant 0 : i32
    %dma_wait3A_160 = tpu.memref_slice %arg6[%dma_wait3A_159] : memref<600000xf32, #tpu.memory_space<hbm>> -> memref<600000xf32, #tpu.memory_space<hbm>>
    tpu.wait_indirect_dma semaphore(%arg22 : memref<!tpu.dma_semaphore, #tpu.memory_space<semaphore_mem>>) src(%dma_wait3A_160 : memref<600000xf32, #tpu.memory_space<hbm>>) dst(%arg15 : memref<480xf32, #tpu.memory_space<vmem>>)
    %mul3A_161 = arith.constant 12 : i32
    %mul3A_162 = arith.muli %add3A_138, %mul3A_161 : i32
    "tpu.region"() ({
      %run_scoped3A = tpu.sem_alloc : memref<!tpu.dma_semaphore, #tpu.memory_space<semaphore_mem>>
      %dma_start3A_171 = tpu.memref_slice %arg9[%mul3A_162] : memref<76800xf32, #tpu.memory_space<hbm>> -> memref<480xf32, #tpu.memory_space<hbm>>
      %dma_start3A_172 = tpu.memref_slice %arg9[%mul3A_162] : memref<76800xf32, #tpu.memory_space<hbm>> -> memref<480xf32, #tpu.memory_space<hbm>>
      tpu.enqueue_dma source(%arg15 : memref<480xf32, #tpu.memory_space<vmem>>) target(%dma_start3A_172 : memref<480xf32, #tpu.memory_space<hbm>>) target_semaphore(%run_scoped3A : memref<!tpu.dma_semaphore, #tpu.memory_space<semaphore_mem>>)
      %dma_wait3A_173 = tpu.memref_slice %arg9[%mul3A_162] : memref<76800xf32, #tpu.memory_space<hbm>> -> memref<480xf32, #tpu.memory_space<hbm>>
      %dma_wait3A_174 = tpu.memref_slice %arg9[%mul3A_162] : memref<76800xf32, #tpu.memory_space<hbm>> -> memref<480xf32, #tpu.memory_space<hbm>>
      tpu.wait_dma2 semaphore(%run_scoped3A : memref<!tpu.dma_semaphore, #tpu.memory_space<semaphore_mem>>) src(%arg15 : memref<480xf32, #tpu.memory_space<vmem>>) dst(%dma_wait3A_174 : memref<480xf32, #tpu.memory_space<hbm>>)
      tpu.yield
    }) : () -> ()
    %dma_wait3A_163 = arith.constant 0 : i32
    %dma_wait3A_164 = arith.constant 0 : i32
    %dma_wait3A_165 = tpu.memref_slice %arg7[%dma_wait3A_163, %dma_wait3A_164] : memref<50000x64xf32, #tpu.memory_space<hbm>> -> memref<50000x64xf32, #tpu.memory_space<hbm>>
    tpu.wait_indirect_dma semaphore(%arg23 : memref<!tpu.dma_semaphore, #tpu.memory_space<semaphore_mem>>) src(%dma_wait3A_165 : memref<50000x64xf32, #tpu.memory_space<hbm>>) dst(%arg19 : memref<40x64xf32, #tpu.memory_space<vmem>>)
    "tpu.region"() ({
      %run_scoped3A = tpu.sem_alloc : memref<!tpu.dma_semaphore, #tpu.memory_space<semaphore_mem>>
      %dma_start3A_171 = arith.constant 0 : i32
      %dma_start3A_172 = tpu.memref_slice %arg10[%add3A_138, %dma_start3A_171] : memref<6400x64xf32, #tpu.memory_space<hbm>> -> memref<40x64xf32, #tpu.memory_space<hbm>>
      %dma_start3A_173 = arith.constant 0 : i32
      %dma_start3A_174 = tpu.memref_slice %arg10[%add3A_138, %dma_start3A_173] : memref<6400x64xf32, #tpu.memory_space<hbm>> -> memref<40x64xf32, #tpu.memory_space<hbm>>
      tpu.enqueue_dma source(%arg19 : memref<40x64xf32, #tpu.memory_space<vmem>>) target(%dma_start3A_174 : memref<40x64xf32, #tpu.memory_space<hbm>>) target_semaphore(%run_scoped3A : memref<!tpu.dma_semaphore, #tpu.memory_space<semaphore_mem>>)
      %dma_wait3A_175 = arith.constant 0 : i32
      %dma_wait3A_176 = tpu.memref_slice %arg10[%add3A_138, %dma_wait3A_175] : memref<6400x64xf32, #tpu.memory_space<hbm>> -> memref<40x64xf32, #tpu.memory_space<hbm>>
      %dma_wait3A_177 = arith.constant 0 : i32
      %dma_wait3A_178 = tpu.memref_slice %arg10[%add3A_138, %dma_wait3A_177] : memref<6400x64xf32, #tpu.memory_space<hbm>> -> memref<40x64xf32, #tpu.memory_space<hbm>>
      tpu.wait_dma2 semaphore(%run_scoped3A : memref<!tpu.dma_semaphore, #tpu.memory_space<semaphore_mem>>) src(%arg19 : memref<40x64xf32, #tpu.memory_space<vmem>>) dst(%dma_wait3A_178 : memref<40x64xf32, #tpu.memory_space<hbm>>)
      tpu.yield
    }) : () -> ()
    %dma_wait3A_166 = arith.constant 0 : i32
    %dma_wait3A_167 = arith.constant 0 : i32
    %dma_wait3A_168 = tpu.memref_slice %arg7[%dma_wait3A_166, %dma_wait3A_167] : memref<50000x64xf32, #tpu.memory_space<hbm>> -> memref<50000x64xf32, #tpu.memory_space<hbm>>
    tpu.wait_indirect_dma semaphore(%arg21 : memref<!tpu.dma_semaphore, #tpu.memory_space<semaphore_mem>>) src(%dma_wait3A_168 : memref<50000x64xf32, #tpu.memory_space<hbm>>) dst(%arg17 : memref<480x64xf32, #tpu.memory_space<vmem>>)
    %mul3A_169 = arith.constant 12 : i32
    %mul3A_170 = arith.muli %add3A_138, %mul3A_169 : i32
    "tpu.region"() ({
      %run_scoped3A = tpu.sem_alloc : memref<!tpu.dma_semaphore, #tpu.memory_space<semaphore_mem>>
      %dma_start3A_171 = arith.constant 0 : i32
      %dma_start3A_172 = tpu.memref_slice %arg11[%mul3A_170, %dma_start3A_171] : memref<76800x64xf32, #tpu.memory_space<hbm>> -> memref<480x64xf32, #tpu.memory_space<hbm>>
      %dma_start3A_173 = arith.constant 0 : i32
      %dma_start3A_174 = tpu.memref_slice %arg11[%mul3A_170, %dma_start3A_173] : memref<76800x64xf32, #tpu.memory_space<hbm>> -> memref<480x64xf32, #tpu.memory_space<hbm>>
      tpu.enqueue_dma source(%arg17 : memref<480x64xf32, #tpu.memory_space<vmem>>) target(%dma_start3A_174 : memref<480x64xf32, #tpu.memory_space<hbm>>) target_semaphore(%run_scoped3A : memref<!tpu.dma_semaphore, #tpu.memory_space<semaphore_mem>>)
      %dma_wait3A_175 = arith.constant 0 : i32
      %dma_wait3A_176 = tpu.memref_slice %arg11[%mul3A_170, %dma_wait3A_175] : memref<76800x64xf32, #tpu.memory_space<hbm>> -> memref<480x64xf32, #tpu.memory_space<hbm>>
      %dma_wait3A_177 = arith.constant 0 : i32
      %dma_wait3A_178 = tpu.memref_slice %arg11[%mul3A_170, %dma_wait3A_177] : memref<76800x64xf32, #tpu.memory_space<hbm>> -> memref<480x64xf32, #tpu.memory_space<hbm>>
      tpu.wait_dma2 semaphore(%run_scoped3A : memref<!tpu.dma_semaphore, #tpu.memory_space<semaphore_mem>>) src(%arg17 : memref<480x64xf32, #tpu.memory_space<vmem>>) dst(%dma_wait3A_178 : memref<480x64xf32, #tpu.memory_space<hbm>>)
      tpu.yield
    }) : () -> ()
    return
  }
}

module attributes {stable_mosaic.version = 14 : i64} {
  func.func @_tc_body(%arg0: i32, %arg1: memref<4x50x64xf32, #tpu.memory_space<vmem>>, %arg2: memref<1200x128xf32, #tpu.memory_space<vmem>>, %arg3: memref<4x50x12xf32, #tpu.memory_space<vmem>>, %arg4: memref<4x50x64xf32, #tpu.memory_space<vmem>>, %arg5: memref<4x50x50xi32, #tpu.memory_space<vmem>>, %arg6: memref<4x64xf32, #tpu.memory_space<vmem>>, %arg7: memref<780x768xf32, #tpu.memory_space<vmem>>, %arg8: memref<768x768xf32, #tpu.memory_space<vmem>>, %arg9: memref<768x64xf32, #tpu.memory_space<vmem>>, %arg10: memref<64x64xf32, #tpu.memory_space<vmem>>, %arg11: memref<64x64xf32, #tpu.memory_space<vmem>>, %arg12: memref<1x64xf32, #tpu.memory_space<vmem>>, %arg13: memref<4x50x64xf32, #tpu.memory_space<vmem>>) attributes {dimension_semantics = [#tpu.dimension_semantics<arbitrary>], iteration_bounds = array<i64: 32>, scalar_prefetch = 0 : i64, scratch_operands = 0 : i64, tpu.core_type = #tpu.core_type<tc>, window_params = [{transform_indices = @transform_0, window_bounds = array<i64: 4, 50, 64>}, {transform_indices = @transform_1, window_bounds = array<i64: 1200, 128>}, {transform_indices = @transform_2, window_bounds = array<i64: 4, 50, 12>}, {transform_indices = @transform_3, window_bounds = array<i64: 4, 50, 64>}, {transform_indices = @transform_4, window_bounds = array<i64: 4, 50, 50>}, {pipeline_mode = #tpu.pipeline_mode<synchronous>, transform_indices = @transform_5, window_bounds = array<i64: 4, 64>}, {pipeline_mode = #tpu.pipeline_mode<synchronous>, transform_indices = @transform_6, window_bounds = array<i64: 780, 768>}, {pipeline_mode = #tpu.pipeline_mode<synchronous>, transform_indices = @transform_7, window_bounds = array<i64: 768, 768>}, {pipeline_mode = #tpu.pipeline_mode<synchronous>, transform_indices = @transform_8, window_bounds = array<i64: 768, 64>}, {pipeline_mode = #tpu.pipeline_mode<synchronous>, transform_indices = @transform_9, window_bounds = array<i64: 64, 64>}, {pipeline_mode = #tpu.pipeline_mode<synchronous>, transform_indices = @transform_10, window_bounds = array<i64: 64, 64>}, {pipeline_mode = #tpu.pipeline_mode<synchronous>, transform_indices = @transform_11, window_bounds = array<i64: 1, 64>}, {transform_indices = @transform_12, window_bounds = array<i64: 4, 50, 64>}]} {
    %get3A = arith.constant 0 : index
    %get3A_0 = arith.constant 0 : index
    %get3A_1 = vector.load %arg6[%get3A, %get3A_0] : memref<4x64xf32, #tpu.memory_space<vmem>>, vector<4x64xf32>
    %get3A_2 = arith.constant 0 : index
    %get3A_3 = arith.constant 0 : index
    %get3A_4 = vector.load %arg7[%get3A_2, %get3A_3] : memref<780x768xf32, #tpu.memory_space<vmem>>, vector<780x768xf32>
    %get3A_5 = arith.constant 0 : index
    %get3A_6 = arith.constant 0 : index
    %get3A_7 = vector.load %arg8[%get3A_5, %get3A_6] : memref<768x768xf32, #tpu.memory_space<vmem>>, vector<768x768xf32>
    %get3A_8 = arith.constant 0 : index
    %get3A_9 = arith.constant 0 : index
    %get3A_10 = vector.load %arg9[%get3A_8, %get3A_9] : memref<768x64xf32, #tpu.memory_space<vmem>>, vector<768x64xf32>
    %get3A_11 = arith.constant 0 : index
    %get3A_12 = arith.constant 0 : index
    %get3A_13 = vector.load %arg10[%get3A_11, %get3A_12] : memref<64x64xf32, #tpu.memory_space<vmem>>, vector<64x64xf32>
    %get3A_14 = arith.constant 0 : index
    %get3A_15 = arith.constant 0 : index
    %get3A_16 = vector.load %arg11[%get3A_14, %get3A_15] : memref<64x64xf32, #tpu.memory_space<vmem>>, vector<64x64xf32>
    %get3A_17 = arith.constant 0 : index
    %get3A_18 = arith.constant 0 : index
    %get3A_19 = vector.load %arg12[%get3A_17, %get3A_18] : memref<1x64xf32, #tpu.memory_space<vmem>>, vector<1x64xf32>
    %get3A_20 = arith.constant 0 : index
    %get3A_21 = arith.constant 0 : index
    %get3A_22 = arith.constant 0 : index
    %get3A_23 = vector.load %arg1[%get3A_20, %get3A_21, %get3A_22] : memref<4x50x64xf32, #tpu.memory_space<vmem>>, vector<4x50x64xf32>
    %reshape3A = vector.shape_cast %get3A_23 : vector<4x50x64xf32> to vector<200x64xf32>
    %mul3A = arith.mulf %reshape3A, %reshape3A : vector<200x64xf32>
    %reduce_sum3A = arith.constant dense<0.000000e+00> : vector<200xf32>
    %reduce_sum3A_24 = vector.multi_reduction <add>, %mul3A, %reduce_sum3A [1] : vector<200x64xf32> to vector<200xf32>
    %broadcast_in_dim3A = vector.shape_cast %reduce_sum3A_24 : vector<200xf32> to vector<200x1xf32>
    %sqrt3A = math.sqrt %broadcast_in_dim3A : vector<200x1xf32>
    %max3A = arith.constant 9.99999996E-13 : f32
    %max3A_25 = vector.broadcast %max3A : f32 to vector<200x1xf32>
    %max3A_26 = arith.maximumf %sqrt3A, %max3A_25 : vector<200x1xf32>
    %div3A = vector.broadcast %max3A_26 : vector<200x1xf32> to vector<200x64xf32>
    %div3A_27 = arith.divf %reshape3A, %div3A : vector<200x64xf32>
    %slice3A = vector.extract_strided_slice %get3A_1 {offsets = [0, 0], sizes = [1, 64], strides = [1, 1]} : vector<4x64xf32> to vector<1x64xf32>
    %mul3A_28 = vector.broadcast %slice3A : vector<1x64xf32> to vector<200x64xf32>
    %mul3A_29 = arith.mulf %div3A_27, %mul3A_28 : vector<200x64xf32>
    %dot_general3A = arith.constant dense<0.000000e+00> : vector<200x200xf32>
    %dot_general3A_30 = tpu.matmul %mul3A_29, %div3A_27, %dot_general3A {dimension_numbers = #tpu.dot_dimension_numbers<[1], [1], [0], [0], [0, 0, 1, 0], [], []>, transpose_lhs_hint = false} : vector<200x64xf32>, vector<200x64xf32>, vector<200x200xf32> -> vector<200x200xf32>
    %ge3A = arith.constant 0.000000e+00 : f32
    %ge3A_31 = vector.broadcast %ge3A : f32 to vector<200x200xf32>
    %ge3A_32 = arith.cmpf oge, %dot_general3A_30, %ge3A_31 : vector<200x200xf32>
    %mul3A_33 = arith.constant 2.000000e-01 : f32
    %mul3A_34 = vector.broadcast %mul3A_33 : f32 to vector<200x200xf32>
    %mul3A_35 = arith.mulf %mul3A_34, %dot_general3A_30 : vector<200x200xf32>
    %select_n3A = arith.select %ge3A_32, %dot_general3A_30, %mul3A_35 : vector<200x200xi1>, vector<200x200xf32>
    %slice3A_36 = vector.extract_strided_slice %get3A_1 {offsets = [1, 0], sizes = [1, 64], strides = [1, 1]} : vector<4x64xf32> to vector<1x64xf32>
    %mul3A_37 = vector.broadcast %slice3A_36 : vector<1x64xf32> to vector<200x64xf32>
    %mul3A_38 = arith.mulf %div3A_27, %mul3A_37 : vector<200x64xf32>
    %dot_general3A_39 = arith.constant dense<0.000000e+00> : vector<200x200xf32>
    %dot_general3A_40 = tpu.matmul %mul3A_38, %div3A_27, %dot_general3A_39 {dimension_numbers = #tpu.dot_dimension_numbers<[1], [1], [0], [0], [0, 0, 1, 0], [], []>, transpose_lhs_hint = false} : vector<200x64xf32>, vector<200x64xf32>, vector<200x200xf32> -> vector<200x200xf32>
    %ge3A_41 = arith.constant 0.000000e+00 : f32
    %ge3A_42 = vector.broadcast %ge3A_41 : f32 to vector<200x200xf32>
    %ge3A_43 = arith.cmpf oge, %dot_general3A_40, %ge3A_42 : vector<200x200xf32>
    %mul3A_44 = arith.constant 2.000000e-01 : f32
    %mul3A_45 = vector.broadcast %mul3A_44 : f32 to vector<200x200xf32>
    %mul3A_46 = arith.mulf %mul3A_45, %dot_general3A_40 : vector<200x200xf32>
    %select_n3A_47 = arith.select %ge3A_43, %dot_general3A_40, %mul3A_46 : vector<200x200xi1>, vector<200x200xf32>
    %slice3A_48 = vector.extract_strided_slice %get3A_1 {offsets = [2, 0], sizes = [1, 64], strides = [1, 1]} : vector<4x64xf32> to vector<1x64xf32>
    %mul3A_49 = vector.broadcast %slice3A_48 : vector<1x64xf32> to vector<200x64xf32>
    %mul3A_50 = arith.mulf %div3A_27, %mul3A_49 : vector<200x64xf32>
    %dot_general3A_51 = arith.constant dense<0.000000e+00> : vector<200x200xf32>
    %dot_general3A_52 = tpu.matmul %mul3A_50, %div3A_27, %dot_general3A_51 {dimension_numbers = #tpu.dot_dimension_numbers<[1], [1], [0], [0], [0, 0, 1, 0], [], []>, transpose_lhs_hint = false} : vector<200x64xf32>, vector<200x64xf32>, vector<200x200xf32> -> vector<200x200xf32>
    %ge3A_53 = arith.constant 0.000000e+00 : f32
    %ge3A_54 = vector.broadcast %ge3A_53 : f32 to vector<200x200xf32>
    %ge3A_55 = arith.cmpf oge, %dot_general3A_52, %ge3A_54 : vector<200x200xf32>
    %mul3A_56 = arith.constant 2.000000e-01 : f32
    %mul3A_57 = vector.broadcast %mul3A_56 : f32 to vector<200x200xf32>
    %mul3A_58 = arith.mulf %mul3A_57, %dot_general3A_52 : vector<200x200xf32>
    %select_n3A_59 = arith.select %ge3A_55, %dot_general3A_52, %mul3A_58 : vector<200x200xi1>, vector<200x200xf32>
    %slice3A_60 = vector.extract_strided_slice %get3A_1 {offsets = [3, 0], sizes = [1, 64], strides = [1, 1]} : vector<4x64xf32> to vector<1x64xf32>
    %mul3A_61 = vector.broadcast %slice3A_60 : vector<1x64xf32> to vector<200x64xf32>
    %mul3A_62 = arith.mulf %div3A_27, %mul3A_61 : vector<200x64xf32>
    %dot_general3A_63 = arith.constant dense<0.000000e+00> : vector<200x200xf32>
    %dot_general3A_64 = tpu.matmul %mul3A_62, %div3A_27, %dot_general3A_63 {dimension_numbers = #tpu.dot_dimension_numbers<[1], [1], [0], [0], [0, 0, 1, 0], [], []>, transpose_lhs_hint = false} : vector<200x64xf32>, vector<200x64xf32>, vector<200x200xf32> -> vector<200x200xf32>
    %ge3A_65 = arith.constant 0.000000e+00 : f32
    %ge3A_66 = vector.broadcast %ge3A_65 : f32 to vector<200x200xf32>
    %ge3A_67 = arith.cmpf oge, %dot_general3A_64, %ge3A_66 : vector<200x200xf32>
    %mul3A_68 = arith.constant 2.000000e-01 : f32
    %mul3A_69 = vector.broadcast %mul3A_68 : f32 to vector<200x200xf32>
    %mul3A_70 = arith.mulf %mul3A_69, %dot_general3A_64 : vector<200x200xf32>
    %select_n3A_71 = arith.select %ge3A_67, %dot_general3A_64, %mul3A_70 : vector<200x200xi1>, vector<200x200xf32>
    %get3A_72 = arith.constant 0 : index
    %get3A_73 = arith.constant 0 : index
    %get3A_74 = arith.constant 0 : index
    %get3A_75 = vector.load %arg5[%get3A_72, %get3A_73, %get3A_74] : memref<4x50x50xi32, #tpu.memory_space<vmem>>, vector<1x50x50xi32>
    %get3A_76 = vector.shape_cast %get3A_75 : vector<1x50x50xi32> to vector<50x50xi32>
    %broadcast_in_dim3A_77 = arith.constant -9.000000e+15 : f32
    %broadcast_in_dim3A_78 = vector.broadcast %broadcast_in_dim3A_77 : f32 to vector<50x50xf32>
    %slice3A_79 = vector.extract_strided_slice %select_n3A {offsets = [0, 0], sizes = [50, 50], strides = [1, 1]} : vector<200x200xf32> to vector<50x50xf32>
    %eq3A = arith.constant 1 : i32
    %eq3A_80 = vector.broadcast %eq3A : i32 to vector<50x50xi32>
    %eq3A_81 = arith.cmpi eq, %get3A_76, %eq3A_80 : vector<50x50xi32>
    %select_n3A_82 = arith.select %eq3A_81, %slice3A_79, %broadcast_in_dim3A_78 : vector<50x50xi1>, vector<50x50xf32>
    %slice3A_83 = vector.extract_strided_slice %select_n3A_47 {offsets = [0, 0], sizes = [50, 50], strides = [1, 1]} : vector<200x200xf32> to vector<50x50xf32>
    %eq3A_84 = arith.constant 2 : i32
    %eq3A_85 = vector.broadcast %eq3A_84 : i32 to vector<50x50xi32>
    %eq3A_86 = arith.cmpi eq, %get3A_76, %eq3A_85 : vector<50x50xi32>
    %select_n3A_87 = arith.select %eq3A_86, %slice3A_83, %select_n3A_82 : vector<50x50xi1>, vector<50x50xf32>
    %slice3A_88 = vector.extract_strided_slice %select_n3A_59 {offsets = [0, 0], sizes = [50, 50], strides = [1, 1]} : vector<200x200xf32> to vector<50x50xf32>
    %eq3A_89 = arith.constant 3 : i32
    %eq3A_90 = vector.broadcast %eq3A_89 : i32 to vector<50x50xi32>
    %eq3A_91 = arith.cmpi eq, %get3A_76, %eq3A_90 : vector<50x50xi32>
    %select_n3A_92 = arith.select %eq3A_91, %slice3A_88, %select_n3A_87 : vector<50x50xi1>, vector<50x50xf32>
    %slice3A_93 = vector.extract_strided_slice %select_n3A_71 {offsets = [0, 0], sizes = [50, 50], strides = [1, 1]} : vector<200x200xf32> to vector<50x50xf32>
    %eq3A_94 = arith.constant 4 : i32
    %eq3A_95 = vector.broadcast %eq3A_94 : i32 to vector<50x50xi32>
    %eq3A_96 = arith.cmpi eq, %get3A_76, %eq3A_95 : vector<50x50xi32>
    %select_n3A_97 = arith.select %eq3A_96, %slice3A_93, %select_n3A_92 : vector<50x50xi1>, vector<50x50xf32>
    %broadcast_in_dim3A_98 = arith.constant -1.800000e+16 : f32
    %broadcast_in_dim3A_99 = vector.broadcast %broadcast_in_dim3A_98 : f32 to vector<50x150xf32>
    %concatenate3A = tpu.concatenate %select_n3A_97, %broadcast_in_dim3A_99 in 1 : vector<50x50xf32>, vector<50x150xf32> -> vector<50x200xf32>
    %get3A_100 = arith.constant 1 : index
    %get3A_101 = arith.constant 0 : index
    %get3A_102 = arith.constant 0 : index
    %get3A_103 = vector.load %arg5[%get3A_100, %get3A_101, %get3A_102] : memref<4x50x50xi32, #tpu.memory_space<vmem>>, vector<1x50x50xi32>
    %get3A_104 = vector.shape_cast %get3A_103 : vector<1x50x50xi32> to vector<50x50xi32>
    %broadcast_in_dim3A_105 = arith.constant -9.000000e+15 : f32
    %broadcast_in_dim3A_106 = vector.broadcast %broadcast_in_dim3A_105 : f32 to vector<50x50xf32>
    %slice3A_107 = vector.extract_strided_slice %select_n3A {offsets = [50, 50], sizes = [50, 50], strides = [1, 1]} : vector<200x200xf32> to vector<50x50xf32>
    %eq3A_108 = arith.constant 1 : i32
    %eq3A_109 = vector.broadcast %eq3A_108 : i32 to vector<50x50xi32>
    %eq3A_110 = arith.cmpi eq, %get3A_104, %eq3A_109 : vector<50x50xi32>
    %select_n3A_111 = arith.select %eq3A_110, %slice3A_107, %broadcast_in_dim3A_106 : vector<50x50xi1>, vector<50x50xf32>
    %slice3A_112 = vector.extract_strided_slice %select_n3A_47 {offsets = [50, 50], sizes = [50, 50], strides = [1, 1]} : vector<200x200xf32> to vector<50x50xf32>
    %eq3A_113 = arith.constant 2 : i32
    %eq3A_114 = vector.broadcast %eq3A_113 : i32 to vector<50x50xi32>
    %eq3A_115 = arith.cmpi eq, %get3A_104, %eq3A_114 : vector<50x50xi32>
    %select_n3A_116 = arith.select %eq3A_115, %slice3A_112, %select_n3A_111 : vector<50x50xi1>, vector<50x50xf32>
    %slice3A_117 = vector.extract_strided_slice %select_n3A_59 {offsets = [50, 50], sizes = [50, 50], strides = [1, 1]} : vector<200x200xf32> to vector<50x50xf32>
    %eq3A_118 = arith.constant 3 : i32
    %eq3A_119 = vector.broadcast %eq3A_118 : i32 to vector<50x50xi32>
    %eq3A_120 = arith.cmpi eq, %get3A_104, %eq3A_119 : vector<50x50xi32>
    %select_n3A_121 = arith.select %eq3A_120, %slice3A_117, %select_n3A_116 : vector<50x50xi1>, vector<50x50xf32>
    %slice3A_122 = vector.extract_strided_slice %select_n3A_71 {offsets = [50, 50], sizes = [50, 50], strides = [1, 1]} : vector<200x200xf32> to vector<50x50xf32>
    %eq3A_123 = arith.constant 4 : i32
    %eq3A_124 = vector.broadcast %eq3A_123 : i32 to vector<50x50xi32>
    %eq3A_125 = arith.cmpi eq, %get3A_104, %eq3A_124 : vector<50x50xi32>
    %select_n3A_126 = arith.select %eq3A_125, %slice3A_122, %select_n3A_121 : vector<50x50xi1>, vector<50x50xf32>
    %broadcast_in_dim3A_127 = arith.constant -1.800000e+16 : f32
    %broadcast_in_dim3A_128 = vector.broadcast %broadcast_in_dim3A_127 : f32 to vector<50x50xf32>
    %broadcast_in_dim3A_129 = arith.constant -1.800000e+16 : f32
    %broadcast_in_dim3A_130 = vector.broadcast %broadcast_in_dim3A_129 : f32 to vector<50x100xf32>
    %concatenate3A_131 = tpu.concatenate %broadcast_in_dim3A_128, %select_n3A_126, %broadcast_in_dim3A_130 in 1 : vector<50x50xf32>, vector<50x50xf32>, vector<50x100xf32> -> vector<50x200xf32>
    %get3A_132 = arith.constant 2 : index
    %get3A_133 = arith.constant 0 : index
    %get3A_134 = arith.constant 0 : index
    %get3A_135 = vector.load %arg5[%get3A_132, %get3A_133, %get3A_134] : memref<4x50x50xi32, #tpu.memory_space<vmem>>, vector<1x50x50xi32>
    %get3A_136 = vector.shape_cast %get3A_135 : vector<1x50x50xi32> to vector<50x50xi32>
    %broadcast_in_dim3A_137 = arith.constant -9.000000e+15 : f32
    %broadcast_in_dim3A_138 = vector.broadcast %broadcast_in_dim3A_137 : f32 to vector<50x50xf32>
    %slice3A_139 = vector.extract_strided_slice %select_n3A {offsets = [100, 100], sizes = [50, 50], strides = [1, 1]} : vector<200x200xf32> to vector<50x50xf32>
    %eq3A_140 = arith.constant 1 : i32
    %eq3A_141 = vector.broadcast %eq3A_140 : i32 to vector<50x50xi32>
    %eq3A_142 = arith.cmpi eq, %get3A_136, %eq3A_141 : vector<50x50xi32>
    %select_n3A_143 = arith.select %eq3A_142, %slice3A_139, %broadcast_in_dim3A_138 : vector<50x50xi1>, vector<50x50xf32>
    %slice3A_144 = vector.extract_strided_slice %select_n3A_47 {offsets = [100, 100], sizes = [50, 50], strides = [1, 1]} : vector<200x200xf32> to vector<50x50xf32>
    %eq3A_145 = arith.constant 2 : i32
    %eq3A_146 = vector.broadcast %eq3A_145 : i32 to vector<50x50xi32>
    %eq3A_147 = arith.cmpi eq, %get3A_136, %eq3A_146 : vector<50x50xi32>
    %select_n3A_148 = arith.select %eq3A_147, %slice3A_144, %select_n3A_143 : vector<50x50xi1>, vector<50x50xf32>
    %slice3A_149 = vector.extract_strided_slice %select_n3A_59 {offsets = [100, 100], sizes = [50, 50], strides = [1, 1]} : vector<200x200xf32> to vector<50x50xf32>
    %eq3A_150 = arith.constant 3 : i32
    %eq3A_151 = vector.broadcast %eq3A_150 : i32 to vector<50x50xi32>
    %eq3A_152 = arith.cmpi eq, %get3A_136, %eq3A_151 : vector<50x50xi32>
    %select_n3A_153 = arith.select %eq3A_152, %slice3A_149, %select_n3A_148 : vector<50x50xi1>, vector<50x50xf32>
    %slice3A_154 = vector.extract_strided_slice %select_n3A_71 {offsets = [100, 100], sizes = [50, 50], strides = [1, 1]} : vector<200x200xf32> to vector<50x50xf32>
    %eq3A_155 = arith.constant 4 : i32
    %eq3A_156 = vector.broadcast %eq3A_155 : i32 to vector<50x50xi32>
    %eq3A_157 = arith.cmpi eq, %get3A_136, %eq3A_156 : vector<50x50xi32>
    %select_n3A_158 = arith.select %eq3A_157, %slice3A_154, %select_n3A_153 : vector<50x50xi1>, vector<50x50xf32>
    %broadcast_in_dim3A_159 = arith.constant -1.800000e+16 : f32
    %broadcast_in_dim3A_160 = vector.broadcast %broadcast_in_dim3A_159 : f32 to vector<50x100xf32>
    %broadcast_in_dim3A_161 = arith.constant -1.800000e+16 : f32
    %broadcast_in_dim3A_162 = vector.broadcast %broadcast_in_dim3A_161 : f32 to vector<50x50xf32>
    %concatenate3A_163 = tpu.concatenate %broadcast_in_dim3A_160, %select_n3A_158, %broadcast_in_dim3A_162 in 1 : vector<50x100xf32>, vector<50x50xf32>, vector<50x50xf32> -> vector<50x200xf32>
    %get3A_164 = arith.constant 3 : index
    %get3A_165 = arith.constant 0 : index
    %get3A_166 = arith.constant 0 : index
    %get3A_167 = vector.load %arg5[%get3A_164, %get3A_165, %get3A_166] : memref<4x50x50xi32, #tpu.memory_space<vmem>>, vector<1x50x50xi32>
    %get3A_168 = vector.shape_cast %get3A_167 : vector<1x50x50xi32> to vector<50x50xi32>
    %broadcast_in_dim3A_169 = arith.constant -9.000000e+15 : f32
    %broadcast_in_dim3A_170 = vector.broadcast %broadcast_in_dim3A_169 : f32 to vector<50x50xf32>
    %slice3A_171 = vector.extract_strided_slice %select_n3A {offsets = [150, 150], sizes = [50, 50], strides = [1, 1]} : vector<200x200xf32> to vector<50x50xf32>
    %eq3A_172 = arith.constant 1 : i32
    %eq3A_173 = vector.broadcast %eq3A_172 : i32 to vector<50x50xi32>
    %eq3A_174 = arith.cmpi eq, %get3A_168, %eq3A_173 : vector<50x50xi32>
    %select_n3A_175 = arith.select %eq3A_174, %slice3A_171, %broadcast_in_dim3A_170 : vector<50x50xi1>, vector<50x50xf32>
    %slice3A_176 = vector.extract_strided_slice %select_n3A_47 {offsets = [150, 150], sizes = [50, 50], strides = [1, 1]} : vector<200x200xf32> to vector<50x50xf32>
    %eq3A_177 = arith.constant 2 : i32
    %eq3A_178 = vector.broadcast %eq3A_177 : i32 to vector<50x50xi32>
    %eq3A_179 = arith.cmpi eq, %get3A_168, %eq3A_178 : vector<50x50xi32>
    %select_n3A_180 = arith.select %eq3A_179, %slice3A_176, %select_n3A_175 : vector<50x50xi1>, vector<50x50xf32>
    %slice3A_181 = vector.extract_strided_slice %select_n3A_59 {offsets = [150, 150], sizes = [50, 50], strides = [1, 1]} : vector<200x200xf32> to vector<50x50xf32>
    %eq3A_182 = arith.constant 3 : i32
    %eq3A_183 = vector.broadcast %eq3A_182 : i32 to vector<50x50xi32>
    %eq3A_184 = arith.cmpi eq, %get3A_168, %eq3A_183 : vector<50x50xi32>
    %select_n3A_185 = arith.select %eq3A_184, %slice3A_181, %select_n3A_180 : vector<50x50xi1>, vector<50x50xf32>
    %slice3A_186 = vector.extract_strided_slice %select_n3A_71 {offsets = [150, 150], sizes = [50, 50], strides = [1, 1]} : vector<200x200xf32> to vector<50x50xf32>
    %eq3A_187 = arith.constant 4 : i32
    %eq3A_188 = vector.broadcast %eq3A_187 : i32 to vector<50x50xi32>
    %eq3A_189 = arith.cmpi eq, %get3A_168, %eq3A_188 : vector<50x50xi32>
    %select_n3A_190 = arith.select %eq3A_189, %slice3A_186, %select_n3A_185 : vector<50x50xi1>, vector<50x50xf32>
    %broadcast_in_dim3A_191 = arith.constant -1.800000e+16 : f32
    %broadcast_in_dim3A_192 = vector.broadcast %broadcast_in_dim3A_191 : f32 to vector<50x150xf32>
    %concatenate3A_193 = tpu.concatenate %broadcast_in_dim3A_192, %select_n3A_190 in 1 : vector<50x150xf32>, vector<50x50xf32> -> vector<50x200xf32>
    %concatenate3A_194 = tpu.concatenate %concatenate3A, %concatenate3A_131, %concatenate3A_163, %concatenate3A_193 in 0 : vector<50x200xf32>, vector<50x200xf32>, vector<50x200xf32>, vector<50x200xf32> -> vector<200x200xf32>
    %reduce_max3A = arith.constant dense<0xFF800000> : vector<200xf32>
    %reduce_max3A_195 = vector.multi_reduction <maximumf>, %concatenate3A_194, %reduce_max3A [1] : vector<200x200xf32> to vector<200xf32>
    %broadcast_in_dim3A_196 = vector.shape_cast %reduce_max3A_195 : vector<200xf32> to vector<200x1xf32>
    %sub3A = vector.broadcast %broadcast_in_dim3A_196 : vector<200x1xf32> to vector<200x200xf32>
    %sub3A_197 = arith.subf %concatenate3A_194, %sub3A : vector<200x200xf32>
    %exp3A = math.exp %sub3A_197 : vector<200x200xf32>
    %reduce_sum3A_198 = arith.constant dense<0.000000e+00> : vector<200xf32>
    %reduce_sum3A_199 = vector.multi_reduction <add>, %exp3A, %reduce_sum3A_198 [1] : vector<200x200xf32> to vector<200xf32>
    %broadcast_in_dim3A_200 = vector.shape_cast %reduce_sum3A_199 : vector<200xf32> to vector<200x1xf32>
    %div3A_201 = vector.broadcast %broadcast_in_dim3A_200 : vector<200x1xf32> to vector<200x200xf32>
    %div3A_202 = arith.divf %exp3A, %div3A_201 : vector<200x200xf32>
    %dot_general3A_203 = arith.constant dense<0.000000e+00> : vector<200x64xf32>
    %dot_general3A_204 = tpu.matmul %div3A_202, %div3A_27, %dot_general3A_203 {dimension_numbers = #tpu.dot_dimension_numbers<[1], [0], [0], [1], [0, 0, 1, 1], [], []>, transpose_lhs_hint = false} : vector<200x200xf32>, vector<200x64xf32>, vector<200x64xf32> -> vector<200x64xf32>
    %get3A_205 = arith.constant 0 : index
    %get3A_206 = arith.constant 0 : index
    %get3A_207 = arith.constant 0 : index
    %get3A_208 = vector.load %arg4[%get3A_205, %get3A_206, %get3A_207] : memref<4x50x64xf32, #tpu.memory_space<vmem>>, vector<4x50x64xf32>
    %reduce_sum3A_209 = arith.constant dense<0.000000e+00> : vector<4x64xf32>
    %reduce_sum3A_210 = vector.multi_reduction <add>, %get3A_208, %reduce_sum3A_209 [1] : vector<4x50x64xf32> to vector<4x64xf32>
    %broadcast_in_dim3A_211 = vector.shape_cast %reduce_sum3A_210 : vector<4x64xf32> to vector<4x1x64xf32>
    %broadcast_in_dim3A_212 = vector.shape_cast %broadcast_in_dim3A_211 : vector<4x1x64xf32> to vector<4x1x64xf32>
    %broadcast_in_dim3A_213 = vector.broadcast %broadcast_in_dim3A_212 : vector<4x1x64xf32> to vector<4x50x64xf32>
    %reshape3A_214 = vector.shape_cast %broadcast_in_dim3A_213 : vector<4x50x64xf32> to vector<200x64xf32>
    %get3A_215 = arith.constant 0 : index
    %get3A_216 = arith.constant 0 : index
    %get3A_217 = vector.load %arg2[%get3A_215, %get3A_216] : memref<1200x128xf32, #tpu.memory_space<vmem>>, vector<1200x128xf32>
    %reshape3A_218 = vector.shape_cast %get3A_217 : vector<1200x128xf32> to vector<200x768xf32>
    %concatenate3A_219 = tpu.concatenate %reshape3A_214, %reshape3A_214, %reshape3A_214, %reshape3A_214, %reshape3A_214, %reshape3A_214, %reshape3A_214, %reshape3A_214, %reshape3A_214, %reshape3A_214, %reshape3A_214, %reshape3A_214 in 1 : vector<200x64xf32>, vector<200x64xf32>, vector<200x64xf32>, vector<200x64xf32>, vector<200x64xf32>, vector<200x64xf32>, vector<200x64xf32>, vector<200x64xf32>, vector<200x64xf32>, vector<200x64xf32>, vector<200x64xf32>, vector<200x64xf32> -> vector<200x768xf32>
    %get3A_220 = arith.constant 0 : index
    %get3A_221 = arith.constant 0 : index
    %get3A_222 = arith.constant 0 : index
    %get3A_223 = vector.load %arg3[%get3A_220, %get3A_221, %get3A_222] : memref<4x50x12xf32, #tpu.memory_space<vmem>>, vector<4x50x12xf32>
    %reshape3A_224 = vector.shape_cast %get3A_223 : vector<4x50x12xf32> to vector<200x12xf32>
    %mul3A_225 = arith.mulf %reshape3A_218, %concatenate3A_219 : vector<200x768xf32>
    %concatenate3A_226 = tpu.concatenate %mul3A_225, %reshape3A_224 in 1 : vector<200x768xf32>, vector<200x12xf32> -> vector<200x780xf32>
    %dot_general3A_227 = arith.constant dense<0.000000e+00> : vector<200x768xf32>
    %dot_general3A_228 = tpu.matmul %concatenate3A_226, %get3A_4, %dot_general3A_227 {dimension_numbers = #tpu.dot_dimension_numbers<[1], [0], [0], [1], [0, 0, 1, 1], [], []>, transpose_lhs_hint = false} : vector<200x780xf32>, vector<780x768xf32>, vector<200x768xf32> -> vector<200x768xf32>
    %ge3A_229 = arith.constant 0.000000e+00 : f32
    %ge3A_230 = vector.broadcast %ge3A_229 : f32 to vector<200x768xf32>
    %ge3A_231 = arith.cmpf oge, %dot_general3A_228, %ge3A_230 : vector<200x768xf32>
    %mul3A_232 = arith.constant 2.000000e-01 : f32
    %mul3A_233 = vector.broadcast %mul3A_232 : f32 to vector<200x768xf32>
    %mul3A_234 = arith.mulf %mul3A_233, %dot_general3A_228 : vector<200x768xf32>
    %select_n3A_235 = arith.select %ge3A_231, %dot_general3A_228, %mul3A_234 : vector<200x768xi1>, vector<200x768xf32>
    %dot_general3A_236 = arith.constant dense<0.000000e+00> : vector<200x768xf32>
    %dot_general3A_237 = tpu.matmul %select_n3A_235, %get3A_7, %dot_general3A_236 {dimension_numbers = #tpu.dot_dimension_numbers<[1], [0], [0], [1], [0, 0, 1, 1], [], []>, transpose_lhs_hint = false} : vector<200x768xf32>, vector<768x768xf32>, vector<200x768xf32> -> vector<200x768xf32>
    %exp3A_238 = math.exp %dot_general3A_237 : vector<200x768xf32>
    %mul3A_239 = arith.mulf %reshape3A_218, %exp3A_238 : vector<200x768xf32>
    %dot_general3A_240 = arith.constant dense<0.000000e+00> : vector<200x64xf32>
    %dot_general3A_241 = tpu.matmul %mul3A_239, %get3A_10, %dot_general3A_240 {dimension_numbers = #tpu.dot_dimension_numbers<[1], [0], [0], [1], [0, 0, 1, 1], [], []>, transpose_lhs_hint = false} : vector<200x768xf32>, vector<768x64xf32>, vector<200x64xf32> -> vector<200x64xf32>
    %dot_general3A_242 = arith.constant dense<0.000000e+00> : vector<200x64xf32>
    %dot_general3A_243 = tpu.matmul %exp3A_238, %get3A_10, %dot_general3A_242 {dimension_numbers = #tpu.dot_dimension_numbers<[1], [0], [0], [1], [0, 0, 1, 1], [], []>, transpose_lhs_hint = false} : vector<200x768xf32>, vector<768x64xf32>, vector<200x64xf32> -> vector<200x64xf32>
    %div3A_244 = arith.divf %dot_general3A_241, %dot_general3A_243 : vector<200x64xf32>
    %dot_general3A_245 = arith.constant dense<0.000000e+00> : vector<200x64xf32>
    %dot_general3A_246 = tpu.matmul %reshape3A, %get3A_13, %dot_general3A_245 {dimension_numbers = #tpu.dot_dimension_numbers<[1], [0], [0], [1], [0, 0, 1, 1], [], []>, transpose_lhs_hint = false} : vector<200x64xf32>, vector<64x64xf32>, vector<200x64xf32> -> vector<200x64xf32>
    %dot_general3A_247 = arith.constant dense<0.000000e+00> : vector<200x64xf32>
    %dot_general3A_248 = tpu.matmul %div3A_244, %get3A_16, %dot_general3A_247 {dimension_numbers = #tpu.dot_dimension_numbers<[1], [0], [0], [1], [0, 0, 1, 1], [], []>, transpose_lhs_hint = false} : vector<200x64xf32>, vector<64x64xf32>, vector<200x64xf32> -> vector<200x64xf32>
    %add3A = arith.addf %dot_general3A_246, %dot_general3A_248 : vector<200x64xf32>
    %add3A_249 = vector.broadcast %get3A_19 : vector<1x64xf32> to vector<200x64xf32>
    %add3A_250 = arith.addf %add3A, %add3A_249 : vector<200x64xf32>
    %max3A_251 = arith.constant 0.000000e+00 : f32
    %max3A_252 = vector.broadcast %max3A_251 : f32 to vector<200x64xf32>
    %max3A_253 = arith.maximumf %add3A_250, %max3A_252 : vector<200x64xf32>
    %add3A_254 = arith.addf %dot_general3A_204, %max3A_253 : vector<200x64xf32>
    %reshape3A_255 = vector.shape_cast %add3A_254 : vector<200x64xf32> to vector<4x50x64xf32>
    %swap3A = arith.constant 0 : index
    %swap3A_256 = arith.constant 0 : index
    %swap3A_257 = arith.constant 0 : index
    %swap3A_258 = vector.load %arg13[%swap3A, %swap3A_256, %swap3A_257] : memref<4x50x64xf32, #tpu.memory_space<vmem>>, vector<4x50x64xf32>
    tpu.vector_store %arg13[%swap3A, %swap3A_256, %swap3A_257], %reshape3A_255 {strides = array<i32>} : memref<4x50x64xf32, #tpu.memory_space<vmem>>, vector<4x50x64xf32>,
    return
  }
  func.func @transform_0(%arg0: i32) -> (i32, i32, i32) {
    %c0_i32 = arith.constant 0 : i32
    %c0_i32_0 = arith.constant 0 : i32
    %c0_i32_1 = arith.constant 0 : i32
    return %arg0, %c0_i32, %c0_i32_0 : i32, i32, i32
  }
  func.func @transform_1(%arg0: i32) -> (i32, i32) {
    %c0_i32 = arith.constant 0 : i32
    %c0_i32_0 = arith.constant 0 : i32
    return %arg0, %c0_i32 : i32, i32
  }
  func.func @transform_2(%arg0: i32) -> (i32, i32, i32) {
    %c0_i32 = arith.constant 0 : i32
    %c0_i32_0 = arith.constant 0 : i32
    %c0_i32_1 = arith.constant 0 : i32
    return %arg0, %c0_i32, %c0_i32_0 : i32, i32, i32
  }
  func.func @transform_3(%arg0: i32) -> (i32, i32, i32) {
    %c0_i32 = arith.constant 0 : i32
    %c0_i32_0 = arith.constant 0 : i32
    %c0_i32_1 = arith.constant 0 : i32
    return %arg0, %c0_i32, %c0_i32_0 : i32, i32, i32
  }
  func.func @transform_4(%arg0: i32) -> (i32, i32, i32) {
    %c0_i32 = arith.constant 0 : i32
    %c0_i32_0 = arith.constant 0 : i32
    %c0_i32_1 = arith.constant 0 : i32
    return %arg0, %c0_i32, %c0_i32_0 : i32, i32, i32
  }
  func.func @transform_5(%arg0: i32) -> (i32, i32) {
    %c0_i32 = arith.constant 0 : i32
    %c0_i32_0 = arith.constant 0 : i32
    %c0_i32_1 = arith.constant 0 : i32
    return %c0_i32, %c0_i32_0 : i32, i32
  }
  func.func @transform_6(%arg0: i32) -> (i32, i32) {
    %c0_i32 = arith.constant 0 : i32
    %c0_i32_0 = arith.constant 0 : i32
    %c0_i32_1 = arith.constant 0 : i32
    return %c0_i32, %c0_i32_0 : i32, i32
  }
  func.func @transform_7(%arg0: i32) -> (i32, i32) {
    %c0_i32 = arith.constant 0 : i32
    %c0_i32_0 = arith.constant 0 : i32
    %c0_i32_1 = arith.constant 0 : i32
    return %c0_i32, %c0_i32_0 : i32, i32
  }
  func.func @transform_8(%arg0: i32) -> (i32, i32) {
    %c0_i32 = arith.constant 0 : i32
    %c0_i32_0 = arith.constant 0 : i32
    %c0_i32_1 = arith.constant 0 : i32
    return %c0_i32, %c0_i32_0 : i32, i32
  }
  func.func @transform_9(%arg0: i32) -> (i32, i32) {
    %c0_i32 = arith.constant 0 : i32
    %c0_i32_0 = arith.constant 0 : i32
    %c0_i32_1 = arith.constant 0 : i32
    return %c0_i32, %c0_i32_0 : i32, i32
  }
  func.func @transform_10(%arg0: i32) -> (i32, i32) {
    %c0_i32 = arith.constant 0 : i32
    %c0_i32_0 = arith.constant 0 : i32
    %c0_i32_1 = arith.constant 0 : i32
    return %c0_i32, %c0_i32_0 : i32, i32
  }
  func.func @transform_11(%arg0: i32) -> (i32, i32) {
    %c0_i32 = arith.constant 0 : i32
    %c0_i32_0 = arith.constant 0 : i32
    %c0_i32_1 = arith.constant 0 : i32
    return %c0_i32, %c0_i32_0 : i32, i32
  }
  func.func @transform_12(%arg0: i32) -> (i32, i32, i32) {
    %c0_i32 = arith.constant 0 : i32
    %c0_i32_0 = arith.constant 0 : i32
    %c0_i32_1 = arith.constant 0 : i32
    return %arg0, %c0_i32, %c0_i32_0 : i32, i32, i32
  }
}

</mosaic_0001>

<sc_bundles>
// kernel: kernel.6.cloned.1.call-start
scs
__scs_entry_jumppad:
0x0: {  	(pc) =	sbr.rel $0x88, $3  }
0x1: {  	(tag) =	ssettag $0x0;
	lr =	simm.s32 $0x1  }
0x2: {  	[smem:$0x3F92] =	sst lr;
	_ =	strace $0xD0000000  }
0x3: {  	_ = 	snop  }
0x4: {  	_ = 	snop  }
0x5: {  	_ = 	snop  }
0x6: {  	_ = 	snop  }
0x7: {  	_ = 	snop  }
__scs_overlays_trampoline_lowered:
0x8: {  	[smem:$0x3FA1] =	sst s0  }
0x9: {  	[smem:$0x3FA2] =	sst s1  }
0xa: {  	[smem:$0x3FA3] =	sst s2  }
0xb: {  	[smem:$0x3FA4] =	sst s3  }
0xc: {  	[smem:$0x3FA5] =	sst s4  }
0xd: {  	[smem:$0x3FA6] =	sst s5  }
0xe: {  	[smem:$0x3FA7] =	sst s6  }
0xf: {  	[smem:$0x3FA8] =	sst s7  }
0x10: {  	[smem:$0x3FA9] =	sst s8  }
0x11: {  	[smem:$0x3FAA] =	sst s9;
	s0 =	simm.s32 @!p0 $0x0  }
0x12: {  	s1 =	sld [smem:$0x3F90];
	s0 =	simm.s32 @p0 $0x1  }
0x13: {  	[smem:$0x3FAB] =	sst s0;
	s0 =	simm.s32 @!p1 $0x0  }
0x14: {  	s2 =	sld [smem:$0x3F8F];
	s0 =	simm.s32 @p1 $0x1  }
0x15: {  	[smem:$0x3FAC] =	sst s0;
	s0 =	simm.s32 @!p2 $0x0  }
0x16: {  	s3 =	sld [smem:$0x3FDB];
	s0 =	simm.s32 @p2 $0x1  }
0x17: {  	s4 =	simm.s32 $0x1BF5;
	[smem:$0x3FAE] =	sst s0  }
0x18: {  	s0 =	sld [smem:$0x3F91];
	_ =	swait.ge [sflag:s4], $0x0  }
0x19: {  	s7 =	sld [smem:$0x3F92]  }
0x1a: {  	s8 =	sadd.s32 $0xFFFFE003, lr  }
0x1b: {  	s9 =	sadd.s32 $0xFFFFFEF7, lr;
	s5 =	simm.s32 $0xFFFFFFFF;
	p2 =	slt.u32 s8, $0xFFFFF086  }
0x1c: {  	p1 =	slt.u32 s9, $0xF7A;
	s5 =	simm.s32 @!p2 $0x0  }
0x1d: {  	s5 =	simm.s32 @p1 $0x1;
	p0 =	seq.s32 s7, s2  }
0x1e: {  	s7 =	smul.u32 @!p0 $0xF7A, s2;
	p2 =	seq.s32 @!p0 s5, $0x0  }
0x1f: {  	s9 =	smul.u32 $0xF7A, s1;
	s8 =	simm.s32 @!p0 $0x1BF5;
	p2 =	por !p2, p0  }
0x20: {  	[sflag:s8] =	ssyncset.s32 @!p0 $0xFFFFF086;
	s6 =	sadd.s32 @!p0 s3, s7;
	s7 =	simm.s32 @!p0 $0x108  }
0x21: {  	s3 =	sadd.s32 s3, s9;
	s6 =	sadd.s32 @!p0 $0x88, s6;
	s7 =	simm.s32 @p2 $0x1082  }
0x22: {  	[simem:s7], [sflag:s8] =	dma.local @!p0 [hbm:s6], $0xF7A  }
0x23: {  	s9 =	sor.u32 $0xD0000000, s2;
	s6 =	simm.s32 $0x108;
	_ =	swait.ge @!p0 [sflag:s8], $0x0  }
0x24: {  	s3 =	sadd.s32 $0x88, s3;
	s6 =	simm.s32 @!p1 $0x1082;
	[sflag:s4] =	ssyncset.s32 $0xFFFFF086  }
0x25: {  	[simem:s6], [sflag:s4] =	dma.local [hbm:s3], $0xF7A  }
0x26: {  	[smem:$0x3F92] =	sst s1;
	(tag) =	ssettag s2;
	_ =	strace s9  }
0x27: {  	s1 =	sld [smem:$0x3FA2]  }
0x28: {  	s2 =	sld [smem:$0x3FA3]  }
0x29: {  	s4 =	sld [smem:$0x3FA5]  }
0x2a: {  	p0 =	seq.s32 s5, $0x0;
	s5 =	sld [smem:$0x3FA6]  }
0x2b: {  	s6 =	sld [smem:$0x3FA7]  }
0x2c: {  	s7 =	sld [smem:$0x3FA8]  }
0x2d: {  	s3 =	simm.s32 $0x108;
	s8 =	sld [smem:$0x3FA9]  }
0x2e: {  	s3 =	simm.s32 @!p0 $0x1082;
	s9 =	sld [smem:$0x3FAA]  }
0x2f: {  	lr =	sadd.s32 s0, s3;
	s0 =	sld [smem:$0x3FA1]  }
0x30: {  	s3 =	sld [smem:$0x3FA4]  }
0x31: {  	[smem:$0x3FAD] =	sst s10  }
0x32: {  	s10 =	sld [smem:$0x3FAB];
	_ =	sdelay $0x3  }
0x33: {  	p0 =	seq.s32 s10, $0x1;
	s10 =	sld [smem:$0x3FAD];
	_ =	sdelay $0x3  }
0x34: {  	[smem:$0x3FAD] =	sst s10  }
0x35: {  	s10 =	sld [smem:$0x3FAC];
	_ =	sdelay $0x3  }
0x36: {  	p1 =	seq.s32 s10, $0x1;
	s10 =	sld [smem:$0x3FAD];
	_ =	sdelay $0x3  }
0x37: {  	[smem:$0x3FAD] =	sst s10  }
0x38: {  	s10 =	sld [smem:$0x3FAE]  }
0x39: {  	_ = 	snop;
	(pc) =	sbr.ind lr, $3  }
0x3a: {  	_ = 	snop  }
0x3b: {  	_ = 	snop  }
0x3c: {  	p2 =	seq.s32 s10, $0x1;
	s10 =	sld [smem:$0x3FAD]  }
0x3d: {  	_ =	shalt  }
0x3e: {  	_ =	shalt  }
0x3f: {  	_ =	shalt  }
0x40: {  	_ =	shalt  }
0x41: {  	_ =	shalt  }
0x42: {  	_ =	shalt  }
0x43: {  	_ =	shalt  }
0x44: {  	_ =	shalt  }
0x45: {  	_ =	shalt  }
0x46: {  	_ =	shalt  }
0x47: {  	_ =	shalt  }
0x48: {  	_ =	shalt  }
0x49: {  	_ =	shalt  }
0x4a: {  	_ =	shalt  }
0x4b: {  	_ =	shalt  }
0x4c: {  	_ =	shalt  }
0x4d: {  	_ =	shalt  }
0x4e: {  	_ =	shalt  }
0x4f: {  	_ =	shalt  }
0x50: {  	_ =	shalt  }
0x51: {  	_ =	shalt  }
0x52: {  	_ =	shalt  }
0x53: {  	_ =	shalt  }
0x54: {  	_ =	shalt  }
0x55: {  	_ =	shalt  }
0x56: {  	_ =	shalt  }
0x57: {  	_ =	shalt  }
0x58: {  	_ =	shalt  }
0x59: {  	_ =	shalt  }
0x5a: {  	_ =	shalt  }
0x5b: {  	_ =	shalt  }
0x5c: {  	_ =	shalt  }
0x5d: {  	_ =	shalt  }
0x5e: {  	_ =	shalt  }
0x5f: {  	_ =	shalt  }
0x60: {  	_ =	shalt  }
0x61: {  	_ =	shalt  }
0x62: {  	_ =	shalt  }
0x63: {  	_ =	shalt  }
0x64: {  	_ =	shalt  }
0x65: {  	_ =	shalt  }
0x66: {  	_ =	shalt  }
0x67: {  	_ =	shalt  }
0x68: {  	_ =	shalt  }
0x69: {  	_ =	shalt  }
0x6a: {  	_ =	shalt  }
0x6b: {  	_ =	shalt  }
0x6c: {  	_ =	shalt  }
0x6d: {  	_ =	shalt  }
0x6e: {  	_ =	shalt  }
0x6f: {  	_ =	shalt  }
0x70: {  	_ =	shalt  }
0x71: {  	_ =	shalt  }
0x72: {  	_ =	shalt  }
0x73: {  	_ =	shalt  }
0x74: {  	_ =	shalt  }
0x75: {  	_ =	shalt  }
0x76: {  	_ =	shalt  }
0x77: {  	_ =	shalt  }
0x78: {  	_ =	shalt  }
0x79: {  	_ =	shalt  }
0x7a: {  	_ =	shalt  }
0x7b: {  	_ =	shalt  }
0x7c: {  	_ =	shalt  }
0x7d: {  	_ =	shalt  }
0x7e: {  	_ =	shalt  }
0x7f: {  	_ =	shalt  }
0x80: {  	_ =	shalt  }
0x81: {  	_ =	shalt  }
0x82: {  	_ =	shalt  }
0x83: {  	_ =	shalt  }
0x84: {  	_ =	shalt  }
0x85: {  	_ =	shalt  }
0x86: {  	_ =	shalt  }
0x87: {  	_ =	shalt  }
.Lfunc_end0:
.L_simem_size_0:
called_computation_lowered:
.L_overlay_start_0:
0x88: {  	s2 =	sld [smem:$0x3FD9]  }
0x89: {  	s3 =	sld [smem:$0x3FFE];
	_ =	sdelay $0x1  }
0x8a: {  	s1 =	srdreg.scid  }
0x8b: {  	s0 =	sand.u32 $0x1, s1  }
0x8c: {  	s17 =	sshll.u32 s0, $0xA;
	s2 =	sadd.s32 s3, s2  }
0x8d: {  	s2 =	sadd.s32 s2, s17  }
0x8e: {  	[smem:$0x3FB9] =	sst s2  }
0x8f: {  	_ = 	snop  }
0x90: {  	s18 =	sld [smem:$0x3FD0];
	(tm) =	ssettm $0x1  }
0x91: {  	s19 =	sld [smem:$0x3FFB];
	_ =	sdelay $0x3  }
0x92: {  	_ =	strace s19  }
0x93: {  	s2 =	sld [smem:$0x3FFC];
	_ =	sdelay $0x3  }
0x94: {  	_ =	strace s2  }
0x95: {  	s2 =	sld [smem:$0x3FFD];
	_ =	sdelay $0x3  }
0x96: {  	_ =	strace s2  }
0x97: {  	_ =	strace $0x8FFFFFFF  }
0x98: {  	s20 =	sld [smem:$0x3FDB];
	_ =	sdelay $0x1  }
0x99: {  	s4 =	simm.s32 $_scs_section_size  }
0x9a: {  	s5 =	simm.s32 $_size__tile_overlayer_lowered;
	s6 =	simm.s32 $_tile_overlayer_lowered  }
0x9b: {  	s7 =	simm.s32 $0x1BFF;
	s21 =	sshll.u32 s6, $0x1;
	s4 =	sadd.s32 s4, s20  }
0x9c: {  	s22 =	simm.s32 $0x0;
	s5 =	sshll.u32 s5, $0x1;
	s6 =	sadd.s32 s21, s4  }
0x9d: {  	[timem:s22], [sflag:s7] =	dma.local [hbm:s6], s5  }
0x9e: {  	_ =	swait.ge [sflag:s7], s5  }
0x9f: {  	s5 =	ssub.s32 $0x0, s5;
	[sflag:s7] =	ssyncset.done $0x0  }
0xa0: {  	[sflag:s7] =	ssyncadd.s32 s5;
	_ =	sdelay $0x1  }
0xa1: {  	s23 =	simm.s32 $0x1B8B  }
0xa2: {  	_ =	swait.ge [sflag:s23], $0x1  }
0xa3: {  	[sflag:s23] =	ssyncset.done $0x0  }
0xa4: {  	[sflag:s23] =	ssyncadd.s32 $0xFFFFFFFF  }
0xa5: {  	s5 =	sld [smem:$0x0]  }
0xa6: {  	s6 =	sand.u32 $0xFFFFFFFE, s1  }
0xa7: {  	p0 =	sne.s32 s1, s6  }
0xa8: {  	s6 =	sshll.u32 @p0 s6, $0xE  }
0xa9: {  	s6 =	sadd.s32 @p0 $0x11B8D, s6;
	s7 =	sshll.u32 @p0 s5, $0x11  }
0xaa: {  	s6 =	sor.u32 @p0 s7, s6  }
0xab: {  	[sflag:s6] =	ssyncadd.remote.s32 @p0 $0x1;
	_ =	sdelay $0x1  }
0xac: {  	s6 =	simm.s32 @p0 $0x1B8D  }
0xad: {  	_ =	swait.eq @p0 [sflag:s6], $0x1  }
0xae: {  	[sflag:s6] =	ssyncadd.s32 @p0 $0xFFFFFFFF  }
0xaf: {  	s7 =	sshll.u32 @!p0 s1, $0xE  }
0xb0: {  	s7 =	sor.u32 @!p0 $0x4000, s7;
	s6 =	simm.s32 @!p0 $0x1B8D  }
0xb1: {  	s5 =	sshll.u32 @!p0 s5, $0x11;
	s7 =	sadd.s32 @!p0 $0x11B8D, s7;
	_ =	swait.eq @!p0 [sflag:s6], $0x1  }
0xb2: {  	s5 =	sor.u32 @!p0 s5, s7;
	[sflag:s6] =	ssyncadd.s32 @!p0 $0xFFFFFFFF  }
0xb3: {  	s25 =	simm.s32 $0x1B8E;
	s24 =	sld [smem:$0x3FFE];
	[sflag:s5] =	ssyncadd.remote.s32 @!p0 $0x1  }
0xb4: {  	s26 =	simm.s32 $execute0_lowered;
	[smem:$0x3FD2] =	sst s25  }
0xb5: {  	s6 =	sshll.u32 s26, $0x1;
	_ =	strace $0x80000049;
	[dreg:$0x1] =	wrdreg $0xFFFFFFFF  }
0xb6: {  	s28 =	simm.s32 $_size_execute0_lowered;
	s4 =	sadd.s32 s4, s6;
	[dreg:$0x0] =	wrdreg $0x0  }
0xb7: {  	s6 =	sshll.u32 s28, $0x1;
	[dreg:$0x2] =	wrdreg s4  }
0xb8: {  	[dreg:$0x3] =	wrdreg s6  }
0xb9: {  	[dreg:$0x4] =	wrdreg $0xC0  }
0xba: {  	_ =	task [dreg:s22], $0x5FFFF  }
0xbb: {  	[dreg:$0x1] =	wrdreg $0xFFFFFFFF  }
0xbc: {  	[dreg:$0x0] =	wrdreg $0x60  }
0xbd: {  	[dreg:$0x2] =	wrdreg s24  }
0xbe: {  	[dreg:$0x3] =	wrdreg s18  }
0xbf: {  	[dreg:$0x4] =	wrdreg $0x9  }
0xc0: {  	_ =	task.clear_ibuf [dreg:s22], $0x5FFFF;
	_ =	strace $0x90000049  }
0xc1: {  	s29 =	simm.s32 $0x9;
	_ =	strace $0x8000004B  }
0xc2: {  	_ =	swait.ge [sflag:s29], $0x1  }
0xc3: {  	[sflag:s29] =	ssyncadd.s32 $0xFFFFFFFF  }
0xc4: {  	_ =	strace $0x9000004B  }
0xc5: {  	_ =	sfence  }
0xc6: {  	s30 =	sld [smem:$0x0];
	_ =	sdelay $0x2  }
0xc7: {  	s31 =	sshll.u32 s1, $0xD;
	s1 =	sshrl.u32 s1, $0x2  }
0xc8: {  	s4 =	sand.u32 $0x4000, s31;
	s1 =	sadd.s32 s1, s30  }
0xc9: {  	s0 =	sor.u32 s4, s0;
	s1 =	sshll.u32 s1, $0x11  }
0xca: {  	s0 =	sor.u32 s1, s0  }
0xcb: {  	s0 =	sadd.s32 $0x8F2B, s0  }
0xcc: {  	[sflag:s0] =	ssyncadd.remote.s32 $0x1  }
0xcd: {  	_ =	sfence.sel $0xFFFF  }
0xce: {  	[dreg:$0x0] =	wrdreg $0xFFFFFFFF;
	(pc) =	sbr.abs _section_cstart, $3  }
0xcf: {  	[dreg:$0x1] =	wrdreg $0xFFFFFFFF  }
0xd0: {  	_ =	task.clear_ibuf [dreg:s22], $0x2FFFF;
	_ =	strace $0x9FFFFFFF  }
0xd1: {  	(tm) =	ssettm $0x7FFFFFFF  }
tec
execute0_lowered:
.L_overlay_start_1:
0x0: {  	(tag) =	ssettag $0x1  }
0x1: {  	s0 =	rddreg [dreg:$0x0]  }
0x2: {  	s1 =	srdreg.scid;
	s2 =	stileid.u32  }
0x3: {  	s3 =	rddreg [dreg:$0x1];
	s12 =	sand.u32 $0x1, s1;
	s16 =	sshll.u32 s2, $0x1  }
0x4: {  	p0 =	por $0x0, $0x0;
	s7 =	sadd.s32 $0x12B400, s0;
	s13 =	sor.u32 s12, s16  }
0x5: {  	s2 =	simm.s32 $0x0;
	s6 =	sadd.s32 $0x12B800, s0;
	s8 =	smul.u32 $0xC8, s13  }
0x6: {  	s1 =	sadd.s32 $0x12B000, s0;
	s9 =	sadd.s32 $0x12DE00, s0;
	s11 =	smul.u32 $0x12C, s13  }
0x7: {  	s10 =	sadd.s32 $0x146E00, s0;
	[smem:$0x7FF] =	sst s2;
	s17 =	smul.u32 $0x640, s13  }
0x8: {  	s12 =	ssub.s32 $0x2, s12;
	_ =	strace $0x8000004A;
	s4 =	sshrl.u32 s8, $0x3  }
0x9: {  	s18 =	sadd.s32 s6, s11;
	s14 =	sadd.s32 s9, s17;
	s19 =	sadd.s32 s10, s11  }
0xa: {  	s11 =	sadd.s32 $0x13A600, s0;
	s20 =	sadd.s32 $0x28, s8;
	[dreg:$0x5] =	wrdreg s18  }
0xb: {  	s5 =	sadd.s32 s7, s4;
	s4 =	sadd.s32 s1, s4;
	[dreg:$0x6] =	wrdreg s14  }
0xc: {  	[dreg:$0x7] =	wrdreg s19;
	s15 =	sadd.s32 s11, s17;
	s17 =	smul.u32 $0xC, s20  }
0xd: {  	s16 =	sshrl.u32 s20, $0x3;
	s18 =	smul.u32 $0x4B00, s13;
	[dreg:$0x3] =	wrdreg s5  }
0xe: {  	s25 =	sshll.u32 s20, $0x3;
	s14 =	smul.u32 $0x60, s20;
	[dreg:$0x4] =	wrdreg s4  }
0xf: {  	s20 =	sadd.s32 $0x50, s8;
	[dreg:$0x8] =	wrdreg s15;
	s21 =	sadd.s32 s7, s16  }
0x10: {  	s4 =	sadd.s32 $0x3200, s0;
	s22 =	sadd.s32 s1, s16;
	[dreg:$0x9] =	wrdreg s21  }
0x11: {  	s5 =	sadd.s32 $0x17E00, s0;
	s26 =	sadd.s32 s9, s25;
	[dreg:$0xa] =	wrdreg s22  }
0x12: {  	s0 =	sadd.s32 $0x149400, s0;
	s19 =	sadd.s32 s11, s25;
	[dreg:$0xc] =	wrdreg s26  }
0x13: {  	s23 =	sshrl.u32 s17, $0x3;
	[dreg:$0xe] =	wrdreg s19;
	s14 =	sadd.s32 s0, s14  }
0x14: {  	s13 =	smul.u32 $0x960, s13;
	s24 =	sadd.s32 s6, s23;
	[dreg:$0xf] =	wrdreg s14  }
0x15: {  	s21 =	sshrl.u32 s20, $0x3;
	s16 =	sadd.s32 s10, s23;
	[dreg:$0xb] =	wrdreg s24  }
0x16: {  	s31 =	sadd.s32 s0, s18;
	s22 =	sadd.s32 s7, s21;
	[dreg:$0xd] =	wrdreg s16  }
0x17: {  	s23 =	sadd.s32 $0x3C0, s13;
	[dreg:$0x10] =	wrdreg s22;
	s24 =	sadd.s32 s1, s21  }
0x18: {  	s25 =	sshrl.u32 s23, $0x3;
	s23 =	sadd.s32 $0x1E00, s31;
	[dreg:$0x11] =	wrdreg s24  }
0x19: {  	s16 =	sshll.u32 s20, $0x3;
	s26 =	sadd.s32 s6, s25;
	[dreg:$0x16] =	wrdreg s23  }
0x1a: {  	s17 =	sshrl.u32 s12, $0x1;
	s19 =	sadd.s32 s9, s16;
	[dreg:$0x12] =	wrdreg s26  }
0x1b: {  	s22 =	sadd.s32 $0x78, s8;
	s20 =	sadd.s32 s10, s25;
	[dreg:$0x13] =	wrdreg s19  }
0x1c: {  	s21 =	sadd.s32 s11, s16;
	s24 =	sshrl.u32 s22, $0x3;
	[dreg:$0x14] =	wrdreg s20  }
0x1d: {  	s14 =	sshll.u32 s22, $0x3;
	[dreg:$0x15] =	wrdreg s21;
	s25 =	sadd.s32 s7, s24  }
0x1e: {  	s26 =	sadd.s32 $0x5A0, s13;
	s15 =	sadd.s32 s1, s24;
	s19 =	ssub.s32 s12, s17  }
0x1f: {  	s30 =	sadd.s32 s9, s14;
	s28 =	sadd.s32 s11, s14;
	s20 =	sadd.s32 $0xA0, s8  }
0x20: {  	s21 =	sadd.s32 $0x780, s13;
	s17 =	simm.s32 $0x1E0;
	s14 =	simm.s32 $0xC08  }
0x21: {  	s13 =	simm.s32 $0x87F0;
	[dreg:$0x17] =	wrdreg s25;
	s16 =	sshrl.u32 s26, $0x3  }
0x22: {  	[dreg:$0x18] =	wrdreg s15;
	s25 =	sadd.s32 $0x2D00, s31;
	s8 =	sshrl.u32 s20, $0x3  }
0x23: {  	s22 =	sshrl.u32 s21, $0x3;
	s0 =	sshll.u32 s20, $0x3;
	s26 =	smax.u32 s19, $0x1  }
0x24: {  	s21 =	simm.s32 $0x87C8;
	s19 =	simm.s32 $0x3;
	s15 =	simm.s32 $0x4  }
0x25: {  	s18 =	sadd.s32 s6, s16;
	s29 =	sadd.s32 s10, s16;
	s24 =	sadd.s32 s7, s8  }
0x26: {  	s23 =	sadd.s32 s1, s8;
	s20 =	sadd.s32 s6, s22;
	p1 =	sne.s32 s26, $0x1  }
.Ltmp0:
0x27: {  	s12 =	sadd.s32 s9, s0;
	s9 =	sadd.s32 s10, s22;
	(pc) =	sbr.rel @!p1 .LBB2_3-.Ltmp0, $4  }
0x28: {  	s8 =	sadd.s32 s11, s0;
	s7 =	sadd.s32 $0x3C00, s31;
	s6 =	simm.s32 $0x5  }
0x29: {  	s22 =	simm.s32 $0xA28;
	s16 =	simm.s32 $0x28;
	s1 =	sadd.s32 $0xFFFFFFFF, s26  }
0x2a: {  	s10 =	simm.s32 $0x2;
	s11 =	simm.s32 $0xFC8;
	s0 =	rddreg [dreg:$0x3]  }
0x2b: {  	s26 =	simm.s32 $0x1;
	[dreg:$0x19] =	wrdreg s18;
	s18 =	simm.s32 $0xDE8  }
0x2c: {  	[tilespmem:s2], [sflag:$0x5] =	stream.linear.gather [hbm4b:s0+s2], $0x28, $0x38;
	[tilespmem:$0x91F0] =	vst v63  }
0x2d: {  	_ =	swait.ge [sflag:s6], $0x28  }
0x2e: {  	[sflag:s6] =	ssyncset.done $0x0  }
0x2f: {  	s0 =	rddreg [dreg:$0x4];
	[sflag:s6] =	ssyncadd.s32 $0xFFFFFFD8  }
0x30: {  	[tilespmem:s21], [sflag:$0x5] =	stream.linear.gather [hbm4b:s0+s2], $0x28, $0x38;
	[tilespmem:$0x91F0] =	vst v63  }
0x31: {  	_ =	swait.ge [sflag:s6], $0x28  }
0x32: {  	[sflag:s6] =	ssyncset.done $0x0  }
0x33: {  	s0 =	rddreg [dreg:$0x5];
	[sflag:s6] =	ssyncadd.s32 $0xFFFFFFD8  }
0x34: {  	[tilespmem:s22], [sflag:$0x5] =	stream.linear.gather [hbm4b:s0+s2], $0x1E0, $0x38;
	[tilespmem:$0x91F0] =	vst v63  }
0x35: {  	_ =	swait.ge [sflag:s6], $0x1E0  }
0x36: {  	[sflag:s6] =	ssyncset.done $0x0  }
0x37: {  	[sflag:s6] =	ssyncadd.s32 $0xFFFFFE20  }
0x38: {  	[tilespmem:s18], [sflag:$0x2] =	stream.indirect.gather [hbm4b:s3+s17], $0x1, s22, s17, $0xb8;
	[tilespmem:$0x91F0] =	vst v63  }
0x39: {  	_ = 	snop  }
0x3a: {  	[tilespmem:s16], [sflag:$0x1] =	stream.indirect.gather [hbm4b:s5+s16], $0x40, s2, s16, $0xb8;
	[tilespmem:$0x91F0] =	vst v63  }
0x3b: {  	_ = 	snop  }
0x3c: {  	[tilespmem:s14], [sflag:$0x3] =	stream.indirect.gather [hbm4b:s4+s17], $0x1, s22, s17, $0xb8;
	[tilespmem:$0x91F0] =	vst v63  }
0x3d: {  	_ = 	snop  }
0x3e: {  	[tilespmem:s13], [sflag:$0x4] =	stream.indirect.gather [hbm4b:s5+s16], $0x40, s21, s16, $0xb8;
	[tilespmem:$0x91F0] =	vst v63  }
0x3f: {  	_ =	swait.ge [sflag:s10], $0x1E0  }
0x40: {  	[sflag:s10] =	ssyncset.done $0x0  }
0x41: {  	[sflag:s10] =	ssyncadd.s32 $0xFFFFFE20  }
0x42: {  	[tilespmem:s11], [sflag:$0x2] =	stream.indirect.gather [hbm4b:s5+s17], $0x40, s18, s17, $0xb8;
	[tilespmem:$0x91F0] =	vst v63  }
0x43: {  	_ =	swait.ge [sflag:s26], $0xA00  }
0x44: {  	[sflag:s26] =	ssyncset.done $0x0  }
0x45: {  	s0 =	rddreg [dreg:$0x6];
	[sflag:s26] =	ssyncadd.s32 $0xFFFFF600  }
0x46: {  	[hbm4b:s0+s2] =	stream.linear.scatter [tilespmem:s16], [sflag:$0x5], $0xA00, $0x38;
	[tilespmem:$0x91F0] =	vst v63  }
0x47: {  	_ =	swait.ge [sflag:s6], $0xA00  }
0x48: {  	[sflag:s6] =	ssyncset.done $0x0  }
0x49: {  	[sflag:s6] =	ssyncadd.s32 $0xFFFFF600  }
0x4a: {  	_ =	swait.ge [sflag:s19], $0x1E0  }
0x4b: {  	[sflag:s19] =	ssyncset.done $0x0  }
0x4c: {  	s0 =	rddreg [dreg:$0x7];
	[sflag:s19] =	ssyncadd.s32 $0xFFFFFE20  }
0x4d: {  	[hbm4b:s0+s2] =	stream.linear.scatter [tilespmem:s14], [sflag:$0x5], $0x1E0, $0x38;
	[tilespmem:$0x91F0] =	vst v63  }
0x4e: {  	_ =	swait.ge [sflag:s6], $0x1E0  }
0x4f: {  	[sflag:s6] =	ssyncset.done $0x0  }
0x50: {  	[sflag:s6] =	ssyncadd.s32 $0xFFFFFE20  }
0x51: {  	_ =	swait.ge [sflag:s15], $0xA00  }
0x52: {  	[sflag:s15] =	ssyncset.done $0x0  }
0x53: {  	s0 =	rddreg [dreg:$0x8];
	[sflag:s15] =	ssyncadd.s32 $0xFFFFF600  }
0x54: {  	[hbm4b:s0+s2] =	stream.linear.scatter [tilespmem:s13], [sflag:$0x5], $0xA00, $0x38;
	[tilespmem:$0x91F0] =	vst v63  }
0x55: {  	_ =	swait.ge [sflag:s6], $0xA00  }
0x56: {  	[sflag:s6] =	ssyncset.done $0x0  }
0x57: {  	[sflag:s6] =	ssyncadd.s32 $0xFFFFF600  }
0x58: {  	_ =	swait.ge [sflag:s10], $0x7800  }
0x59: {  	[sflag:s10] =	ssyncset.done $0x0  }
0x5a: {  	[sflag:s10] =	ssyncadd.s32 $0xFFFF8800  }
0x5b: {  	[hbm4b:s31+s2] =	stream.linear.scatter [tilespmem:s11], [sflag:$0x5], $0x7800, $0x38;
	[tilespmem:$0x91F0] =	vst v63  }
0x5c: {  	_ =	swait.ge [sflag:s6], $0x7800  }
0x5d: {  	[sflag:s6] =	ssyncset.done $0x0  }
0x5e: {  	s0 =	rddreg [dreg:$0x9];
	[sflag:s6] =	ssyncadd.s32 $0xFFFF8800  }
0x5f: {  	[tilespmem:s2], [sflag:$0x5] =	stream.linear.gather [hbm4b:s0+s2], $0x28, $0x38;
	[tilespmem:$0x91F0] =	vst v63  }
0x60: {  	_ =	swait.ge [sflag:s6], $0x28  }
0x61: {  	[sflag:s6] =	ssyncset.done $0x0  }
0x62: {  	s0 =	rddreg [dreg:$0xa];
	[sflag:s6] =	ssyncadd.s32 $0xFFFFFFD8  }
0x63: {  	[tilespmem:s21], [sflag:$0x5] =	stream.linear.gather [hbm4b:s0+s2], $0x28, $0x38;
	[tilespmem:$0x91F0] =	vst v63  }
0x64: {  	_ =	swait.ge [sflag:s6], $0x28  }
0x65: {  	[sflag:s6] =	ssyncset.done $0x0  }
0x66: {  	s0 =	rddreg [dreg:$0xb];
	[sflag:s6] =	ssyncadd.s32 $0xFFFFFFD8  }
0x67: {  	[tilespmem:s22], [sflag:$0x5] =	stream.linear.gather [hbm4b:s0+s2], $0x1E0, $0x38;
	[tilespmem:$0x91F0] =	vst v63  }
0x68: {  	_ =	swait.ge [sflag:s6], $0x1E0  }
0x69: {  	[sflag:s6] =	ssyncset.done $0x0  }
0x6a: {  	[sflag:s6] =	ssyncadd.s32 $0xFFFFFE20  }
0x6b: {  	[tilespmem:s18], [sflag:$0x2] =	stream.indirect.gather [hbm4b:s3+s17], $0x1, s22, s17, $0xb8;
	[tilespmem:$0x91F0] =	vst v63  }
0x6c: {  	_ = 	snop  }
0x6d: {  	[tilespmem:s16], [sflag:$0x1] =	stream.indirect.gather [hbm4b:s5+s16], $0x40, s2, s16, $0xb8;
	[tilespmem:$0x91F0] =	vst v63  }
0x6e: {  	_ = 	snop  }
0x6f: {  	[tilespmem:s14], [sflag:$0x3] =	stream.indirect.gather [hbm4b:s4+s17], $0x1, s22, s17, $0xb8;
	[tilespmem:$0x91F0] =	vst v63  }
0x70: {  	_ = 	snop  }
0x71: {  	[tilespmem:s13], [sflag:$0x4] =	stream.indirect.gather [hbm4b:s5+s16], $0x40, s21, s16, $0xb8;
	[tilespmem:$0x91F0] =	vst v63  }
0x72: {  	_ =	swait.ge [sflag:s10], $0x1E0  }
0x73: {  	[sflag:s10] =	ssyncset.done $0x0  }
0x74: {  	[sflag:s10] =	ssyncadd.s32 $0xFFFFFE20  }
0x75: {  	[tilespmem:s11], [sflag:$0x2] =	stream.indirect.gather [hbm4b:s5+s17], $0x40, s18, s17, $0xb8;
	[tilespmem:$0x91F0] =	vst v63  }
0x76: {  	_ =	swait.ge [sflag:s26], $0xA00  }
0x77: {  	[sflag:s26] =	ssyncset.done $0x0  }
0x78: {  	s0 =	rddreg [dreg:$0xc];
	[sflag:s26] =	ssyncadd.s32 $0xFFFFF600  }
0x79: {  	[hbm4b:s0+s2] =	stream.linear.scatter [tilespmem:s16], [sflag:$0x5], $0xA00, $0x38;
	[tilespmem:$0x91F0] =	vst v63  }
0x7a: {  	_ =	swait.ge [sflag:s6], $0xA00  }
0x7b: {  	[sflag:s6] =	ssyncset.done $0x0  }
0x7c: {  	[sflag:s6] =	ssyncadd.s32 $0xFFFFF600  }
0x7d: {  	_ =	swait.ge [sflag:s19], $0x1E0  }
0x7e: {  	[sflag:s19] =	ssyncset.done $0x0  }
0x7f: {  	s0 =	rddreg [dreg:$0xd];
	[sflag:s19] =	ssyncadd.s32 $0xFFFFFE20  }
0x80: {  	[hbm4b:s0+s2] =	stream.linear.scatter [tilespmem:s14], [sflag:$0x5], $0x1E0, $0x38;
	[tilespmem:$0x91F0] =	vst v63  }
0x81: {  	_ =	swait.ge [sflag:s6], $0x1E0  }
0x82: {  	[sflag:s6] =	ssyncset.done $0x0  }
0x83: {  	[sflag:s6] =	ssyncadd.s32 $0xFFFFFE20  }
0x84: {  	_ =	swait.ge [sflag:s15], $0xA00  }
0x85: {  	[sflag:s15] =	ssyncset.done $0x0  }
0x86: {  	s0 =	rddreg [dreg:$0xe];
	[sflag:s15] =	ssyncadd.s32 $0xFFFFF600  }
0x87: {  	[hbm4b:s0+s2] =	stream.linear.scatter [tilespmem:s13], [sflag:$0x5], $0xA00, $0x38;
	[tilespmem:$0x91F0] =	vst v63  }
0x88: {  	_ =	swait.ge [sflag:s6], $0xA00  }
0x89: {  	[sflag:s6] =	ssyncset.done $0x0  }
0x8a: {  	[sflag:s6] =	ssyncadd.s32 $0xFFFFF600  }
0x8b: {  	_ =	swait.ge [sflag:s10], $0x7800  }
0x8c: {  	[sflag:s10] =	ssyncset.done $0x0  }
0x8d: {  	s0 =	rddreg [dreg:$0xf];
	[sflag:s10] =	ssyncadd.s32 $0xFFFF8800  }
0x8e: {  	[hbm4b:s0+s2] =	stream.linear.scatter [tilespmem:s11], [sflag:$0x5], $0x7800, $0x38;
	[tilespmem:$0x91F0] =	vst v63  }
0x8f: {  	_ =	swait.ge [sflag:s6], $0x7800  }
0x90: {  	[sflag:s6] =	ssyncset.done $0x0  }
0x91: {  	s0 =	rddreg [dreg:$0x10];
	[sflag:s6] =	ssyncadd.s32 $0xFFFF8800  }
0x92: {  	[tilespmem:s2], [sflag:$0x5] =	stream.linear.gather [hbm4b:s0+s2], $0x28, $0x38;
	[tilespmem:$0x91F0] =	vst v63  }
0x93: {  	_ =	swait.ge [sflag:s6], $0x28  }
0x94: {  	[sflag:s6] =	ssyncset.done $0x0  }
0x95: {  	s0 =	rddreg [dreg:$0x11];
	[sflag:s6] =	ssyncadd.s32 $0xFFFFFFD8  }
0x96: {  	[tilespmem:s21], [sflag:$0x5] =	stream.linear.gather [hbm4b:s0+s2], $0x28, $0x38;
	[tilespmem:$0x91F0] =	vst v63  }
0x97: {  	_ =	swait.ge [sflag:s6], $0x28  }
0x98: {  	[sflag:s6] =	ssyncset.done $0x0  }
0x99: {  	s0 =	rddreg [dreg:$0x12];
	[sflag:s6] =	ssyncadd.s32 $0xFFFFFFD8  }
0x9a: {  	[tilespmem:s22], [sflag:$0x5] =	stream.linear.gather [hbm4b:s0+s2], $0x1E0, $0x38;
	[tilespmem:$0x91F0] =	vst v63  }
0x9b: {  	_ =	swait.ge [sflag:s6], $0x1E0  }
0x9c: {  	[sflag:s6] =	ssyncset.done $0x0  }
0x9d: {  	[sflag:s6] =	ssyncadd.s32 $0xFFFFFE20  }
0x9e: {  	[tilespmem:s18], [sflag:$0x2] =	stream.indirect.gather [hbm4b:s3+s17], $0x1, s22, s17, $0xb8;
	[tilespmem:$0x91F0] =	vst v63  }
0x9f: {  	_ = 	snop  }
0xa0: {  	[tilespmem:s16], [sflag:$0x1] =	stream.indirect.gather [hbm4b:s5+s16], $0x40, s2, s16, $0xb8;
	[tilespmem:$0x91F0] =	vst v63  }
0xa1: {  	_ = 	snop  }
0xa2: {  	[tilespmem:s14], [sflag:$0x3] =	stream.indirect.gather [hbm4b:s4+s17], $0x1, s22, s17, $0xb8;
	[tilespmem:$0x91F0] =	vst v63  }
0xa3: {  	_ = 	snop  }
0xa4: {  	[tilespmem:s13], [sflag:$0x4] =	stream.indirect.gather [hbm4b:s5+s16], $0x40, s21, s16, $0xb8;
	[tilespmem:$0x91F0] =	vst v63  }
0xa5: {  	_ =	swait.ge [sflag:s10], $0x1E0  }
0xa6: {  	[sflag:s10] =	ssyncset.done $0x0  }
0xa7: {  	[sflag:s10] =	ssyncadd.s32 $0xFFFFFE20  }
0xa8: {  	[tilespmem:s11], [sflag:$0x2] =	stream.indirect.gather [hbm4b:s5+s17], $0x40, s18, s17, $0xb8;
	[tilespmem:$0x91F0] =	vst v63  }
0xa9: {  	_ =	swait.ge [sflag:s26], $0xA00  }
0xaa: {  	[sflag:s26] =	ssyncset.done $0x0  }
0xab: {  	s0 =	rddreg [dreg:$0x13];
	[sflag:s26] =	ssyncadd.s32 $0xFFFFF600  }
0xac: {  	[hbm4b:s0+s2] =	stream.linear.scatter [tilespmem:s16], [sflag:$0x5], $0xA00, $0x38;
	[tilespmem:$0x91F0] =	vst v63  }
0xad: {  	_ =	swait.ge [sflag:s6], $0xA00  }
0xae: {  	[sflag:s6] =	ssyncset.done $0x0  }
0xaf: {  	[sflag:s6] =	ssyncadd.s32 $0xFFFFF600  }
0xb0: {  	_ =	swait.ge [sflag:s19], $0x1E0  }
0xb1: {  	[sflag:s19] =	ssyncset.done $0x0  }
0xb2: {  	s0 =	rddreg [dreg:$0x14];
	[sflag:s19] =	ssyncadd.s32 $0xFFFFFE20  }
0xb3: {  	[hbm4b:s0+s2] =	stream.linear.scatter [tilespmem:s14], [sflag:$0x5], $0x1E0, $0x38;
	[tilespmem:$0x91F0] =	vst v63  }
0xb4: {  	_ =	swait.ge [sflag:s6], $0x1E0  }
0xb5: {  	[sflag:s6] =	ssyncset.done $0x0  }
0xb6: {  	[sflag:s6] =	ssyncadd.s32 $0xFFFFFE20  }
0xb7: {  	_ =	swait.ge [sflag:s15], $0xA00  }
0xb8: {  	[sflag:s15] =	ssyncset.done $0x0  }
0xb9: {  	s0 =	rddreg [dreg:$0x15];
	[sflag:s15] =	ssyncadd.s32 $0xFFFFF600  }
0xba: {  	[hbm4b:s0+s2] =	stream.linear.scatter [tilespmem:s13], [sflag:$0x5], $0xA00, $0x38;
	[tilespmem:$0x91F0] =	vst v63  }
0xbb: {  	_ =	swait.ge [sflag:s6], $0xA00  }
0xbc: {  	[sflag:s6] =	ssyncset.done $0x0  }
0xbd: {  	[sflag:s6] =	ssyncadd.s32 $0xFFFFF600  }
0xbe: {  	_ =	swait.ge [sflag:s10], $0x7800  }
0xbf: {  	[sflag:s10] =	ssyncset.done $0x0  }
0xc0: {  	s0 =	rddreg [dreg:$0x16];
	[sflag:s10] =	ssyncadd.s32 $0xFFFF8800  }
0xc1: {  	[hbm4b:s0+s2] =	stream.linear.scatter [tilespmem:s11], [sflag:$0x5], $0x7800, $0x38;
	[tilespmem:$0x91F0] =	vst v63  }
0xc2: {  	_ =	swait.ge [sflag:s6], $0x7800  }
0xc3: {  	[sflag:s6] =	ssyncset.done $0x0  }
0xc4: {  	s0 =	rddreg [dreg:$0x17];
	[sflag:s6] =	ssyncadd.s32 $0xFFFF8800  }
0xc5: {  	[tilespmem:s2], [sflag:$0x5] =	stream.linear.gather [hbm4b:s0+s2], $0x28, $0x38;
	[tilespmem:$0x91F0] =	vst v63  }
0xc6: {  	_ =	swait.ge [sflag:s6], $0x28  }
0xc7: {  	[sflag:s6] =	ssyncset.done $0x0  }
0xc8: {  	s0 =	rddreg [dreg:$0x18];
	[sflag:s6] =	ssyncadd.s32 $0xFFFFFFD8  }
0xc9: {  	[tilespmem:s21], [sflag:$0x5] =	stream.linear.gather [hbm4b:s0+s2], $0x28, $0x38;
	[tilespmem:$0x91F0] =	vst v63  }
0xca: {  	_ =	swait.ge [sflag:s6], $0x28  }
0xcb: {  	[sflag:s6] =	ssyncset.done $0x0  }
0xcc: {  	s0 =	rddreg [dreg:$0x19];
	[sflag:s6] =	ssyncadd.s32 $0xFFFFFFD8  }
0xcd: {  	[tilespmem:s22], [sflag:$0x5] =	stream.linear.gather [hbm4b:s0+s2], $0x1E0, $0x38;
	[tilespmem:$0x91F0] =	vst v63  }
0xce: {  	_ =	swait.ge [sflag:s6], $0x1E0  }
0xcf: {  	[sflag:s6] =	ssyncset.done $0x0  }
0xd0: {  	[sflag:s6] =	ssyncadd.s32 $0xFFFFFE20  }
0xd1: {  	[tilespmem:s18], [sflag:$0x2] =	stream.indirect.gather [hbm4b:s3+s17], $0x1, s22, s17, $0xb8;
	[tilespmem:$0x91F0] =	vst v63  }
0xd2: {  	_ = 	snop  }
0xd3: {  	[tilespmem:s16], [sflag:$0x1] =	stream.indirect.gather [hbm4b:s5+s16], $0x40, s2, s16, $0xb8;
	[tilespmem:$0x91F0] =	vst v63  }
0xd4: {  	_ = 	snop  }
0xd5: {  	[tilespmem:s14], [sflag:$0x3] =	stream.indirect.gather [hbm4b:s4+s17], $0x1, s22, s17, $0xb8;
	[tilespmem:$0x91F0] =	vst v63  }
0xd6: {  	_ = 	snop  }
0xd7: {  	[tilespmem:s13], [sflag:$0x4] =	stream.indirect.gather [hbm4b:s5+s16], $0x40, s21, s16, $0xb8;
	[tilespmem:$0x91F0] =	vst v63  }
0xd8: {  	_ =	swait.ge [sflag:s10], $0x1E0  }
0xd9: {  	[sflag:s10] =	ssyncset.done $0x0  }
0xda: {  	[sflag:s10] =	ssyncadd.s32 $0xFFFFFE20  }
0xdb: {  	[tilespmem:s11], [sflag:$0x2] =	stream.indirect.gather [hbm4b:s5+s17], $0x40, s18, s17, $0xb8;
	[tilespmem:$0x91F0] =	vst v63  }
0xdc: {  	_ =	swait.ge [sflag:s26], $0xA00  }
0xdd: {  	[sflag:s26] =	ssyncset.done $0x0  }
0xde: {  	[sflag:s26] =	ssyncadd.s32 $0xFFFFF600  }
0xdf: {  	[hbm4b:s30+s2] =	stream.linear.scatter [tilespmem:s16], [sflag:$0x5], $0xA00, $0x38;
	[tilespmem:$0x91F0] =	vst v63  }
0xe0: {  	_ =	swait.ge [sflag:s6], $0xA00  }
0xe1: {  	[sflag:s6] =	ssyncset.done $0x0  }
0xe2: {  	[sflag:s6] =	ssyncadd.s32 $0xFFFFF600  }
0xe3: {  	_ =	swait.ge [sflag:s19], $0x1E0  }
0xe4: {  	[sflag:s19] =	ssyncset.done $0x0  }
0xe5: {  	[sflag:s19] =	ssyncadd.s32 $0xFFFFFE20  }
0xe6: {  	[hbm4b:s29+s2] =	stream.linear.scatter [tilespmem:s14], [sflag:$0x5], $0x1E0, $0x38;
	[tilespmem:$0x91F0] =	vst v63  }
0xe7: {  	_ =	swait.ge [sflag:s6], $0x1E0  }
0xe8: {  	[sflag:s6] =	ssyncset.done $0x0  }
0xe9: {  	[sflag:s6] =	ssyncadd.s32 $0xFFFFFE20  }
0xea: {  	_ =	swait.ge [sflag:s15], $0xA00  }
0xeb: {  	[sflag:s15] =	ssyncset.done $0x0  }
0xec: {  	[sflag:s15] =	ssyncadd.s32 $0xFFFFF600  }
0xed: {  	[hbm4b:s28+s2] =	stream.linear.scatter [tilespmem:s13], [sflag:$0x5], $0xA00, $0x38;
	[tilespmem:$0x91F0] =	vst v63  }
0xee: {  	_ =	swait.ge [sflag:s6], $0xA00  }
0xef: {  	[sflag:s6] =	ssyncset.done $0x0  }
0xf0: {  	[sflag:s6] =	ssyncadd.s32 $0xFFFFF600  }
0xf1: {  	_ =	swait.ge [sflag:s10], $0x7800  }
0xf2: {  	[sflag:s10] =	ssyncset.done $0x0  }
0xf3: {  	[sflag:s10] =	ssyncadd.s32 $0xFFFF8800  }
0xf4: {  	[hbm4b:s25+s2] =	stream.linear.scatter [tilespmem:s11], [sflag:$0x5], $0x7800, $0x38;
	[tilespmem:$0x91F0] =	vst v63  }
0xf5: {  	_ =	swait.ge [sflag:s6], $0x7800  }
0xf6: {  	[sflag:s6] =	ssyncset.done $0x0  }
0xf7: {  	[sflag:s6] =	ssyncadd.s32 $0xFFFF8800  }
0xf8: {  	[tilespmem:s2], [sflag:$0x5] =	stream.linear.gather [hbm4b:s24+s2], $0x28, $0x38;
	[tilespmem:$0x91F0] =	vst v63  }
0xf9: {  	_ =	swait.ge [sflag:s6], $0x28  }
0xfa: {  	[sflag:s6] =	ssyncset.done $0x0  }
0xfb: {  	[sflag:s6] =	ssyncadd.s32 $0xFFFFFFD8  }
0xfc: {  	[tilespmem:s21], [sflag:$0x5] =	stream.linear.gather [hbm4b:s23+s2], $0x28, $0x38;
	[tilespmem:$0x91F0] =	vst v63  }
0xfd: {  	_ =	swait.ge [sflag:s6], $0x28  }
0xfe: {  	[sflag:s6] =	ssyncset.done $0x0  }
0xff: {  	[sflag:s6] =	ssyncadd.s32 $0xFFFFFFD8  }
0x100: {  	[tilespmem:s22], [sflag:$0x5] =	stream.linear.gather [hbm4b:s20+s2], $0x1E0, $0x38;
	[tilespmem:$0x91F0] =	vst v63  }
0x101: {  	_ =	swait.ge [sflag:s6], $0x1E0  }
0x102: {  	[sflag:s6] =	ssyncset.done $0x0  }
0x103: {  	[sflag:s6] =	ssyncadd.s32 $0xFFFFFE20  }
0x104: {  	[tilespmem:s18], [sflag:$0x2] =	stream.indirect.gather [hbm4b:s3+s17], $0x1, s22, s17, $0xb8;
	[tilespmem:$0x91F0] =	vst v63  }
0x105: {  	_ = 	snop  }
0x106: {  	[tilespmem:s16], [sflag:$0x1] =	stream.indirect.gather [hbm4b:s5+s16], $0x40, s2, s16, $0xb8;
	[tilespmem:$0x91F0] =	vst v63  }
0x107: {  	_ = 	snop  }
0x108: {  	[tilespmem:s14], [sflag:$0x3] =	stream.indirect.gather [hbm4b:s4+s17], $0x1, s22, s17, $0xb8;
	[tilespmem:$0x91F0] =	vst v63  }
0x109: {  	_ = 	snop  }
0x10a: {  	[tilespmem:s13], [sflag:$0x4] =	stream.indirect.gather [hbm4b:s5+s16], $0x40, s21, s16, $0xb8;
	[tilespmem:$0x91F0] =	vst v63  }
0x10b: {  	_ =	swait.ge [sflag:s10], $0x1E0  }
0x10c: {  	[sflag:s10] =	ssyncset.done $0x0  }
0x10d: {  	[sflag:s10] =	ssyncadd.s32 $0xFFFFFE20  }
0x10e: {  	[tilespmem:s11], [sflag:$0x2] =	stream.indirect.gather [hbm4b:s5+s17], $0x40, s18, s17, $0xb8;
	[tilespmem:$0x91F0] =	vst v63  }
0x10f: {  	_ =	swait.ge [sflag:s26], $0xA00  }
0x110: {  	[sflag:s26] =	ssyncset.done $0x0  }
0x111: {  	[sflag:s26] =	ssyncadd.s32 $0xFFFFF600  }
0x112: {  	[hbm4b:s12+s2] =	stream.linear.scatter [tilespmem:s16], [sflag:$0x5], $0xA00, $0x38;
	[tilespmem:$0x91F0] =	vst v63  }
0x113: {  	_ =	swait.ge [sflag:s6], $0xA00  }
0x114: {  	[sflag:s6] =	ssyncset.done $0x0  }
0x115: {  	[sflag:s6] =	ssyncadd.s32 $0xFFFFF600  }
0x116: {  	_ =	swait.ge [sflag:s19], $0x1E0  }
0x117: {  	[sflag:s19] =	ssyncset.done $0x0  }
0x118: {  	[sflag:s19] =	ssyncadd.s32 $0xFFFFFE20  }
0x119: {  	[hbm4b:s9+s2] =	stream.linear.scatter [tilespmem:s14], [sflag:$0x5], $0x1E0, $0x38;
	[tilespmem:$0x91F0] =	vst v63  }
0x11a: {  	_ =	swait.ge [sflag:s6], $0x1E0  }
0x11b: {  	[sflag:s6] =	ssyncset.done $0x0  }
0x11c: {  	[sflag:s6] =	ssyncadd.s32 $0xFFFFFE20  }
0x11d: {  	_ =	swait.ge [sflag:s15], $0xA00  }
0x11e: {  	[sflag:s15] =	ssyncset.done $0x0  }
0x11f: {  	[sflag:s15] =	ssyncadd.s32 $0xFFFFF600  }
0x120: {  	[hbm4b:s8+s2] =	stream.linear.scatter [tilespmem:s13], [sflag:$0x5], $0xA00, $0x38;
	[tilespmem:$0x91F0] =	vst v63  }
0x121: {  	_ =	swait.ge [sflag:s6], $0xA00  }
0x122: {  	[sflag:s6] =	ssyncset.done $0x0  }
0x123: {  	[sflag:s6] =	ssyncadd.s32 $0xFFFFF600  }
0x124: {  	p1 =	sne.s32 s1, $0x1;
	_ =	swait.ge [sflag:s10], $0x7800  }
.Ltmp1:
0x125: {  	[sflag:s10] =	ssyncset.done $0x0;
	(pc) =	sbr.rel @!p1 .LBB2_3-.Ltmp1, $4  }
0x126: {  	[sflag:s10] =	ssyncadd.s32 $0xFFFF8800  }
0x127: {  	[hbm4b:s7+s2] =	stream.linear.scatter [tilespmem:s11], [sflag:$0x5], $0x7800, $0x38;
	[tilespmem:$0x91F0] =	vst v63  }
0x128: {  	s1 =	sadd.s32 $0xFFFFFFFF, s1;
	_ =	swait.ge [sflag:s6], $0x7800  }
0x129: {  	p0 =	por $0x1, $0x1;
	s0 =	rddreg [dreg:$0x3];
	[sflag:s6] =	ssyncset.done $0x0  }
.LBB2_2:
0x12a: {  	[sflag:s6] =	ssyncadd.s32 $0xFFFF8800  }
0x12b: {  	[tilespmem:s2], [sflag:$0x5] =	stream.linear.gather [hbm4b:s0+s2], $0x28, $0x38;
	[tilespmem:$0x91F0] =	vst v63  }
0x12c: {  	_ =	swait.ge [sflag:s6], $0x28  }
0x12d: {  	[sflag:s6] =	ssyncset.done $0x0  }
0x12e: {  	s0 =	rddreg [dreg:$0x4];
	[sflag:s6] =	ssyncadd.s32 $0xFFFFFFD8  }
0x12f: {  	[tilespmem:s21], [sflag:$0x5] =	stream.linear.gather [hbm4b:s0+s2], $0x28, $0x38;
	[tilespmem:$0x91F0] =	vst v63  }
0x130: {  	_ =	swait.ge [sflag:s6], $0x28  }
0x131: {  	[sflag:s6] =	ssyncset.done $0x0  }
0x132: {  	s0 =	rddreg [dreg:$0x5];
	[sflag:s6] =	ssyncadd.s32 $0xFFFFFFD8  }
0x133: {  	[tilespmem:s22], [sflag:$0x5] =	stream.linear.gather [hbm4b:s0+s2], $0x1E0, $0x38;
	[tilespmem:$0x91F0] =	vst v63  }
0x134: {  	_ =	swait.ge [sflag:s6], $0x1E0  }
0x135: {  	[sflag:s6] =	ssyncset.done $0x0  }
0x136: {  	[sflag:s6] =	ssyncadd.s32 $0xFFFFFE20  }
0x137: {  	[tilespmem:s18], [sflag:$0x2] =	stream.indirect.gather [hbm4b:s3+s17], $0x1, s22, s17, $0xb8;
	[tilespmem:$0x91F0] =	vst v63  }
0x138: {  	_ = 	snop  }
0x139: {  	[tilespmem:s16], [sflag:$0x1] =	stream.indirect.gather [hbm4b:s5+s16], $0x40, s2, s16, $0xb8;
	[tilespmem:$0x91F0] =	vst v63  }
0x13a: {  	_ = 	snop  }
0x13b: {  	[tilespmem:s14], [sflag:$0x3] =	stream.indirect.gather [hbm4b:s4+s17], $0x1, s22, s17, $0xb8;
	[tilespmem:$0x91F0] =	vst v63  }
0x13c: {  	_ = 	snop  }
0x13d: {  	[tilespmem:s13], [sflag:$0x4] =	stream.indirect.gather [hbm4b:s5+s16], $0x40, s21, s16, $0xb8;
	[tilespmem:$0x91F0] =	vst v63  }
0x13e: {  	_ =	swait.ge [sflag:s10], $0x1E0  }
0x13f: {  	[sflag:s10] =	ssyncset.done $0x0  }
0x140: {  	[sflag:s10] =	ssyncadd.s32 $0xFFFFFE20  }
0x141: {  	[tilespmem:s11], [sflag:$0x2] =	stream.indirect.gather [hbm4b:s5+s17], $0x40, s18, s17, $0xb8;
	[tilespmem:$0x91F0] =	vst v63  }
0x142: {  	_ =	swait.ge [sflag:s26], $0xA00  }
0x143: {  	[sflag:s26] =	ssyncset.done $0x0  }
0x144: {  	s0 =	rddreg [dreg:$0x6];
	[sflag:s26] =	ssyncadd.s32 $0xFFFFF600  }
0x145: {  	[hbm4b:s0+s2] =	stream.linear.scatter [tilespmem:s16], [sflag:$0x5], $0xA00, $0x38;
	[tilespmem:$0x91F0] =	vst v63  }
0x146: {  	_ =	swait.ge [sflag:s6], $0xA00  }
0x147: {  	[sflag:s6] =	ssyncset.done $0x0  }
0x148: {  	[sflag:s6] =	ssyncadd.s32 $0xFFFFF600  }
0x149: {  	_ =	swait.ge [sflag:s19], $0x1E0  }
0x14a: {  	[sflag:s19] =	ssyncset.done $0x0  }
0x14b: {  	s0 =	rddreg [dreg:$0x7];
	[sflag:s19] =	ssyncadd.s32 $0xFFFFFE20  }
0x14c: {  	[hbm4b:s0+s2] =	stream.linear.scatter [tilespmem:s14], [sflag:$0x5], $0x1E0, $0x38;
	[tilespmem:$0x91F0] =	vst v63  }
0x14d: {  	_ =	swait.ge [sflag:s6], $0x1E0  }
0x14e: {  	[sflag:s6] =	ssyncset.done $0x0  }
0x14f: {  	[sflag:s6] =	ssyncadd.s32 $0xFFFFFE20  }
0x150: {  	_ =	swait.ge [sflag:s15], $0xA00  }
0x151: {  	[sflag:s15] =	ssyncset.done $0x0  }
0x152: {  	s0 =	rddreg [dreg:$0x8];
	[sflag:s15] =	ssyncadd.s32 $0xFFFFF600  }
0x153: {  	[hbm4b:s0+s2] =	stream.linear.scatter [tilespmem:s13], [sflag:$0x5], $0xA00, $0x38;
	[tilespmem:$0x91F0] =	vst v63  }
0x154: {  	_ =	swait.ge [sflag:s6], $0xA00  }
0x155: {  	[sflag:s6] =	ssyncset.done $0x0  }
0x156: {  	[sflag:s6] =	ssyncadd.s32 $0xFFFFF600  }
0x157: {  	_ =	swait.ge [sflag:s10], $0x7800  }
0x158: {  	[sflag:s10] =	ssyncset.done $0x0  }
0x159: {  	[sflag:s10] =	ssyncadd.s32 $0xFFFF8800  }
0x15a: {  	[hbm4b:s31+s2] =	stream.linear.scatter [tilespmem:s11], [sflag:$0x5], $0x7800, $0x38;
	[tilespmem:$0x91F0] =	vst v63  }
0x15b: {  	_ =	swait.ge [sflag:s6], $0x7800  }
0x15c: {  	[sflag:s6] =	ssyncset.done $0x0  }
0x15d: {  	s0 =	rddreg [dreg:$0x9];
	[sflag:s6] =	ssyncadd.s32 $0xFFFF8800  }
0x15e: {  	[tilespmem:s2], [sflag:$0x5] =	stream.linear.gather [hbm4b:s0+s2], $0x28, $0x38;
	[tilespmem:$0x91F0] =	vst v63  }
0x15f: {  	_ =	swait.ge [sflag:s6], $0x28  }
0x160: {  	[sflag:s6] =	ssyncset.done $0x0  }
0x161: {  	s0 =	rddreg [dreg:$0xa];
	[sflag:s6] =	ssyncadd.s32 $0xFFFFFFD8  }
0x162: {  	[tilespmem:s21], [sflag:$0x5] =	stream.linear.gather [hbm4b:s0+s2], $0x28, $0x38;
	[tilespmem:$0x91F0] =	vst v63  }
0x163: {  	_ =	swait.ge [sflag:s6], $0x28  }
0x164: {  	[sflag:s6] =	ssyncset.done $0x0  }
0x165: {  	s0 =	rddreg [dreg:$0xb];
	[sflag:s6] =	ssyncadd.s32 $0xFFFFFFD8  }
0x166: {  	[tilespmem:s22], [sflag:$0x5] =	stream.linear.gather [hbm4b:s0+s2], $0x1E0, $0x38;
	[tilespmem:$0x91F0] =	vst v63  }
0x167: {  	_ =	swait.ge [sflag:s6], $0x1E0  }
0x168: {  	[sflag:s6] =	ssyncset.done $0x0  }
0x169: {  	[sflag:s6] =	ssyncadd.s32 $0xFFFFFE20  }
0x16a: {  	[tilespmem:s18], [sflag:$0x2] =	stream.indirect.gather [hbm4b:s3+s17], $0x1, s22, s17, $0xb8;
	[tilespmem:$0x91F0] =	vst v63  }
0x16b: {  	_ = 	snop  }
0x16c: {  	[tilespmem:s16], [sflag:$0x1] =	stream.indirect.gather [hbm4b:s5+s16], $0x40, s2, s16, $0xb8;
	[tilespmem:$0x91F0] =	vst v63  }
0x16d: {  	_ = 	snop  }
0x16e: {  	[tilespmem:s14], [sflag:$0x3] =	stream.indirect.gather [hbm4b:s4+s17], $0x1, s22, s17, $0xb8;
	[tilespmem:$0x91F0] =	vst v63  }
0x16f: {  	_ = 	snop  }
0x170: {  	[tilespmem:s13], [sflag:$0x4] =	stream.indirect.gather [hbm4b:s5+s16], $0x40, s21, s16, $0xb8;
	[tilespmem:$0x91F0] =	vst v63  }
0x171: {  	_ =	swait.ge [sflag:s10], $0x1E0  }
0x172: {  	[sflag:s10] =	ssyncset.done $0x0  }
0x173: {  	[sflag:s10] =	ssyncadd.s32 $0xFFFFFE20  }
0x174: {  	[tilespmem:s11], [sflag:$0x2] =	stream.indirect.gather [hbm4b:s5+s17], $0x40, s18, s17, $0xb8;
	[tilespmem:$0x91F0] =	vst v63  }
0x175: {  	_ =	swait.ge [sflag:s26], $0xA00  }
0x176: {  	[sflag:s26] =	ssyncset.done $0x0  }
0x177: {  	s0 =	rddreg [dreg:$0xc];
	[sflag:s26] =	ssyncadd.s32 $0xFFFFF600  }
0x178: {  	[hbm4b:s0+s2] =	stream.linear.scatter [tilespmem:s16], [sflag:$0x5], $0xA00, $0x38;
	[tilespmem:$0x91F0] =	vst v63  }
0x179: {  	_ =	swait.ge [sflag:s6], $0xA00  }
0x17a: {  	[sflag:s6] =	ssyncset.done $0x0  }
0x17b: {  	[sflag:s6] =	ssyncadd.s32 $0xFFFFF600  }
0x17c: {  	_ =	swait.ge [sflag:s19], $0x1E0  }
0x17d: {  	[sflag:s19] =	ssyncset.done $0x0  }
0x17e: {  	s0 =	rddreg [dreg:$0xd];
	[sflag:s19] =	ssyncadd.s32 $0xFFFFFE20  }
0x17f: {  	[hbm4b:s0+s2] =	stream.linear.scatter [tilespmem:s14], [sflag:$0x5], $0x1E0, $0x38;
	[tilespmem:$0x91F0] =	vst v63  }
0x180: {  	_ =	swait.ge [sflag:s6], $0x1E0  }
0x181: {  	[sflag:s6] =	ssyncset.done $0x0  }
0x182: {  	[sflag:s6] =	ssyncadd.s32 $0xFFFFFE20  }
0x183: {  	_ =	swait.ge [sflag:s15], $0xA00  }
0x184: {  	[sflag:s15] =	ssyncset.done $0x0  }
0x185: {  	s0 =	rddreg [dreg:$0xe];
	[sflag:s15] =	ssyncadd.s32 $0xFFFFF600  }
0x186: {  	[hbm4b:s0+s2] =	stream.linear.scatter [tilespmem:s13], [sflag:$0x5], $0xA00, $0x38;
	[tilespmem:$0x91F0] =	vst v63  }
0x187: {  	_ =	swait.ge [sflag:s6], $0xA00  }
0x188: {  	[sflag:s6] =	ssyncset.done $0x0  }
0x189: {  	[sflag:s6] =	ssyncadd.s32 $0xFFFFF600  }
0x18a: {  	_ =	swait.ge [sflag:s10], $0x7800  }
0x18b: {  	[sflag:s10] =	ssyncset.done $0x0  }
0x18c: {  	s0 =	rddreg [dreg:$0xf];
	[sflag:s10] =	ssyncadd.s32 $0xFFFF8800  }
0x18d: {  	[hbm4b:s0+s2] =	stream.linear.scatter [tilespmem:s11], [sflag:$0x5], $0x7800, $0x38;
	[tilespmem:$0x91F0] =	vst v63  }
0x18e: {  	_ =	swait.ge [sflag:s6], $0x7800  }
0x18f: {  	[sflag:s6] =	ssyncset.done $0x0  }
0x190: {  	s0 =	rddreg [dreg:$0x10];
	[sflag:s6] =	ssyncadd.s32 $0xFFFF8800  }
0x191: {  	[tilespmem:s2], [sflag:$0x5] =	stream.linear.gather [hbm4b:s0+s2], $0x28, $0x38;
	[tilespmem:$0x91F0] =	vst v63  }
0x192: {  	_ =	swait.ge [sflag:s6], $0x28  }
0x193: {  	[sflag:s6] =	ssyncset.done $0x0  }
0x194: {  	s0 =	rddreg [dreg:$0x11];
	[sflag:s6] =	ssyncadd.s32 $0xFFFFFFD8  }
0x195: {  	[tilespmem:s21], [sflag:$0x5] =	stream.linear.gather [hbm4b:s0+s2], $0x28, $0x38;
	[tilespmem:$0x91F0] =	vst v63  }
0x196: {  	_ =	swait.ge [sflag:s6], $0x28  }
0x197: {  	[sflag:s6] =	ssyncset.done $0x0  }
0x198: {  	s0 =	rddreg [dreg:$0x12];
	[sflag:s6] =	ssyncadd.s32 $0xFFFFFFD8  }
0x199: {  	[tilespmem:s22], [sflag:$0x5] =	stream.linear.gather [hbm4b:s0+s2], $0x1E0, $0x38;
	[tilespmem:$0x91F0] =	vst v63  }
0x19a: {  	_ =	swait.ge [sflag:s6], $0x1E0  }
0x19b: {  	[sflag:s6] =	ssyncset.done $0x0  }
0x19c: {  	[sflag:s6] =	ssyncadd.s32 $0xFFFFFE20  }
0x19d: {  	[tilespmem:s18], [sflag:$0x2] =	stream.indirect.gather [hbm4b:s3+s17], $0x1, s22, s17, $0xb8;
	[tilespmem:$0x91F0] =	vst v63  }
0x19e: {  	_ = 	snop  }
0x19f: {  	[tilespmem:s16], [sflag:$0x1] =	stream.indirect.gather [hbm4b:s5+s16], $0x40, s2, s16, $0xb8;
	[tilespmem:$0x91F0] =	vst v63  }
0x1a0: {  	_ = 	snop  }
0x1a1: {  	[tilespmem:s14], [sflag:$0x3] =	stream.indirect.gather [hbm4b:s4+s17], $0x1, s22, s17, $0xb8;
	[tilespmem:$0x91F0] =	vst v63  }
0x1a2: {  	_ = 	snop  }
0x1a3: {  	[tilespmem:s13], [sflag:$0x4] =	stream.indirect.gather [hbm4b:s5+s16], $0x40, s21, s16, $0xb8;
	[tilespmem:$0x91F0] =	vst v63  }
0x1a4: {  	_ =	swait.ge [sflag:s10], $0x1E0  }
0x1a5: {  	[sflag:s10] =	ssyncset.done $0x0  }
0x1a6: {  	[sflag:s10] =	ssyncadd.s32 $0xFFFFFE20  }
0x1a7: {  	[tilespmem:s11], [sflag:$0x2] =	stream.indirect.gather [hbm4b:s5+s17], $0x40, s18, s17, $0xb8;
	[tilespmem:$0x91F0] =	vst v63  }
0x1a8: {  	_ =	swait.ge [sflag:s26], $0xA00  }
0x1a9: {  	[sflag:s26] =	ssyncset.done $0x0  }
0x1aa: {  	s0 =	rddreg [dreg:$0x13];
	[sflag:s26] =	ssyncadd.s32 $0xFFFFF600  }
0x1ab: {  	[hbm4b:s0+s2] =	stream.linear.scatter [tilespmem:s16], [sflag:$0x5], $0xA00, $0x38;
	[tilespmem:$0x91F0] =	vst v63  }
0x1ac: {  	_ =	swait.ge [sflag:s6], $0xA00  }
0x1ad: {  	[sflag:s6] =	ssyncset.done $0x0  }
0x1ae: {  	[sflag:s6] =	ssyncadd.s32 $0xFFFFF600  }
0x1af: {  	_ =	swait.ge [sflag:s19], $0x1E0  }
0x1b0: {  	[sflag:s19] =	ssyncset.done $0x0  }
0x1b1: {  	s0 =	rddreg [dreg:$0x14];
	[sflag:s19] =	ssyncadd.s32 $0xFFFFFE20  }
0x1b2: {  	[hbm4b:s0+s2] =	stream.linear.scatter [tilespmem:s14], [sflag:$0x5], $0x1E0, $0x38;
	[tilespmem:$0x91F0] =	vst v63  }
0x1b3: {  	_ =	swait.ge [sflag:s6], $0x1E0  }
0x1b4: {  	[sflag:s6] =	ssyncset.done $0x0  }
0x1b5: {  	[sflag:s6] =	ssyncadd.s32 $0xFFFFFE20  }
0x1b6: {  	_ =	swait.ge [sflag:s15], $0xA00  }
0x1b7: {  	[sflag:s15] =	ssyncset.done $0x0  }
0x1b8: {  	s0 =	rddreg [dreg:$0x15];
	[sflag:s15] =	ssyncadd.s32 $0xFFFFF600  }
0x1b9: {  	[hbm4b:s0+s2] =	stream.linear.scatter [tilespmem:s13], [sflag:$0x5], $0xA00, $0x38;
	[tilespmem:$0x91F0] =	vst v63  }
0x1ba: {  	_ =	swait.ge [sflag:s6], $0xA00  }
0x1bb: {  	[sflag:s6] =	ssyncset.done $0x0  }
0x1bc: {  	[sflag:s6] =	ssyncadd.s32 $0xFFFFF600  }
0x1bd: {  	_ =	swait.ge [sflag:s10], $0x7800  }
0x1be: {  	[sflag:s10] =	ssyncset.done $0x0  }
0x1bf: {  	s0 =	rddreg [dreg:$0x16];
	[sflag:s10] =	ssyncadd.s32 $0xFFFF8800  }
0x1c0: {  	[hbm4b:s0+s2] =	stream.linear.scatter [tilespmem:s11], [sflag:$0x5], $0x7800, $0x38;
	[tilespmem:$0x91F0] =	vst v63  }
0x1c1: {  	_ =	swait.ge [sflag:s6], $0x7800  }
0x1c2: {  	[sflag:s6] =	ssyncset.done $0x0  }
0x1c3: {  	s0 =	rddreg [dreg:$0x17];
	[sflag:s6] =	ssyncadd.s32 $0xFFFF8800  }
0x1c4: {  	[tilespmem:s2], [sflag:$0x5] =	stream.linear.gather [hbm4b:s0+s2], $0x28, $0x38;
	[tilespmem:$0x91F0] =	vst v63  }
0x1c5: {  	_ =	swait.ge [sflag:s6], $0x28  }
0x1c6: {  	[sflag:s6] =	ssyncset.done $0x0  }
0x1c7: {  	s0 =	rddreg [dreg:$0x18];
	[sflag:s6] =	ssyncadd.s32 $0xFFFFFFD8  }
0x1c8: {  	[tilespmem:s21], [sflag:$0x5] =	stream.linear.gather [hbm4b:s0+s2], $0x28, $0x38;
	[tilespmem:$0x91F0] =	vst v63  }
0x1c9: {  	_ =	swait.ge [sflag:s6], $0x28  }
0x1ca: {  	[sflag:s6] =	ssyncset.done $0x0  }
0x1cb: {  	s0 =	rddreg [dreg:$0x19];
	[sflag:s6] =	ssyncadd.s32 $0xFFFFFFD8  }
0x1cc: {  	[tilespmem:s22], [sflag:$0x5] =	stream.linear.gather [hbm4b:s0+s2], $0x1E0, $0x38;
	[tilespmem:$0x91F0] =	vst v63  }
0x1cd: {  	_ =	swait.ge [sflag:s6], $0x1E0  }
0x1ce: {  	[sflag:s6] =	ssyncset.done $0x0  }
0x1cf: {  	[sflag:s6] =	ssyncadd.s32 $0xFFFFFE20  }
0x1d0: {  	[tilespmem:s18], [sflag:$0x2] =	stream.indirect.gather [hbm4b:s3+s17], $0x1, s22, s17, $0xb8;
	[tilespmem:$0x91F0] =	vst v63  }
0x1d1: {  	_ = 	snop  }
0x1d2: {  	[tilespmem:s16], [sflag:$0x1] =	stream.indirect.gather [hbm4b:s5+s16], $0x40, s2, s16, $0xb8;
	[tilespmem:$0x91F0] =	vst v63  }
0x1d3: {  	_ = 	snop  }
0x1d4: {  	[tilespmem:s14], [sflag:$0x3] =	stream.indirect.gather [hbm4b:s4+s17], $0x1, s22, s17, $0xb8;
	[tilespmem:$0x91F0] =	vst v63  }
0x1d5: {  	_ = 	snop  }
0x1d6: {  	[tilespmem:s13], [sflag:$0x4] =	stream.indirect.gather [hbm4b:s5+s16], $0x40, s21, s16, $0xb8;
	[tilespmem:$0x91F0] =	vst v63  }
0x1d7: {  	_ =	swait.ge [sflag:s10], $0x1E0  }
0x1d8: {  	[sflag:s10] =	ssyncset.done $0x0  }
0x1d9: {  	[sflag:s10] =	ssyncadd.s32 $0xFFFFFE20  }
0x1da: {  	[tilespmem:s11], [sflag:$0x2] =	stream.indirect.gather [hbm4b:s5+s17], $0x40, s18, s17, $0xb8;
	[tilespmem:$0x91F0] =	vst v63  }
0x1db: {  	_ =	swait.ge [sflag:s26], $0xA00  }
0x1dc: {  	[sflag:s26] =	ssyncset.done $0x0  }
0x1dd: {  	[sflag:s26] =	ssyncadd.s32 $0xFFFFF600  }
0x1de: {  	[hbm4b:s30+s2] =	stream.linear.scatter [tilespmem:s16], [sflag:$0x5], $0xA00, $0x38;
	[tilespmem:$0x91F0] =	vst v63  }
0x1df: {  	_ =	swait.ge [sflag:s6], $0xA00  }
0x1e0: {  	[sflag:s6] =	ssyncset.done $0x0  }
0x1e1: {  	[sflag:s6] =	ssyncadd.s32 $0xFFFFF600  }
0x1e2: {  	_ =	swait.ge [sflag:s19], $0x1E0  }
0x1e3: {  	[sflag:s19] =	ssyncset.done $0x0  }
0x1e4: {  	[sflag:s19] =	ssyncadd.s32 $0xFFFFFE20  }
0x1e5: {  	[hbm4b:s29+s2] =	stream.linear.scatter [tilespmem:s14], [sflag:$0x5], $0x1E0, $0x38;
	[tilespmem:$0x91F0] =	vst v63  }
0x1e6: {  	_ =	swait.ge [sflag:s6], $0x1E0  }
0x1e7: {  	[sflag:s6] =	ssyncset.done $0x0  }
0x1e8: {  	[sflag:s6] =	ssyncadd.s32 $0xFFFFFE20  }
0x1e9: {  	_ =	swait.ge [sflag:s15], $0xA00  }
0x1ea: {  	[sflag:s15] =	ssyncset.done $0x0  }
0x1eb: {  	[sflag:s15] =	ssyncadd.s32 $0xFFFFF600  }
0x1ec: {  	[hbm4b:s28+s2] =	stream.linear.scatter [tilespmem:s13], [sflag:$0x5], $0xA00, $0x38;
	[tilespmem:$0x91F0] =	vst v63  }
0x1ed: {  	_ =	swait.ge [sflag:s6], $0xA00  }
0x1ee: {  	[sflag:s6] =	ssyncset.done $0x0  }
0x1ef: {  	[sflag:s6] =	ssyncadd.s32 $0xFFFFF600  }
0x1f0: {  	_ =	swait.ge [sflag:s10], $0x7800  }
0x1f1: {  	[sflag:s10] =	ssyncset.done $0x0  }
0x1f2: {  	[sflag:s10] =	ssyncadd.s32 $0xFFFF8800  }
0x1f3: {  	[hbm4b:s25+s2] =	stream.linear.scatter [tilespmem:s11], [sflag:$0x5], $0x7800, $0x38;
	[tilespmem:$0x91F0] =	vst v63  }
0x1f4: {  	_ =	swait.ge [sflag:s6], $0x7800  }
0x1f5: {  	[sflag:s6] =	ssyncset.done $0x0  }
0x1f6: {  	[sflag:s6] =	ssyncadd.s32 $0xFFFF8800  }
0x1f7: {  	[tilespmem:s2], [sflag:$0x5] =	stream.linear.gather [hbm4b:s24+s2], $0x28, $0x38;
	[tilespmem:$0x91F0] =	vst v63  }
0x1f8: {  	_ =	swait.ge [sflag:s6], $0x28  }
0x1f9: {  	[sflag:s6] =	ssyncset.done $0x0  }
0x1fa: {  	[sflag:s6] =	ssyncadd.s32 $0xFFFFFFD8  }
0x1fb: {  	[tilespmem:s21], [sflag:$0x5] =	stream.linear.gather [hbm4b:s23+s2], $0x28, $0x38;
	[tilespmem:$0x91F0] =	vst v63  }
0x1fc: {  	_ =	swait.ge [sflag:s6], $0x28  }
0x1fd: {  	[sflag:s6] =	ssyncset.done $0x0  }
0x1fe: {  	[sflag:s6] =	ssyncadd.s32 $0xFFFFFFD8  }
0x1ff: {  	[tilespmem:s22], [sflag:$0x5] =	stream.linear.gather [hbm4b:s20+s2], $0x1E0, $0x38;
	[tilespmem:$0x91F0] =	vst v63  }
0x200: {  	_ =	swait.ge [sflag:s6], $0x1E0  }
0x201: {  	[sflag:s6] =	ssyncset.done $0x0  }
0x202: {  	[sflag:s6] =	ssyncadd.s32 $0xFFFFFE20  }
0x203: {  	[tilespmem:s18], [sflag:$0x2] =	stream.indirect.gather [hbm4b:s3+s17], $0x1, s22, s17, $0xb8;
	[tilespmem:$0x91F0] =	vst v63  }
0x204: {  	_ = 	snop  }
0x205: {  	[tilespmem:s16], [sflag:$0x1] =	stream.indirect.gather [hbm4b:s5+s16], $0x40, s2, s16, $0xb8;
	[tilespmem:$0x91F0] =	vst v63  }
0x206: {  	_ = 	snop  }
0x207: {  	[tilespmem:s14], [sflag:$0x3] =	stream.indirect.gather [hbm4b:s4+s17], $0x1, s22, s17, $0xb8;
	[tilespmem:$0x91F0] =	vst v63  }
0x208: {  	_ = 	snop  }
0x209: {  	[tilespmem:s13], [sflag:$0x4] =	stream.indirect.gather [hbm4b:s5+s16], $0x40, s21, s16, $0xb8;
	[tilespmem:$0x91F0] =	vst v63  }
0x20a: {  	_ =	swait.ge [sflag:s10], $0x1E0  }
0x20b: {  	[sflag:s10] =	ssyncset.done $0x0  }
0x20c: {  	[sflag:s10] =	ssyncadd.s32 $0xFFFFFE20  }
0x20d: {  	[tilespmem:s11], [sflag:$0x2] =	stream.indirect.gather [hbm4b:s5+s17], $0x40, s18, s17, $0xb8;
	[tilespmem:$0x91F0] =	vst v63  }
0x20e: {  	_ =	swait.ge [sflag:s26], $0xA00  }
0x20f: {  	[sflag:s26] =	ssyncset.done $0x0  }
0x210: {  	[sflag:s26] =	ssyncadd.s32 $0xFFFFF600  }
0x211: {  	[hbm4b:s12+s2] =	stream.linear.scatter [tilespmem:s16], [sflag:$0x5], $0xA00, $0x38;
	[tilespmem:$0x91F0] =	vst v63  }
0x212: {  	_ =	swait.ge [sflag:s6], $0xA00  }
0x213: {  	[sflag:s6] =	ssyncset.done $0x0  }
0x214: {  	[sflag:s6] =	ssyncadd.s32 $0xFFFFF600  }
0x215: {  	_ =	swait.ge [sflag:s19], $0x1E0  }
0x216: {  	[sflag:s19] =	ssyncset.done $0x0  }
0x217: {  	[sflag:s19] =	ssyncadd.s32 $0xFFFFFE20  }
0x218: {  	[hbm4b:s9+s2] =	stream.linear.scatter [tilespmem:s14], [sflag:$0x5], $0x1E0, $0x38;
	[tilespmem:$0x91F0] =	vst v63  }
0x219: {  	_ =	swait.ge [sflag:s6], $0x1E0  }
0x21a: {  	[sflag:s6] =	ssyncset.done $0x0  }
0x21b: {  	[sflag:s6] =	ssyncadd.s32 $0xFFFFFE20  }
0x21c: {  	_ =	swait.ge [sflag:s15], $0xA00  }
0x21d: {  	[sflag:s15] =	ssyncset.done $0x0  }
0x21e: {  	[sflag:s15] =	ssyncadd.s32 $0xFFFFF600  }
0x21f: {  	[hbm4b:s8+s2] =	stream.linear.scatter [tilespmem:s13], [sflag:$0x5], $0xA00, $0x38;
	[tilespmem:$0x91F0] =	vst v63  }
0x220: {  	_ =	swait.ge [sflag:s6], $0xA00  }
0x221: {  	[sflag:s6] =	ssyncset.done $0x0  }
0x222: {  	[sflag:s6] =	ssyncadd.s32 $0xFFFFF600  }
0x223: {  	p1 =	sne.s32 s1, $0x1;
	_ =	swait.ge [sflag:s10], $0x7800  }
.Ltmp2:
0x224: {  	[sflag:s10] =	ssyncset.done $0x0;
	(pc) =	sbr.rel @p1 .LBB2_2-.Ltmp2, $4  }
0x225: {  	[sflag:s10] =	ssyncadd.s32 $0xFFFF8800  }
0x226: {  	[hbm4b:s7+s2] =	stream.linear.scatter [tilespmem:s11], [sflag:$0x5], $0x7800, $0x38;
	[tilespmem:$0x91F0] =	vst v63  }
0x227: {  	_ =	swait.ge [sflag:s6], $0x7800  }
0x228: {  	s1 =	sadd.s32 $0xFFFFFFFF, s1;
	s0 =	rddreg [dreg:$0x3];
	[sflag:s6] =	ssyncset.done $0x0  }
.LBB2_3:
0x229: {  	[sflag:s6] =	ssyncadd.s32 @p0 $0xFFFF8800  }
0x22a: {  	[tilespmem:s2], [sflag:$0x5] =	stream.linear.gather [hbm4b:s0+s2], $0x28, $0x38;
	[tilespmem:$0x91F0] =	vst v63  }
0x22b: {  	_ =	swait.ge [sflag:s6], $0x28  }
0x22c: {  	[sflag:s6] =	ssyncset.done $0x0  }
0x22d: {  	s1 =	rddreg [dreg:$0x4];
	[sflag:s6] =	ssyncadd.s32 $0xFFFFFFD8  }
0x22e: {  	[tilespmem:s21], [sflag:$0x5] =	stream.linear.gather [hbm4b:s1+s2], $0x28, $0x38;
	[tilespmem:$0x91F0] =	vst v63  }
0x22f: {  	_ =	swait.ge [sflag:s6], $0x28  }
0x230: {  	[sflag:s6] =	ssyncset.done $0x0  }
0x231: {  	s1 =	rddreg [dreg:$0x5];
	[sflag:s6] =	ssyncadd.s32 $0xFFFFFFD8  }
0x232: {  	[tilespmem:s22], [sflag:$0x5] =	stream.linear.gather [hbm4b:s1+s2], $0x1E0, $0x38;
	[tilespmem:$0x91F0] =	vst v63  }
0x233: {  	_ =	swait.ge [sflag:s6], $0x1E0  }
0x234: {  	[sflag:s6] =	ssyncset.done $0x0  }
0x235: {  	[sflag:s6] =	ssyncadd.s32 $0xFFFFFE20  }
0x236: {  	[tilespmem:s18], [sflag:$0x2] =	stream.indirect.gather [hbm4b:s3+s17], $0x1, s22, s17, $0xb8;
	[tilespmem:$0x91F0] =	vst v63  }
0x237: {  	_ = 	snop  }
0x238: {  	[tilespmem:s16], [sflag:$0x1] =	stream.indirect.gather [hbm4b:s5+s16], $0x40, s2, s16, $0xb8;
	[tilespmem:$0x91F0] =	vst v63  }
0x239: {  	_ = 	snop  }
0x23a: {  	[tilespmem:s14], [sflag:$0x3] =	stream.indirect.gather [hbm4b:s4+s17], $0x1, s22, s17, $0xb8;
	[tilespmem:$0x91F0] =	vst v63  }
0x23b: {  	_ = 	snop  }
0x23c: {  	[tilespmem:s13], [sflag:$0x4] =	stream.indirect.gather [hbm4b:s5+s16], $0x40, s21, s16, $0xb8;
	[tilespmem:$0x91F0] =	vst v63  }
0x23d: {  	_ =	swait.ge [sflag:s10], $0x1E0  }
0x23e: {  	[sflag:s10] =	ssyncset.done $0x0  }
0x23f: {  	[sflag:s10] =	ssyncadd.s32 $0xFFFFFE20  }
0x240: {  	[tilespmem:s11], [sflag:$0x2] =	stream.indirect.gather [hbm4b:s5+s17], $0x40, s18, s17, $0xb8;
	[tilespmem:$0x91F0] =	vst v63  }
0x241: {  	_ =	swait.ge [sflag:s26], $0xA00  }
0x242: {  	[sflag:s26] =	ssyncset.done $0x0  }
0x243: {  	s1 =	rddreg [dreg:$0x6];
	[sflag:s26] =	ssyncadd.s32 $0xFFFFF600  }
0x244: {  	[hbm4b:s1+s2] =	stream.linear.scatter [tilespmem:s16], [sflag:$0x5], $0xA00, $0x38;
	[tilespmem:$0x91F0] =	vst v63  }
0x245: {  	_ =	swait.ge [sflag:s6], $0xA00  }
0x246: {  	[sflag:s6] =	ssyncset.done $0x0  }
0x247: {  	[sflag:s6] =	ssyncadd.s32 $0xFFFFF600  }
0x248: {  	_ =	swait.ge [sflag:s19], $0x1E0  }
0x249: {  	[sflag:s19] =	ssyncset.done $0x0  }
0x24a: {  	s1 =	rddreg [dreg:$0x7];
	[sflag:s19] =	ssyncadd.s32 $0xFFFFFE20  }
0x24b: {  	[hbm4b:s1+s2] =	stream.linear.scatter [tilespmem:s14], [sflag:$0x5], $0x1E0, $0x38;
	[tilespmem:$0x91F0] =	vst v63  }
0x24c: {  	_ =	swait.ge [sflag:s6], $0x1E0  }
0x24d: {  	[sflag:s6] =	ssyncset.done $0x0  }
0x24e: {  	[sflag:s6] =	ssyncadd.s32 $0xFFFFFE20  }
0x24f: {  	_ =	swait.ge [sflag:s15], $0xA00  }
0x250: {  	[sflag:s15] =	ssyncset.done $0x0  }
0x251: {  	s1 =	rddreg [dreg:$0x8];
	[sflag:s15] =	ssyncadd.s32 $0xFFFFF600  }
0x252: {  	[hbm4b:s1+s2] =	stream.linear.scatter [tilespmem:s13], [sflag:$0x5], $0xA00, $0x38;
	[tilespmem:$0x91F0] =	vst v63  }
0x253: {  	_ =	swait.ge [sflag:s6], $0xA00  }
0x254: {  	[sflag:s6] =	ssyncset.done $0x0  }
0x255: {  	[sflag:s6] =	ssyncadd.s32 $0xFFFFF600  }
0x256: {  	_ =	swait.ge [sflag:s10], $0x7800  }
0x257: {  	[sflag:s10] =	ssyncset.done $0x0  }
0x258: {  	[sflag:s10] =	ssyncadd.s32 $0xFFFF8800  }
0x259: {  	[hbm4b:s31+s2] =	stream.linear.scatter [tilespmem:s11], [sflag:$0x5], $0x7800, $0x38;
	[tilespmem:$0x91F0] =	vst v63  }
0x25a: {  	_ =	swait.ge [sflag:s6], $0x7800  }
0x25b: {  	[sflag:s6] =	ssyncset.done $0x0  }
0x25c: {  	s1 =	rddreg [dreg:$0x9];
	[sflag:s6] =	ssyncadd.s32 $0xFFFF8800  }
0x25d: {  	[tilespmem:s2], [sflag:$0x5] =	stream.linear.gather [hbm4b:s1+s2], $0x28, $0x38;
	[tilespmem:$0x91F0] =	vst v63  }
0x25e: {  	_ =	swait.ge [sflag:s6], $0x28  }
0x25f: {  	[sflag:s6] =	ssyncset.done $0x0  }
0x260: {  	s31 =	rddreg [dreg:$0xa];
	[sflag:s6] =	ssyncadd.s32 $0xFFFFFFD8  }
0x261: {  	[tilespmem:s21], [sflag:$0x5] =	stream.linear.gather [hbm4b:s31+s2], $0x28, $0x38;
	[tilespmem:$0x91F0] =	vst v63  }
0x262: {  	_ =	swait.ge [sflag:s6], $0x28  }
0x263: {  	[sflag:s6] =	ssyncset.done $0x0  }
0x264: {  	s1 =	rddreg [dreg:$0xb];
	[sflag:s6] =	ssyncadd.s32 $0xFFFFFFD8  }
0x265: {  	[tilespmem:s22], [sflag:$0x5] =	stream.linear.gather [hbm4b:s1+s2], $0x1E0, $0x38;
	[tilespmem:$0x91F0] =	vst v63  }
0x266: {  	_ =	swait.ge [sflag:s6], $0x1E0  }
0x267: {  	[sflag:s6] =	ssyncset.done $0x0  }
0x268: {  	[sflag:s6] =	ssyncadd.s32 $0xFFFFFE20  }
0x269: {  	[tilespmem:s18], [sflag:$0x2] =	stream.indirect.gather [hbm4b:s3+s17], $0x1, s22, s17, $0xb8;
	[tilespmem:$0x91F0] =	vst v63  }
0x26a: {  	_ = 	snop  }
0x26b: {  	[tilespmem:s16], [sflag:$0x1] =	stream.indirect.gather [hbm4b:s5+s16], $0x40, s2, s16, $0xb8;
	[tilespmem:$0x91F0] =	vst v63  }
0x26c: {  	_ = 	snop  }
0x26d: {  	[tilespmem:s14], [sflag:$0x3] =	stream.indirect.gather [hbm4b:s4+s17], $0x1, s22, s17, $0xb8;
	[tilespmem:$0x91F0] =	vst v63  }
0x26e: {  	_ = 	snop  }
0x26f: {  	[tilespmem:s13], [sflag:$0x4] =	stream.indirect.gather [hbm4b:s5+s16], $0x40, s21, s16, $0xb8;
	[tilespmem:$0x91F0] =	vst v63  }
0x270: {  	_ =	swait.ge [sflag:s10], $0x1E0  }
0x271: {  	[sflag:s10] =	ssyncset.done $0x0  }
0x272: {  	[sflag:s10] =	ssyncadd.s32 $0xFFFFFE20  }
0x273: {  	[tilespmem:s11], [sflag:$0x2] =	stream.indirect.gather [hbm4b:s5+s17], $0x40, s18, s17, $0xb8;
	[tilespmem:$0x91F0] =	vst v63  }
0x274: {  	_ =	swait.ge [sflag:s26], $0xA00  }
0x275: {  	[sflag:s26] =	ssyncset.done $0x0  }
0x276: {  	s31 =	rddreg [dreg:$0xc];
	[sflag:s26] =	ssyncadd.s32 $0xFFFFF600  }
0x277: {  	[hbm4b:s31+s2] =	stream.linear.scatter [tilespmem:s16], [sflag:$0x5], $0xA00, $0x38;
	[tilespmem:$0x91F0] =	vst v63  }
0x278: {  	_ =	swait.ge [sflag:s6], $0xA00  }
0x279: {  	[sflag:s6] =	ssyncset.done $0x0  }
0x27a: {  	[sflag:s6] =	ssyncadd.s32 $0xFFFFF600  }
0x27b: {  	_ =	swait.ge [sflag:s19], $0x1E0  }
0x27c: {  	[sflag:s19] =	ssyncset.done $0x0  }
0x27d: {  	s1 =	rddreg [dreg:$0xd];
	[sflag:s19] =	ssyncadd.s32 $0xFFFFFE20  }
0x27e: {  	[hbm4b:s1+s2] =	stream.linear.scatter [tilespmem:s14], [sflag:$0x5], $0x1E0, $0x38;
	[tilespmem:$0x91F0] =	vst v63  }
0x27f: {  	_ =	swait.ge [sflag:s6], $0x1E0  }
0x280: {  	[sflag:s6] =	ssyncset.done $0x0  }
0x281: {  	[sflag:s6] =	ssyncadd.s32 $0xFFFFFE20  }
0x282: {  	_ =	swait.ge [sflag:s15], $0xA00  }
0x283: {  	[sflag:s15] =	ssyncset.done $0x0  }
0x284: {  	s31 =	rddreg [dreg:$0xe];
	[sflag:s15] =	ssyncadd.s32 $0xFFFFF600  }
0x285: {  	[hbm4b:s31+s2] =	stream.linear.scatter [tilespmem:s13], [sflag:$0x5], $0xA00, $0x38;
	[tilespmem:$0x91F0] =	vst v63  }
0x286: {  	_ =	swait.ge [sflag:s6], $0xA00  }
0x287: {  	[sflag:s6] =	ssyncset.done $0x0  }
0x288: {  	[sflag:s6] =	ssyncadd.s32 $0xFFFFF600  }
0x289: {  	_ =	swait.ge [sflag:s10], $0x7800  }
0x28a: {  	[sflag:s10] =	ssyncset.done $0x0  }
0x28b: {  	s1 =	rddreg [dreg:$0xf];
	[sflag:s10] =	ssyncadd.s32 $0xFFFF8800  }
0x28c: {  	[hbm4b:s1+s2] =	stream.linear.scatter [tilespmem:s11], [sflag:$0x5], $0x7800, $0x38;
	[tilespmem:$0x91F0] =	vst v63  }
0x28d: {  	_ =	swait.ge [sflag:s6], $0x7800  }
0x28e: {  	[sflag:s6] =	ssyncset.done $0x0  }
0x28f: {  	s31 =	rddreg [dreg:$0x10];
	[sflag:s6] =	ssyncadd.s32 $0xFFFF8800  }
0x290: {  	[tilespmem:s2], [sflag:$0x5] =	stream.linear.gather [hbm4b:s31+s2], $0x28, $0x38;
	[tilespmem:$0x91F0] =	vst v63  }
0x291: {  	_ =	swait.ge [sflag:s6], $0x28  }
0x292: {  	[sflag:s6] =	ssyncset.done $0x0  }
0x293: {  	s1 =	rddreg [dreg:$0x11];
	[sflag:s6] =	ssyncadd.s32 $0xFFFFFFD8  }
0x294: {  	[tilespmem:s21], [sflag:$0x5] =	stream.linear.gather [hbm4b:s1+s2], $0x28, $0x38;
	[tilespmem:$0x91F0] =	vst v63  }
0x295: {  	_ =	swait.ge [sflag:s6], $0x28  }
0x296: {  	[sflag:s6] =	ssyncset.done $0x0  }
0x297: {  	s31 =	rddreg [dreg:$0x12];
	[sflag:s6] =	ssyncadd.s32 $0xFFFFFFD8  }
0x298: {  	[tilespmem:s22], [sflag:$0x5] =	stream.linear.gather [hbm4b:s31+s2], $0x1E0, $0x38;
	[tilespmem:$0x91F0] =	vst v63  }
0x299: {  	_ =	swait.ge [sflag:s6], $0x1E0  }
0x29a: {  	[sflag:s6] =	ssyncset.done $0x0  }
0x29b: {  	[sflag:s6] =	ssyncadd.s32 $0xFFFFFE20  }
0x29c: {  	[tilespmem:s18], [sflag:$0x2] =	stream.indirect.gather [hbm4b:s3+s17], $0x1, s22, s17, $0xb8;
	[tilespmem:$0x91F0] =	vst v63  }
0x29d: {  	_ = 	snop  }
0x29e: {  	[tilespmem:s16], [sflag:$0x1] =	stream.indirect.gather [hbm4b:s5+s16], $0x40, s2, s16, $0xb8;
	[tilespmem:$0x91F0] =	vst v63  }
0x29f: {  	_ = 	snop  }
0x2a0: {  	[tilespmem:s14], [sflag:$0x3] =	stream.indirect.gather [hbm4b:s4+s17], $0x1, s22, s17, $0xb8;
	[tilespmem:$0x91F0] =	vst v63  }
0x2a1: {  	_ = 	snop  }
0x2a2: {  	[tilespmem:s13], [sflag:$0x4] =	stream.indirect.gather [hbm4b:s5+s16], $0x40, s21, s16, $0xb8;
	[tilespmem:$0x91F0] =	vst v63  }
0x2a3: {  	_ =	swait.ge [sflag:s10], $0x1E0  }
0x2a4: {  	[sflag:s10] =	ssyncset.done $0x0  }
0x2a5: {  	[sflag:s10] =	ssyncadd.s32 $0xFFFFFE20  }
0x2a6: {  	[tilespmem:s11], [sflag:$0x2] =	stream.indirect.gather [hbm4b:s5+s17], $0x40, s18, s17, $0xb8;
	[tilespmem:$0x91F0] =	vst v63  }
0x2a7: {  	_ =	swait.ge [sflag:s26], $0xA00  }
0x2a8: {  	[sflag:s26] =	ssyncset.done $0x0  }
0x2a9: {  	s1 =	rddreg [dreg:$0x13];
	[sflag:s26] =	ssyncadd.s32 $0xFFFFF600  }
0x2aa: {  	[hbm4b:s1+s2] =	stream.linear.scatter [tilespmem:s16], [sflag:$0x5], $0xA00, $0x38;
	[tilespmem:$0x91F0] =	vst v63  }
0x2ab: {  	_ =	swait.ge [sflag:s6], $0xA00  }
0x2ac: {  	[sflag:s6] =	ssyncset.done $0x0  }
0x2ad: {  	[sflag:s6] =	ssyncadd.s32 $0xFFFFF600  }
0x2ae: {  	_ =	swait.ge [sflag:s19], $0x1E0  }
0x2af: {  	[sflag:s19] =	ssyncset.done $0x0  }
0x2b0: {  	s31 =	rddreg [dreg:$0x14];
	[sflag:s19] =	ssyncadd.s32 $0xFFFFFE20  }
0x2b1: {  	[hbm4b:s31+s2] =	stream.linear.scatter [tilespmem:s14], [sflag:$0x5], $0x1E0, $0x38;
	[tilespmem:$0x91F0] =	vst v63  }
0x2b2: {  	_ =	swait.ge [sflag:s6], $0x1E0  }
0x2b3: {  	[sflag:s6] =	ssyncset.done $0x0  }
0x2b4: {  	[sflag:s6] =	ssyncadd.s32 $0xFFFFFE20  }
0x2b5: {  	_ =	swait.ge [sflag:s15], $0xA00  }
0x2b6: {  	[sflag:s15] =	ssyncset.done $0x0  }
0x2b7: {  	s1 =	rddreg [dreg:$0x15];
	[sflag:s15] =	ssyncadd.s32 $0xFFFFF600  }
0x2b8: {  	[hbm4b:s1+s2] =	stream.linear.scatter [tilespmem:s13], [sflag:$0x5], $0xA00, $0x38;
	[tilespmem:$0x91F0] =	vst v63  }
0x2b9: {  	_ =	swait.ge [sflag:s6], $0xA00  }
0x2ba: {  	[sflag:s6] =	ssyncset.done $0x0  }
0x2bb: {  	[sflag:s6] =	ssyncadd.s32 $0xFFFFF600  }
0x2bc: {  	_ =	swait.ge [sflag:s10], $0x7800  }
0x2bd: {  	[sflag:s10] =	ssyncset.done $0x0  }
0x2be: {  	s31 =	rddreg [dreg:$0x16];
	[sflag:s10] =	ssyncadd.s32 $0xFFFF8800  }
0x2bf: {  	[hbm4b:s31+s2] =	stream.linear.scatter [tilespmem:s11], [sflag:$0x5], $0x7800, $0x38;
	[tilespmem:$0x91F0] =	vst v63  }
0x2c0: {  	_ =	swait.ge [sflag:s6], $0x7800  }
0x2c1: {  	[sflag:s6] =	ssyncset.done $0x0  }
0x2c2: {  	s1 =	rddreg [dreg:$0x17];
	[sflag:s6] =	ssyncadd.s32 $0xFFFF8800  }
0x2c3: {  	[tilespmem:s2], [sflag:$0x5] =	stream.linear.gather [hbm4b:s1+s2], $0x28, $0x38;
	[tilespmem:$0x91F0] =	vst v63  }
0x2c4: {  	_ =	swait.ge [sflag:s6], $0x28  }
0x2c5: {  	[sflag:s6] =	ssyncset.done $0x0  }
0x2c6: {  	s31 =	rddreg [dreg:$0x18];
	[sflag:s6] =	ssyncadd.s32 $0xFFFFFFD8  }
0x2c7: {  	[tilespmem:s21], [sflag:$0x5] =	stream.linear.gather [hbm4b:s31+s2], $0x28, $0x38;
	[tilespmem:$0x91F0] =	vst v63  }
0x2c8: {  	_ =	swait.ge [sflag:s6], $0x28  }
0x2c9: {  	[sflag:s6] =	ssyncset.done $0x0  }
0x2ca: {  	s1 =	rddreg [dreg:$0x19];
	[sflag:s6] =	ssyncadd.s32 $0xFFFFFFD8  }
0x2cb: {  	[tilespmem:s22], [sflag:$0x5] =	stream.linear.gather [hbm4b:s1+s2], $0x1E0, $0x38;
	[tilespmem:$0x91F0] =	vst v63  }
0x2cc: {  	_ =	swait.ge [sflag:s6], $0x1E0  }
0x2cd: {  	[sflag:s6] =	ssyncset.done $0x0  }
0x2ce: {  	[sflag:s6] =	ssyncadd.s32 $0xFFFFFE20  }
0x2cf: {  	[tilespmem:s18], [sflag:$0x2] =	stream.indirect.gather [hbm4b:s3+s17], $0x1, s22, s17, $0xb8;
	[tilespmem:$0x91F0] =	vst v63  }
0x2d0: {  	_ = 	snop  }
0x2d1: {  	[tilespmem:s16], [sflag:$0x1] =	stream.indirect.gather [hbm4b:s5+s16], $0x40, s2, s16, $0xb8;
	[tilespmem:$0x91F0] =	vst v63  }
0x2d2: {  	_ = 	snop  }
0x2d3: {  	[tilespmem:s14], [sflag:$0x3] =	stream.indirect.gather [hbm4b:s4+s17], $0x1, s22, s17, $0xb8;
	[tilespmem:$0x91F0] =	vst v63  }
0x2d4: {  	_ = 	snop  }
0x2d5: {  	[tilespmem:s13], [sflag:$0x4] =	stream.indirect.gather [hbm4b:s5+s16], $0x40, s21, s16, $0xb8;
	[tilespmem:$0x91F0] =	vst v63  }
0x2d6: {  	_ =	swait.ge [sflag:s10], $0x1E0  }
0x2d7: {  	[sflag:s10] =	ssyncset.done $0x0  }
0x2d8: {  	[sflag:s10] =	ssyncadd.s32 $0xFFFFFE20  }
0x2d9: {  	[tilespmem:s11], [sflag:$0x2] =	stream.indirect.gather [hbm4b:s5+s17], $0x40, s18, s17, $0xb8;
	[tilespmem:$0x91F0] =	vst v63  }
0x2da: {  	_ =	swait.ge [sflag:s26], $0xA00  }
0x2db: {  	[sflag:s26] =	ssyncset.done $0x0  }
0x2dc: {  	[sflag:s26] =	ssyncadd.s32 $0xFFFFF600  }
0x2dd: {  	[hbm4b:s30+s2] =	stream.linear.scatter [tilespmem:s16], [sflag:$0x5], $0xA00, $0x38;
	[tilespmem:$0x91F0] =	vst v63  }
0x2de: {  	_ =	swait.ge [sflag:s6], $0xA00  }
0x2df: {  	[sflag:s6] =	ssyncset.done $0x0  }
0x2e0: {  	[sflag:s6] =	ssyncadd.s32 $0xFFFFF600  }
0x2e1: {  	_ =	swait.ge [sflag:s19], $0x1E0  }
0x2e2: {  	[sflag:s19] =	ssyncset.done $0x0  }
0x2e3: {  	[sflag:s19] =	ssyncadd.s32 $0xFFFFFE20  }
0x2e4: {  	[hbm4b:s29+s2] =	stream.linear.scatter [tilespmem:s14], [sflag:$0x5], $0x1E0, $0x38;
	[tilespmem:$0x91F0] =	vst v63  }
0x2e5: {  	_ =	swait.ge [sflag:s6], $0x1E0  }
0x2e6: {  	[sflag:s6] =	ssyncset.done $0x0  }
0x2e7: {  	[sflag:s6] =	ssyncadd.s32 $0xFFFFFE20  }
0x2e8: {  	_ =	swait.ge [sflag:s15], $0xA00  }
0x2e9: {  	[sflag:s15] =	ssyncset.done $0x0  }
0x2ea: {  	[sflag:s15] =	ssyncadd.s32 $0xFFFFF600  }
0x2eb: {  	[hbm4b:s28+s2] =	stream.linear.scatter [tilespmem:s13], [sflag:$0x5], $0xA00, $0x38;
	[tilespmem:$0x91F0] =	vst v63  }
0x2ec: {  	_ =	swait.ge [sflag:s6], $0xA00  }
0x2ed: {  	[sflag:s6] =	ssyncset.done $0x0  }
0x2ee: {  	[sflag:s6] =	ssyncadd.s32 $0xFFFFF600  }
0x2ef: {  	_ =	swait.ge [sflag:s10], $0x7800  }
0x2f0: {  	[sflag:s10] =	ssyncset.done $0x0  }
0x2f1: {  	[sflag:s10] =	ssyncadd.s32 $0xFFFF8800  }
0x2f2: {  	[hbm4b:s25+s2] =	stream.linear.scatter [tilespmem:s11], [sflag:$0x5], $0x7800, $0x38;
	[tilespmem:$0x91F0] =	vst v63  }
0x2f3: {  	_ =	swait.ge [sflag:s6], $0x7800  }
0x2f4: {  	[sflag:s6] =	ssyncset.done $0x0  }
0x2f5: {  	[sflag:s6] =	ssyncadd.s32 $0xFFFF8800  }
0x2f6: {  	[tilespmem:s2], [sflag:$0x5] =	stream.linear.gather [hbm4b:s24+s2], $0x28, $0x38;
	[tilespmem:$0x91F0] =	vst v63  }
0x2f7: {  	_ =	swait.ge [sflag:s6], $0x28  }
0x2f8: {  	[sflag:s6] =	ssyncset.done $0x0  }
0x2f9: {  	[sflag:s6] =	ssyncadd.s32 $0xFFFFFFD8  }
0x2fa: {  	[tilespmem:s21], [sflag:$0x5] =	stream.linear.gather [hbm4b:s23+s2], $0x28, $0x38;
	[tilespmem:$0x91F0] =	vst v63  }
0x2fb: {  	_ =	swait.ge [sflag:s6], $0x28  }
0x2fc: {  	[sflag:s6] =	ssyncset.done $0x0  }
0x2fd: {  	[sflag:s6] =	ssyncadd.s32 $0xFFFFFFD8  }
0x2fe: {  	[tilespmem:s22], [sflag:$0x5] =	stream.linear.gather [hbm4b:s20+s2], $0x1E0, $0x38;
	[tilespmem:$0x91F0] =	vst v63  }
0x2ff: {  	_ =	swait.ge [sflag:s6], $0x1E0  }
0x300: {  	[sflag:s6] =	ssyncset.done $0x0  }
0x301: {  	[sflag:s6] =	ssyncadd.s32 $0xFFFFFE20  }
0x302: {  	[tilespmem:s18], [sflag:$0x2] =	stream.indirect.gather [hbm4b:s3+s17], $0x1, s22, s17, $0xb8;
	[tilespmem:$0x91F0] =	vst v63  }
0x303: {  	_ = 	snop  }
0x304: {  	[tilespmem:s16], [sflag:$0x1] =	stream.indirect.gather [hbm4b:s5+s16], $0x40, s2, s16, $0xb8;
	[tilespmem:$0x91F0] =	vst v63  }
0x305: {  	_ = 	snop  }
0x306: {  	[tilespmem:s14], [sflag:$0x3] =	stream.indirect.gather [hbm4b:s4+s17], $0x1, s22, s17, $0xb8;
	[tilespmem:$0x91F0] =	vst v63  }
0x307: {  	_ = 	snop  }
0x308: {  	[tilespmem:s13], [sflag:$0x4] =	stream.indirect.gather [hbm4b:s5+s16], $0x40, s21, s16, $0xb8;
	[tilespmem:$0x91F0] =	vst v63  }
0x309: {  	_ =	swait.ge [sflag:s10], $0x1E0  }
0x30a: {  	[sflag:s10] =	ssyncset.done $0x0  }
0x30b: {  	[sflag:s10] =	ssyncadd.s32 $0xFFFFFE20  }
0x30c: {  	[tilespmem:s11], [sflag:$0x2] =	stream.indirect.gather [hbm4b:s5+s17], $0x40, s18, s17, $0xb8;
	[tilespmem:$0x91F0] =	vst v63  }
0x30d: {  	_ =	swait.ge [sflag:s26], $0xA00  }
0x30e: {  	[sflag:s26] =	ssyncset.done $0x0  }
0x30f: {  	[sflag:s26] =	ssyncadd.s32 $0xFFFFF600  }
0x310: {  	[hbm4b:s12+s2] =	stream.linear.scatter [tilespmem:s16], [sflag:$0x5], $0xA00, $0x38;
	[tilespmem:$0x91F0] =	vst v63  }
0x311: {  	_ =	swait.ge [sflag:s6], $0xA00  }
0x312: {  	[sflag:s6] =	ssyncset.done $0x0  }
0x313: {  	[sflag:s6] =	ssyncadd.s32 $0xFFFFF600  }
0x314: {  	_ =	swait.ge [sflag:s19], $0x1E0  }
0x315: {  	[sflag:s19] =	ssyncset.done $0x0  }
0x316: {  	[sflag:s19] =	ssyncadd.s32 $0xFFFFFE20  }
0x317: {  	[hbm4b:s9+s2] =	stream.linear.scatter [tilespmem:s14], [sflag:$0x5], $0x1E0, $0x38;
	[tilespmem:$0x91F0] =	vst v63  }
0x318: {  	_ =	swait.ge [sflag:s6], $0x1E0  }
0x319: {  	[sflag:s6] =	ssyncset.done $0x0  }
0x31a: {  	[sflag:s6] =	ssyncadd.s32 $0xFFFFFE20  }
0x31b: {  	_ =	swait.ge [sflag:s15], $0xA00  }
0x31c: {  	[sflag:s15] =	ssyncset.done $0x0  }
0x31d: {  	[sflag:s15] =	ssyncadd.s32 $0xFFFFF600  }
0x31e: {  	[hbm4b:s8+s2] =	stream.linear.scatter [tilespmem:s13], [sflag:$0x5], $0xA00, $0x38;
	[tilespmem:$0x91F0] =	vst v63  }
0x31f: {  	_ =	swait.ge [sflag:s6], $0xA00  }
0x320: {  	[sflag:s6] =	ssyncset.done $0x0  }
0x321: {  	[sflag:s6] =	ssyncadd.s32 $0xFFFFF600  }
0x322: {  	_ =	swait.ge [sflag:s10], $0x7800  }
0x323: {  	[sflag:s10] =	ssyncset.done $0x0  }
0x324: {  	[sflag:s10] =	ssyncadd.s32 $0xFFFF8800  }
0x325: {  	[hbm4b:s7+s2] =	stream.linear.scatter [tilespmem:s11], [sflag:$0x5], $0x7800, $0x38;
	[tilespmem:$0x91F0] =	vst v63  }
0x326: {  	_ =	swait.ge [sflag:s6], $0x7800  }
0x327: {  	[sflag:s6] =	ssyncset.done $0x0  }
0x328: {  	[sflag:s6] =	ssyncadd.s32 $0xFFFF8800  }
0x329: {  	_ =	sfence.sel $0x180000  }
0x32a: {  	[bflag:$0x0] =	sbarrier.arrive $0xFFFF  }
0x32b: {  	_ =	strace $0x9000004A  }
0x32c: {  	s31 =	stileid.u32;
	[bflag:$0x2] =	sbarrier.arrive $0xFFFF  }
0x32d: {  	p0 =	sne.s32 s31, $0x0;
	s0 =	rddreg [dreg:$0x2]  }
0x32e: {  	s0 =	sadd.s32 @!p0 $0x100000, s0  }
0x32f: {  	[sflag:s0] =	ssyncadd.tile.s32 @!p0 $0x1;
	_ =	shalt  }
.Lfunc_end2:
_tile_overlayer_lowered:
.L_overlay_start_2:
0x330: {  	(tag) =	ssettag $0x2  }
0x331: {  	s0 =	rddreg [dreg:$0x0];
	s2 =	stileid.u32  }
0x332: {  	s1 =	rddreg [dreg:$0x1];
	p0 =	sne.s32 s2, $0x0  }
0x333: {  	s3 =	rddreg [dreg:$0x2];
	[bflag:$0x3] =	sbarrier.arrive $0xFFFF;
	s2 =	simm.s32 @!p0 $0x1C05  }
0x334: {  	[timem:s3], [sflag:s2] =	dma.local @!p0 [hbm:s0], s1  }
0x335: {  	s0 =	simm.s32 @!p0 $0x5  }
0x336: {  	_ =	swait.ge @!p0 [sflag:s0], s1  }
0x337: {  	s1 =	ssub.s32 @!p0 $0x0, s1;
	[sflag:s0] =	ssyncset.done @!p0 $0x0  }
0x338: {  	[sflag:s0] =	ssyncadd.s32 @!p0 s1  }
0x339: {  	[bflag:$0x3] =	sbarrier.arrive $0xFFFF  }
0x33a: {  	_ =	shalt  }

// kernel: kernel.9.cloned.1.call-start
scs
__scs_entry_jumppad:
0x0: {  	(pc) =	sbr.rel $0x88, $3  }
0x1: {  	(tag) =	ssettag $0x0;
	lr =	simm.s32 $0x1  }
0x2: {  	[smem:$0x3F92] =	sst lr;
	_ =	strace $0xD0000000  }
0x3: {  	_ = 	snop  }
0x4: {  	_ = 	snop  }
0x5: {  	_ = 	snop  }
0x6: {  	_ = 	snop  }
0x7: {  	_ = 	snop  }
__scs_overlays_trampoline_lowered:
0x8: {  	[smem:$0x3FA1] =	sst s0  }
0x9: {  	[smem:$0x3FA2] =	sst s1  }
0xa: {  	[smem:$0x3FA3] =	sst s2  }
0xb: {  	[smem:$0x3FA4] =	sst s3  }
0xc: {  	[smem:$0x3FA5] =	sst s4  }
0xd: {  	[smem:$0x3FA6] =	sst s5  }
0xe: {  	[smem:$0x3FA7] =	sst s6  }
0xf: {  	[smem:$0x3FA8] =	sst s7  }
0x10: {  	[smem:$0x3FA9] =	sst s8  }
0x11: {  	[smem:$0x3FAA] =	sst s9;
	s0 =	simm.s32 @!p0 $0x0  }
0x12: {  	s1 =	sld [smem:$0x3F90];
	s0 =	simm.s32 @p0 $0x1  }
0x13: {  	[smem:$0x3FAB] =	sst s0;
	s0 =	simm.s32 @!p1 $0x0  }
0x14: {  	s2 =	sld [smem:$0x3F8F];
	s0 =	simm.s32 @p1 $0x1  }
0x15: {  	[smem:$0x3FAC] =	sst s0;
	s0 =	simm.s32 @!p2 $0x0  }
0x16: {  	s3 =	sld [smem:$0x3FDB];
	s0 =	simm.s32 @p2 $0x1  }
0x17: {  	s4 =	simm.s32 $0x1BF5;
	[smem:$0x3FAE] =	sst s0  }
0x18: {  	s0 =	sld [smem:$0x3F91];
	_ =	swait.ge [sflag:s4], $0x0  }
0x19: {  	s7 =	sld [smem:$0x3F92]  }
0x1a: {  	s8 =	sadd.s32 $0xFFFFE003, lr  }
0x1b: {  	s9 =	sadd.s32 $0xFFFFFEF7, lr;
	s5 =	simm.s32 $0xFFFFFFFF;
	p2 =	slt.u32 s8, $0xFFFFF086  }
0x1c: {  	p1 =	slt.u32 s9, $0xF7A;
	s5 =	simm.s32 @!p2 $0x0  }
0x1d: {  	s5 =	simm.s32 @p1 $0x1;
	p0 =	seq.s32 s7, s2  }
0x1e: {  	s7 =	smul.u32 @!p0 $0xF7A, s2;
	p2 =	seq.s32 @!p0 s5, $0x0  }
0x1f: {  	s9 =	smul.u32 $0xF7A, s1;
	s8 =	simm.s32 @!p0 $0x1BF5;
	p2 =	por !p2, p0  }
0x20: {  	[sflag:s8] =	ssyncset.s32 @!p0 $0xFFFFF086;
	s6 =	sadd.s32 @!p0 s3, s7;
	s7 =	simm.s32 @!p0 $0x108  }
0x21: {  	s3 =	sadd.s32 s3, s9;
	s6 =	sadd.s32 @!p0 $0x88, s6;
	s7 =	simm.s32 @p2 $0x1082  }
0x22: {  	[simem:s7], [sflag:s8] =	dma.local @!p0 [hbm:s6], $0xF7A  }
0x23: {  	s9 =	sor.u32 $0xD0000000, s2;
	s6 =	simm.s32 $0x108;
	_ =	swait.ge @!p0 [sflag:s8], $0x0  }
0x24: {  	s3 =	sadd.s32 $0x88, s3;
	s6 =	simm.s32 @!p1 $0x1082;
	[sflag:s4] =	ssyncset.s32 $0xFFFFF086  }
0x25: {  	[simem:s6], [sflag:s4] =	dma.local [hbm:s3], $0xF7A  }
0x26: {  	[smem:$0x3F92] =	sst s1;
	(tag) =	ssettag s2;
	_ =	strace s9  }
0x27: {  	s1 =	sld [smem:$0x3FA2]  }
0x28: {  	s2 =	sld [smem:$0x3FA3]  }
0x29: {  	s4 =	sld [smem:$0x3FA5]  }
0x2a: {  	p0 =	seq.s32 s5, $0x0;
	s5 =	sld [smem:$0x3FA6]  }
0x2b: {  	s6 =	sld [smem:$0x3FA7]  }
0x2c: {  	s7 =	sld [smem:$0x3FA8]  }
0x2d: {  	s3 =	simm.s32 $0x108;
	s8 =	sld [smem:$0x3FA9]  }
0x2e: {  	s3 =	simm.s32 @!p0 $0x1082;
	s9 =	sld [smem:$0x3FAA]  }
0x2f: {  	lr =	sadd.s32 s0, s3;
	s0 =	sld [smem:$0x3FA1]  }
0x30: {  	s3 =	sld [smem:$0x3FA4]  }
0x31: {  	[smem:$0x3FAD] =	sst s10  }
0x32: {  	s10 =	sld [smem:$0x3FAB];
	_ =	sdelay $0x3  }
0x33: {  	p0 =	seq.s32 s10, $0x1;
	s10 =	sld [smem:$0x3FAD];
	_ =	sdelay $0x3  }
0x34: {  	[smem:$0x3FAD] =	sst s10  }
0x35: {  	s10 =	sld [smem:$0x3FAC];
	_ =	sdelay $0x3  }
0x36: {  	p1 =	seq.s32 s10, $0x1;
	s10 =	sld [smem:$0x3FAD];
	_ =	sdelay $0x3  }
0x37: {  	[smem:$0x3FAD] =	sst s10  }
0x38: {  	s10 =	sld [smem:$0x3FAE]  }
0x39: {  	_ = 	snop;
	(pc) =	sbr.ind lr, $3  }
0x3a: {  	_ = 	snop  }
0x3b: {  	_ = 	snop  }
0x3c: {  	p2 =	seq.s32 s10, $0x1;
	s10 =	sld [smem:$0x3FAD]  }
0x3d: {  	_ =	shalt  }
0x3e: {  	_ =	shalt  }
0x3f: {  	_ =	shalt  }
0x40: {  	_ =	shalt  }
0x41: {  	_ =	shalt  }
0x42: {  	_ =	shalt  }
0x43: {  	_ =	shalt  }
0x44: {  	_ =	shalt  }
0x45: {  	_ =	shalt  }
0x46: {  	_ =	shalt  }
0x47: {  	_ =	shalt  }
0x48: {  	_ =	shalt  }
0x49: {  	_ =	shalt  }
0x4a: {  	_ =	shalt  }
0x4b: {  	_ =	shalt  }
0x4c: {  	_ =	shalt  }
0x4d: {  	_ =	shalt  }
0x4e: {  	_ =	shalt  }
0x4f: {  	_ =	shalt  }
0x50: {  	_ =	shalt  }
0x51: {  	_ =	shalt  }
0x52: {  	_ =	shalt  }
0x53: {  	_ =	shalt  }
0x54: {  	_ =	shalt  }
0x55: {  	_ =	shalt  }
0x56: {  	_ =	shalt  }
0x57: {  	_ =	shalt  }
0x58: {  	_ =	shalt  }
0x59: {  	_ =	shalt  }
0x5a: {  	_ =	shalt  }
0x5b: {  	_ =	shalt  }
0x5c: {  	_ =	shalt  }
0x5d: {  	_ =	shalt  }
0x5e: {  	_ =	shalt  }
0x5f: {  	_ =	shalt  }
0x60: {  	_ =	shalt  }
0x61: {  	_ =	shalt  }
0x62: {  	_ =	shalt  }
0x63: {  	_ =	shalt  }
0x64: {  	_ =	shalt  }
0x65: {  	_ =	shalt  }
0x66: {  	_ =	shalt  }
0x67: {  	_ =	shalt  }
0x68: {  	_ =	shalt  }
0x69: {  	_ =	shalt  }
0x6a: {  	_ =	shalt  }
0x6b: {  	_ =	shalt  }
0x6c: {  	_ =	shalt  }
0x6d: {  	_ =	shalt  }
0x6e: {  	_ =	shalt  }
0x6f: {  	_ =	shalt  }
0x70: {  	_ =	shalt  }
0x71: {  	_ =	shalt  }
0x72: {  	_ =	shalt  }
0x73: {  	_ =	shalt  }
0x74: {  	_ =	shalt  }
0x75: {  	_ =	shalt  }
0x76: {  	_ =	shalt  }
0x77: {  	_ =	shalt  }
0x78: {  	_ =	shalt  }
0x79: {  	_ =	shalt  }
0x7a: {  	_ =	shalt  }
0x7b: {  	_ =	shalt  }
0x7c: {  	_ =	shalt  }
0x7d: {  	_ =	shalt  }
0x7e: {  	_ =	shalt  }
0x7f: {  	_ =	shalt  }
0x80: {  	_ =	shalt  }
0x81: {  	_ =	shalt  }
0x82: {  	_ =	shalt  }
0x83: {  	_ =	shalt  }
0x84: {  	_ =	shalt  }
0x85: {  	_ =	shalt  }
0x86: {  	_ =	shalt  }
0x87: {  	_ =	shalt  }
.Lfunc_end0:
.L_simem_size_0:
called_computation.1_lowered:
.L_overlay_start_0:
0x88: {  	s2 =	sld [smem:$0x3FD9]  }
0x89: {  	s3 =	sld [smem:$0x3FFE];
	_ =	sdelay $0x1  }
0x8a: {  	s1 =	srdreg.scid  }
0x8b: {  	s0 =	sand.u32 $0x1, s1  }
0x8c: {  	s17 =	sshll.u32 s0, $0xA;
	s2 =	sadd.s32 s3, s2  }
0x8d: {  	s2 =	sadd.s32 s2, s17  }
0x8e: {  	[smem:$0x3FB9] =	sst s2  }
0x8f: {  	_ = 	snop  }
0x90: {  	s2 =	sld [smem:$0x3FD0];
	(tm) =	ssettm $0x1  }
0x91: {  	s18 =	sld [smem:$0x3FFB];
	_ =	sdelay $0x3  }
0x92: {  	_ =	strace s18  }
0x93: {  	s3 =	sld [smem:$0x3FFC];
	_ =	sdelay $0x3  }
0x94: {  	_ =	strace s3  }
0x95: {  	s3 =	sld [smem:$0x3FFD];
	_ =	sdelay $0x3  }
0x96: {  	_ =	strace s3  }
0x97: {  	_ =	strace $0x8FFFFFFF  }
0x98: {  	s19 =	sld [smem:$0x3FDB];
	_ =	sdelay $0x1  }
0x99: {  	s4 =	simm.s32 $_scs_section_size  }
0x9a: {  	s5 =	simm.s32 $_size__tile_overlayer_lowered;
	s6 =	simm.s32 $_tile_overlayer_lowered  }
0x9b: {  	s22 =	simm.s32 $0x1BFF;
	s21 =	sshll.u32 s6, $0x1;
	s3 =	sadd.s32 s4, s19  }
0x9c: {  	s7 =	simm.s32 $0x0;
	s20 =	sshll.u32 s5, $0x1;
	s5 =	sadd.s32 s21, s3  }
0x9d: {  	[timem:s7], [sflag:s22] =	dma.local [hbm:s5], s20  }
0x9e: {  	_ =	swait.ge [sflag:s22], s20  }
0x9f: {  	s4 =	ssub.s32 $0x0, s20;
	[sflag:s22] =	ssyncset.done $0x0  }
0xa0: {  	[sflag:s22] =	ssyncadd.s32 s4;
	_ =	sdelay $0x1  }
0xa1: {  	s23 =	simm.s32 $0x1B8B  }
0xa2: {  	_ =	swait.ge [sflag:s23], $0x1  }
0xa3: {  	[sflag:s23] =	ssyncset.done $0x0  }
0xa4: {  	s25 =	simm.s32 $0x1B8E;
	s24 =	sld [smem:$0x3FFE];
	[sflag:s23] =	ssyncadd.s32 $0xFFFFFFFF  }
0xa5: {  	s26 =	simm.s32 $execute0_lowered;
	[smem:$0x3FD2] =	sst s25  }
0xa6: {  	s5 =	sshll.u32 s26, $0x1;
	_ =	strace $0x80000046;
	[dreg:$0x1] =	wrdreg $0xFFFFFFFF  }
0xa7: {  	s28 =	simm.s32 $_size_execute0_lowered;
	s3 =	sadd.s32 s3, s5;
	[dreg:$0x0] =	wrdreg $0x0  }
0xa8: {  	s5 =	sshll.u32 s28, $0x1;
	[dreg:$0x2] =	wrdreg s3  }
0xa9: {  	[dreg:$0x3] =	wrdreg s5  }
0xaa: {  	[dreg:$0x4] =	wrdreg $0xC0  }
0xab: {  	_ =	task [dreg:s7], $0x5FFFF  }
0xac: {  	[dreg:$0x1] =	wrdreg $0xFFFFFFFF  }
0xad: {  	[dreg:$0x0] =	wrdreg $0x60  }
0xae: {  	[dreg:$0x2] =	wrdreg s24  }
0xaf: {  	[dreg:$0x3] =	wrdreg s2  }
0xb0: {  	[dreg:$0x4] =	wrdreg $0xA  }
0xb1: {  	_ =	task.clear_ibuf [dreg:s7], $0x5FFFF;
	_ =	strace $0x90000046  }
0xb2: {  	s29 =	simm.s32 $0xA;
	_ =	strace $0x80000048  }
0xb3: {  	_ =	swait.ge [sflag:s29], $0x1  }
0xb4: {  	[sflag:s29] =	ssyncadd.s32 $0xFFFFFFFF  }
0xb5: {  	_ =	strace $0x90000048  }
0xb6: {  	_ =	sfence  }
0xb7: {  	s30 =	sld [smem:$0x0];
	_ =	sdelay $0x2  }
0xb8: {  	s31 =	sshll.u32 s1, $0xD;
	s1 =	sshrl.u32 s1, $0x2  }
0xb9: {  	s3 =	sand.u32 $0x4000, s31;
	s1 =	sadd.s32 s1, s30  }
0xba: {  	s0 =	sor.u32 s3, s0;
	s1 =	sshll.u32 s1, $0x11  }
0xbb: {  	s0 =	sor.u32 s1, s0  }
0xbc: {  	s0 =	sadd.s32 $0x8F2B, s0  }
0xbd: {  	[sflag:s0] =	ssyncadd.remote.s32 $0x1  }
0xbe: {  	_ =	sfence.sel $0xFFFF  }
0xbf: {  	[dreg:$0x0] =	wrdreg $0xFFFFFFFF;
	(pc) =	sbr.abs _section_cstart, $3  }
0xc0: {  	[dreg:$0x1] =	wrdreg $0xFFFFFFFF  }
0xc1: {  	_ =	task.clear_ibuf [dreg:s7], $0x2FFFF;
	_ =	strace $0x9FFFFFFF  }
0xc2: {  	(tm) =	ssettm $0x7FFFFFFF  }
0xc3: {  	_ =	shalt  }
tec
execute0_lowered:
.L_overlay_start_1:
0x0: {  	(tag) =	ssettag $0x1  }
0x1: {  	s0 =	rddreg [dreg:$0x0]  }
0x2: {  	s1 =	srdreg.scid;
	s2 =	stileid.u32  }
0x3: {  	s3 =	rddreg [dreg:$0x1];
	s12 =	sand.u32 $0x1, s1;
	s16 =	sshll.u32 s2, $0x1  }
0x4: {  	p0 =	por $0x0, $0x0;
	s2 =	simm.s32 $0x0;
	s13 =	sor.u32 s12, s16  }
0x5: {  	s7 =	sadd.s32 $0x2A00, s0;
	s1 =	sadd.s32 $0x2E00, s0;
	s8 =	smul.u32 $0xC8, s13  }
0x6: {  	s6 =	sadd.s32 $0x15800, s0;
	s9 =	sadd.s32 $0x79A00, s0;
	s11 =	smul.u32 $0x12C, s13  }
0x7: {  	s10 =	sadd.s32 $0x92A00, s0;
	[smem:$0x7FF] =	sst s2;
	s17 =	smul.u32 $0x640, s13  }
0x8: {  	s12 =	ssub.s32 $0x2, s12;
	_ =	strace $0x80000047;
	s4 =	sshrl.u32 s8, $0x3  }
0x9: {  	s18 =	sadd.s32 s6, s11;
	s14 =	sadd.s32 s9, s17;
	s19 =	sadd.s32 s10, s11  }
0xa: {  	s11 =	sadd.s32 $0x86200, s0;
	s20 =	sadd.s32 $0x28, s8;
	[dreg:$0x5] =	wrdreg s18  }
0xb: {  	s5 =	sadd.s32 s7, s4;
	s4 =	sadd.s32 s1, s4;
	[dreg:$0x6] =	wrdreg s14  }
0xc: {  	[dreg:$0x7] =	wrdreg s19;
	s15 =	sadd.s32 s11, s17;
	s17 =	smul.u32 $0xC, s20  }
0xd: {  	s16 =	sshrl.u32 s20, $0x3;
	s18 =	smul.u32 $0x4B00, s13;
	[dreg:$0x3] =	wrdreg s5  }
0xe: {  	s25 =	sshll.u32 s20, $0x3;
	s14 =	smul.u32 $0x60, s20;
	[dreg:$0x4] =	wrdreg s4  }
0xf: {  	s20 =	sadd.s32 $0x50, s8;
	[dreg:$0x8] =	wrdreg s15;
	s21 =	sadd.s32 s7, s16  }
0x10: {  	s4 =	sadd.s32 $0x3200, s0;
	s22 =	sadd.s32 s1, s16;
	[dreg:$0x9] =	wrdreg s21  }
0x11: {  	s5 =	sadd.s32 $0x17E00, s0;
	s26 =	sadd.s32 s9, s25;
	[dreg:$0xa] =	wrdreg s22  }
0x12: {  	s0 =	sadd.s32 $0x95000, s0;
	s19 =	sadd.s32 s11, s25;
	[dreg:$0xc] =	wrdreg s26  }
0x13: {  	s23 =	sshrl.u32 s17, $0x3;
	[dreg:$0xe] =	wrdreg s19;
	s14 =	sadd.s32 s0, s14  }
0x14: {  	s13 =	smul.u32 $0x960, s13;
	s24 =	sadd.s32 s6, s23;
	[dreg:$0xf] =	wrdreg s14  }
0x15: {  	s21 =	sshrl.u32 s20, $0x3;
	s16 =	sadd.s32 s10, s23;
	[dreg:$0xb] =	wrdreg s24  }
0x16: {  	s31 =	sadd.s32 s0, s18;
	s22 =	sadd.s32 s7, s21;
	[dreg:$0xd] =	wrdreg s16  }
0x17: {  	s23 =	sadd.s32 $0x3C0, s13;
	[dreg:$0x10] =	wrdreg s22;
	s24 =	sadd.s32 s1, s21  }
0x18: {  	s25 =	sshrl.u32 s23, $0x3;
	s23 =	sadd.s32 $0x1E00, s31;
	[dreg:$0x11] =	wrdreg s24  }
0x19: {  	s16 =	sshll.u32 s20, $0x3;
	s26 =	sadd.s32 s6, s25;
	[dreg:$0x16] =	wrdreg s23  }
0x1a: {  	s17 =	sshrl.u32 s12, $0x1;
	s19 =	sadd.s32 s9, s16;
	[dreg:$0x12] =	wrdreg s26  }
0x1b: {  	s22 =	sadd.s32 $0x78, s8;
	s20 =	sadd.s32 s10, s25;
	[dreg:$0x13] =	wrdreg s19  }
0x1c: {  	s21 =	sadd.s32 s11, s16;
	s24 =	sshrl.u32 s22, $0x3;
	[dreg:$0x14] =	wrdreg s20  }
0x1d: {  	s14 =	sshll.u32 s22, $0x3;
	[dreg:$0x15] =	wrdreg s21;
	s25 =	sadd.s32 s7, s24  }
0x1e: {  	s26 =	sadd.s32 $0x5A0, s13;
	s15 =	sadd.s32 s1, s24;
	s19 =	ssub.s32 s12, s17  }
0x1f: {  	s30 =	sadd.s32 s9, s14;
	s28 =	sadd.s32 s11, s14;
	s20 =	sadd.s32 $0xA0, s8  }
0x20: {  	s21 =	sadd.s32 $0x780, s13;
	s17 =	simm.s32 $0x1E0;
	s14 =	simm.s32 $0xC08  }
0x21: {  	s13 =	simm.s32 $0x87F0;
	[dreg:$0x17] =	wrdreg s25;
	s16 =	sshrl.u32 s26, $0x3  }
0x22: {  	[dreg:$0x18] =	wrdreg s15;
	s25 =	sadd.s32 $0x2D00, s31;
	s8 =	sshrl.u32 s20, $0x3  }
0x23: {  	s22 =	sshrl.u32 s21, $0x3;
	s0 =	sshll.u32 s20, $0x3;
	s26 =	smax.u32 s19, $0x1  }
0x24: {  	s21 =	simm.s32 $0x87C8;
	s19 =	simm.s32 $0x3;
	s15 =	simm.s32 $0x4  }
0x25: {  	s18 =	sadd.s32 s6, s16;
	s29 =	sadd.s32 s10, s16;
	s24 =	sadd.s32 s7, s8  }
0x26: {  	s23 =	sadd.s32 s1, s8;
	s20 =	sadd.s32 s6, s22;
	p1 =	sne.s32 s26, $0x1  }
.Ltmp0:
0x27: {  	s12 =	sadd.s32 s9, s0;
	s9 =	sadd.s32 s10, s22;
	(pc) =	sbr.rel @!p1 .LBB2_3-.Ltmp0, $4  }
0x28: {  	s8 =	sadd.s32 s11, s0;
	s7 =	sadd.s32 $0x3C00, s31;
	s6 =	simm.s32 $0x5  }
0x29: {  	s22 =	simm.s32 $0xA28;
	s16 =	simm.s32 $0x28;
	s1 =	sadd.s32 $0xFFFFFFFF, s26  }
0x2a: {  	s10 =	simm.s32 $0x2;
	s11 =	simm.s32 $0xFC8;
	s0 =	rddreg [dreg:$0x3]  }
0x2b: {  	s26 =	simm.s32 $0x1;
	[dreg:$0x19] =	wrdreg s18;
	s18 =	simm.s32 $0xDE8  }
0x2c: {  	[tilespmem:s2], [sflag:$0x5] =	stream.linear.gather [hbm4b:s0+s2], $0x28, $0x38;
	[tilespmem:$0x91F0] =	vst v63  }
0x2d: {  	_ =	swait.ge [sflag:s6], $0x28  }
0x2e: {  	[sflag:s6] =	ssyncset.done $0x0  }
0x2f: {  	s0 =	rddreg [dreg:$0x4];
	[sflag:s6] =	ssyncadd.s32 $0xFFFFFFD8  }
0x30: {  	[tilespmem:s21], [sflag:$0x5] =	stream.linear.gather [hbm4b:s0+s2], $0x28, $0x38;
	[tilespmem:$0x91F0] =	vst v63  }
0x31: {  	_ =	swait.ge [sflag:s6], $0x28  }
0x32: {  	[sflag:s6] =	ssyncset.done $0x0  }
0x33: {  	s0 =	rddreg [dreg:$0x5];
	[sflag:s6] =	ssyncadd.s32 $0xFFFFFFD8  }
0x34: {  	[tilespmem:s22], [sflag:$0x5] =	stream.linear.gather [hbm4b:s0+s2], $0x1E0, $0x38;
	[tilespmem:$0x91F0] =	vst v63  }
0x35: {  	_ =	swait.ge [sflag:s6], $0x1E0  }
0x36: {  	[sflag:s6] =	ssyncset.done $0x0  }
0x37: {  	[sflag:s6] =	ssyncadd.s32 $0xFFFFFE20  }
0x38: {  	[tilespmem:s18], [sflag:$0x2] =	stream.indirect.gather [hbm4b:s3+s17], $0x1, s22, s17, $0xb8;
	[tilespmem:$0x91F0] =	vst v63  }
0x39: {  	_ = 	snop  }
0x3a: {  	[tilespmem:s16], [sflag:$0x1] =	stream.indirect.gather [hbm4b:s5+s16], $0x40, s2, s16, $0xb8;
	[tilespmem:$0x91F0] =	vst v63  }
0x3b: {  	_ = 	snop  }
0x3c: {  	[tilespmem:s14], [sflag:$0x3] =	stream.indirect.gather [hbm4b:s4+s17], $0x1, s22, s17, $0xb8;
	[tilespmem:$0x91F0] =	vst v63  }
0x3d: {  	_ = 	snop  }
0x3e: {  	[tilespmem:s13], [sflag:$0x4] =	stream.indirect.gather [hbm4b:s5+s16], $0x40, s21, s16, $0xb8;
	[tilespmem:$0x91F0] =	vst v63  }
0x3f: {  	_ =	swait.ge [sflag:s10], $0x1E0  }
0x40: {  	[sflag:s10] =	ssyncset.done $0x0  }
0x41: {  	[sflag:s10] =	ssyncadd.s32 $0xFFFFFE20  }
0x42: {  	[tilespmem:s11], [sflag:$0x2] =	stream.indirect.gather [hbm4b:s5+s17], $0x40, s18, s17, $0xb8;
	[tilespmem:$0x91F0] =	vst v63  }
0x43: {  	_ =	swait.ge [sflag:s26], $0xA00  }
0x44: {  	[sflag:s26] =	ssyncset.done $0x0  }
0x45: {  	s0 =	rddreg [dreg:$0x6];
	[sflag:s26] =	ssyncadd.s32 $0xFFFFF600  }
0x46: {  	[hbm4b:s0+s2] =	stream.linear.scatter [tilespmem:s16], [sflag:$0x5], $0xA00, $0x38;
	[tilespmem:$0x91F0] =	vst v63  }
0x47: {  	_ =	swait.ge [sflag:s6], $0xA00  }
0x48: {  	[sflag:s6] =	ssyncset.done $0x0  }
0x49: {  	[sflag:s6] =	ssyncadd.s32 $0xFFFFF600  }
0x4a: {  	_ =	swait.ge [sflag:s19], $0x1E0  }
0x4b: {  	[sflag:s19] =	ssyncset.done $0x0  }
0x4c: {  	s0 =	rddreg [dreg:$0x7];
	[sflag:s19] =	ssyncadd.s32 $0xFFFFFE20  }
0x4d: {  	[hbm4b:s0+s2] =	stream.linear.scatter [tilespmem:s14], [sflag:$0x5], $0x1E0, $0x38;
	[tilespmem:$0x91F0] =	vst v63  }
0x4e: {  	_ =	swait.ge [sflag:s6], $0x1E0  }
0x4f: {  	[sflag:s6] =	ssyncset.done $0x0  }
0x50: {  	[sflag:s6] =	ssyncadd.s32 $0xFFFFFE20  }
0x51: {  	_ =	swait.ge [sflag:s15], $0xA00  }
0x52: {  	[sflag:s15] =	ssyncset.done $0x0  }
0x53: {  	s0 =	rddreg [dreg:$0x8];
	[sflag:s15] =	ssyncadd.s32 $0xFFFFF600  }
0x54: {  	[hbm4b:s0+s2] =	stream.linear.scatter [tilespmem:s13], [sflag:$0x5], $0xA00, $0x38;
	[tilespmem:$0x91F0] =	vst v63  }
0x55: {  	_ =	swait.ge [sflag:s6], $0xA00  }
0x56: {  	[sflag:s6] =	ssyncset.done $0x0  }
0x57: {  	[sflag:s6] =	ssyncadd.s32 $0xFFFFF600  }
0x58: {  	_ =	swait.ge [sflag:s10], $0x7800  }
0x59: {  	[sflag:s10] =	ssyncset.done $0x0  }
0x5a: {  	[sflag:s10] =	ssyncadd.s32 $0xFFFF8800  }
0x5b: {  	[hbm4b:s31+s2] =	stream.linear.scatter [tilespmem:s11], [sflag:$0x5], $0x7800, $0x38;
	[tilespmem:$0x91F0] =	vst v63  }
0x5c: {  	_ =	swait.ge [sflag:s6], $0x7800  }
0x5d: {  	[sflag:s6] =	ssyncset.done $0x0  }
0x5e: {  	s0 =	rddreg [dreg:$0x9];
	[sflag:s6] =	ssyncadd.s32 $0xFFFF8800  }
0x5f: {  	[tilespmem:s2], [sflag:$0x5] =	stream.linear.gather [hbm4b:s0+s2], $0x28, $0x38;
	[tilespmem:$0x91F0] =	vst v63  }
0x60: {  	_ =	swait.ge [sflag:s6], $0x28  }
0x61: {  	[sflag:s6] =	ssyncset.done $0x0  }
0x62: {  	s0 =	rddreg [dreg:$0xa];
	[sflag:s6] =	ssyncadd.s32 $0xFFFFFFD8  }
0x63: {  	[tilespmem:s21], [sflag:$0x5] =	stream.linear.gather [hbm4b:s0+s2], $0x28, $0x38;
	[tilespmem:$0x91F0] =	vst v63  }
0x64: {  	_ =	swait.ge [sflag:s6], $0x28  }
0x65: {  	[sflag:s6] =	ssyncset.done $0x0  }
0x66: {  	s0 =	rddreg [dreg:$0xb];
	[sflag:s6] =	ssyncadd.s32 $0xFFFFFFD8  }
0x67: {  	[tilespmem:s22], [sflag:$0x5] =	stream.linear.gather [hbm4b:s0+s2], $0x1E0, $0x38;
	[tilespmem:$0x91F0] =	vst v63  }
0x68: {  	_ =	swait.ge [sflag:s6], $0x1E0  }
0x69: {  	[sflag:s6] =	ssyncset.done $0x0  }
0x6a: {  	[sflag:s6] =	ssyncadd.s32 $0xFFFFFE20  }
0x6b: {  	[tilespmem:s18], [sflag:$0x2] =	stream.indirect.gather [hbm4b:s3+s17], $0x1, s22, s17, $0xb8;
	[tilespmem:$0x91F0] =	vst v63  }
0x6c: {  	_ = 	snop  }
0x6d: {  	[tilespmem:s16], [sflag:$0x1] =	stream.indirect.gather [hbm4b:s5+s16], $0x40, s2, s16, $0xb8;
	[tilespmem:$0x91F0] =	vst v63  }
0x6e: {  	_ = 	snop  }
0x6f: {  	[tilespmem:s14], [sflag:$0x3] =	stream.indirect.gather [hbm4b:s4+s17], $0x1, s22, s17, $0xb8;
	[tilespmem:$0x91F0] =	vst v63  }
0x70: {  	_ = 	snop  }
0x71: {  	[tilespmem:s13], [sflag:$0x4] =	stream.indirect.gather [hbm4b:s5+s16], $0x40, s21, s16, $0xb8;
	[tilespmem:$0x91F0] =	vst v63  }
0x72: {  	_ =	swait.ge [sflag:s10], $0x1E0  }
0x73: {  	[sflag:s10] =	ssyncset.done $0x0  }
0x74: {  	[sflag:s10] =	ssyncadd.s32 $0xFFFFFE20  }
0x75: {  	[tilespmem:s11], [sflag:$0x2] =	stream.indirect.gather [hbm4b:s5+s17], $0x40, s18, s17, $0xb8;
	[tilespmem:$0x91F0] =	vst v63  }
0x76: {  	_ =	swait.ge [sflag:s26], $0xA00  }
0x77: {  	[sflag:s26] =	ssyncset.done $0x0  }
0x78: {  	s0 =	rddreg [dreg:$0xc];
	[sflag:s26] =	ssyncadd.s32 $0xFFFFF600  }
0x79: {  	[hbm4b:s0+s2] =	stream.linear.scatter [tilespmem:s16], [sflag:$0x5], $0xA00, $0x38;
	[tilespmem:$0x91F0] =	vst v63  }
0x7a: {  	_ =	swait.ge [sflag:s6], $0xA00  }
0x7b: {  	[sflag:s6] =	ssyncset.done $0x0  }
0x7c: {  	[sflag:s6] =	ssyncadd.s32 $0xFFFFF600  }
0x7d: {  	_ =	swait.ge [sflag:s19], $0x1E0  }
0x7e: {  	[sflag:s19] =	ssyncset.done $0x0  }
0x7f: {  	s0 =	rddreg [dreg:$0xd];
	[sflag:s19] =	ssyncadd.s32 $0xFFFFFE20  }
0x80: {  	[hbm4b:s0+s2] =	stream.linear.scatter [tilespmem:s14], [sflag:$0x5], $0x1E0, $0x38;
	[tilespmem:$0x91F0] =	vst v63  }
0x81: {  	_ =	swait.ge [sflag:s6], $0x1E0  }
0x82: {  	[sflag:s6] =	ssyncset.done $0x0  }
0x83: {  	[sflag:s6] =	ssyncadd.s32 $0xFFFFFE20  }
0x84: {  	_ =	swait.ge [sflag:s15], $0xA00  }
0x85: {  	[sflag:s15] =	ssyncset.done $0x0  }
0x86: {  	s0 =	rddreg [dreg:$0xe];
	[sflag:s15] =	ssyncadd.s32 $0xFFFFF600  }
0x87: {  	[hbm4b:s0+s2] =	stream.linear.scatter [tilespmem:s13], [sflag:$0x5], $0xA00, $0x38;
	[tilespmem:$0x91F0] =	vst v63  }
0x88: {  	_ =	swait.ge [sflag:s6], $0xA00  }
0x89: {  	[sflag:s6] =	ssyncset.done $0x0  }
0x8a: {  	[sflag:s6] =	ssyncadd.s32 $0xFFFFF600  }
0x8b: {  	_ =	swait.ge [sflag:s10], $0x7800  }
0x8c: {  	[sflag:s10] =	ssyncset.done $0x0  }
0x8d: {  	s0 =	rddreg [dreg:$0xf];
	[sflag:s10] =	ssyncadd.s32 $0xFFFF8800  }
0x8e: {  	[hbm4b:s0+s2] =	stream.linear.scatter [tilespmem:s11], [sflag:$0x5], $0x7800, $0x38;
	[tilespmem:$0x91F0] =	vst v63  }
0x8f: {  	_ =	swait.ge [sflag:s6], $0x7800  }
0x90: {  	[sflag:s6] =	ssyncset.done $0x0  }
0x91: {  	s0 =	rddreg [dreg:$0x10];
	[sflag:s6] =	ssyncadd.s32 $0xFFFF8800  }
0x92: {  	[tilespmem:s2], [sflag:$0x5] =	stream.linear.gather [hbm4b:s0+s2], $0x28, $0x38;
	[tilespmem:$0x91F0] =	vst v63  }
0x93: {  	_ =	swait.ge [sflag:s6], $0x28  }
0x94: {  	[sflag:s6] =	ssyncset.done $0x0  }
0x95: {  	s0 =	rddreg [dreg:$0x11];
	[sflag:s6] =	ssyncadd.s32 $0xFFFFFFD8  }
0x96: {  	[tilespmem:s21], [sflag:$0x5] =	stream.linear.gather [hbm4b:s0+s2], $0x28, $0x38;
	[tilespmem:$0x91F0] =	vst v63  }
0x97: {  	_ =	swait.ge [sflag:s6], $0x28  }
0x98: {  	[sflag:s6] =	ssyncset.done $0x0  }
0x99: {  	s0 =	rddreg [dreg:$0x12];
	[sflag:s6] =	ssyncadd.s32 $0xFFFFFFD8  }
0x9a: {  	[tilespmem:s22], [sflag:$0x5] =	stream.linear.gather [hbm4b:s0+s2], $0x1E0, $0x38;
	[tilespmem:$0x91F0] =	vst v63  }
0x9b: {  	_ =	swait.ge [sflag:s6], $0x1E0  }
0x9c: {  	[sflag:s6] =	ssyncset.done $0x0  }
0x9d: {  	[sflag:s6] =	ssyncadd.s32 $0xFFFFFE20  }
0x9e: {  	[tilespmem:s18], [sflag:$0x2] =	stream.indirect.gather [hbm4b:s3+s17], $0x1, s22, s17, $0xb8;
	[tilespmem:$0x91F0] =	vst v63  }
0x9f: {  	_ = 	snop  }
0xa0: {  	[tilespmem:s16], [sflag:$0x1] =	stream.indirect.gather [hbm4b:s5+s16], $0x40, s2, s16, $0xb8;
	[tilespmem:$0x91F0] =	vst v63  }
0xa1: {  	_ = 	snop  }
0xa2: {  	[tilespmem:s14], [sflag:$0x3] =	stream.indirect.gather [hbm4b:s4+s17], $0x1, s22, s17, $0xb8;
	[tilespmem:$0x91F0] =	vst v63  }
0xa3: {  	_ = 	snop  }
0xa4: {  	[tilespmem:s13], [sflag:$0x4] =	stream.indirect.gather [hbm4b:s5+s16], $0x40, s21, s16, $0xb8;
	[tilespmem:$0x91F0] =	vst v63  }
0xa5: {  	_ =	swait.ge [sflag:s10], $0x1E0  }
0xa6: {  	[sflag:s10] =	ssyncset.done $0x0  }
0xa7: {  	[sflag:s10] =	ssyncadd.s32 $0xFFFFFE20  }
0xa8: {  	[tilespmem:s11], [sflag:$0x2] =	stream.indirect.gather [hbm4b:s5+s17], $0x40, s18, s17, $0xb8;
	[tilespmem:$0x91F0] =	vst v63  }
0xa9: {  	_ =	swait.ge [sflag:s26], $0xA00  }
0xaa: {  	[sflag:s26] =	ssyncset.done $0x0  }
0xab: {  	s0 =	rddreg [dreg:$0x13];
	[sflag:s26] =	ssyncadd.s32 $0xFFFFF600  }
0xac: {  	[hbm4b:s0+s2] =	stream.linear.scatter [tilespmem:s16], [sflag:$0x5], $0xA00, $0x38;
	[tilespmem:$0x91F0] =	vst v63  }
0xad: {  	_ =	swait.ge [sflag:s6], $0xA00  }
0xae: {  	[sflag:s6] =	ssyncset.done $0x0  }
0xaf: {  	[sflag:s6] =	ssyncadd.s32 $0xFFFFF600  }
0xb0: {  	_ =	swait.ge [sflag:s19], $0x1E0  }
0xb1: {  	[sflag:s19] =	ssyncset.done $0x0  }
0xb2: {  	s0 =	rddreg [dreg:$0x14];
	[sflag:s19] =	ssyncadd.s32 $0xFFFFFE20  }
0xb3: {  	[hbm4b:s0+s2] =	stream.linear.scatter [tilespmem:s14], [sflag:$0x5], $0x1E0, $0x38;
	[tilespmem:$0x91F0] =	vst v63  }
0xb4: {  	_ =	swait.ge [sflag:s6], $0x1E0  }
0xb5: {  	[sflag:s6] =	ssyncset.done $0x0  }
0xb6: {  	[sflag:s6] =	ssyncadd.s32 $0xFFFFFE20  }
0xb7: {  	_ =	swait.ge [sflag:s15], $0xA00  }
0xb8: {  	[sflag:s15] =	ssyncset.done $0x0  }
0xb9: {  	s0 =	rddreg [dreg:$0x15];
	[sflag:s15] =	ssyncadd.s32 $0xFFFFF600  }
0xba: {  	[hbm4b:s0+s2] =	stream.linear.scatter [tilespmem:s13], [sflag:$0x5], $0xA00, $0x38;
	[tilespmem:$0x91F0] =	vst v63  }
0xbb: {  	_ =	swait.ge [sflag:s6], $0xA00  }
0xbc: {  	[sflag:s6] =	ssyncset.done $0x0  }
0xbd: {  	[sflag:s6] =	ssyncadd.s32 $0xFFFFF600  }
0xbe: {  	_ =	swait.ge [sflag:s10], $0x7800  }
0xbf: {  	[sflag:s10] =	ssyncset.done $0x0  }
0xc0: {  	s0 =	rddreg [dreg:$0x16];
	[sflag:s10] =	ssyncadd.s32 $0xFFFF8800  }
0xc1: {  	[hbm4b:s0+s2] =	stream.linear.scatter [tilespmem:s11], [sflag:$0x5], $0x7800, $0x38;
	[tilespmem:$0x91F0] =	vst v63  }
0xc2: {  	_ =	swait.ge [sflag:s6], $0x7800  }
0xc3: {  	[sflag:s6] =	ssyncset.done $0x0  }
0xc4: {  	s0 =	rddreg [dreg:$0x17];
	[sflag:s6] =	ssyncadd.s32 $0xFFFF8800  }
0xc5: {  	[tilespmem:s2], [sflag:$0x5] =	stream.linear.gather [hbm4b:s0+s2], $0x28, $0x38;
	[tilespmem:$0x91F0] =	vst v63  }
0xc6: {  	_ =	swait.ge [sflag:s6], $0x28  }
0xc7: {  	[sflag:s6] =	ssyncset.done $0x0  }
0xc8: {  	s0 =	rddreg [dreg:$0x18];
	[sflag:s6] =	ssyncadd.s32 $0xFFFFFFD8  }
0xc9: {  	[tilespmem:s21], [sflag:$0x5] =	stream.linear.gather [hbm4b:s0+s2], $0x28, $0x38;
	[tilespmem:$0x91F0] =	vst v63  }
0xca: {  	_ =	swait.ge [sflag:s6], $0x28  }
0xcb: {  	[sflag:s6] =	ssyncset.done $0x0  }
0xcc: {  	s0 =	rddreg [dreg:$0x19];
	[sflag:s6] =	ssyncadd.s32 $0xFFFFFFD8  }
0xcd: {  	[tilespmem:s22], [sflag:$0x5] =	stream.linear.gather [hbm4b:s0+s2], $0x1E0, $0x38;
	[tilespmem:$0x91F0] =	vst v63  }
0xce: {  	_ =	swait.ge [sflag:s6], $0x1E0  }
0xcf: {  	[sflag:s6] =	ssyncset.done $0x0  }
0xd0: {  	[sflag:s6] =	ssyncadd.s32 $0xFFFFFE20  }
0xd1: {  	[tilespmem:s18], [sflag:$0x2] =	stream.indirect.gather [hbm4b:s3+s17], $0x1, s22, s17, $0xb8;
	[tilespmem:$0x91F0] =	vst v63  }
0xd2: {  	_ = 	snop  }
0xd3: {  	[tilespmem:s16], [sflag:$0x1] =	stream.indirect.gather [hbm4b:s5+s16], $0x40, s2, s16, $0xb8;
	[tilespmem:$0x91F0] =	vst v63  }
0xd4: {  	_ = 	snop  }
0xd5: {  	[tilespmem:s14], [sflag:$0x3] =	stream.indirect.gather [hbm4b:s4+s17], $0x1, s22, s17, $0xb8;
	[tilespmem:$0x91F0] =	vst v63  }
0xd6: {  	_ = 	snop  }
0xd7: {  	[tilespmem:s13], [sflag:$0x4] =	stream.indirect.gather [hbm4b:s5+s16], $0x40, s21, s16, $0xb8;
	[tilespmem:$0x91F0] =	vst v63  }
0xd8: {  	_ =	swait.ge [sflag:s10], $0x1E0  }
0xd9: {  	[sflag:s10] =	ssyncset.done $0x0  }
0xda: {  	[sflag:s10] =	ssyncadd.s32 $0xFFFFFE20  }
0xdb: {  	[tilespmem:s11], [sflag:$0x2] =	stream.indirect.gather [hbm4b:s5+s17], $0x40, s18, s17, $0xb8;
	[tilespmem:$0x91F0] =	vst v63  }
0xdc: {  	_ =	swait.ge [sflag:s26], $0xA00  }
0xdd: {  	[sflag:s26] =	ssyncset.done $0x0  }
0xde: {  	[sflag:s26] =	ssyncadd.s32 $0xFFFFF600  }
0xdf: {  	[hbm4b:s30+s2] =	stream.linear.scatter [tilespmem:s16], [sflag:$0x5], $0xA00, $0x38;
	[tilespmem:$0x91F0] =	vst v63  }
0xe0: {  	_ =	swait.ge [sflag:s6], $0xA00  }
0xe1: {  	[sflag:s6] =	ssyncset.done $0x0  }
0xe2: {  	[sflag:s6] =	ssyncadd.s32 $0xFFFFF600  }
0xe3: {  	_ =	swait.ge [sflag:s19], $0x1E0  }
0xe4: {  	[sflag:s19] =	ssyncset.done $0x0  }
0xe5: {  	[sflag:s19] =	ssyncadd.s32 $0xFFFFFE20  }
0xe6: {  	[hbm4b:s29+s2] =	stream.linear.scatter [tilespmem:s14], [sflag:$0x5], $0x1E0, $0x38;
	[tilespmem:$0x91F0] =	vst v63  }
0xe7: {  	_ =	swait.ge [sflag:s6], $0x1E0  }
0xe8: {  	[sflag:s6] =	ssyncset.done $0x0  }
0xe9: {  	[sflag:s6] =	ssyncadd.s32 $0xFFFFFE20  }
0xea: {  	_ =	swait.ge [sflag:s15], $0xA00  }
0xeb: {  	[sflag:s15] =	ssyncset.done $0x0  }
0xec: {  	[sflag:s15] =	ssyncadd.s32 $0xFFFFF600  }
0xed: {  	[hbm4b:s28+s2] =	stream.linear.scatter [tilespmem:s13], [sflag:$0x5], $0xA00, $0x38;
	[tilespmem:$0x91F0] =	vst v63  }
0xee: {  	_ =	swait.ge [sflag:s6], $0xA00  }
0xef: {  	[sflag:s6] =	ssyncset.done $0x0  }
0xf0: {  	[sflag:s6] =	ssyncadd.s32 $0xFFFFF600  }
0xf1: {  	_ =	swait.ge [sflag:s10], $0x7800  }
0xf2: {  	[sflag:s10] =	ssyncset.done $0x0  }
0xf3: {  	[sflag:s10] =	ssyncadd.s32 $0xFFFF8800  }
0xf4: {  	[hbm4b:s25+s2] =	stream.linear.scatter [tilespmem:s11], [sflag:$0x5], $0x7800, $0x38;
	[tilespmem:$0x91F0] =	vst v63  }
0xf5: {  	_ =	swait.ge [sflag:s6], $0x7800  }
0xf6: {  	[sflag:s6] =	ssyncset.done $0x0  }
0xf7: {  	[sflag:s6] =	ssyncadd.s32 $0xFFFF8800  }
0xf8: {  	[tilespmem:s2], [sflag:$0x5] =	stream.linear.gather [hbm4b:s24+s2], $0x28, $0x38;
	[tilespmem:$0x91F0] =	vst v63  }
0xf9: {  	_ =	swait.ge [sflag:s6], $0x28  }
0xfa: {  	[sflag:s6] =	ssyncset.done $0x0  }
0xfb: {  	[sflag:s6] =	ssyncadd.s32 $0xFFFFFFD8  }
0xfc: {  	[tilespmem:s21], [sflag:$0x5] =	stream.linear.gather [hbm4b:s23+s2], $0x28, $0x38;
	[tilespmem:$0x91F0] =	vst v63  }
0xfd: {  	_ =	swait.ge [sflag:s6], $0x28  }
0xfe: {  	[sflag:s6] =	ssyncset.done $0x0  }
0xff: {  	[sflag:s6] =	ssyncadd.s32 $0xFFFFFFD8  }
0x100: {  	[tilespmem:s22], [sflag:$0x5] =	stream.linear.gather [hbm4b:s20+s2], $0x1E0, $0x38;
	[tilespmem:$0x91F0] =	vst v63  }
0x101: {  	_ =	swait.ge [sflag:s6], $0x1E0  }
0x102: {  	[sflag:s6] =	ssyncset.done $0x0  }
0x103: {  	[sflag:s6] =	ssyncadd.s32 $0xFFFFFE20  }
0x104: {  	[tilespmem:s18], [sflag:$0x2] =	stream.indirect.gather [hbm4b:s3+s17], $0x1, s22, s17, $0xb8;
	[tilespmem:$0x91F0] =	vst v63  }
0x105: {  	_ = 	snop  }
0x106: {  	[tilespmem:s16], [sflag:$0x1] =	stream.indirect.gather [hbm4b:s5+s16], $0x40, s2, s16, $0xb8;
	[tilespmem:$0x91F0] =	vst v63  }
0x107: {  	_ = 	snop  }
0x108: {  	[tilespmem:s14], [sflag:$0x3] =	stream.indirect.gather [hbm4b:s4+s17], $0x1, s22, s17, $0xb8;
	[tilespmem:$0x91F0] =	vst v63  }
0x109: {  	_ = 	snop  }
0x10a: {  	[tilespmem:s13], [sflag:$0x4] =	stream.indirect.gather [hbm4b:s5+s16], $0x40, s21, s16, $0xb8;
	[tilespmem:$0x91F0] =	vst v63  }
0x10b: {  	_ =	swait.ge [sflag:s10], $0x1E0  }
0x10c: {  	[sflag:s10] =	ssyncset.done $0x0  }
0x10d: {  	[sflag:s10] =	ssyncadd.s32 $0xFFFFFE20  }
0x10e: {  	[tilespmem:s11], [sflag:$0x2] =	stream.indirect.gather [hbm4b:s5+s17], $0x40, s18, s17, $0xb8;
	[tilespmem:$0x91F0] =	vst v63  }
0x10f: {  	_ =	swait.ge [sflag:s26], $0xA00  }
0x110: {  	[sflag:s26] =	ssyncset.done $0x0  }
0x111: {  	[sflag:s26] =	ssyncadd.s32 $0xFFFFF600  }
0x112: {  	[hbm4b:s12+s2] =	stream.linear.scatter [tilespmem:s16], [sflag:$0x5], $0xA00, $0x38;
	[tilespmem:$0x91F0] =	vst v63  }
0x113: {  	_ =	swait.ge [sflag:s6], $0xA00  }
0x114: {  	[sflag:s6] =	ssyncset.done $0x0  }
0x115: {  	[sflag:s6] =	ssyncadd.s32 $0xFFFFF600  }
0x116: {  	_ =	swait.ge [sflag:s19], $0x1E0  }
0x117: {  	[sflag:s19] =	ssyncset.done $0x0  }
0x118: {  	[sflag:s19] =	ssyncadd.s32 $0xFFFFFE20  }
0x119: {  	[hbm4b:s9+s2] =	stream.linear.scatter [tilespmem:s14], [sflag:$0x5], $0x1E0, $0x38;
	[tilespmem:$0x91F0] =	vst v63  }
0x11a: {  	_ =	swait.ge [sflag:s6], $0x1E0  }
0x11b: {  	[sflag:s6] =	ssyncset.done $0x0  }
0x11c: {  	[sflag:s6] =	ssyncadd.s32 $0xFFFFFE20  }
0x11d: {  	_ =	swait.ge [sflag:s15], $0xA00  }
0x11e: {  	[sflag:s15] =	ssyncset.done $0x0  }
0x11f: {  	[sflag:s15] =	ssyncadd.s32 $0xFFFFF600  }
0x120: {  	[hbm4b:s8+s2] =	stream.linear.scatter [tilespmem:s13], [sflag:$0x5], $0xA00, $0x38;
	[tilespmem:$0x91F0] =	vst v63  }
0x121: {  	_ =	swait.ge [sflag:s6], $0xA00  }
0x122: {  	[sflag:s6] =	ssyncset.done $0x0  }
0x123: {  	[sflag:s6] =	ssyncadd.s32 $0xFFFFF600  }
0x124: {  	p1 =	sne.s32 s1, $0x1;
	_ =	swait.ge [sflag:s10], $0x7800  }
.Ltmp1:
0x125: {  	[sflag:s10] =	ssyncset.done $0x0;
	(pc) =	sbr.rel @!p1 .LBB2_3-.Ltmp1, $4  }
0x126: {  	[sflag:s10] =	ssyncadd.s32 $0xFFFF8800  }
0x127: {  	[hbm4b:s7+s2] =	stream.linear.scatter [tilespmem:s11], [sflag:$0x5], $0x7800, $0x38;
	[tilespmem:$0x91F0] =	vst v63  }
0x128: {  	s1 =	sadd.s32 $0xFFFFFFFF, s1;
	_ =	swait.ge [sflag:s6], $0x7800  }
0x129: {  	p0 =	por $0x1, $0x1;
	s0 =	rddreg [dreg:$0x3];
	[sflag:s6] =	ssyncset.done $0x0  }
.LBB2_2:
0x12a: {  	[sflag:s6] =	ssyncadd.s32 $0xFFFF8800  }
0x12b: {  	[tilespmem:s2], [sflag:$0x5] =	stream.linear.gather [hbm4b:s0+s2], $0x28, $0x38;
	[tilespmem:$0x91F0] =	vst v63  }
0x12c: {  	_ =	swait.ge [sflag:s6], $0x28  }
0x12d: {  	[sflag:s6] =	ssyncset.done $0x0  }
0x12e: {  	s0 =	rddreg [dreg:$0x4];
	[sflag:s6] =	ssyncadd.s32 $0xFFFFFFD8  }
0x12f: {  	[tilespmem:s21], [sflag:$0x5] =	stream.linear.gather [hbm4b:s0+s2], $0x28, $0x38;
	[tilespmem:$0x91F0] =	vst v63  }
0x130: {  	_ =	swait.ge [sflag:s6], $0x28  }
0x131: {  	[sflag:s6] =	ssyncset.done $0x0  }
0x132: {  	s0 =	rddreg [dreg:$0x5];
	[sflag:s6] =	ssyncadd.s32 $0xFFFFFFD8  }
0x133: {  	[tilespmem:s22], [sflag:$0x5] =	stream.linear.gather [hbm4b:s0+s2], $0x1E0, $0x38;
	[tilespmem:$0x91F0] =	vst v63  }
0x134: {  	_ =	swait.ge [sflag:s6], $0x1E0  }
0x135: {  	[sflag:s6] =	ssyncset.done $0x0  }
0x136: {  	[sflag:s6] =	ssyncadd.s32 $0xFFFFFE20  }
0x137: {  	[tilespmem:s18], [sflag:$0x2] =	stream.indirect.gather [hbm4b:s3+s17], $0x1, s22, s17, $0xb8;
	[tilespmem:$0x91F0] =	vst v63  }
0x138: {  	_ = 	snop  }
0x139: {  	[tilespmem:s16], [sflag:$0x1] =	stream.indirect.gather [hbm4b:s5+s16], $0x40, s2, s16, $0xb8;
	[tilespmem:$0x91F0] =	vst v63  }
0x13a: {  	_ = 	snop  }
0x13b: {  	[tilespmem:s14], [sflag:$0x3] =	stream.indirect.gather [hbm4b:s4+s17], $0x1, s22, s17, $0xb8;
	[tilespmem:$0x91F0] =	vst v63  }
0x13c: {  	_ = 	snop  }
0x13d: {  	[tilespmem:s13], [sflag:$0x4] =	stream.indirect.gather [hbm4b:s5+s16], $0x40, s21, s16, $0xb8;
	[tilespmem:$0x91F0] =	vst v63  }
0x13e: {  	_ =	swait.ge [sflag:s10], $0x1E0  }
0x13f: {  	[sflag:s10] =	ssyncset.done $0x0  }
0x140: {  	[sflag:s10] =	ssyncadd.s32 $0xFFFFFE20  }
0x141: {  	[tilespmem:s11], [sflag:$0x2] =	stream.indirect.gather [hbm4b:s5+s17], $0x40, s18, s17, $0xb8;
	[tilespmem:$0x91F0] =	vst v63  }
0x142: {  	_ =	swait.ge [sflag:s26], $0xA00  }
0x143: {  	[sflag:s26] =	ssyncset.done $0x0  }
0x144: {  	s0 =	rddreg [dreg:$0x6];
	[sflag:s26] =	ssyncadd.s32 $0xFFFFF600  }
0x145: {  	[hbm4b:s0+s2] =	stream.linear.scatter [tilespmem:s16], [sflag:$0x5], $0xA00, $0x38;
	[tilespmem:$0x91F0] =	vst v63  }
0x146: {  	_ =	swait.ge [sflag:s6], $0xA00  }
0x147: {  	[sflag:s6] =	ssyncset.done $0x0  }
0x148: {  	[sflag:s6] =	ssyncadd.s32 $0xFFFFF600  }
0x149: {  	_ =	swait.ge [sflag:s19], $0x1E0  }
0x14a: {  	[sflag:s19] =	ssyncset.done $0x0  }
0x14b: {  	s0 =	rddreg [dreg:$0x7];
	[sflag:s19] =	ssyncadd.s32 $0xFFFFFE20  }
0x14c: {  	[hbm4b:s0+s2] =	stream.linear.scatter [tilespmem:s14], [sflag:$0x5], $0x1E0, $0x38;
	[tilespmem:$0x91F0] =	vst v63  }
0x14d: {  	_ =	swait.ge [sflag:s6], $0x1E0  }
0x14e: {  	[sflag:s6] =	ssyncset.done $0x0  }
0x14f: {  	[sflag:s6] =	ssyncadd.s32 $0xFFFFFE20  }
0x150: {  	_ =	swait.ge [sflag:s15], $0xA00  }
0x151: {  	[sflag:s15] =	ssyncset.done $0x0  }
0x152: {  	s0 =	rddreg [dreg:$0x8];
	[sflag:s15] =	ssyncadd.s32 $0xFFFFF600  }
0x153: {  	[hbm4b:s0+s2] =	stream.linear.scatter [tilespmem:s13], [sflag:$0x5], $0xA00, $0x38;
	[tilespmem:$0x91F0] =	vst v63  }
0x154: {  	_ =	swait.ge [sflag:s6], $0xA00  }
0x155: {  	[sflag:s6] =	ssyncset.done $0x0  }
0x156: {  	[sflag:s6] =	ssyncadd.s32 $0xFFFFF600  }
0x157: {  	_ =	swait.ge [sflag:s10], $0x7800  }
0x158: {  	[sflag:s10] =	ssyncset.done $0x0  }
0x159: {  	[sflag:s10] =	ssyncadd.s32 $0xFFFF8800  }
0x15a: {  	[hbm4b:s31+s2] =	stream.linear.scatter [tilespmem:s11], [sflag:$0x5], $0x7800, $0x38;
	[tilespmem:$0x91F0] =	vst v63  }
0x15b: {  	_ =	swait.ge [sflag:s6], $0x7800  }
0x15c: {  	[sflag:s6] =	ssyncset.done $0x0  }
0x15d: {  	s0 =	rddreg [dreg:$0x9];
	[sflag:s6] =	ssyncadd.s32 $0xFFFF8800  }
0x15e: {  	[tilespmem:s2], [sflag:$0x5] =	stream.linear.gather [hbm4b:s0+s2], $0x28, $0x38;
	[tilespmem:$0x91F0] =	vst v63  }
0x15f: {  	_ =	swait.ge [sflag:s6], $0x28  }
0x160: {  	[sflag:s6] =	ssyncset.done $0x0  }
0x161: {  	s0 =	rddreg [dreg:$0xa];
	[sflag:s6] =	ssyncadd.s32 $0xFFFFFFD8  }
0x162: {  	[tilespmem:s21], [sflag:$0x5] =	stream.linear.gather [hbm4b:s0+s2], $0x28, $0x38;
	[tilespmem:$0x91F0] =	vst v63  }
0x163: {  	_ =	swait.ge [sflag:s6], $0x28  }
0x164: {  	[sflag:s6] =	ssyncset.done $0x0  }
0x165: {  	s0 =	rddreg [dreg:$0xb];
	[sflag:s6] =	ssyncadd.s32 $0xFFFFFFD8  }
0x166: {  	[tilespmem:s22], [sflag:$0x5] =	stream.linear.gather [hbm4b:s0+s2], $0x1E0, $0x38;
	[tilespmem:$0x91F0] =	vst v63  }
0x167: {  	_ =	swait.ge [sflag:s6], $0x1E0  }
0x168: {  	[sflag:s6] =	ssyncset.done $0x0  }
0x169: {  	[sflag:s6] =	ssyncadd.s32 $0xFFFFFE20  }
0x16a: {  	[tilespmem:s18], [sflag:$0x2] =	stream.indirect.gather [hbm4b:s3+s17], $0x1, s22, s17, $0xb8;
	[tilespmem:$0x91F0] =	vst v63  }
0x16b: {  	_ = 	snop  }
0x16c: {  	[tilespmem:s16], [sflag:$0x1] =	stream.indirect.gather [hbm4b:s5+s16], $0x40, s2, s16, $0xb8;
	[tilespmem:$0x91F0] =	vst v63  }
0x16d: {  	_ = 	snop  }
0x16e: {  	[tilespmem:s14], [sflag:$0x3] =	stream.indirect.gather [hbm4b:s4+s17], $0x1, s22, s17, $0xb8;
	[tilespmem:$0x91F0] =	vst v63  }
0x16f: {  	_ = 	snop  }
0x170: {  	[tilespmem:s13], [sflag:$0x4] =	stream.indirect.gather [hbm4b:s5+s16], $0x40, s21, s16, $0xb8;
	[tilespmem:$0x91F0] =	vst v63  }
0x171: {  	_ =	swait.ge [sflag:s10], $0x1E0  }
0x172: {  	[sflag:s10] =	ssyncset.done $0x0  }
0x173: {  	[sflag:s10] =	ssyncadd.s32 $0xFFFFFE20  }
0x174: {  	[tilespmem:s11], [sflag:$0x2] =	stream.indirect.gather [hbm4b:s5+s17], $0x40, s18, s17, $0xb8;
	[tilespmem:$0x91F0] =	vst v63  }
0x175: {  	_ =	swait.ge [sflag:s26], $0xA00  }
0x176: {  	[sflag:s26] =	ssyncset.done $0x0  }
0x177: {  	s0 =	rddreg [dreg:$0xc];
	[sflag:s26] =	ssyncadd.s32 $0xFFFFF600  }
0x178: {  	[hbm4b:s0+s2] =	stream.linear.scatter [tilespmem:s16], [sflag:$0x5], $0xA00, $0x38;
	[tilespmem:$0x91F0] =	vst v63  }
0x179: {  	_ =	swait.ge [sflag:s6], $0xA00  }
0x17a: {  	[sflag:s6] =	ssyncset.done $0x0  }
0x17b: {  	[sflag:s6] =	ssyncadd.s32 $0xFFFFF600  }
0x17c: {  	_ =	swait.ge [sflag:s19], $0x1E0  }
0x17d: {  	[sflag:s19] =	ssyncset.done $0x0  }
0x17e: {  	s0 =	rddreg [dreg:$0xd];
	[sflag:s19] =	ssyncadd.s32 $0xFFFFFE20  }
0x17f: {  	[hbm4b:s0+s2] =	stream.linear.scatter [tilespmem:s14], [sflag:$0x5], $0x1E0, $0x38;
	[tilespmem:$0x91F0] =	vst v63  }
0x180: {  	_ =	swait.ge [sflag:s6], $0x1E0  }
0x181: {  	[sflag:s6] =	ssyncset.done $0x0  }
0x182: {  	[sflag:s6] =	ssyncadd.s32 $0xFFFFFE20  }
0x183: {  	_ =	swait.ge [sflag:s15], $0xA00  }
0x184: {  	[sflag:s15] =	ssyncset.done $0x0  }
0x185: {  	s0 =	rddreg [dreg:$0xe];
	[sflag:s15] =	ssyncadd.s32 $0xFFFFF600  }
0x186: {  	[hbm4b:s0+s2] =	stream.linear.scatter [tilespmem:s13], [sflag:$0x5], $0xA00, $0x38;
	[tilespmem:$0x91F0] =	vst v63  }
0x187: {  	_ =	swait.ge [sflag:s6], $0xA00  }
0x188: {  	[sflag:s6] =	ssyncset.done $0x0  }
0x189: {  	[sflag:s6] =	ssyncadd.s32 $0xFFFFF600  }
0x18a: {  	_ =	swait.ge [sflag:s10], $0x7800  }
0x18b: {  	[sflag:s10] =	ssyncset.done $0x0  }
0x18c: {  	s0 =	rddreg [dreg:$0xf];
	[sflag:s10] =	ssyncadd.s32 $0xFFFF8800  }
0x18d: {  	[hbm4b:s0+s2] =	stream.linear.scatter [tilespmem:s11], [sflag:$0x5], $0x7800, $0x38;
	[tilespmem:$0x91F0] =	vst v63  }
0x18e: {  	_ =	swait.ge [sflag:s6], $0x7800  }
0x18f: {  	[sflag:s6] =	ssyncset.done $0x0  }
0x190: {  	s0 =	rddreg [dreg:$0x10];
	[sflag:s6] =	ssyncadd.s32 $0xFFFF8800  }
0x191: {  	[tilespmem:s2], [sflag:$0x5] =	stream.linear.gather [hbm4b:s0+s2], $0x28, $0x38;
	[tilespmem:$0x91F0] =	vst v63  }
0x192: {  	_ =	swait.ge [sflag:s6], $0x28  }
0x193: {  	[sflag:s6] =	ssyncset.done $0x0  }
0x194: {  	s0 =	rddreg [dreg:$0x11];
	[sflag:s6] =	ssyncadd.s32 $0xFFFFFFD8  }
0x195: {  	[tilespmem:s21], [sflag:$0x5] =	stream.linear.gather [hbm4b:s0+s2], $0x28, $0x38;
	[tilespmem:$0x91F0] =	vst v63  }
0x196: {  	_ =	swait.ge [sflag:s6], $0x28  }
0x197: {  	[sflag:s6] =	ssyncset.done $0x0  }
0x198: {  	s0 =	rddreg [dreg:$0x12];
	[sflag:s6] =	ssyncadd.s32 $0xFFFFFFD8  }
0x199: {  	[tilespmem:s22], [sflag:$0x5] =	stream.linear.gather [hbm4b:s0+s2], $0x1E0, $0x38;
	[tilespmem:$0x91F0] =	vst v63  }
0x19a: {  	_ =	swait.ge [sflag:s6], $0x1E0  }
0x19b: {  	[sflag:s6] =	ssyncset.done $0x0  }
0x19c: {  	[sflag:s6] =	ssyncadd.s32 $0xFFFFFE20  }
0x19d: {  	[tilespmem:s18], [sflag:$0x2] =	stream.indirect.gather [hbm4b:s3+s17], $0x1, s22, s17, $0xb8;
	[tilespmem:$0x91F0] =	vst v63  }
0x19e: {  	_ = 	snop  }
0x19f: {  	[tilespmem:s16], [sflag:$0x1] =	stream.indirect.gather [hbm4b:s5+s16], $0x40, s2, s16, $0xb8;
	[tilespmem:$0x91F0] =	vst v63  }
0x1a0: {  	_ = 	snop  }
0x1a1: {  	[tilespmem:s14], [sflag:$0x3] =	stream.indirect.gather [hbm4b:s4+s17], $0x1, s22, s17, $0xb8;
	[tilespmem:$0x91F0] =	vst v63  }
0x1a2: {  	_ = 	snop  }
0x1a3: {  	[tilespmem:s13], [sflag:$0x4] =	stream.indirect.gather [hbm4b:s5+s16], $0x40, s21, s16, $0xb8;
	[tilespmem:$0x91F0] =	vst v63  }
0x1a4: {  	_ =	swait.ge [sflag:s10], $0x1E0  }
0x1a5: {  	[sflag:s10] =	ssyncset.done $0x0  }
0x1a6: {  	[sflag:s10] =	ssyncadd.s32 $0xFFFFFE20  }
0x1a7: {  	[tilespmem:s11], [sflag:$0x2] =	stream.indirect.gather [hbm4b:s5+s17], $0x40, s18, s17, $0xb8;
	[tilespmem:$0x91F0] =	vst v63  }
0x1a8: {  	_ =	swait.ge [sflag:s26], $0xA00  }
0x1a9: {  	[sflag:s26] =	ssyncset.done $0x0  }
0x1aa: {  	s0 =	rddreg [dreg:$0x13];
	[sflag:s26] =	ssyncadd.s32 $0xFFFFF600  }
0x1ab: {  	[hbm4b:s0+s2] =	stream.linear.scatter [tilespmem:s16], [sflag:$0x5], $0xA00, $0x38;
	[tilespmem:$0x91F0] =	vst v63  }
0x1ac: {  	_ =	swait.ge [sflag:s6], $0xA00  }
0x1ad: {  	[sflag:s6] =	ssyncset.done $0x0  }
0x1ae: {  	[sflag:s6] =	ssyncadd.s32 $0xFFFFF600  }
0x1af: {  	_ =	swait.ge [sflag:s19], $0x1E0  }
0x1b0: {  	[sflag:s19] =	ssyncset.done $0x0  }
0x1b1: {  	s0 =	rddreg [dreg:$0x14];
	[sflag:s19] =	ssyncadd.s32 $0xFFFFFE20  }
0x1b2: {  	[hbm4b:s0+s2] =	stream.linear.scatter [tilespmem:s14], [sflag:$0x5], $0x1E0, $0x38;
	[tilespmem:$0x91F0] =	vst v63  }
0x1b3: {  	_ =	swait.ge [sflag:s6], $0x1E0  }
0x1b4: {  	[sflag:s6] =	ssyncset.done $0x0  }
0x1b5: {  	[sflag:s6] =	ssyncadd.s32 $0xFFFFFE20  }
0x1b6: {  	_ =	swait.ge [sflag:s15], $0xA00  }
0x1b7: {  	[sflag:s15] =	ssyncset.done $0x0  }
0x1b8: {  	s0 =	rddreg [dreg:$0x15];
	[sflag:s15] =	ssyncadd.s32 $0xFFFFF600  }
0x1b9: {  	[hbm4b:s0+s2] =	stream.linear.scatter [tilespmem:s13], [sflag:$0x5], $0xA00, $0x38;
	[tilespmem:$0x91F0] =	vst v63  }
0x1ba: {  	_ =	swait.ge [sflag:s6], $0xA00  }
0x1bb: {  	[sflag:s6] =	ssyncset.done $0x0  }
0x1bc: {  	[sflag:s6] =	ssyncadd.s32 $0xFFFFF600  }
0x1bd: {  	_ =	swait.ge [sflag:s10], $0x7800  }
0x1be: {  	[sflag:s10] =	ssyncset.done $0x0  }
0x1bf: {  	s0 =	rddreg [dreg:$0x16];
	[sflag:s10] =	ssyncadd.s32 $0xFFFF8800  }
0x1c0: {  	[hbm4b:s0+s2] =	stream.linear.scatter [tilespmem:s11], [sflag:$0x5], $0x7800, $0x38;
	[tilespmem:$0x91F0] =	vst v63  }
0x1c1: {  	_ =	swait.ge [sflag:s6], $0x7800  }
0x1c2: {  	[sflag:s6] =	ssyncset.done $0x0  }
0x1c3: {  	s0 =	rddreg [dreg:$0x17];
	[sflag:s6] =	ssyncadd.s32 $0xFFFF8800  }
0x1c4: {  	[tilespmem:s2], [sflag:$0x5] =	stream.linear.gather [hbm4b:s0+s2], $0x28, $0x38;
	[tilespmem:$0x91F0] =	vst v63  }
0x1c5: {  	_ =	swait.ge [sflag:s6], $0x28  }
0x1c6: {  	[sflag:s6] =	ssyncset.done $0x0  }
0x1c7: {  	s0 =	rddreg [dreg:$0x18];
	[sflag:s6] =	ssyncadd.s32 $0xFFFFFFD8  }
0x1c8: {  	[tilespmem:s21], [sflag:$0x5] =	stream.linear.gather [hbm4b:s0+s2], $0x28, $0x38;
	[tilespmem:$0x91F0] =	vst v63  }
0x1c9: {  	_ =	swait.ge [sflag:s6], $0x28  }
0x1ca: {  	[sflag:s6] =	ssyncset.done $0x0  }
0x1cb: {  	s0 =	rddreg [dreg:$0x19];
	[sflag:s6] =	ssyncadd.s32 $0xFFFFFFD8  }
0x1cc: {  	[tilespmem:s22], [sflag:$0x5] =	stream.linear.gather [hbm4b:s0+s2], $0x1E0, $0x38;
	[tilespmem:$0x91F0] =	vst v63  }
0x1cd: {  	_ =	swait.ge [sflag:s6], $0x1E0  }
0x1ce: {  	[sflag:s6] =	ssyncset.done $0x0  }
0x1cf: {  	[sflag:s6] =	ssyncadd.s32 $0xFFFFFE20  }
0x1d0: {  	[tilespmem:s18], [sflag:$0x2] =	stream.indirect.gather [hbm4b:s3+s17], $0x1, s22, s17, $0xb8;
	[tilespmem:$0x91F0] =	vst v63  }
0x1d1: {  	_ = 	snop  }
0x1d2: {  	[tilespmem:s16], [sflag:$0x1] =	stream.indirect.gather [hbm4b:s5+s16], $0x40, s2, s16, $0xb8;
	[tilespmem:$0x91F0] =	vst v63  }
0x1d3: {  	_ = 	snop  }
0x1d4: {  	[tilespmem:s14], [sflag:$0x3] =	stream.indirect.gather [hbm4b:s4+s17], $0x1, s22, s17, $0xb8;
	[tilespmem:$0x91F0] =	vst v63  }
0x1d5: {  	_ = 	snop  }
0x1d6: {  	[tilespmem:s13], [sflag:$0x4] =	stream.indirect.gather [hbm4b:s5+s16], $0x40, s21, s16, $0xb8;
	[tilespmem:$0x91F0] =	vst v63  }
0x1d7: {  	_ =	swait.ge [sflag:s10], $0x1E0  }
0x1d8: {  	[sflag:s10] =	ssyncset.done $0x0  }
0x1d9: {  	[sflag:s10] =	ssyncadd.s32 $0xFFFFFE20  }
0x1da: {  	[tilespmem:s11], [sflag:$0x2] =	stream.indirect.gather [hbm4b:s5+s17], $0x40, s18, s17, $0xb8;
	[tilespmem:$0x91F0] =	vst v63  }
0x1db: {  	_ =	swait.ge [sflag:s26], $0xA00  }
0x1dc: {  	[sflag:s26] =	ssyncset.done $0x0  }
0x1dd: {  	[sflag:s26] =	ssyncadd.s32 $0xFFFFF600  }
0x1de: {  	[hbm4b:s30+s2] =	stream.linear.scatter [tilespmem:s16], [sflag:$0x5], $0xA00, $0x38;
	[tilespmem:$0x91F0] =	vst v63  }
0x1df: {  	_ =	swait.ge [sflag:s6], $0xA00  }
0x1e0: {  	[sflag:s6] =	ssyncset.done $0x0  }
0x1e1: {  	[sflag:s6] =	ssyncadd.s32 $0xFFFFF600  }
0x1e2: {  	_ =	swait.ge [sflag:s19], $0x1E0  }
0x1e3: {  	[sflag:s19] =	ssyncset.done $0x0  }
0x1e4: {  	[sflag:s19] =	ssyncadd.s32 $0xFFFFFE20  }
0x1e5: {  	[hbm4b:s29+s2] =	stream.linear.scatter [tilespmem:s14], [sflag:$0x5], $0x1E0, $0x38;
	[tilespmem:$0x91F0] =	vst v63  }
0x1e6: {  	_ =	swait.ge [sflag:s6], $0x1E0  }
0x1e7: {  	[sflag:s6] =	ssyncset.done $0x0  }
0x1e8: {  	[sflag:s6] =	ssyncadd.s32 $0xFFFFFE20  }
0x1e9: {  	_ =	swait.ge [sflag:s15], $0xA00  }
0x1ea: {  	[sflag:s15] =	ssyncset.done $0x0  }
0x1eb: {  	[sflag:s15] =	ssyncadd.s32 $0xFFFFF600  }
0x1ec: {  	[hbm4b:s28+s2] =	stream.linear.scatter [tilespmem:s13], [sflag:$0x5], $0xA00, $0x38;
	[tilespmem:$0x91F0] =	vst v63  }
0x1ed: {  	_ =	swait.ge [sflag:s6], $0xA00  }
0x1ee: {  	[sflag:s6] =	ssyncset.done $0x0  }
0x1ef: {  	[sflag:s6] =	ssyncadd.s32 $0xFFFFF600  }
0x1f0: {  	_ =	swait.ge [sflag:s10], $0x7800  }
0x1f1: {  	[sflag:s10] =	ssyncset.done $0x0  }
0x1f2: {  	[sflag:s10] =	ssyncadd.s32 $0xFFFF8800  }
0x1f3: {  	[hbm4b:s25+s2] =	stream.linear.scatter [tilespmem:s11], [sflag:$0x5], $0x7800, $0x38;
	[tilespmem:$0x91F0] =	vst v63  }
0x1f4: {  	_ =	swait.ge [sflag:s6], $0x7800  }
0x1f5: {  	[sflag:s6] =	ssyncset.done $0x0  }
0x1f6: {  	[sflag:s6] =	ssyncadd.s32 $0xFFFF8800  }
0x1f7: {  	[tilespmem:s2], [sflag:$0x5] =	stream.linear.gather [hbm4b:s24+s2], $0x28, $0x38;
	[tilespmem:$0x91F0] =	vst v63  }
0x1f8: {  	_ =	swait.ge [sflag:s6], $0x28  }
0x1f9: {  	[sflag:s6] =	ssyncset.done $0x0  }
0x1fa: {  	[sflag:s6] =	ssyncadd.s32 $0xFFFFFFD8  }
0x1fb: {  	[tilespmem:s21], [sflag:$0x5] =	stream.linear.gather [hbm4b:s23+s2], $0x28, $0x38;
	[tilespmem:$0x91F0] =	vst v63  }
0x1fc: {  	_ =	swait.ge [sflag:s6], $0x28  }
0x1fd: {  	[sflag:s6] =	ssyncset.done $0x0  }
0x1fe: {  	[sflag:s6] =	ssyncadd.s32 $0xFFFFFFD8  }
0x1ff: {  	[tilespmem:s22], [sflag:$0x5] =	stream.linear.gather [hbm4b:s20+s2], $0x1E0, $0x38;
	[tilespmem:$0x91F0] =	vst v63  }
0x200: {  	_ =	swait.ge [sflag:s6], $0x1E0  }
0x201: {  	[sflag:s6] =	ssyncset.done $0x0  }
0x202: {  	[sflag:s6] =	ssyncadd.s32 $0xFFFFFE20  }
0x203: {  	[tilespmem:s18], [sflag:$0x2] =	stream.indirect.gather [hbm4b:s3+s17], $0x1, s22, s17, $0xb8;
	[tilespmem:$0x91F0] =	vst v63  }
0x204: {  	_ = 	snop  }
0x205: {  	[tilespmem:s16], [sflag:$0x1] =	stream.indirect.gather [hbm4b:s5+s16], $0x40, s2, s16, $0xb8;
	[tilespmem:$0x91F0] =	vst v63  }
0x206: {  	_ = 	snop  }
0x207: {  	[tilespmem:s14], [sflag:$0x3] =	stream.indirect.gather [hbm4b:s4+s17], $0x1, s22, s17, $0xb8;
	[tilespmem:$0x91F0] =	vst v63  }
0x208: {  	_ = 	snop  }
0x209: {  	[tilespmem:s13], [sflag:$0x4] =	stream.indirect.gather [hbm4b:s5+s16], $0x40, s21, s16, $0xb8;
	[tilespmem:$0x91F0] =	vst v63  }
0x20a: {  	_ =	swait.ge [sflag:s10], $0x1E0  }
0x20b: {  	[sflag:s10] =	ssyncset.done $0x0  }
0x20c: {  	[sflag:s10] =	ssyncadd.s32 $0xFFFFFE20  }
0x20d: {  	[tilespmem:s11], [sflag:$0x2] =	stream.indirect.gather [hbm4b:s5+s17], $0x40, s18, s17, $0xb8;
	[tilespmem:$0x91F0] =	vst v63  }
0x20e: {  	_ =	swait.ge [sflag:s26], $0xA00  }
0x20f: {  	[sflag:s26] =	ssyncset.done $0x0  }
0x210: {  	[sflag:s26] =	ssyncadd.s32 $0xFFFFF600  }
0x211: {  	[hbm4b:s12+s2] =	stream.linear.scatter [tilespmem:s16], [sflag:$0x5], $0xA00, $0x38;
	[tilespmem:$0x91F0] =	vst v63  }
0x212: {  	_ =	swait.ge [sflag:s6], $0xA00  }
0x213: {  	[sflag:s6] =	ssyncset.done $0x0  }
0x214: {  	[sflag:s6] =	ssyncadd.s32 $0xFFFFF600  }
0x215: {  	_ =	swait.ge [sflag:s19], $0x1E0  }
0x216: {  	[sflag:s19] =	ssyncset.done $0x0  }
0x217: {  	[sflag:s19] =	ssyncadd.s32 $0xFFFFFE20  }
0x218: {  	[hbm4b:s9+s2] =	stream.linear.scatter [tilespmem:s14], [sflag:$0x5], $0x1E0, $0x38;
	[tilespmem:$0x91F0] =	vst v63  }
0x219: {  	_ =	swait.ge [sflag:s6], $0x1E0  }
0x21a: {  	[sflag:s6] =	ssyncset.done $0x0  }
0x21b: {  	[sflag:s6] =	ssyncadd.s32 $0xFFFFFE20  }
0x21c: {  	_ =	swait.ge [sflag:s15], $0xA00  }
0x21d: {  	[sflag:s15] =	ssyncset.done $0x0  }
0x21e: {  	[sflag:s15] =	ssyncadd.s32 $0xFFFFF600  }
0x21f: {  	[hbm4b:s8+s2] =	stream.linear.scatter [tilespmem:s13], [sflag:$0x5], $0xA00, $0x38;
	[tilespmem:$0x91F0] =	vst v63  }
0x220: {  	_ =	swait.ge [sflag:s6], $0xA00  }
0x221: {  	[sflag:s6] =	ssyncset.done $0x0  }
0x222: {  	[sflag:s6] =	ssyncadd.s32 $0xFFFFF600  }
0x223: {  	p1 =	sne.s32 s1, $0x1;
	_ =	swait.ge [sflag:s10], $0x7800  }
.Ltmp2:
0x224: {  	[sflag:s10] =	ssyncset.done $0x0;
	(pc) =	sbr.rel @p1 .LBB2_2-.Ltmp2, $4  }
0x225: {  	[sflag:s10] =	ssyncadd.s32 $0xFFFF8800  }
0x226: {  	[hbm4b:s7+s2] =	stream.linear.scatter [tilespmem:s11], [sflag:$0x5], $0x7800, $0x38;
	[tilespmem:$0x91F0] =	vst v63  }
0x227: {  	_ =	swait.ge [sflag:s6], $0x7800  }
0x228: {  	s1 =	sadd.s32 $0xFFFFFFFF, s1;
	s0 =	rddreg [dreg:$0x3];
	[sflag:s6] =	ssyncset.done $0x0  }
.LBB2_3:
0x229: {  	[sflag:s6] =	ssyncadd.s32 @p0 $0xFFFF8800  }
0x22a: {  	[tilespmem:s2], [sflag:$0x5] =	stream.linear.gather [hbm4b:s0+s2], $0x28, $0x38;
	[tilespmem:$0x91F0] =	vst v63  }
0x22b: {  	_ =	swait.ge [sflag:s6], $0x28  }
0x22c: {  	[sflag:s6] =	ssyncset.done $0x0  }
0x22d: {  	s1 =	rddreg [dreg:$0x4];
	[sflag:s6] =	ssyncadd.s32 $0xFFFFFFD8  }
0x22e: {  	[tilespmem:s21], [sflag:$0x5] =	stream.linear.gather [hbm4b:s1+s2], $0x28, $0x38;
	[tilespmem:$0x91F0] =	vst v63  }
0x22f: {  	_ =	swait.ge [sflag:s6], $0x28  }
0x230: {  	[sflag:s6] =	ssyncset.done $0x0  }
0x231: {  	s1 =	rddreg [dreg:$0x5];
	[sflag:s6] =	ssyncadd.s32 $0xFFFFFFD8  }
0x232: {  	[tilespmem:s22], [sflag:$0x5] =	stream.linear.gather [hbm4b:s1+s2], $0x1E0, $0x38;
	[tilespmem:$0x91F0] =	vst v63  }
0x233: {  	_ =	swait.ge [sflag:s6], $0x1E0  }
0x234: {  	[sflag:s6] =	ssyncset.done $0x0  }
0x235: {  	[sflag:s6] =	ssyncadd.s32 $0xFFFFFE20  }
0x236: {  	[tilespmem:s18], [sflag:$0x2] =	stream.indirect.gather [hbm4b:s3+s17], $0x1, s22, s17, $0xb8;
	[tilespmem:$0x91F0] =	vst v63  }
0x237: {  	_ = 	snop  }
0x238: {  	[tilespmem:s16], [sflag:$0x1] =	stream.indirect.gather [hbm4b:s5+s16], $0x40, s2, s16, $0xb8;
	[tilespmem:$0x91F0] =	vst v63  }
0x239: {  	_ = 	snop  }
0x23a: {  	[tilespmem:s14], [sflag:$0x3] =	stream.indirect.gather [hbm4b:s4+s17], $0x1, s22, s17, $0xb8;
	[tilespmem:$0x91F0] =	vst v63  }
0x23b: {  	_ = 	snop  }
0x23c: {  	[tilespmem:s13], [sflag:$0x4] =	stream.indirect.gather [hbm4b:s5+s16], $0x40, s21, s16, $0xb8;
	[tilespmem:$0x91F0] =	vst v63  }
0x23d: {  	_ =	swait.ge [sflag:s10], $0x1E0  }
0x23e: {  	[sflag:s10] =	ssyncset.done $0x0  }
0x23f: {  	[sflag:s10] =	ssyncadd.s32 $0xFFFFFE20  }
0x240: {  	[tilespmem:s11], [sflag:$0x2] =	stream.indirect.gather [hbm4b:s5+s17], $0x40, s18, s17, $0xb8;
	[tilespmem:$0x91F0] =	vst v63  }
0x241: {  	_ =	swait.ge [sflag:s26], $0xA00  }
0x242: {  	[sflag:s26] =	ssyncset.done $0x0  }
0x243: {  	s1 =	rddreg [dreg:$0x6];
	[sflag:s26] =	ssyncadd.s32 $0xFFFFF600  }
0x244: {  	[hbm4b:s1+s2] =	stream.linear.scatter [tilespmem:s16], [sflag:$0x5], $0xA00, $0x38;
	[tilespmem:$0x91F0] =	vst v63  }
0x245: {  	_ =	swait.ge [sflag:s6], $0xA00  }
0x246: {  	[sflag:s6] =	ssyncset.done $0x0  }
0x247: {  	[sflag:s6] =	ssyncadd.s32 $0xFFFFF600  }
0x248: {  	_ =	swait.ge [sflag:s19], $0x1E0  }
0x249: {  	[sflag:s19] =	ssyncset.done $0x0  }
0x24a: {  	s1 =	rddreg [dreg:$0x7];
	[sflag:s19] =	ssyncadd.s32 $0xFFFFFE20  }
0x24b: {  	[hbm4b:s1+s2] =	stream.linear.scatter [tilespmem:s14], [sflag:$0x5], $0x1E0, $0x38;
	[tilespmem:$0x91F0] =	vst v63  }
0x24c: {  	_ =	swait.ge [sflag:s6], $0x1E0  }
0x24d: {  	[sflag:s6] =	ssyncset.done $0x0  }
0x24e: {  	[sflag:s6] =	ssyncadd.s32 $0xFFFFFE20  }
0x24f: {  	_ =	swait.ge [sflag:s15], $0xA00  }
0x250: {  	[sflag:s15] =	ssyncset.done $0x0  }
0x251: {  	s1 =	rddreg [dreg:$0x8];
	[sflag:s15] =	ssyncadd.s32 $0xFFFFF600  }
0x252: {  	[hbm4b:s1+s2] =	stream.linear.scatter [tilespmem:s13], [sflag:$0x5], $0xA00, $0x38;
	[tilespmem:$0x91F0] =	vst v63  }
0x253: {  	_ =	swait.ge [sflag:s6], $0xA00  }
0x254: {  	[sflag:s6] =	ssyncset.done $0x0  }
0x255: {  	[sflag:s6] =	ssyncadd.s32 $0xFFFFF600  }
0x256: {  	_ =	swait.ge [sflag:s10], $0x7800  }
0x257: {  	[sflag:s10] =	ssyncset.done $0x0  }
0x258: {  	[sflag:s10] =	ssyncadd.s32 $0xFFFF8800  }
0x259: {  	[hbm4b:s31+s2] =	stream.linear.scatter [tilespmem:s11], [sflag:$0x5], $0x7800, $0x38;
	[tilespmem:$0x91F0] =	vst v63  }
0x25a: {  	_ =	swait.ge [sflag:s6], $0x7800  }
0x25b: {  	[sflag:s6] =	ssyncset.done $0x0  }
0x25c: {  	s1 =	rddreg [dreg:$0x9];
	[sflag:s6] =	ssyncadd.s32 $0xFFFF8800  }
0x25d: {  	[tilespmem:s2], [sflag:$0x5] =	stream.linear.gather [hbm4b:s1+s2], $0x28, $0x38;
	[tilespmem:$0x91F0] =	vst v63  }
0x25e: {  	_ =	swait.ge [sflag:s6], $0x28  }
0x25f: {  	[sflag:s6] =	ssyncset.done $0x0  }
0x260: {  	s31 =	rddreg [dreg:$0xa];
	[sflag:s6] =	ssyncadd.s32 $0xFFFFFFD8  }
0x261: {  	[tilespmem:s21], [sflag:$0x5] =	stream.linear.gather [hbm4b:s31+s2], $0x28, $0x38;
	[tilespmem:$0x91F0] =	vst v63  }
0x262: {  	_ =	swait.ge [sflag:s6], $0x28  }
0x263: {  	[sflag:s6] =	ssyncset.done $0x0  }
0x264: {  	s1 =	rddreg [dreg:$0xb];
	[sflag:s6] =	ssyncadd.s32 $0xFFFFFFD8  }
0x265: {  	[tilespmem:s22], [sflag:$0x5] =	stream.linear.gather [hbm4b:s1+s2], $0x1E0, $0x38;
	[tilespmem:$0x91F0] =	vst v63  }
0x266: {  	_ =	swait.ge [sflag:s6], $0x1E0  }
0x267: {  	[sflag:s6] =	ssyncset.done $0x0  }
0x268: {  	[sflag:s6] =	ssyncadd.s32 $0xFFFFFE20  }
0x269: {  	[tilespmem:s18], [sflag:$0x2] =	stream.indirect.gather [hbm4b:s3+s17], $0x1, s22, s17, $0xb8;
	[tilespmem:$0x91F0] =	vst v63  }
0x26a: {  	_ = 	snop  }
0x26b: {  	[tilespmem:s16], [sflag:$0x1] =	stream.indirect.gather [hbm4b:s5+s16], $0x40, s2, s16, $0xb8;
	[tilespmem:$0x91F0] =	vst v63  }
0x26c: {  	_ = 	snop  }
0x26d: {  	[tilespmem:s14], [sflag:$0x3] =	stream.indirect.gather [hbm4b:s4+s17], $0x1, s22, s17, $0xb8;
	[tilespmem:$0x91F0] =	vst v63  }
0x26e: {  	_ = 	snop  }
0x26f: {  	[tilespmem:s13], [sflag:$0x4] =	stream.indirect.gather [hbm4b:s5+s16], $0x40, s21, s16, $0xb8;
	[tilespmem:$0x91F0] =	vst v63  }
0x270: {  	_ =	swait.ge [sflag:s10], $0x1E0  }
0x271: {  	[sflag:s10] =	ssyncset.done $0x0  }
0x272: {  	[sflag:s10] =	ssyncadd.s32 $0xFFFFFE20  }
0x273: {  	[tilespmem:s11], [sflag:$0x2] =	stream.indirect.gather [hbm4b:s5+s17], $0x40, s18, s17, $0xb8;
	[tilespmem:$0x91F0] =	vst v63  }
0x274: {  	_ =	swait.ge [sflag:s26], $0xA00  }
0x275: {  	[sflag:s26] =	ssyncset.done $0x0  }
0x276: {  	s31 =	rddreg [dreg:$0xc];
	[sflag:s26] =	ssyncadd.s32 $0xFFFFF600  }
0x277: {  	[hbm4b:s31+s2] =	stream.linear.scatter [tilespmem:s16], [sflag:$0x5], $0xA00, $0x38;
	[tilespmem:$0x91F0] =	vst v63  }
0x278: {  	_ =	swait.ge [sflag:s6], $0xA00  }
0x279: {  	[sflag:s6] =	ssyncset.done $0x0  }
0x27a: {  	[sflag:s6] =	ssyncadd.s32 $0xFFFFF600  }
0x27b: {  	_ =	swait.ge [sflag:s19], $0x1E0  }
0x27c: {  	[sflag:s19] =	ssyncset.done $0x0  }
0x27d: {  	s1 =	rddreg [dreg:$0xd];
	[sflag:s19] =	ssyncadd.s32 $0xFFFFFE20  }
0x27e: {  	[hbm4b:s1+s2] =	stream.linear.scatter [tilespmem:s14], [sflag:$0x5], $0x1E0, $0x38;
	[tilespmem:$0x91F0] =	vst v63  }
0x27f: {  	_ =	swait.ge [sflag:s6], $0x1E0  }
0x280: {  	[sflag:s6] =	ssyncset.done $0x0  }
0x281: {  	[sflag:s6] =	ssyncadd.s32 $0xFFFFFE20  }
0x282: {  	_ =	swait.ge [sflag:s15], $0xA00  }
0x283: {  	[sflag:s15] =	ssyncset.done $0x0  }
0x284: {  	s31 =	rddreg [dreg:$0xe];
	[sflag:s15] =	ssyncadd.s32 $0xFFFFF600  }
0x285: {  	[hbm4b:s31+s2] =	stream.linear.scatter [tilespmem:s13], [sflag:$0x5], $0xA00, $0x38;
	[tilespmem:$0x91F0] =	vst v63  }
0x286: {  	_ =	swait.ge [sflag:s6], $0xA00  }
0x287: {  	[sflag:s6] =	ssyncset.done $0x0  }
0x288: {  	[sflag:s6] =	ssyncadd.s32 $0xFFFFF600  }
0x289: {  	_ =	swait.ge [sflag:s10], $0x7800  }
0x28a: {  	[sflag:s10] =	ssyncset.done $0x0  }
0x28b: {  	s1 =	rddreg [dreg:$0xf];
	[sflag:s10] =	ssyncadd.s32 $0xFFFF8800  }
0x28c: {  	[hbm4b:s1+s2] =	stream.linear.scatter [tilespmem:s11], [sflag:$0x5], $0x7800, $0x38;
	[tilespmem:$0x91F0] =	vst v63  }
0x28d: {  	_ =	swait.ge [sflag:s6], $0x7800  }
0x28e: {  	[sflag:s6] =	ssyncset.done $0x0  }
0x28f: {  	s31 =	rddreg [dreg:$0x10];
	[sflag:s6] =	ssyncadd.s32 $0xFFFF8800  }
0x290: {  	[tilespmem:s2], [sflag:$0x5] =	stream.linear.gather [hbm4b:s31+s2], $0x28, $0x38;
	[tilespmem:$0x91F0] =	vst v63  }
0x291: {  	_ =	swait.ge [sflag:s6], $0x28  }
0x292: {  	[sflag:s6] =	ssyncset.done $0x0  }
0x293: {  	s1 =	rddreg [dreg:$0x11];
	[sflag:s6] =	ssyncadd.s32 $0xFFFFFFD8  }
0x294: {  	[tilespmem:s21], [sflag:$0x5] =	stream.linear.gather [hbm4b:s1+s2], $0x28, $0x38;
	[tilespmem:$0x91F0] =	vst v63  }
0x295: {  	_ =	swait.ge [sflag:s6], $0x28  }
0x296: {  	[sflag:s6] =	ssyncset.done $0x0  }
0x297: {  	s31 =	rddreg [dreg:$0x12];
	[sflag:s6] =	ssyncadd.s32 $0xFFFFFFD8  }
0x298: {  	[tilespmem:s22], [sflag:$0x5] =	stream.linear.gather [hbm4b:s31+s2], $0x1E0, $0x38;
	[tilespmem:$0x91F0] =	vst v63  }
0x299: {  	_ =	swait.ge [sflag:s6], $0x1E0  }
0x29a: {  	[sflag:s6] =	ssyncset.done $0x0  }
0x29b: {  	[sflag:s6] =	ssyncadd.s32 $0xFFFFFE20  }
0x29c: {  	[tilespmem:s18], [sflag:$0x2] =	stream.indirect.gather [hbm4b:s3+s17], $0x1, s22, s17, $0xb8;
	[tilespmem:$0x91F0] =	vst v63  }
0x29d: {  	_ = 	snop  }
0x29e: {  	[tilespmem:s16], [sflag:$0x1] =	stream.indirect.gather [hbm4b:s5+s16], $0x40, s2, s16, $0xb8;
	[tilespmem:$0x91F0] =	vst v63  }
0x29f: {  	_ = 	snop  }
0x2a0: {  	[tilespmem:s14], [sflag:$0x3] =	stream.indirect.gather [hbm4b:s4+s17], $0x1, s22, s17, $0xb8;
	[tilespmem:$0x91F0] =	vst v63  }
0x2a1: {  	_ = 	snop  }
0x2a2: {  	[tilespmem:s13], [sflag:$0x4] =	stream.indirect.gather [hbm4b:s5+s16], $0x40, s21, s16, $0xb8;
	[tilespmem:$0x91F0] =	vst v63  }
0x2a3: {  	_ =	swait.ge [sflag:s10], $0x1E0  }
0x2a4: {  	[sflag:s10] =	ssyncset.done $0x0  }
0x2a5: {  	[sflag:s10] =	ssyncadd.s32 $0xFFFFFE20  }
0x2a6: {  	[tilespmem:s11], [sflag:$0x2] =	stream.indirect.gather [hbm4b:s5+s17], $0x40, s18, s17, $0xb8;
	[tilespmem:$0x91F0] =	vst v63  }
0x2a7: {  	_ =	swait.ge [sflag:s26], $0xA00  }
0x2a8: {  	[sflag:s26] =	ssyncset.done $0x0  }
0x2a9: {  	s1 =	rddreg [dreg:$0x13];
	[sflag:s26] =	ssyncadd.s32 $0xFFFFF600  }
0x2aa: {  	[hbm4b:s1+s2] =	stream.linear.scatter [tilespmem:s16], [sflag:$0x5], $0xA00, $0x38;
	[tilespmem:$0x91F0] =	vst v63  }
0x2ab: {  	_ =	swait.ge [sflag:s6], $0xA00  }
0x2ac: {  	[sflag:s6] =	ssyncset.done $0x0  }
0x2ad: {  	[sflag:s6] =	ssyncadd.s32 $0xFFFFF600  }
0x2ae: {  	_ =	swait.ge [sflag:s19], $0x1E0  }
0x2af: {  	[sflag:s19] =	ssyncset.done $0x0  }
0x2b0: {  	s31 =	rddreg [dreg:$0x14];
	[sflag:s19] =	ssyncadd.s32 $0xFFFFFE20  }
0x2b1: {  	[hbm4b:s31+s2] =	stream.linear.scatter [tilespmem:s14], [sflag:$0x5], $0x1E0, $0x38;
	[tilespmem:$0x91F0] =	vst v63  }
0x2b2: {  	_ =	swait.ge [sflag:s6], $0x1E0  }
0x2b3: {  	[sflag:s6] =	ssyncset.done $0x0  }
0x2b4: {  	[sflag:s6] =	ssyncadd.s32 $0xFFFFFE20  }
0x2b5: {  	_ =	swait.ge [sflag:s15], $0xA00  }
0x2b6: {  	[sflag:s15] =	ssyncset.done $0x0  }
0x2b7: {  	s1 =	rddreg [dreg:$0x15];
	[sflag:s15] =	ssyncadd.s32 $0xFFFFF600  }
0x2b8: {  	[hbm4b:s1+s2] =	stream.linear.scatter [tilespmem:s13], [sflag:$0x5], $0xA00, $0x38;
	[tilespmem:$0x91F0] =	vst v63  }
0x2b9: {  	_ =	swait.ge [sflag:s6], $0xA00  }
0x2ba: {  	[sflag:s6] =	ssyncset.done $0x0  }
0x2bb: {  	[sflag:s6] =	ssyncadd.s32 $0xFFFFF600  }
0x2bc: {  	_ =	swait.ge [sflag:s10], $0x7800  }
0x2bd: {  	[sflag:s10] =	ssyncset.done $0x0  }
0x2be: {  	s31 =	rddreg [dreg:$0x16];
	[sflag:s10] =	ssyncadd.s32 $0xFFFF8800  }
0x2bf: {  	[hbm4b:s31+s2] =	stream.linear.scatter [tilespmem:s11], [sflag:$0x5], $0x7800, $0x38;
	[tilespmem:$0x91F0] =	vst v63  }
0x2c0: {  	_ =	swait.ge [sflag:s6], $0x7800  }
0x2c1: {  	[sflag:s6] =	ssyncset.done $0x0  }
0x2c2: {  	s1 =	rddreg [dreg:$0x17];
	[sflag:s6] =	ssyncadd.s32 $0xFFFF8800  }
0x2c3: {  	[tilespmem:s2], [sflag:$0x5] =	stream.linear.gather [hbm4b:s1+s2], $0x28, $0x38;
	[tilespmem:$0x91F0] =	vst v63  }
0x2c4: {  	_ =	swait.ge [sflag:s6], $0x28  }
0x2c5: {  	[sflag:s6] =	ssyncset.done $0x0  }
0x2c6: {  	s31 =	rddreg [dreg:$0x18];
	[sflag:s6] =	ssyncadd.s32 $0xFFFFFFD8  }
0x2c7: {  	[tilespmem:s21], [sflag:$0x5] =	stream.linear.gather [hbm4b:s31+s2], $0x28, $0x38;
	[tilespmem:$0x91F0] =	vst v63  }
0x2c8: {  	_ =	swait.ge [sflag:s6], $0x28  }
0x2c9: {  	[sflag:s6] =	ssyncset.done $0x0  }
0x2ca: {  	s1 =	rddreg [dreg:$0x19];
	[sflag:s6] =	ssyncadd.s32 $0xFFFFFFD8  }
0x2cb: {  	[tilespmem:s22], [sflag:$0x5] =	stream.linear.gather [hbm4b:s1+s2], $0x1E0, $0x38;
	[tilespmem:$0x91F0] =	vst v63  }
0x2cc: {  	_ =	swait.ge [sflag:s6], $0x1E0  }
0x2cd: {  	[sflag:s6] =	ssyncset.done $0x0  }
0x2ce: {  	[sflag:s6] =	ssyncadd.s32 $0xFFFFFE20  }
0x2cf: {  	[tilespmem:s18], [sflag:$0x2] =	stream.indirect.gather [hbm4b:s3+s17], $0x1, s22, s17, $0xb8;
	[tilespmem:$0x91F0] =	vst v63  }
0x2d0: {  	_ = 	snop  }
0x2d1: {  	[tilespmem:s16], [sflag:$0x1] =	stream.indirect.gather [hbm4b:s5+s16], $0x40, s2, s16, $0xb8;
	[tilespmem:$0x91F0] =	vst v63  }
0x2d2: {  	_ = 	snop  }
0x2d3: {  	[tilespmem:s14], [sflag:$0x3] =	stream.indirect.gather [hbm4b:s4+s17], $0x1, s22, s17, $0xb8;
	[tilespmem:$0x91F0] =	vst v63  }
0x2d4: {  	_ = 	snop  }
0x2d5: {  	[tilespmem:s13], [sflag:$0x4] =	stream.indirect.gather [hbm4b:s5+s16], $0x40, s21, s16, $0xb8;
	[tilespmem:$0x91F0] =	vst v63  }
0x2d6: {  	_ =	swait.ge [sflag:s10], $0x1E0  }
0x2d7: {  	[sflag:s10] =	ssyncset.done $0x0  }
0x2d8: {  	[sflag:s10] =	ssyncadd.s32 $0xFFFFFE20  }
0x2d9: {  	[tilespmem:s11], [sflag:$0x2] =	stream.indirect.gather [hbm4b:s5+s17], $0x40, s18, s17, $0xb8;
	[tilespmem:$0x91F0] =	vst v63  }
0x2da: {  	_ =	swait.ge [sflag:s26], $0xA00  }
0x2db: {  	[sflag:s26] =	ssyncset.done $0x0  }
0x2dc: {  	[sflag:s26] =	ssyncadd.s32 $0xFFFFF600  }
0x2dd: {  	[hbm4b:s30+s2] =	stream.linear.scatter [tilespmem:s16], [sflag:$0x5], $0xA00, $0x38;
	[tilespmem:$0x91F0] =	vst v63  }
0x2de: {  	_ =	swait.ge [sflag:s6], $0xA00  }
0x2df: {  	[sflag:s6] =	ssyncset.done $0x0  }
0x2e0: {  	[sflag:s6] =	ssyncadd.s32 $0xFFFFF600  }
0x2e1: {  	_ =	swait.ge [sflag:s19], $0x1E0  }
0x2e2: {  	[sflag:s19] =	ssyncset.done $0x0  }
0x2e3: {  	[sflag:s19] =	ssyncadd.s32 $0xFFFFFE20  }
0x2e4: {  	[hbm4b:s29+s2] =	stream.linear.scatter [tilespmem:s14], [sflag:$0x5], $0x1E0, $0x38;
	[tilespmem:$0x91F0] =	vst v63  }
0x2e5: {  	_ =	swait.ge [sflag:s6], $0x1E0  }
0x2e6: {  	[sflag:s6] =	ssyncset.done $0x0  }
0x2e7: {  	[sflag:s6] =	ssyncadd.s32 $0xFFFFFE20  }
0x2e8: {  	_ =	swait.ge [sflag:s15], $0xA00  }
0x2e9: {  	[sflag:s15] =	ssyncset.done $0x0  }
0x2ea: {  	[sflag:s15] =	ssyncadd.s32 $0xFFFFF600  }
0x2eb: {  	[hbm4b:s28+s2] =	stream.linear.scatter [tilespmem:s13], [sflag:$0x5], $0xA00, $0x38;
	[tilespmem:$0x91F0] =	vst v63  }
0x2ec: {  	_ =	swait.ge [sflag:s6], $0xA00  }
0x2ed: {  	[sflag:s6] =	ssyncset.done $0x0  }
0x2ee: {  	[sflag:s6] =	ssyncadd.s32 $0xFFFFF600  }
0x2ef: {  	_ =	swait.ge [sflag:s10], $0x7800  }
0x2f0: {  	[sflag:s10] =	ssyncset.done $0x0  }
0x2f1: {  	[sflag:s10] =	ssyncadd.s32 $0xFFFF8800  }
0x2f2: {  	[hbm4b:s25+s2] =	stream.linear.scatter [tilespmem:s11], [sflag:$0x5], $0x7800, $0x38;
	[tilespmem:$0x91F0] =	vst v63  }
0x2f3: {  	_ =	swait.ge [sflag:s6], $0x7800  }
0x2f4: {  	[sflag:s6] =	ssyncset.done $0x0  }
0x2f5: {  	[sflag:s6] =	ssyncadd.s32 $0xFFFF8800  }
0x2f6: {  	[tilespmem:s2], [sflag:$0x5] =	stream.linear.gather [hbm4b:s24+s2], $0x28, $0x38;
	[tilespmem:$0x91F0] =	vst v63  }
0x2f7: {  	_ =	swait.ge [sflag:s6], $0x28  }
0x2f8: {  	[sflag:s6] =	ssyncset.done $0x0  }
0x2f9: {  	[sflag:s6] =	ssyncadd.s32 $0xFFFFFFD8  }
0x2fa: {  	[tilespmem:s21], [sflag:$0x5] =	stream.linear.gather [hbm4b:s23+s2], $0x28, $0x38;
	[tilespmem:$0x91F0] =	vst v63  }
0x2fb: {  	_ =	swait.ge [sflag:s6], $0x28  }
0x2fc: {  	[sflag:s6] =	ssyncset.done $0x0  }
0x2fd: {  	[sflag:s6] =	ssyncadd.s32 $0xFFFFFFD8  }
0x2fe: {  	[tilespmem:s22], [sflag:$0x5] =	stream.linear.gather [hbm4b:s20+s2], $0x1E0, $0x38;
	[tilespmem:$0x91F0] =	vst v63  }
0x2ff: {  	_ =	swait.ge [sflag:s6], $0x1E0  }
0x300: {  	[sflag:s6] =	ssyncset.done $0x0  }
0x301: {  	[sflag:s6] =	ssyncadd.s32 $0xFFFFFE20  }
0x302: {  	[tilespmem:s18], [sflag:$0x2] =	stream.indirect.gather [hbm4b:s3+s17], $0x1, s22, s17, $0xb8;
	[tilespmem:$0x91F0] =	vst v63  }
0x303: {  	_ = 	snop  }
0x304: {  	[tilespmem:s16], [sflag:$0x1] =	stream.indirect.gather [hbm4b:s5+s16], $0x40, s2, s16, $0xb8;
	[tilespmem:$0x91F0] =	vst v63  }
0x305: {  	_ = 	snop  }
0x306: {  	[tilespmem:s14], [sflag:$0x3] =	stream.indirect.gather [hbm4b:s4+s17], $0x1, s22, s17, $0xb8;
	[tilespmem:$0x91F0] =	vst v63  }
0x307: {  	_ = 	snop  }
0x308: {  	[tilespmem:s13], [sflag:$0x4] =	stream.indirect.gather [hbm4b:s5+s16], $0x40, s21, s16, $0xb8;
	[tilespmem:$0x91F0] =	vst v63  }
0x309: {  	_ =	swait.ge [sflag:s10], $0x1E0  }
0x30a: {  	[sflag:s10] =	ssyncset.done $0x0  }
0x30b: {  	[sflag:s10] =	ssyncadd.s32 $0xFFFFFE20  }
0x30c: {  	[tilespmem:s11], [sflag:$0x2] =	stream.indirect.gather [hbm4b:s5+s17], $0x40, s18, s17, $0xb8;
	[tilespmem:$0x91F0] =	vst v63  }
0x30d: {  	_ =	swait.ge [sflag:s26], $0xA00  }
0x30e: {  	[sflag:s26] =	ssyncset.done $0x0  }
0x30f: {  	[sflag:s26] =	ssyncadd.s32 $0xFFFFF600  }
0x310: {  	[hbm4b:s12+s2] =	stream.linear.scatter [tilespmem:s16], [sflag:$0x5], $0xA00, $0x38;
	[tilespmem:$0x91F0] =	vst v63  }
0x311: {  	_ =	swait.ge [sflag:s6], $0xA00  }
0x312: {  	[sflag:s6] =	ssyncset.done $0x0  }
0x313: {  	[sflag:s6] =	ssyncadd.s32 $0xFFFFF600  }
0x314: {  	_ =	swait.ge [sflag:s19], $0x1E0  }
0x315: {  	[sflag:s19] =	ssyncset.done $0x0  }
0x316: {  	[sflag:s19] =	ssyncadd.s32 $0xFFFFFE20  }
0x317: {  	[hbm4b:s9+s2] =	stream.linear.scatter [tilespmem:s14], [sflag:$0x5], $0x1E0, $0x38;
	[tilespmem:$0x91F0] =	vst v63  }
0x318: {  	_ =	swait.ge [sflag:s6], $0x1E0  }
0x319: {  	[sflag:s6] =	ssyncset.done $0x0  }
0x31a: {  	[sflag:s6] =	ssyncadd.s32 $0xFFFFFE20  }
0x31b: {  	_ =	swait.ge [sflag:s15], $0xA00  }
0x31c: {  	[sflag:s15] =	ssyncset.done $0x0  }
0x31d: {  	[sflag:s15] =	ssyncadd.s32 $0xFFFFF600  }
0x31e: {  	[hbm4b:s8+s2] =	stream.linear.scatter [tilespmem:s13], [sflag:$0x5], $0xA00, $0x38;
	[tilespmem:$0x91F0] =	vst v63  }
0x31f: {  	_ =	swait.ge [sflag:s6], $0xA00  }
0x320: {  	[sflag:s6] =	ssyncset.done $0x0  }
0x321: {  	[sflag:s6] =	ssyncadd.s32 $0xFFFFF600  }
0x322: {  	_ =	swait.ge [sflag:s10], $0x7800  }
0x323: {  	[sflag:s10] =	ssyncset.done $0x0  }
0x324: {  	[sflag:s10] =	ssyncadd.s32 $0xFFFF8800  }
0x325: {  	[hbm4b:s7+s2] =	stream.linear.scatter [tilespmem:s11], [sflag:$0x5], $0x7800, $0x38;
	[tilespmem:$0x91F0] =	vst v63  }
0x326: {  	_ =	swait.ge [sflag:s6], $0x7800  }
0x327: {  	[sflag:s6] =	ssyncset.done $0x0  }
0x328: {  	[sflag:s6] =	ssyncadd.s32 $0xFFFF8800  }
0x329: {  	_ =	sfence.sel $0x180000  }
0x32a: {  	[bflag:$0x0] =	sbarrier.arrive $0xFFFF  }
0x32b: {  	_ =	strace $0x90000047  }
0x32c: {  	s31 =	stileid.u32;
	[bflag:$0x2] =	sbarrier.arrive $0xFFFF  }
0x32d: {  	p0 =	sne.s32 s31, $0x0;
	s0 =	rddreg [dreg:$0x2]  }
0x32e: {  	s0 =	sadd.s32 @!p0 $0x100000, s0  }
0x32f: {  	[sflag:s0] =	ssyncadd.tile.s32 @!p0 $0x1;
	_ =	shalt  }
.Lfunc_end2:
_tile_overlayer_lowered:
.L_overlay_start_2:
0x330: {  	(tag) =	ssettag $0x2  }
0x331: {  	s0 =	rddreg [dreg:$0x0];
	s2 =	stileid.u32  }
0x332: {  	s1 =	rddreg [dreg:$0x1];
	p0 =	sne.s32 s2, $0x0  }
0x333: {  	s3 =	rddreg [dreg:$0x2];
	[bflag:$0x3] =	sbarrier.arrive $0xFFFF;
	s2 =	simm.s32 @!p0 $0x1C05  }
0x334: {  	[timem:s3], [sflag:s2] =	dma.local @!p0 [hbm:s0], s1  }
0x335: {  	s0 =	simm.s32 @!p0 $0x5  }
0x336: {  	_ =	swait.ge @!p0 [sflag:s0], s1  }
0x337: {  	s1 =	ssub.s32 @!p0 $0x0, s1;
	[sflag:s0] =	ssyncset.done @!p0 $0x0  }
0x338: {  	[sflag:s0] =	ssyncadd.s32 @!p0 s1  }
0x339: {  	[bflag:$0x3] =	sbarrier.arrive $0xFFFF  }
0x33a: {  	_ =	shalt  }

</sc_bundles>
